<compile_context>
chip_gen: v7x
topology: tpu7x:2x2x1
jax: 0.10.2.dev20260603
libtpu: 0.0.44.dev20260713+nightly
codegen_flags: <defaults>
</compile_context>

<pallas_src>
import jax
import jax.numpy as jnp
from jax import lax
from jax.experimental import pallas as pl
from jax.experimental.pallas import tpu as pltpu
from jax.experimental.pallas import tpu_sc as plsc

F32 = jnp.float32
I32 = jnp.int32

HD = 128
ED = 16
G = 64

NC = 2
NS = 16
NW = NC * NS



def _relu(v):
    return jnp.maximum(v, 0.0)


def _dot(a, b):
    return jnp.dot(a, b, preferred_element_type=F32)


def _encode_body(x, encW, encb, h_out):
    h_out[...] = _relu(_dot(x[...], encW[...]) + encb[...])


def _edge_body(ga, gb, ea, d2, w01, wt, b1, w2, b2, m2_out):
    xij = jnp.concatenate([ga[...], gb[...]], axis=1)
    tail = jnp.concatenate([ea[...], d2[...]], axis=1)
    m1 = _relu(_dot(xij, w01[...]) + _dot(tail, wt[...]) + b1[...])
    m2_out[...] = _relu(_dot(m1, w2[...]) + b2[...])


def _node_body(h, a, w1, b1, w2, b2, hn_out):
    u = jnp.concatenate([h[...], a[...]], axis=1)
    u = _relu(_dot(u, w1[...]) + b1[...])
    hn_out[...] = _dot(u, w2[...]) + b2[...]


def _pool_body(nblk, h, bi, rw1, rb1, rw2, rb2, rw3, rb3, out,
               ssum, smax, scnt):
    i = pl.program_id(0)

    @pl.when(i == 0)
    def _():
        ssum[...] = jnp.zeros_like(ssum)
        scnt[...] = jnp.zeros_like(scnt)
        smax[...] = jnp.full_like(smax, -3e38)

    hb = h[...]
    bb = bi[...]
    gids = lax.broadcasted_iota(I32, (1, G), 1)
    onehot = (bb == gids).astype(F32)
    dn = (((0,), (0,)), ((), ()))
    ssum[...] += lax.dot_general(onehot, hb, dn, preferred_element_type=F32,
                                 precision=lax.Precision.HIGHEST)
    scnt[...] += lax.dot_general(onehot, jnp.ones_like(hb), dn,
                                 preferred_element_type=F32,
                                 precision=lax.Precision.HIGHEST)
    gids3 = lax.broadcasted_iota(I32, (1, G, 1), 1)
    masked = jnp.where(bb[:, :, None] == gids3, hb[:, None, :], -3e38)
    smax[...] = jnp.maximum(smax[...], jnp.max(masked, axis=0))

    @pl.when(i == nblk - 1)
    def _():
        cnt = scnt[...]
        total = ssum[...]
        mean = total / jnp.maximum(cnt, 1.0)
        mx = jnp.where(cnt > 0, smax[...], 0.0)
        pooled = jnp.concatenate([mean, mx, total], axis=1)
        o = _relu(_dot(pooled, rw1[...]) + rb1[...])
        o = _relu(_dot(o, rw2[...]) + rb2[...])
        t = _dot(o, rw3[...]) + rb3[...]
        out[...] = jnp.maximum(t, 0.0) + jnp.log1p(jnp.exp(-jnp.abs(t)))



def _worker_id():
    return lax.axis_index("s") * NC + lax.axis_index("c")


def _dist2_body(epw, px, py, pz, srcr, dstr, out, pxv, pyv, pzv, sv, dv, ov):
    base = _worker_id() * epw
    pltpu.sync_copy(px, pxv)
    pltpu.sync_copy(py, pyv)
    pltpu.sync_copy(pz, pzv)
    pltpu.sync_copy(srcr.at[pl.ds(base, epw)], sv)
    pltpu.sync_copy(dstr.at[pl.ds(base, epw)], dv)

    def body(j, carry):
        si = sv[pl.ds(j * 16, 16)]
        di = dv[pl.ds(j * 16, 16)]
        dx = plsc.load_gather(pxv, [si]) - plsc.load_gather(pxv, [di])
        dy = plsc.load_gather(pyv, [si]) - plsc.load_gather(pyv, [di])
        dz = plsc.load_gather(pzv, [si]) - plsc.load_gather(pzv, [di])
        ov[pl.ds(j * 16, 16)] = dx * dx + dy * dy + dz * dz
        return carry

    lax.fori_loop(0, epw // 16, body, 0)
    pltpu.sync_copy(ov, out.at[pl.ds(base, epw)])


def _gather_body(epw, cg, tab, srcr, dstr, ga, gb, isv, idv,
                 rowsa, rowsb, sema, semb):
    base = _worker_id() * epw

    def chunk(ci, carry):
        off = base + ci * cg
        pltpu.sync_copy(dstr.at[pl.ds(off, cg)], idv)
        pltpu.sync_copy(srcr.at[pl.ds(off, cg)], isv)
        cpa = pltpu.async_copy(tab.at[idv], rowsa, sema)
        cpb = pltpu.async_copy(tab.at[isv], rowsb, semb)
        cpa.wait()
        pltpu.sync_copy(rowsa, ga.at[pl.ds(off, cg)])
        cpb.wait()
        pltpu.sync_copy(rowsb, gb.at[pl.ds(off, cg)])
        return carry

    lax.fori_loop(0, epw // cg, chunk, 0)


def _scatter_body(epw, cs, nps, ntail, m2, dstr, zrows, aggr_p, acc,
                  idv, rows):
    c = lax.axis_index("c")
    s = lax.axis_index("s")
    start = s * nps
    pltpu.sync_copy(zrows.at[pl.ds(start, nps)], acc.at[pl.ds(start, nps)])

    @pl.when(s == NS - 1)
    def _():
        pltpu.sync_copy(zrows.at[pl.ds(NS * nps, ntail)],
                        acc.at[pl.ds(NS * nps, ntail)])

    plsc.subcore_barrier()

    def chunk(ci, carry):
        pltpu.sync_copy(dstr.at[pl.ds(ci * cs, cs)], idv)
        pltpu.sync_copy(m2.at[pl.ds(ci * cs, cs)], rows)
        pltpu.sync_copy(rows, acc.at[idv], add=True)
        return carry

    nphase = epw * NW // (NS * cs)
    for phase in range(NS):
        @pl.when((c == 0) & (s == phase))
        def _():
            lax.fori_loop(phase * nphase, (phase + 1) * nphase, chunk, 0)
        plsc.subcore_barrier()
    @pl.when(c == 0)
    def _():
        pltpu.sync_copy(acc.at[pl.ds(start, nps)],
                        aggr_p.at[pl.ds(start, nps)])

    @pl.when((c == 0) & (s == NS - 1))
    def _():
        pltpu.sync_copy(acc.at[pl.ds(NS * nps, ntail)],
                        aggr_p.at[pl.ds(NS * nps, ntail)])



def kernel(x, pos, edge_index, edge_attr, batch, enc_W, enc_b, eW1, eb1,
           eW2, eb2, nW1, nb1, nW2, nb2, rW1, rb1, rW2, rb2, rW3, rb3):
    N = x.shape[0]
    E = edge_index.shape[1]
    L = eW1.shape[0]
    EPW = E // NW
    NPS = (N // NS) // 8 * 8
    NTAIL = N - NS * NPS

    src = edge_index[0]
    dst = edge_index[1]

    mesh = plsc.VectorSubcoreMesh(core_axis_name="c", subcore_axis_name="s",
                                  num_cores=NC, num_subcores=NS)

    rel = pos[src] - pos[dst]
    d2 = jnp.sum(rel * rel, axis=-1, keepdims=True)

    BN = 1000
    gn = N // BN
    row_spec = pl.BlockSpec((BN, HD), lambda i: (i, 0))
    w_spec = pl.BlockSpec((HD, HD), lambda i: (0, 0))
    b_spec = pl.BlockSpec((1, HD), lambda i: (0, 0))
    h = pl.pallas_call(
        _encode_body,
        grid=(gn,),
        in_specs=[row_spec, w_spec, b_spec],
        out_specs=row_spec,
        out_shape=jax.ShapeDtypeStruct((N, HD), F32),
    )(x, enc_W, enc_b.reshape(1, HD))

    CG = 400
    CS = 200
    gather_call = pl.kernel(
        lambda *a: _gather_body(EPW, CG, *a),
        out_type=[jax.ShapeDtypeStruct((E, HD), F32)] * 2,
        mesh=mesh,
        scratch_types=[
            pltpu.VMEM((CG,), I32), pltpu.VMEM((CG,), I32),
            pltpu.VMEM((CG, HD), F32), pltpu.VMEM((CG, HD), F32),
            pltpu.SemaphoreType.DMA, pltpu.SemaphoreType.DMA,
        ],
    )
    scatter_call = pl.kernel(
        lambda *a: _scatter_body(EPW, CS, NPS, NTAIL, *a),
        out_type=jax.ShapeDtypeStruct((N, HD), F32),
        mesh=mesh,
        scratch_types=[
            pltpu.VMEM_SHARED((N, HD), F32),
            pltpu.VMEM((CS,), I32), pltpu.VMEM((CS, HD), F32),
        ],
    )
    zrows = jnp.zeros((N, HD), F32)

    BE = 1280
    ge = E // BE
    erow = pl.BlockSpec((BE, HD), lambda i: (i, 0))
    edge_call = pl.pallas_call(
        _edge_body,
        grid=(ge,),
        in_specs=[
            erow, erow,
            pl.BlockSpec((BE, ED), lambda i: (i, 0)),
            pl.BlockSpec((BE, 1), lambda i: (i, 0)),
            pl.BlockSpec((2 * HD, HD), lambda i: (0, 0)),
            pl.BlockSpec((ED + 1, HD), lambda i: (0, 0)),
            b_spec, w_spec, b_spec,
        ],
        out_specs=erow,
        out_shape=jax.ShapeDtypeStruct((E, HD), F32),
    )
    d2c = d2

    node_call = pl.pallas_call(
        _node_body,
        grid=(gn,),
        in_specs=[row_spec, row_spec,
                  pl.BlockSpec((2 * HD, HD), lambda i: (0, 0)),
                  b_spec, w_spec, b_spec],
        out_specs=row_spec,
        out_shape=jax.ShapeDtypeStruct((N, HD), F32),
    )

    for l in range(L):
        ga, gb = gather_call(h, src, dst)
        m2 = edge_call(
            ga, gb, edge_attr, d2c,
            eW1[l, :2 * HD], eW1[l, 2 * HD:],
            eb1[l].reshape(1, HD), eW2[l], eb2[l].reshape(1, HD))
        aggr = scatter_call(m2, dst, zrows)
        h = node_call(
            h, aggr,
            nW1[l], nb1[l].reshape(1, HD),
            nW2[l], nb2[l].reshape(1, HD))

    BP = 80
    gp = N // BP
    out = pl.pallas_call(
        lambda *a: _pool_body(gp, *a),
        grid=(gp,),
        in_specs=[
            pl.BlockSpec((BP, HD), lambda i: (i, 0)),
            pl.BlockSpec((BP, 1), lambda i: (i, 0)),
            pl.BlockSpec((3 * HD, HD), lambda i: (0, 0)),
            b_spec,
            pl.BlockSpec((HD, HD // 2), lambda i: (0, 0)),
            pl.BlockSpec((1, HD // 2), lambda i: (0, 0)),
            pl.BlockSpec((HD // 2, HD), lambda i: (0, 0)),
            b_spec,
        ],
        out_specs=pl.BlockSpec((G, HD), lambda i: (0, 0)),
        out_shape=jax.ShapeDtypeStruct((G, HD), F32),
        scratch_shapes=[pltpu.VMEM((G, HD), F32)] * 3,
    )(h, batch.reshape(N, 1), rW1, rb1.reshape(1, HD),
      rW2, rb2.reshape(1, HD // 2),
      jnp.pad(rW3, ((0, 0), (0, HD - 1))),
      jnp.broadcast_to(rb3, (1, HD)))
    return out[:, :1]

# --- scband reference (transcript-rebuilt; emitter-appended) ---
"""Pipeline reference for scband-egnnmodel-78477642432839 (READ-ONLY COPY).

The authoritative reference and input builder live on the scoring server;
editing this copy changes nothing except your own understanding.
"""

import jax, jax.numpy as jnp
import numpy as np

N = 10000
E = 320000
HD = 128
ED = 16
G = 64
L = 2

def _p(k, shape, scale=0.05):
    return (jax.random.normal(k, shape, dtype=jnp.float32) * scale)

def setup_inputs(seed: int = 0) -> dict:
    key = jax.random.key(seed)
    ks = [jax.random.fold_in(key, i) for i in range(40)]
    inp = {}
    inp["x"] = jax.random.normal(ks[0], (N, 128), dtype=jnp.float32)
    inp["pos"] = jax.random.normal(ks[1], (N, 3), dtype=jnp.float32)
    inp["edge_index"] = jax.random.randint(ks[2], (2, E), 0, N, dtype=jnp.int32)
    inp["edge_attr"] = jax.random.normal(ks[3], (E, ED), dtype=jnp.float32)
    inp["batch"] = jnp.sort(jax.random.randint(ks[4], (N,), 0, G, dtype=jnp.int32))
    # node encoder: Linear(node_dim=128 -> HD)
    inp["enc_W"] = _p(ks[5], (128, HD))
    inp["enc_b"] = _p(ks[6], (HD,))
    # per-layer EGNN params, stacked over L layers
    inp["eW1"] = _p(ks[7], (L, 2 * HD + ED + 1, HD))
    inp["eb1"] = _p(ks[8], (L, HD))
    inp["eW2"] = _p(ks[9], (L, HD, HD))
    inp["eb2"] = _p(ks[10], (L, HD))
    inp["nW1"] = _p(ks[11], (L, 2 * HD, HD))
    inp["nb1"] = _p(ks[12], (L, HD))
    inp["nW2"] = _p(ks[13], (L, HD, HD))
    inp["nb2"] = _p(ks[14], (L, HD))
    # readout: Linear(3*HD->HD), Linear(HD->HD//2), Linear(HD//2->1)
    inp["rW1"] = _p(ks[15], (3 * HD, HD))
    inp["rb1"] = _p(ks[16], (HD,))
    inp["rW2"] = _p(ks[17], (HD, HD // 2))
    inp["rb2"] = _p(ks[18], (HD // 2,))
    inp["rW3"] = _p(ks[19], (HD // 2, 1))
    inp["rb3"] = _p(ks[20], (1,))
    return inp

def reference(x, pos, edge_index, edge_attr, batch, enc_W, enc_b, eW1, eb1, eW2, eb2, nW1, nb1, nW2, nb2, rW1, rb1, rW2, rb2, rW3, rb3):
    # dropout is identity in eval mode
    h = jax.nn.relu(x @ enc_W + enc_b)
    src = edge_index[0]  # x_j / pos_j (source)
    dst = edge_index[1]  # x_i / pos_i (target, aggregation index)
    rel = pos[src] - pos[dst]
    dist2 = jnp.sum(rel * rel, axis=-1, keepdims=True)
    for l in range(L):
        x_i = h[dst]
        x_j = h[src]
        m = jnp.concatenate([x_i, x_j, edge_attr, dist2], axis=-1)
        m = jax.nn.relu(m @ eW1[l] + eb1[l])
        m = jax.nn.relu(m @ eW2[l] + eb2[l])
        aggr = jax.ops.segment_sum(m, dst, num_segments=N)
        u = jnp.concatenate([h, aggr], axis=-1)
        u = jax.nn.relu(u @ nW1[l] + nb1[l])
        h = u @ nW2[l] + nb2[l]
    counts = jax.ops.segment_sum(jnp.ones((N, 1), dtype=h.dtype), batch, num_segments=G)
    ssum = jax.ops.segment_sum(h, batch, num_segments=G)
    smean = ssum / jnp.maximum(counts, 1.0)
    smax = jax.ops.segment_max(h, batch, num_segments=G)
    smax = jnp.where(counts > 0, smax, 0.0)
    pooled = jnp.concatenate([smean, smax, ssum], axis=-1)
    o = jax.nn.relu(pooled @ rW1 + rb1)
    o = jax.nn.relu(o @ rW2 + rb2)
    o = jax.nn.softplus(o @ rW3 + rb3)
    return o

if __name__ == "__main__":
    import jax
    _d = setup_inputs()
    print(jax.jit(kernel)(*tuple(_d.values())))

</pallas_src>

<mosaic_0001>
#map = affine_map<(d0, d1) -> (0, 0)>
#map1 = affine_map<(d0, d1) -> (0)>
module attributes {stable_mosaic.version = 14 : i64} {
  func.func @_lambda_(%arg0: i32, %arg1: i32, %arg2: memref<10000x128xf32, #tpu.memory_space<hbm>>, %arg3: memref<320000xi32, #tpu.memory_space<hbm>>, %arg4: memref<320000xi32, #tpu.memory_space<hbm>>, %arg5: memref<320000x128xf32, #tpu.memory_space<hbm>>, %arg6: memref<320000x128xf32, #tpu.memory_space<hbm>>, %arg7: memref<400xi32, #tpu.memory_space<vmem>>, %arg8: memref<400xi32, #tpu.memory_space<vmem>>, %arg9: memref<400x128xf32, #tpu.memory_space<vmem>>, %arg10: memref<400x128xf32, #tpu.memory_space<vmem>>, %arg11: memref<!tpu.dma_semaphore, #tpu.memory_space<semaphore_mem>>, %arg12: memref<!tpu.dma_semaphore, #tpu.memory_space<semaphore_mem>>) attributes {dimension_semantics = [#tpu.dimension_semantics<core_parallel>, #tpu.dimension_semantics<subcore_parallel>], iteration_bounds = array<i64: 2, 16>, scalar_prefetch = 0 : i64, scratch_operands = 6 : i64, tpu.core_type = #tpu.core_type<sc_vector_subcore>, window_params = [{transform_indices = #map}, {transform_indices = #map1}, {transform_indices = #map1}, {transform_indices = #map}, {transform_indices = #map}]} {
    %mul3A = arith.constant 2 : i32
    %mul3A_0 = arith.muli %arg1, %mul3A : i32
    %add3A = arith.addi %mul3A_0, %arg0 : i32
    %mul3A_1 = arith.constant 10000 : i32
    %mul3A_2 = arith.muli %add3A, %mul3A_1 : i32
    %scan3A = arith.constant 0 : i32
    %scan3A_3 = arith.constant 0 : i32
    %scan3A_4 = arith.constant 25 : i32
    %scan3A_5 = arith.addi %scan3A_3, %scan3A_4 : i32
    %scan3A_6 = arith.constant 1 : i32
    scf.for %scan3A_8 = %scan3A_3 to %scan3A_5 step %scan3A_6  : i32 {
      %mul3A_9 = arith.constant 400 : i32
      %mul3A_10 = arith.muli %scan3A_8, %mul3A_9 : i32
      %add3A_11 = arith.addi %mul3A_2, %mul3A_10 : i32
      "tpu.region"() ({
        %run_scoped3A = tpu.sem_alloc : memref<!tpu.dma_semaphore, #tpu.memory_space<semaphore_mem>>
        %dma_start3A_22 = tpu.memref_slice %arg4[%add3A_11] : memref<320000xi32, #tpu.memory_space<hbm>> -> memref<400xi32, #tpu.memory_space<hbm>>
        %dma_start3A_23 = tpu.memref_slice %arg4[%add3A_11] : memref<320000xi32, #tpu.memory_space<hbm>> -> memref<400xi32, #tpu.memory_space<hbm>>
        tpu.enqueue_dma source(%dma_start3A_23 : memref<400xi32, #tpu.memory_space<hbm>>) target(%arg8 : memref<400xi32, #tpu.memory_space<vmem>>) target_semaphore(%run_scoped3A : memref<!tpu.dma_semaphore, #tpu.memory_space<semaphore_mem>>)
        %dma_wait3A_24 = tpu.memref_slice %arg4[%add3A_11] : memref<320000xi32, #tpu.memory_space<hbm>> -> memref<400xi32, #tpu.memory_space<hbm>>
        %dma_wait3A_25 = tpu.memref_slice %arg4[%add3A_11] : memref<320000xi32, #tpu.memory_space<hbm>> -> memref<400xi32, #tpu.memory_space<hbm>>
        tpu.wait_dma2 semaphore(%run_scoped3A : memref<!tpu.dma_semaphore, #tpu.memory_space<semaphore_mem>>) src(%dma_wait3A_25 : memref<400xi32, #tpu.memory_space<hbm>>) dst(%arg8 : memref<400xi32, #tpu.memory_space<vmem>>)
        tpu.yield
      }) : () -> ()
      "tpu.region"() ({
        %run_scoped3A = tpu.sem_alloc : memref<!tpu.dma_semaphore, #tpu.memory_space<semaphore_mem>>
        %dma_start3A_22 = tpu.memref_slice %arg3[%add3A_11] : memref<320000xi32, #tpu.memory_space<hbm>> -> memref<400xi32, #tpu.memory_space<hbm>>
        %dma_start3A_23 = tpu.memref_slice %arg3[%add3A_11] : memref<320000xi32, #tpu.memory_space<hbm>> -> memref<400xi32, #tpu.memory_space<hbm>>
        tpu.enqueue_dma source(%dma_start3A_23 : memref<400xi32, #tpu.memory_space<hbm>>) target(%arg7 : memref<400xi32, #tpu.memory_space<vmem>>) target_semaphore(%run_scoped3A : memref<!tpu.dma_semaphore, #tpu.memory_space<semaphore_mem>>)
        %dma_wait3A_24 = tpu.memref_slice %arg3[%add3A_11] : memref<320000xi32, #tpu.memory_space<hbm>> -> memref<400xi32, #tpu.memory_space<hbm>>
        %dma_wait3A_25 = tpu.memref_slice %arg3[%add3A_11] : memref<320000xi32, #tpu.memory_space<hbm>> -> memref<400xi32, #tpu.memory_space<hbm>>
        tpu.wait_dma2 semaphore(%run_scoped3A : memref<!tpu.dma_semaphore, #tpu.memory_space<semaphore_mem>>) src(%dma_wait3A_25 : memref<400xi32, #tpu.memory_space<hbm>>) dst(%arg7 : memref<400xi32, #tpu.memory_space<vmem>>)
        tpu.yield
      }) : () -> ()
      %dma_start3A = arith.constant 0 : i32
      %dma_start3A_12 = arith.constant 0 : i32
      %dma_start3A_13 = tpu.memref_slice %arg2[%dma_start3A, %dma_start3A_12] : memref<10000x128xf32, #tpu.memory_space<hbm>> -> memref<10000x128xf32, #tpu.memory_space<hbm>>
      tpu.enqueue_indirect_dma source(%dma_start3A_13 : memref<10000x128xf32, #tpu.memory_space<hbm>>) target(%arg9 : memref<400x128xf32, #tpu.memory_space<vmem>>) offsets(%arg8 : memref<400xi32, #tpu.memory_space<vmem>>) semaphore(%arg11 : memref<!tpu.dma_semaphore, #tpu.memory_space<semaphore_mem>>)
      %dma_start3A_14 = arith.constant 0 : i32
      %dma_start3A_15 = arith.constant 0 : i32
      %dma_start3A_16 = tpu.memref_slice %arg2[%dma_start3A_14, %dma_start3A_15] : memref<10000x128xf32, #tpu.memory_space<hbm>> -> memref<10000x128xf32, #tpu.memory_space<hbm>>
      tpu.enqueue_indirect_dma source(%dma_start3A_16 : memref<10000x128xf32, #tpu.memory_space<hbm>>) target(%arg10 : memref<400x128xf32, #tpu.memory_space<vmem>>) offsets(%arg7 : memref<400xi32, #tpu.memory_space<vmem>>) semaphore(%arg12 : memref<!tpu.dma_semaphore, #tpu.memory_space<semaphore_mem>>)
      %dma_wait3A = arith.constant 0 : i32
      %dma_wait3A_17 = arith.constant 0 : i32
      %dma_wait3A_18 = tpu.memref_slice %arg2[%dma_wait3A, %dma_wait3A_17] : memref<10000x128xf32, #tpu.memory_space<hbm>> -> memref<10000x128xf32, #tpu.memory_space<hbm>>
      tpu.wait_indirect_dma semaphore(%arg11 : memref<!tpu.dma_semaphore, #tpu.memory_space<semaphore_mem>>) src(%dma_wait3A_18 : memref<10000x128xf32, #tpu.memory_space<hbm>>) dst(%arg9 : memref<400x128xf32, #tpu.memory_space<vmem>>)
      "tpu.region"() ({
        %run_scoped3A = tpu.sem_alloc : memref<!tpu.dma_semaphore, #tpu.memory_space<semaphore_mem>>
        %dma_start3A_22 = arith.constant 0 : i32
        %dma_start3A_23 = tpu.memref_slice %arg5[%add3A_11, %dma_start3A_22] : memref<320000x128xf32, #tpu.memory_space<hbm>> -> memref<400x128xf32, #tpu.memory_space<hbm>>
        %dma_start3A_24 = arith.constant 0 : i32
        %dma_start3A_25 = tpu.memref_slice %arg5[%add3A_11, %dma_start3A_24] : memref<320000x128xf32, #tpu.memory_space<hbm>> -> memref<400x128xf32, #tpu.memory_space<hbm>>
        tpu.enqueue_dma source(%arg9 : memref<400x128xf32, #tpu.memory_space<vmem>>) target(%dma_start3A_25 : memref<400x128xf32, #tpu.memory_space<hbm>>) target_semaphore(%run_scoped3A : memref<!tpu.dma_semaphore, #tpu.memory_space<semaphore_mem>>)
        %dma_wait3A_26 = arith.constant 0 : i32
        %dma_wait3A_27 = tpu.memref_slice %arg5[%add3A_11, %dma_wait3A_26] : memref<320000x128xf32, #tpu.memory_space<hbm>> -> memref<400x128xf32, #tpu.memory_space<hbm>>
        %dma_wait3A_28 = arith.constant 0 : i32
        %dma_wait3A_29 = tpu.memref_slice %arg5[%add3A_11, %dma_wait3A_28] : memref<320000x128xf32, #tpu.memory_space<hbm>> -> memref<400x128xf32, #tpu.memory_space<hbm>>
        tpu.wait_dma2 semaphore(%run_scoped3A : memref<!tpu.dma_semaphore, #tpu.memory_space<semaphore_mem>>) src(%arg9 : memref<400x128xf32, #tpu.memory_space<vmem>>) dst(%dma_wait3A_29 : memref<400x128xf32, #tpu.memory_space<hbm>>)
        tpu.yield
      }) : () -> ()
      %dma_wait3A_19 = arith.constant 0 : i32
      %dma_wait3A_20 = arith.constant 0 : i32
      %dma_wait3A_21 = tpu.memref_slice %arg2[%dma_wait3A_19, %dma_wait3A_20] : memref<10000x128xf32, #tpu.memory_space<hbm>> -> memref<10000x128xf32, #tpu.memory_space<hbm>>
      tpu.wait_indirect_dma semaphore(%arg12 : memref<!tpu.dma_semaphore, #tpu.memory_space<semaphore_mem>>) src(%dma_wait3A_21 : memref<10000x128xf32, #tpu.memory_space<hbm>>) dst(%arg10 : memref<400x128xf32, #tpu.memory_space<vmem>>)
      "tpu.region"() ({
        %run_scoped3A = tpu.sem_alloc : memref<!tpu.dma_semaphore, #tpu.memory_space<semaphore_mem>>
        %dma_start3A_22 = arith.constant 0 : i32
        %dma_start3A_23 = tpu.memref_slice %arg6[%add3A_11, %dma_start3A_22] : memref<320000x128xf32, #tpu.memory_space<hbm>> -> memref<400x128xf32, #tpu.memory_space<hbm>>
        %dma_start3A_24 = arith.constant 0 : i32
        %dma_start3A_25 = tpu.memref_slice %arg6[%add3A_11, %dma_start3A_24] : memref<320000x128xf32, #tpu.memory_space<hbm>> -> memref<400x128xf32, #tpu.memory_space<hbm>>
        tpu.enqueue_dma source(%arg10 : memref<400x128xf32, #tpu.memory_space<vmem>>) target(%dma_start3A_25 : memref<400x128xf32, #tpu.memory_space<hbm>>) target_semaphore(%run_scoped3A : memref<!tpu.dma_semaphore, #tpu.memory_space<semaphore_mem>>)
        %dma_wait3A_26 = arith.constant 0 : i32
        %dma_wait3A_27 = tpu.memref_slice %arg6[%add3A_11, %dma_wait3A_26] : memref<320000x128xf32, #tpu.memory_space<hbm>> -> memref<400x128xf32, #tpu.memory_space<hbm>>
        %dma_wait3A_28 = arith.constant 0 : i32
        %dma_wait3A_29 = tpu.memref_slice %arg6[%add3A_11, %dma_wait3A_28] : memref<320000x128xf32, #tpu.memory_space<hbm>> -> memref<400x128xf32, #tpu.memory_space<hbm>>
        tpu.wait_dma2 semaphore(%run_scoped3A : memref<!tpu.dma_semaphore, #tpu.memory_space<semaphore_mem>>) src(%arg10 : memref<400x128xf32, #tpu.memory_space<vmem>>) dst(%dma_wait3A_29 : memref<400x128xf32, #tpu.memory_space<hbm>>)
        tpu.yield
      }) : () -> ()
    }
    %scan3A_7 = arith.constant 25 : i32
    return
  }
}

#map = affine_map<(d0, d1) -> (0, 0)>
#map1 = affine_map<(d0, d1) -> (0)>
module attributes {stable_mosaic.version = 14 : i64} {
  func.func @_lambda_(%arg0: i32, %arg1: i32, %arg2: memref<10000x128xf32, #tpu.memory_space<hbm>>, %arg3: memref<320000xi32, #tpu.memory_space<hbm>>, %arg4: memref<320000xi32, #tpu.memory_space<hbm>>, %arg5: memref<320000x128xf32, #tpu.memory_space<hbm>>, %arg6: memref<320000x128xf32, #tpu.memory_space<hbm>>, %arg7: memref<400xi32, #tpu.memory_space<vmem>>, %arg8: memref<400xi32, #tpu.memory_space<vmem>>, %arg9: memref<400x128xf32, #tpu.memory_space<vmem>>, %arg10: memref<400x128xf32, #tpu.memory_space<vmem>>, %arg11: memref<!tpu.dma_semaphore, #tpu.memory_space<semaphore_mem>>, %arg12: memref<!tpu.dma_semaphore, #tpu.memory_space<semaphore_mem>>) attributes {dimension_semantics = [#tpu.dimension_semantics<core_parallel>, #tpu.dimension_semantics<subcore_parallel>], iteration_bounds = array<i64: 2, 16>, scalar_prefetch = 0 : i64, scratch_operands = 6 : i64, tpu.core_type = #tpu.core_type<sc_vector_subcore>, window_params = [{transform_indices = #map}, {transform_indices = #map1}, {transform_indices = #map1}, {transform_indices = #map}, {transform_indices = #map}]} {
    %mul3A = arith.constant 2 : i32
    %mul3A_0 = arith.muli %arg1, %mul3A : i32
    %add3A = arith.addi %mul3A_0, %arg0 : i32
    %mul3A_1 = arith.constant 10000 : i32
    %mul3A_2 = arith.muli %add3A, %mul3A_1 : i32
    %scan3A = arith.constant 0 : i32
    %scan3A_3 = arith.constant 0 : i32
    %scan3A_4 = arith.constant 25 : i32
    %scan3A_5 = arith.addi %scan3A_3, %scan3A_4 : i32
    %scan3A_6 = arith.constant 1 : i32
    scf.for %scan3A_8 = %scan3A_3 to %scan3A_5 step %scan3A_6  : i32 {
      %mul3A_9 = arith.constant 400 : i32
      %mul3A_10 = arith.muli %scan3A_8, %mul3A_9 : i32
      %add3A_11 = arith.addi %mul3A_2, %mul3A_10 : i32
      "tpu.region"() ({
        %run_scoped3A = tpu.sem_alloc : memref<!tpu.dma_semaphore, #tpu.memory_space<semaphore_mem>>
        %dma_start3A_22 = tpu.memref_slice %arg4[%add3A_11] : memref<320000xi32, #tpu.memory_space<hbm>> -> memref<400xi32, #tpu.memory_space<hbm>>
        %dma_start3A_23 = tpu.memref_slice %arg4[%add3A_11] : memref<320000xi32, #tpu.memory_space<hbm>> -> memref<400xi32, #tpu.memory_space<hbm>>
        tpu.enqueue_dma source(%dma_start3A_23 : memref<400xi32, #tpu.memory_space<hbm>>) target(%arg8 : memref<400xi32, #tpu.memory_space<vmem>>) target_semaphore(%run_scoped3A : memref<!tpu.dma_semaphore, #tpu.memory_space<semaphore_mem>>)
        %dma_wait3A_24 = tpu.memref_slice %arg4[%add3A_11] : memref<320000xi32, #tpu.memory_space<hbm>> -> memref<400xi32, #tpu.memory_space<hbm>>
        %dma_wait3A_25 = tpu.memref_slice %arg4[%add3A_11] : memref<320000xi32, #tpu.memory_space<hbm>> -> memref<400xi32, #tpu.memory_space<hbm>>
        tpu.wait_dma2 semaphore(%run_scoped3A : memref<!tpu.dma_semaphore, #tpu.memory_space<semaphore_mem>>) src(%dma_wait3A_25 : memref<400xi32, #tpu.memory_space<hbm>>) dst(%arg8 : memref<400xi32, #tpu.memory_space<vmem>>)
        tpu.yield
      }) : () -> ()
      "tpu.region"() ({
        %run_scoped3A = tpu.sem_alloc : memref<!tpu.dma_semaphore, #tpu.memory_space<semaphore_mem>>
        %dma_start3A_22 = tpu.memref_slice %arg3[%add3A_11] : memref<320000xi32, #tpu.memory_space<hbm>> -> memref<400xi32, #tpu.memory_space<hbm>>
        %dma_start3A_23 = tpu.memref_slice %arg3[%add3A_11] : memref<320000xi32, #tpu.memory_space<hbm>> -> memref<400xi32, #tpu.memory_space<hbm>>
        tpu.enqueue_dma source(%dma_start3A_23 : memref<400xi32, #tpu.memory_space<hbm>>) target(%arg7 : memref<400xi32, #tpu.memory_space<vmem>>) target_semaphore(%run_scoped3A : memref<!tpu.dma_semaphore, #tpu.memory_space<semaphore_mem>>)
        %dma_wait3A_24 = tpu.memref_slice %arg3[%add3A_11] : memref<320000xi32, #tpu.memory_space<hbm>> -> memref<400xi32, #tpu.memory_space<hbm>>
        %dma_wait3A_25 = tpu.memref_slice %arg3[%add3A_11] : memref<320000xi32, #tpu.memory_space<hbm>> -> memref<400xi32, #tpu.memory_space<hbm>>
        tpu.wait_dma2 semaphore(%run_scoped3A : memref<!tpu.dma_semaphore, #tpu.memory_space<semaphore_mem>>) src(%dma_wait3A_25 : memref<400xi32, #tpu.memory_space<hbm>>) dst(%arg7 : memref<400xi32, #tpu.memory_space<vmem>>)
        tpu.yield
      }) : () -> ()
      %dma_start3A = arith.constant 0 : i32
      %dma_start3A_12 = arith.constant 0 : i32
      %dma_start3A_13 = tpu.memref_slice %arg2[%dma_start3A, %dma_start3A_12] : memref<10000x128xf32, #tpu.memory_space<hbm>> -> memref<10000x128xf32, #tpu.memory_space<hbm>>
      tpu.enqueue_indirect_dma source(%dma_start3A_13 : memref<10000x128xf32, #tpu.memory_space<hbm>>) target(%arg9 : memref<400x128xf32, #tpu.memory_space<vmem>>) offsets(%arg8 : memref<400xi32, #tpu.memory_space<vmem>>) semaphore(%arg11 : memref<!tpu.dma_semaphore, #tpu.memory_space<semaphore_mem>>)
      %dma_start3A_14 = arith.constant 0 : i32
      %dma_start3A_15 = arith.constant 0 : i32
      %dma_start3A_16 = tpu.memref_slice %arg2[%dma_start3A_14, %dma_start3A_15] : memref<10000x128xf32, #tpu.memory_space<hbm>> -> memref<10000x128xf32, #tpu.memory_space<hbm>>
      tpu.enqueue_indirect_dma source(%dma_start3A_16 : memref<10000x128xf32, #tpu.memory_space<hbm>>) target(%arg10 : memref<400x128xf32, #tpu.memory_space<vmem>>) offsets(%arg7 : memref<400xi32, #tpu.memory_space<vmem>>) semaphore(%arg12 : memref<!tpu.dma_semaphore, #tpu.memory_space<semaphore_mem>>)
      %dma_wait3A = arith.constant 0 : i32
      %dma_wait3A_17 = arith.constant 0 : i32
      %dma_wait3A_18 = tpu.memref_slice %arg2[%dma_wait3A, %dma_wait3A_17] : memref<10000x128xf32, #tpu.memory_space<hbm>> -> memref<10000x128xf32, #tpu.memory_space<hbm>>
      tpu.wait_indirect_dma semaphore(%arg11 : memref<!tpu.dma_semaphore, #tpu.memory_space<semaphore_mem>>) src(%dma_wait3A_18 : memref<10000x128xf32, #tpu.memory_space<hbm>>) dst(%arg9 : memref<400x128xf32, #tpu.memory_space<vmem>>)
      "tpu.region"() ({
        %run_scoped3A = tpu.sem_alloc : memref<!tpu.dma_semaphore, #tpu.memory_space<semaphore_mem>>
        %dma_start3A_22 = arith.constant 0 : i32
        %dma_start3A_23 = tpu.memref_slice %arg5[%add3A_11, %dma_start3A_22] : memref<320000x128xf32, #tpu.memory_space<hbm>> -> memref<400x128xf32, #tpu.memory_space<hbm>>
        %dma_start3A_24 = arith.constant 0 : i32
        %dma_start3A_25 = tpu.memref_slice %arg5[%add3A_11, %dma_start3A_24] : memref<320000x128xf32, #tpu.memory_space<hbm>> -> memref<400x128xf32, #tpu.memory_space<hbm>>
        tpu.enqueue_dma source(%arg9 : memref<400x128xf32, #tpu.memory_space<vmem>>) target(%dma_start3A_25 : memref<400x128xf32, #tpu.memory_space<hbm>>) target_semaphore(%run_scoped3A : memref<!tpu.dma_semaphore, #tpu.memory_space<semaphore_mem>>)
        %dma_wait3A_26 = arith.constant 0 : i32
        %dma_wait3A_27 = tpu.memref_slice %arg5[%add3A_11, %dma_wait3A_26] : memref<320000x128xf32, #tpu.memory_space<hbm>> -> memref<400x128xf32, #tpu.memory_space<hbm>>
        %dma_wait3A_28 = arith.constant 0 : i32
        %dma_wait3A_29 = tpu.memref_slice %arg5[%add3A_11, %dma_wait3A_28] : memref<320000x128xf32, #tpu.memory_space<hbm>> -> memref<400x128xf32, #tpu.memory_space<hbm>>
        tpu.wait_dma2 semaphore(%run_scoped3A : memref<!tpu.dma_semaphore, #tpu.memory_space<semaphore_mem>>) src(%arg9 : memref<400x128xf32, #tpu.memory_space<vmem>>) dst(%dma_wait3A_29 : memref<400x128xf32, #tpu.memory_space<hbm>>)
        tpu.yield
      }) : () -> ()
      %dma_wait3A_19 = arith.constant 0 : i32
      %dma_wait3A_20 = arith.constant 0 : i32
      %dma_wait3A_21 = tpu.memref_slice %arg2[%dma_wait3A_19, %dma_wait3A_20] : memref<10000x128xf32, #tpu.memory_space<hbm>> -> memref<10000x128xf32, #tpu.memory_space<hbm>>
      tpu.wait_indirect_dma semaphore(%arg12 : memref<!tpu.dma_semaphore, #tpu.memory_space<semaphore_mem>>) src(%dma_wait3A_21 : memref<10000x128xf32, #tpu.memory_space<hbm>>) dst(%arg10 : memref<400x128xf32, #tpu.memory_space<vmem>>)
      "tpu.region"() ({
        %run_scoped3A = tpu.sem_alloc : memref<!tpu.dma_semaphore, #tpu.memory_space<semaphore_mem>>
        %dma_start3A_22 = arith.constant 0 : i32
        %dma_start3A_23 = tpu.memref_slice %arg6[%add3A_11, %dma_start3A_22] : memref<320000x128xf32, #tpu.memory_space<hbm>> -> memref<400x128xf32, #tpu.memory_space<hbm>>
        %dma_start3A_24 = arith.constant 0 : i32
        %dma_start3A_25 = tpu.memref_slice %arg6[%add3A_11, %dma_start3A_24] : memref<320000x128xf32, #tpu.memory_space<hbm>> -> memref<400x128xf32, #tpu.memory_space<hbm>>
        tpu.enqueue_dma source(%arg10 : memref<400x128xf32, #tpu.memory_space<vmem>>) target(%dma_start3A_25 : memref<400x128xf32, #tpu.memory_space<hbm>>) target_semaphore(%run_scoped3A : memref<!tpu.dma_semaphore, #tpu.memory_space<semaphore_mem>>)
        %dma_wait3A_26 = arith.constant 0 : i32
        %dma_wait3A_27 = tpu.memref_slice %arg6[%add3A_11, %dma_wait3A_26] : memref<320000x128xf32, #tpu.memory_space<hbm>> -> memref<400x128xf32, #tpu.memory_space<hbm>>
        %dma_wait3A_28 = arith.constant 0 : i32
        %dma_wait3A_29 = tpu.memref_slice %arg6[%add3A_11, %dma_wait3A_28] : memref<320000x128xf32, #tpu.memory_space<hbm>> -> memref<400x128xf32, #tpu.memory_space<hbm>>
        tpu.wait_dma2 semaphore(%run_scoped3A : memref<!tpu.dma_semaphore, #tpu.memory_space<semaphore_mem>>) src(%arg10 : memref<400x128xf32, #tpu.memory_space<vmem>>) dst(%dma_wait3A_29 : memref<400x128xf32, #tpu.memory_space<hbm>>)
        tpu.yield
      }) : () -> ()
    }
    %scan3A_7 = arith.constant 25 : i32
    return
  }
}

#map = affine_map<(d0, d1) -> (0, 0)>
#map1 = affine_map<(d0, d1) -> (0)>
module attributes {stable_mosaic.version = 14 : i64} {
  func.func @_lambda_(%arg0: i32, %arg1: i32, %arg2: memref<320000x128xf32, #tpu.memory_space<hbm>>, %arg3: memref<320000xi32, #tpu.memory_space<hbm>>, %arg4: memref<10000x128xf32, #tpu.memory_space<hbm>>, %arg5: memref<10000x128xf32, #tpu.memory_space<hbm>>, %arg6: memref<10000x128xf32, #tpu.memory_space<vmem_shared>>, %arg7: memref<200xi32, #tpu.memory_space<vmem>>, %arg8: memref<200x128xf32, #tpu.memory_space<vmem>>) attributes {dimension_semantics = [#tpu.dimension_semantics<core_parallel>, #tpu.dimension_semantics<subcore_parallel>], iteration_bounds = array<i64: 2, 16>, scalar_prefetch = 0 : i64, scratch_operands = 3 : i64, tpu.core_type = #tpu.core_type<sc_vector_subcore>, window_params = [{transform_indices = #map}, {transform_indices = #map1}, {transform_indices = #map}, {transform_indices = #map}]} {
    %mul3A = arith.constant 624 : i32
    %mul3A_0 = arith.muli %arg1, %mul3A : i32
    "tpu.region"() ({
      %run_scoped3A = tpu.sem_alloc : memref<!tpu.dma_semaphore, #tpu.memory_space<semaphore_mem>>
      %dma_start3A = arith.constant 0 : i32
      %dma_start3A_159 = tpu.memref_slice %arg6[%mul3A_0, %dma_start3A] : memref<10000x128xf32, #tpu.memory_space<vmem_shared>> -> memref<624x128xf32, #tpu.memory_space<vmem_shared>>
      %dma_start3A_160 = arith.constant 0 : i32
      %dma_start3A_161 = tpu.memref_slice %arg4[%mul3A_0, %dma_start3A_160] : memref<10000x128xf32, #tpu.memory_space<hbm>> -> memref<624x128xf32, #tpu.memory_space<hbm>>
      tpu.enqueue_dma source(%dma_start3A_161 : memref<624x128xf32, #tpu.memory_space<hbm>>) target(%dma_start3A_159 : memref<624x128xf32, #tpu.memory_space<vmem_shared>>) target_semaphore(%run_scoped3A : memref<!tpu.dma_semaphore, #tpu.memory_space<semaphore_mem>>)
      %dma_wait3A = arith.constant 0 : i32
      %dma_wait3A_162 = tpu.memref_slice %arg6[%mul3A_0, %dma_wait3A] : memref<10000x128xf32, #tpu.memory_space<vmem_shared>> -> memref<624x128xf32, #tpu.memory_space<vmem_shared>>
      %dma_wait3A_163 = arith.constant 0 : i32
      %dma_wait3A_164 = tpu.memref_slice %arg4[%mul3A_0, %dma_wait3A_163] : memref<10000x128xf32, #tpu.memory_space<hbm>> -> memref<624x128xf32, #tpu.memory_space<hbm>>
      tpu.wait_dma2 semaphore(%run_scoped3A : memref<!tpu.dma_semaphore, #tpu.memory_space<semaphore_mem>>) src(%dma_wait3A_164 : memref<624x128xf32, #tpu.memory_space<hbm>>) dst(%dma_wait3A_162 : memref<624x128xf32, #tpu.memory_space<vmem_shared>>)
      tpu.yield
    }) : () -> ()
    %eq3A = arith.constant 15 : i32
    %eq3A_1 = arith.cmpi eq, %arg1, %eq3A : i32
    %convert_element_type3A = arith.extui %eq3A_1 : i1 to i32
    %cond3A = arith.constant 0 : i32
    %cond3A_2 = arith.cmpi ne, %convert_element_type3A, %cond3A : i32
    scf.if %cond3A_2 {
      "tpu.region"() ({
        %run_scoped3A = tpu.sem_alloc : memref<!tpu.dma_semaphore, #tpu.memory_space<semaphore_mem>>
        %dma_start3A = arith.constant 9984 : i32
        %dma_start3A_159 = arith.constant 0 : i32
        %dma_start3A_160 = tpu.memref_slice %arg6[%dma_start3A, %dma_start3A_159] : memref<10000x128xf32, #tpu.memory_space<vmem_shared>> -> memref<16x128xf32, #tpu.memory_space<vmem_shared>>
        %dma_start3A_161 = arith.constant 9984 : i32
        %dma_start3A_162 = arith.constant 0 : i32
        %dma_start3A_163 = tpu.memref_slice %arg4[%dma_start3A_161, %dma_start3A_162] : memref<10000x128xf32, #tpu.memory_space<hbm>> -> memref<16x128xf32, #tpu.memory_space<hbm>>
        tpu.enqueue_dma source(%dma_start3A_163 : memref<16x128xf32, #tpu.memory_space<hbm>>) target(%dma_start3A_160 : memref<16x128xf32, #tpu.memory_space<vmem_shared>>) target_semaphore(%run_scoped3A : memref<!tpu.dma_semaphore, #tpu.memory_space<semaphore_mem>>)
        %dma_wait3A = arith.constant 9984 : i32
        %dma_wait3A_164 = arith.constant 0 : i32
        %dma_wait3A_165 = tpu.memref_slice %arg6[%dma_wait3A, %dma_wait3A_164] : memref<10000x128xf32, #tpu.memory_space<vmem_shared>> -> memref<16x128xf32, #tpu.memory_space<vmem_shared>>
        %dma_wait3A_166 = arith.constant 9984 : i32
        %dma_wait3A_167 = arith.constant 0 : i32
        %dma_wait3A_168 = tpu.memref_slice %arg4[%dma_wait3A_166, %dma_wait3A_167] : memref<10000x128xf32, #tpu.memory_space<hbm>> -> memref<16x128xf32, #tpu.memory_space<hbm>>
        tpu.wait_dma2 semaphore(%run_scoped3A : memref<!tpu.dma_semaphore, #tpu.memory_space<semaphore_mem>>) src(%dma_wait3A_168 : memref<16x128xf32, #tpu.memory_space<hbm>>) dst(%dma_wait3A_165 : memref<16x128xf32, #tpu.memory_space<vmem_shared>>)
        tpu.yield
      }) : () -> ()
    } else {
    }
    %barrier3A = arith.constant 0 : index
    tpu.barrier barrier_id(%barrier3A)
    %eq3A_3 = arith.constant 0 : i32
    %eq3A_4 = arith.cmpi eq, %arg0, %eq3A_3 : i32
    %eq3A_5 = arith.constant 0 : i32
    %eq3A_6 = arith.cmpi eq, %arg1, %eq3A_5 : i32
    %and3A = arith.andi %eq3A_4, %eq3A_6 : i1
    %convert_element_type3A_7 = arith.extui %and3A : i1 to i32
    %cond3A_8 = arith.constant 0 : i32
    %cond3A_9 = arith.cmpi ne, %convert_element_type3A_7, %cond3A_8 : i32
    scf.if %cond3A_9 {
      %scan3A = arith.constant 0 : i32
      %scan3A_159 = arith.constant 0 : i32
      %scan3A_160 = arith.constant 100 : i32
      %scan3A_161 = arith.addi %scan3A_159, %scan3A_160 : i32
      %scan3A_162 = arith.constant 1 : i32
      scf.for %scan3A_164 = %scan3A_159 to %scan3A_161 step %scan3A_162  : i32 {
        %mul3A_165 = arith.constant 200 : i32
        %mul3A_166 = arith.muli %scan3A_164, %mul3A_165 : i32
        "tpu.region"() ({
          %run_scoped3A = tpu.sem_alloc : memref<!tpu.dma_semaphore, #tpu.memory_space<semaphore_mem>>
          %dma_start3A = tpu.memref_slice %arg3[%mul3A_166] : memref<320000xi32, #tpu.memory_space<hbm>> -> memref<200xi32, #tpu.memory_space<hbm>>
          %dma_start3A_169 = tpu.memref_slice %arg3[%mul3A_166] : memref<320000xi32, #tpu.memory_space<hbm>> -> memref<200xi32, #tpu.memory_space<hbm>>
          tpu.enqueue_dma source(%dma_start3A_169 : memref<200xi32, #tpu.memory_space<hbm>>) target(%arg7 : memref<200xi32, #tpu.memory_space<vmem>>) target_semaphore(%run_scoped3A : memref<!tpu.dma_semaphore, #tpu.memory_space<semaphore_mem>>)
          %dma_wait3A = tpu.memref_slice %arg3[%mul3A_166] : memref<320000xi32, #tpu.memory_space<hbm>> -> memref<200xi32, #tpu.memory_space<hbm>>
          %dma_wait3A_170 = tpu.memref_slice %arg3[%mul3A_166] : memref<320000xi32, #tpu.memory_space<hbm>> -> memref<200xi32, #tpu.memory_space<hbm>>
          tpu.wait_dma2 semaphore(%run_scoped3A : memref<!tpu.dma_semaphore, #tpu.memory_space<semaphore_mem>>) src(%dma_wait3A_170 : memref<200xi32, #tpu.memory_space<hbm>>) dst(%arg7 : memref<200xi32, #tpu.memory_space<vmem>>)
          tpu.yield
        }) : () -> ()
        %mul3A_167 = arith.constant 200 : i32
        %mul3A_168 = arith.muli %scan3A_164, %mul3A_167 : i32
        "tpu.region"() ({
          %run_scoped3A = tpu.sem_alloc : memref<!tpu.dma_semaphore, #tpu.memory_space<semaphore_mem>>
          %dma_start3A = arith.constant 0 : i32
          %dma_start3A_169 = tpu.memref_slice %arg2[%mul3A_168, %dma_start3A] : memref<320000x128xf32, #tpu.memory_space<hbm>> -> memref<200x128xf32, #tpu.memory_space<hbm>>
          %dma_start3A_170 = arith.constant 0 : i32
          %dma_start3A_171 = tpu.memref_slice %arg2[%mul3A_168, %dma_start3A_170] : memref<320000x128xf32, #tpu.memory_space<hbm>> -> memref<200x128xf32, #tpu.memory_space<hbm>>
          tpu.enqueue_dma source(%dma_start3A_171 : memref<200x128xf32, #tpu.memory_space<hbm>>) target(%arg8 : memref<200x128xf32, #tpu.memory_space<vmem>>) target_semaphore(%run_scoped3A : memref<!tpu.dma_semaphore, #tpu.memory_space<semaphore_mem>>)
          %dma_wait3A = arith.constant 0 : i32
          %dma_wait3A_172 = tpu.memref_slice %arg2[%mul3A_168, %dma_wait3A] : memref<320000x128xf32, #tpu.memory_space<hbm>> -> memref<200x128xf32, #tpu.memory_space<hbm>>
          %dma_wait3A_173 = arith.constant 0 : i32
          %dma_wait3A_174 = tpu.memref_slice %arg2[%mul3A_168, %dma_wait3A_173] : memref<320000x128xf32, #tpu.memory_space<hbm>> -> memref<200x128xf32, #tpu.memory_space<hbm>>
          tpu.wait_dma2 semaphore(%run_scoped3A : memref<!tpu.dma_semaphore, #tpu.memory_space<semaphore_mem>>) src(%dma_wait3A_174 : memref<200x128xf32, #tpu.memory_space<hbm>>) dst(%arg8 : memref<200x128xf32, #tpu.memory_space<vmem>>)
          tpu.yield
        }) : () -> ()
        "tpu.region"() ({
          %run_scoped3A = tpu.sem_alloc : memref<!tpu.dma_semaphore, #tpu.memory_space<semaphore_mem>>
          %dma_start3A = arith.constant 0 : i32
          %dma_start3A_169 = arith.constant 0 : i32
          %dma_start3A_170 = tpu.memref_slice %arg6[%dma_start3A, %dma_start3A_169] : memref<10000x128xf32, #tpu.memory_space<vmem_shared>> -> memref<10000x128xf32, #tpu.memory_space<vmem_shared>>
          tpu.enqueue_indirect_dma source(%arg8 : memref<200x128xf32, #tpu.memory_space<vmem>>) target(%dma_start3A_170 : memref<10000x128xf32, #tpu.memory_space<vmem_shared>>) offsets(%arg7 : memref<200xi32, #tpu.memory_space<vmem>>) semaphore(%run_scoped3A : memref<!tpu.dma_semaphore, #tpu.memory_space<semaphore_mem>>) {add = true}
          %dma_wait3A = arith.constant 0 : i32
          %dma_wait3A_171 = arith.constant 0 : i32
          %dma_wait3A_172 = tpu.memref_slice %arg6[%dma_wait3A, %dma_wait3A_171] : memref<10000x128xf32, #tpu.memory_space<vmem_shared>> -> memref<10000x128xf32, #tpu.memory_space<vmem_shared>>
          tpu.wait_indirect_dma semaphore(%run_scoped3A : memref<!tpu.dma_semaphore, #tpu.memory_space<semaphore_mem>>) src(%arg8 : memref<200x128xf32, #tpu.memory_space<vmem>>) dst(%dma_wait3A_172 : memref<10000x128xf32, #tpu.memory_space<vmem_shared>>)
          tpu.yield
        }) : () -> ()
      }
      %scan3A_163 = arith.constant 100 : i32
    } else {
    }
    %barrier3A_10 = arith.constant 0 : index
    tpu.barrier barrier_id(%barrier3A_10)
    %eq3A_11 = arith.constant 0 : i32
    %eq3A_12 = arith.cmpi eq, %arg0, %eq3A_11 : i32
    %eq3A_13 = arith.constant 1 : i32
    %eq3A_14 = arith.cmpi eq, %arg1, %eq3A_13 : i32
    %and3A_15 = arith.andi %eq3A_12, %eq3A_14 : i1
    %convert_element_type3A_16 = arith.extui %and3A_15 : i1 to i32
    %cond3A_17 = arith.constant 0 : i32
    %cond3A_18 = arith.cmpi ne, %convert_element_type3A_16, %cond3A_17 : i32
    scf.if %cond3A_18 {
      %scan3A = arith.constant 0 : i32
      %scan3A_159 = arith.constant 100 : i32
      %scan3A_160 = arith.constant 100 : i32
      %scan3A_161 = arith.addi %scan3A_159, %scan3A_160 : i32
      %scan3A_162 = arith.constant 1 : i32
      scf.for %scan3A_164 = %scan3A_159 to %scan3A_161 step %scan3A_162  : i32 {
        %mul3A_165 = arith.constant 200 : i32
        %mul3A_166 = arith.muli %scan3A_164, %mul3A_165 : i32
        "tpu.region"() ({
          %run_scoped3A = tpu.sem_alloc : memref<!tpu.dma_semaphore, #tpu.memory_space<semaphore_mem>>
          %dma_start3A = tpu.memref_slice %arg3[%mul3A_166] : memref<320000xi32, #tpu.memory_space<hbm>> -> memref<200xi32, #tpu.memory_space<hbm>>
          %dma_start3A_169 = tpu.memref_slice %arg3[%mul3A_166] : memref<320000xi32, #tpu.memory_space<hbm>> -> memref<200xi32, #tpu.memory_space<hbm>>
          tpu.enqueue_dma source(%dma_start3A_169 : memref<200xi32, #tpu.memory_space<hbm>>) target(%arg7 : memref<200xi32, #tpu.memory_space<vmem>>) target_semaphore(%run_scoped3A : memref<!tpu.dma_semaphore, #tpu.memory_space<semaphore_mem>>)
          %dma_wait3A = tpu.memref_slice %arg3[%mul3A_166] : memref<320000xi32, #tpu.memory_space<hbm>> -> memref<200xi32, #tpu.memory_space<hbm>>
          %dma_wait3A_170 = tpu.memref_slice %arg3[%mul3A_166] : memref<320000xi32, #tpu.memory_space<hbm>> -> memref<200xi32, #tpu.memory_space<hbm>>
          tpu.wait_dma2 semaphore(%run_scoped3A : memref<!tpu.dma_semaphore, #tpu.memory_space<semaphore_mem>>) src(%dma_wait3A_170 : memref<200xi32, #tpu.memory_space<hbm>>) dst(%arg7 : memref<200xi32, #tpu.memory_space<vmem>>)
          tpu.yield
        }) : () -> ()
        %mul3A_167 = arith.constant 200 : i32
        %mul3A_168 = arith.muli %scan3A_164, %mul3A_167 : i32
        "tpu.region"() ({
          %run_scoped3A = tpu.sem_alloc : memref<!tpu.dma_semaphore, #tpu.memory_space<semaphore_mem>>
          %dma_start3A = arith.constant 0 : i32
          %dma_start3A_169 = tpu.memref_slice %arg2[%mul3A_168, %dma_start3A] : memref<320000x128xf32, #tpu.memory_space<hbm>> -> memref<200x128xf32, #tpu.memory_space<hbm>>
          %dma_start3A_170 = arith.constant 0 : i32
          %dma_start3A_171 = tpu.memref_slice %arg2[%mul3A_168, %dma_start3A_170] : memref<320000x128xf32, #tpu.memory_space<hbm>> -> memref<200x128xf32, #tpu.memory_space<hbm>>
          tpu.enqueue_dma source(%dma_start3A_171 : memref<200x128xf32, #tpu.memory_space<hbm>>) target(%arg8 : memref<200x128xf32, #tpu.memory_space<vmem>>) target_semaphore(%run_scoped3A : memref<!tpu.dma_semaphore, #tpu.memory_space<semaphore_mem>>)
          %dma_wait3A = arith.constant 0 : i32
          %dma_wait3A_172 = tpu.memref_slice %arg2[%mul3A_168, %dma_wait3A] : memref<320000x128xf32, #tpu.memory_space<hbm>> -> memref<200x128xf32, #tpu.memory_space<hbm>>
          %dma_wait3A_173 = arith.constant 0 : i32
          %dma_wait3A_174 = tpu.memref_slice %arg2[%mul3A_168, %dma_wait3A_173] : memref<320000x128xf32, #tpu.memory_space<hbm>> -> memref<200x128xf32, #tpu.memory_space<hbm>>
          tpu.wait_dma2 semaphore(%run_scoped3A : memref<!tpu.dma_semaphore, #tpu.memory_space<semaphore_mem>>) src(%dma_wait3A_174 : memref<200x128xf32, #tpu.memory_space<hbm>>) dst(%arg8 : memref<200x128xf32, #tpu.memory_space<vmem>>)
          tpu.yield
        }) : () -> ()
        "tpu.region"() ({
          %run_scoped3A = tpu.sem_alloc : memref<!tpu.dma_semaphore, #tpu.memory_space<semaphore_mem>>
          %dma_start3A = arith.constant 0 : i32
          %dma_start3A_169 = arith.constant 0 : i32
          %dma_start3A_170 = tpu.memref_slice %arg6[%dma_start3A, %dma_start3A_169] : memref<10000x128xf32, #tpu.memory_space<vmem_shared>> -> memref<10000x128xf32, #tpu.memory_space<vmem_shared>>
          tpu.enqueue_indirect_dma source(%arg8 : memref<200x128xf32, #tpu.memory_space<vmem>>) target(%dma_start3A_170 : memref<10000x128xf32, #tpu.memory_space<vmem_shared>>) offsets(%arg7 : memref<200xi32, #tpu.memory_space<vmem>>) semaphore(%run_scoped3A : memref<!tpu.dma_semaphore, #tpu.memory_space<semaphore_mem>>) {add = true}
          %dma_wait3A = arith.constant 0 : i32
          %dma_wait3A_171 = arith.constant 0 : i32
          %dma_wait3A_172 = tpu.memref_slice %arg6[%dma_wait3A, %dma_wait3A_171] : memref<10000x128xf32, #tpu.memory_space<vmem_shared>> -> memref<10000x128xf32, #tpu.memory_space<vmem_shared>>
          tpu.wait_indirect_dma semaphore(%run_scoped3A : memref<!tpu.dma_semaphore, #tpu.memory_space<semaphore_mem>>) src(%arg8 : memref<200x128xf32, #tpu.memory_space<vmem>>) dst(%dma_wait3A_172 : memref<10000x128xf32, #tpu.memory_space<vmem_shared>>)
          tpu.yield
        }) : () -> ()
      }
      %scan3A_163 = arith.constant 100 : i32
    } else {
    }
    %barrier3A_19 = arith.constant 0 : index
    tpu.barrier barrier_id(%barrier3A_19)
    %eq3A_20 = arith.constant 0 : i32
    %eq3A_21 = arith.cmpi eq, %arg0, %eq3A_20 : i32
    %eq3A_22 = arith.constant 2 : i32
    %eq3A_23 = arith.cmpi eq, %arg1, %eq3A_22 : i32
    %and3A_24 = arith.andi %eq3A_21, %eq3A_23 : i1
    %convert_element_type3A_25 = arith.extui %and3A_24 : i1 to i32
    %cond3A_26 = arith.constant 0 : i32
    %cond3A_27 = arith.cmpi ne, %convert_element_type3A_25, %cond3A_26 : i32
    scf.if %cond3A_27 {
      %scan3A = arith.constant 0 : i32
      %scan3A_159 = arith.constant 200 : i32
      %scan3A_160 = arith.constant 100 : i32
      %scan3A_161 = arith.addi %scan3A_159, %scan3A_160 : i32
      %scan3A_162 = arith.constant 1 : i32
      scf.for %scan3A_164 = %scan3A_159 to %scan3A_161 step %scan3A_162  : i32 {
        %mul3A_165 = arith.constant 200 : i32
        %mul3A_166 = arith.muli %scan3A_164, %mul3A_165 : i32
        "tpu.region"() ({
          %run_scoped3A = tpu.sem_alloc : memref<!tpu.dma_semaphore, #tpu.memory_space<semaphore_mem>>
          %dma_start3A = tpu.memref_slice %arg3[%mul3A_166] : memref<320000xi32, #tpu.memory_space<hbm>> -> memref<200xi32, #tpu.memory_space<hbm>>
          %dma_start3A_169 = tpu.memref_slice %arg3[%mul3A_166] : memref<320000xi32, #tpu.memory_space<hbm>> -> memref<200xi32, #tpu.memory_space<hbm>>
          tpu.enqueue_dma source(%dma_start3A_169 : memref<200xi32, #tpu.memory_space<hbm>>) target(%arg7 : memref<200xi32, #tpu.memory_space<vmem>>) target_semaphore(%run_scoped3A : memref<!tpu.dma_semaphore, #tpu.memory_space<semaphore_mem>>)
          %dma_wait3A = tpu.memref_slice %arg3[%mul3A_166] : memref<320000xi32, #tpu.memory_space<hbm>> -> memref<200xi32, #tpu.memory_space<hbm>>
          %dma_wait3A_170 = tpu.memref_slice %arg3[%mul3A_166] : memref<320000xi32, #tpu.memory_space<hbm>> -> memref<200xi32, #tpu.memory_space<hbm>>
          tpu.wait_dma2 semaphore(%run_scoped3A : memref<!tpu.dma_semaphore, #tpu.memory_space<semaphore_mem>>) src(%dma_wait3A_170 : memref<200xi32, #tpu.memory_space<hbm>>) dst(%arg7 : memref<200xi32, #tpu.memory_space<vmem>>)
          tpu.yield
        }) : () -> ()
        %mul3A_167 = arith.constant 200 : i32
        %mul3A_168 = arith.muli %scan3A_164, %mul3A_167 : i32
        "tpu.region"() ({
          %run_scoped3A = tpu.sem_alloc : memref<!tpu.dma_semaphore, #tpu.memory_space<semaphore_mem>>
          %dma_start3A = arith.constant 0 : i32
          %dma_start3A_169 = tpu.memref_slice %arg2[%mul3A_168, %dma_start3A] : memref<320000x128xf32, #tpu.memory_space<hbm>> -> memref<200x128xf32, #tpu.memory_space<hbm>>
          %dma_start3A_170 = arith.constant 0 : i32
          %dma_start3A_171 = tpu.memref_slice %arg2[%mul3A_168, %dma_start3A_170] : memref<320000x128xf32, #tpu.memory_space<hbm>> -> memref<200x128xf32, #tpu.memory_space<hbm>>
          tpu.enqueue_dma source(%dma_start3A_171 : memref<200x128xf32, #tpu.memory_space<hbm>>) target(%arg8 : memref<200x128xf32, #tpu.memory_space<vmem>>) target_semaphore(%run_scoped3A : memref<!tpu.dma_semaphore, #tpu.memory_space<semaphore_mem>>)
          %dma_wait3A = arith.constant 0 : i32
          %dma_wait3A_172 = tpu.memref_slice %arg2[%mul3A_168, %dma_wait3A] : memref<320000x128xf32, #tpu.memory_space<hbm>> -> memref<200x128xf32, #tpu.memory_space<hbm>>
          %dma_wait3A_173 = arith.constant 0 : i32
          %dma_wait3A_174 = tpu.memref_slice %arg2[%mul3A_168, %dma_wait3A_173] : memref<320000x128xf32, #tpu.memory_space<hbm>> -> memref<200x128xf32, #tpu.memory_space<hbm>>
          tpu.wait_dma2 semaphore(%run_scoped3A : memref<!tpu.dma_semaphore, #tpu.memory_space<semaphore_mem>>) src(%dma_wait3A_174 : memref<200x128xf32, #tpu.memory_space<hbm>>) dst(%arg8 : memref<200x128xf32, #tpu.memory_space<vmem>>)
          tpu.yield
        }) : () -> ()
        "tpu.region"() ({
          %run_scoped3A = tpu.sem_alloc : memref<!tpu.dma_semaphore, #tpu.memory_space<semaphore_mem>>
          %dma_start3A = arith.constant 0 : i32
          %dma_start3A_169 = arith.constant 0 : i32
          %dma_start3A_170 = tpu.memref_slice %arg6[%dma_start3A, %dma_start3A_169] : memref<10000x128xf32, #tpu.memory_space<vmem_shared>> -> memref<10000x128xf32, #tpu.memory_space<vmem_shared>>
          tpu.enqueue_indirect_dma source(%arg8 : memref<200x128xf32, #tpu.memory_space<vmem>>) target(%dma_start3A_170 : memref<10000x128xf32, #tpu.memory_space<vmem_shared>>) offsets(%arg7 : memref<200xi32, #tpu.memory_space<vmem>>) semaphore(%run_scoped3A : memref<!tpu.dma_semaphore, #tpu.memory_space<semaphore_mem>>) {add = true}
          %dma_wait3A = arith.constant 0 : i32
          %dma_wait3A_171 = arith.constant 0 : i32
          %dma_wait3A_172 = tpu.memref_slice %arg6[%dma_wait3A, %dma_wait3A_171] : memref<10000x128xf32, #tpu.memory_space<vmem_shared>> -> memref<10000x128xf32, #tpu.memory_space<vmem_shared>>
          tpu.wait_indirect_dma semaphore(%run_scoped3A : memref<!tpu.dma_semaphore, #tpu.memory_space<semaphore_mem>>) src(%arg8 : memref<200x128xf32, #tpu.memory_space<vmem>>) dst(%dma_wait3A_172 : memref<10000x128xf32, #tpu.memory_space<vmem_shared>>)
          tpu.yield
        }) : () -> ()
      }
      %scan3A_163 = arith.constant 100 : i32
    } else {
    }
    %barrier3A_28 = arith.constant 0 : index
    tpu.barrier barrier_id(%barrier3A_28)
    %eq3A_29 = arith.constant 0 : i32
    %eq3A_30 = arith.cmpi eq, %arg0, %eq3A_29 : i32
    %eq3A_31 = arith.constant 3 : i32
    %eq3A_32 = arith.cmpi eq, %arg1, %eq3A_31 : i32
    %and3A_33 = arith.andi %eq3A_30, %eq3A_32 : i1
    %convert_element_type3A_34 = arith.extui %and3A_33 : i1 to i32
    %cond3A_35 = arith.constant 0 : i32
    %cond3A_36 = arith.cmpi ne, %convert_element_type3A_34, %cond3A_35 : i32
    scf.if %cond3A_36 {
      %scan3A = arith.constant 0 : i32
      %scan3A_159 = arith.constant 300 : i32
      %scan3A_160 = arith.constant 100 : i32
      %scan3A_161 = arith.addi %scan3A_159, %scan3A_160 : i32
      %scan3A_162 = arith.constant 1 : i32
      scf.for %scan3A_164 = %scan3A_159 to %scan3A_161 step %scan3A_162  : i32 {
        %mul3A_165 = arith.constant 200 : i32
        %mul3A_166 = arith.muli %scan3A_164, %mul3A_165 : i32
        "tpu.region"() ({
          %run_scoped3A = tpu.sem_alloc : memref<!tpu.dma_semaphore, #tpu.memory_space<semaphore_mem>>
          %dma_start3A = tpu.memref_slice %arg3[%mul3A_166] : memref<320000xi32, #tpu.memory_space<hbm>> -> memref<200xi32, #tpu.memory_space<hbm>>
          %dma_start3A_169 = tpu.memref_slice %arg3[%mul3A_166] : memref<320000xi32, #tpu.memory_space<hbm>> -> memref<200xi32, #tpu.memory_space<hbm>>
          tpu.enqueue_dma source(%dma_start3A_169 : memref<200xi32, #tpu.memory_space<hbm>>) target(%arg7 : memref<200xi32, #tpu.memory_space<vmem>>) target_semaphore(%run_scoped3A : memref<!tpu.dma_semaphore, #tpu.memory_space<semaphore_mem>>)
          %dma_wait3A = tpu.memref_slice %arg3[%mul3A_166] : memref<320000xi32, #tpu.memory_space<hbm>> -> memref<200xi32, #tpu.memory_space<hbm>>
          %dma_wait3A_170 = tpu.memref_slice %arg3[%mul3A_166] : memref<320000xi32, #tpu.memory_space<hbm>> -> memref<200xi32, #tpu.memory_space<hbm>>
          tpu.wait_dma2 semaphore(%run_scoped3A : memref<!tpu.dma_semaphore, #tpu.memory_space<semaphore_mem>>) src(%dma_wait3A_170 : memref<200xi32, #tpu.memory_space<hbm>>) dst(%arg7 : memref<200xi32, #tpu.memory_space<vmem>>)
          tpu.yield
        }) : () -> ()
        %mul3A_167 = arith.constant 200 : i32
        %mul3A_168 = arith.muli %scan3A_164, %mul3A_167 : i32
        "tpu.region"() ({
          %run_scoped3A = tpu.sem_alloc : memref<!tpu.dma_semaphore, #tpu.memory_space<semaphore_mem>>
          %dma_start3A = arith.constant 0 : i32
          %dma_start3A_169 = tpu.memref_slice %arg2[%mul3A_168, %dma_start3A] : memref<320000x128xf32, #tpu.memory_space<hbm>> -> memref<200x128xf32, #tpu.memory_space<hbm>>
          %dma_start3A_170 = arith.constant 0 : i32
          %dma_start3A_171 = tpu.memref_slice %arg2[%mul3A_168, %dma_start3A_170] : memref<320000x128xf32, #tpu.memory_space<hbm>> -> memref<200x128xf32, #tpu.memory_space<hbm>>
          tpu.enqueue_dma source(%dma_start3A_171 : memref<200x128xf32, #tpu.memory_space<hbm>>) target(%arg8 : memref<200x128xf32, #tpu.memory_space<vmem>>) target_semaphore(%run_scoped3A : memref<!tpu.dma_semaphore, #tpu.memory_space<semaphore_mem>>)
          %dma_wait3A = arith.constant 0 : i32
          %dma_wait3A_172 = tpu.memref_slice %arg2[%mul3A_168, %dma_wait3A] : memref<320000x128xf32, #tpu.memory_space<hbm>> -> memref<200x128xf32, #tpu.memory_space<hbm>>
          %dma_wait3A_173 = arith.constant 0 : i32
          %dma_wait3A_174 = tpu.memref_slice %arg2[%mul3A_168, %dma_wait3A_173] : memref<320000x128xf32, #tpu.memory_space<hbm>> -> memref<200x128xf32, #tpu.memory_space<hbm>>
          tpu.wait_dma2 semaphore(%run_scoped3A : memref<!tpu.dma_semaphore, #tpu.memory_space<semaphore_mem>>) src(%dma_wait3A_174 : memref<200x128xf32, #tpu.memory_space<hbm>>) dst(%arg8 : memref<200x128xf32, #tpu.memory_space<vmem>>)
          tpu.yield
        }) : () -> ()
        "tpu.region"() ({
          %run_scoped3A = tpu.sem_alloc : memref<!tpu.dma_semaphore, #tpu.memory_space<semaphore_mem>>
          %dma_start3A = arith.constant 0 : i32
          %dma_start3A_169 = arith.constant 0 : i32
          %dma_start3A_170 = tpu.memref_slice %arg6[%dma_start3A, %dma_start3A_169] : memref<10000x128xf32, #tpu.memory_space<vmem_shared>> -> memref<10000x128xf32, #tpu.memory_space<vmem_shared>>
          tpu.enqueue_indirect_dma source(%arg8 : memref<200x128xf32, #tpu.memory_space<vmem>>) target(%dma_start3A_170 : memref<10000x128xf32, #tpu.memory_space<vmem_shared>>) offsets(%arg7 : memref<200xi32, #tpu.memory_space<vmem>>) semaphore(%run_scoped3A : memref<!tpu.dma_semaphore, #tpu.memory_space<semaphore_mem>>) {add = true}
          %dma_wait3A = arith.constant 0 : i32
          %dma_wait3A_171 = arith.constant 0 : i32
          %dma_wait3A_172 = tpu.memref_slice %arg6[%dma_wait3A, %dma_wait3A_171] : memref<10000x128xf32, #tpu.memory_space<vmem_shared>> -> memref<10000x128xf32, #tpu.memory_space<vmem_shared>>
          tpu.wait_indirect_dma semaphore(%run_scoped3A : memref<!tpu.dma_semaphore, #tpu.memory_space<semaphore_mem>>) src(%arg8 : memref<200x128xf32, #tpu.memory_space<vmem>>) dst(%dma_wait3A_172 : memref<10000x128xf32, #tpu.memory_space<vmem_shared>>)
          tpu.yield
        }) : () -> ()
      }
      %scan3A_163 = arith.constant 100 : i32
    } else {
    }
    %barrier3A_37 = arith.constant 0 : index
    tpu.barrier barrier_id(%barrier3A_37)
    %eq3A_38 = arith.constant 0 : i32
    %eq3A_39 = arith.cmpi eq, %arg0, %eq3A_38 : i32
    %eq3A_40 = arith.constant 4 : i32
    %eq3A_41 = arith.cmpi eq, %arg1, %eq3A_40 : i32
    %and3A_42 = arith.andi %eq3A_39, %eq3A_41 : i1
    %convert_element_type3A_43 = arith.extui %and3A_42 : i1 to i32
    %cond3A_44 = arith.constant 0 : i32
    %cond3A_45 = arith.cmpi ne, %convert_element_type3A_43, %cond3A_44 : i32
    scf.if %cond3A_45 {
      %scan3A = arith.constant 0 : i32
      %scan3A_159 = arith.constant 400 : i32
      %scan3A_160 = arith.constant 100 : i32
      %scan3A_161 = arith.addi %scan3A_159, %scan3A_160 : i32
      %scan3A_162 = arith.constant 1 : i32
      scf.for %scan3A_164 = %scan3A_159 to %scan3A_161 step %scan3A_162  : i32 {
        %mul3A_165 = arith.constant 200 : i32
        %mul3A_166 = arith.muli %scan3A_164, %mul3A_165 : i32
        "tpu.region"() ({
          %run_scoped3A = tpu.sem_alloc : memref<!tpu.dma_semaphore, #tpu.memory_space<semaphore_mem>>
          %dma_start3A = tpu.memref_slice %arg3[%mul3A_166] : memref<320000xi32, #tpu.memory_space<hbm>> -> memref<200xi32, #tpu.memory_space<hbm>>
          %dma_start3A_169 = tpu.memref_slice %arg3[%mul3A_166] : memref<320000xi32, #tpu.memory_space<hbm>> -> memref<200xi32, #tpu.memory_space<hbm>>
          tpu.enqueue_dma source(%dma_start3A_169 : memref<200xi32, #tpu.memory_space<hbm>>) target(%arg7 : memref<200xi32, #tpu.memory_space<vmem>>) target_semaphore(%run_scoped3A : memref<!tpu.dma_semaphore, #tpu.memory_space<semaphore_mem>>)
          %dma_wait3A = tpu.memref_slice %arg3[%mul3A_166] : memref<320000xi32, #tpu.memory_space<hbm>> -> memref<200xi32, #tpu.memory_space<hbm>>
          %dma_wait3A_170 = tpu.memref_slice %arg3[%mul3A_166] : memref<320000xi32, #tpu.memory_space<hbm>> -> memref<200xi32, #tpu.memory_space<hbm>>
          tpu.wait_dma2 semaphore(%run_scoped3A : memref<!tpu.dma_semaphore, #tpu.memory_space<semaphore_mem>>) src(%dma_wait3A_170 : memref<200xi32, #tpu.memory_space<hbm>>) dst(%arg7 : memref<200xi32, #tpu.memory_space<vmem>>)
          tpu.yield
        }) : () -> ()
        %mul3A_167 = arith.constant 200 : i32
        %mul3A_168 = arith.muli %scan3A_164, %mul3A_167 : i32
        "tpu.region"() ({
          %run_scoped3A = tpu.sem_alloc : memref<!tpu.dma_semaphore, #tpu.memory_space<semaphore_mem>>
          %dma_start3A = arith.constant 0 : i32
          %dma_start3A_169 = tpu.memref_slice %arg2[%mul3A_168, %dma_start3A] : memref<320000x128xf32, #tpu.memory_space<hbm>> -> memref<200x128xf32, #tpu.memory_space<hbm>>
          %dma_start3A_170 = arith.constant 0 : i32
          %dma_start3A_171 = tpu.memref_slice %arg2[%mul3A_168, %dma_start3A_170] : memref<320000x128xf32, #tpu.memory_space<hbm>> -> memref<200x128xf32, #tpu.memory_space<hbm>>
          tpu.enqueue_dma source(%dma_start3A_171 : memref<200x128xf32, #tpu.memory_space<hbm>>) target(%arg8 : memref<200x128xf32, #tpu.memory_space<vmem>>) target_semaphore(%run_scoped3A : memref<!tpu.dma_semaphore, #tpu.memory_space<semaphore_mem>>)
          %dma_wait3A = arith.constant 0 : i32
          %dma_wait3A_172 = tpu.memref_slice %arg2[%mul3A_168, %dma_wait3A] : memref<320000x128xf32, #tpu.memory_space<hbm>> -> memref<200x128xf32, #tpu.memory_space<hbm>>
          %dma_wait3A_173 = arith.constant 0 : i32
          %dma_wait3A_174 = tpu.memref_slice %arg2[%mul3A_168, %dma_wait3A_173] : memref<320000x128xf32, #tpu.memory_space<hbm>> -> memref<200x128xf32, #tpu.memory_space<hbm>>
          tpu.wait_dma2 semaphore(%run_scoped3A : memref<!tpu.dma_semaphore, #tpu.memory_space<semaphore_mem>>) src(%dma_wait3A_174 : memref<200x128xf32, #tpu.memory_space<hbm>>) dst(%arg8 : memref<200x128xf32, #tpu.memory_space<vmem>>)
          tpu.yield
        }) : () -> ()
        "tpu.region"() ({
          %run_scoped3A = tpu.sem_alloc : memref<!tpu.dma_semaphore, #tpu.memory_space<semaphore_mem>>
          %dma_start3A = arith.constant 0 : i32
          %dma_start3A_169 = arith.constant 0 : i32
          %dma_start3A_170 = tpu.memref_slice %arg6[%dma_start3A, %dma_start3A_169] : memref<10000x128xf32, #tpu.memory_space<vmem_shared>> -> memref<10000x128xf32, #tpu.memory_space<vmem_shared>>
          tpu.enqueue_indirect_dma source(%arg8 : memref<200x128xf32, #tpu.memory_space<vmem>>) target(%dma_start3A_170 : memref<10000x128xf32, #tpu.memory_space<vmem_shared>>) offsets(%arg7 : memref<200xi32, #tpu.memory_space<vmem>>) semaphore(%run_scoped3A : memref<!tpu.dma_semaphore, #tpu.memory_space<semaphore_mem>>) {add = true}
          %dma_wait3A = arith.constant 0 : i32
          %dma_wait3A_171 = arith.constant 0 : i32
          %dma_wait3A_172 = tpu.memref_slice %arg6[%dma_wait3A, %dma_wait3A_171] : memref<10000x128xf32, #tpu.memory_space<vmem_shared>> -> memref<10000x128xf32, #tpu.memory_space<vmem_shared>>
          tpu.wait_indirect_dma semaphore(%run_scoped3A : memref<!tpu.dma_semaphore, #tpu.memory_space<semaphore_mem>>) src(%arg8 : memref<200x128xf32, #tpu.memory_space<vmem>>) dst(%dma_wait3A_172 : memref<10000x128xf32, #tpu.memory_space<vmem_shared>>)
          tpu.yield
        }) : () -> ()
      }
      %scan3A_163 = arith.constant 100 : i32
    } else {
    }
    %barrier3A_46 = arith.constant 0 : index
    tpu.barrier barrier_id(%barrier3A_46)
    %eq3A_47 = arith.constant 0 : i32
    %eq3A_48 = arith.cmpi eq, %arg0, %eq3A_47 : i32
    %eq3A_49 = arith.constant 5 : i32
    %eq3A_50 = arith.cmpi eq, %arg1, %eq3A_49 : i32
    %and3A_51 = arith.andi %eq3A_48, %eq3A_50 : i1
    %convert_element_type3A_52 = arith.extui %and3A_51 : i1 to i32
    %cond3A_53 = arith.constant 0 : i32
    %cond3A_54 = arith.cmpi ne, %convert_element_type3A_52, %cond3A_53 : i32
    scf.if %cond3A_54 {
      %scan3A = arith.constant 0 : i32
      %scan3A_159 = arith.constant 500 : i32
      %scan3A_160 = arith.constant 100 : i32
      %scan3A_161 = arith.addi %scan3A_159, %scan3A_160 : i32
      %scan3A_162 = arith.constant 1 : i32
      scf.for %scan3A_164 = %scan3A_159 to %scan3A_161 step %scan3A_162  : i32 {
        %mul3A_165 = arith.constant 200 : i32
        %mul3A_166 = arith.muli %scan3A_164, %mul3A_165 : i32
        "tpu.region"() ({
          %run_scoped3A = tpu.sem_alloc : memref<!tpu.dma_semaphore, #tpu.memory_space<semaphore_mem>>
          %dma_start3A = tpu.memref_slice %arg3[%mul3A_166] : memref<320000xi32, #tpu.memory_space<hbm>> -> memref<200xi32, #tpu.memory_space<hbm>>
          %dma_start3A_169 = tpu.memref_slice %arg3[%mul3A_166] : memref<320000xi32, #tpu.memory_space<hbm>> -> memref<200xi32, #tpu.memory_space<hbm>>
          tpu.enqueue_dma source(%dma_start3A_169 : memref<200xi32, #tpu.memory_space<hbm>>) target(%arg7 : memref<200xi32, #tpu.memory_space<vmem>>) target_semaphore(%run_scoped3A : memref<!tpu.dma_semaphore, #tpu.memory_space<semaphore_mem>>)
          %dma_wait3A = tpu.memref_slice %arg3[%mul3A_166] : memref<320000xi32, #tpu.memory_space<hbm>> -> memref<200xi32, #tpu.memory_space<hbm>>
          %dma_wait3A_170 = tpu.memref_slice %arg3[%mul3A_166] : memref<320000xi32, #tpu.memory_space<hbm>> -> memref<200xi32, #tpu.memory_space<hbm>>
          tpu.wait_dma2 semaphore(%run_scoped3A : memref<!tpu.dma_semaphore, #tpu.memory_space<semaphore_mem>>) src(%dma_wait3A_170 : memref<200xi32, #tpu.memory_space<hbm>>) dst(%arg7 : memref<200xi32, #tpu.memory_space<vmem>>)
          tpu.yield
        }) : () -> ()
        %mul3A_167 = arith.constant 200 : i32
        %mul3A_168 = arith.muli %scan3A_164, %mul3A_167 : i32
        "tpu.region"() ({
          %run_scoped3A = tpu.sem_alloc : memref<!tpu.dma_semaphore, #tpu.memory_space<semaphore_mem>>
          %dma_start3A = arith.constant 0 : i32
          %dma_start3A_169 = tpu.memref_slice %arg2[%mul3A_168, %dma_start3A] : memref<320000x128xf32, #tpu.memory_space<hbm>> -> memref<200x128xf32, #tpu.memory_space<hbm>>
          %dma_start3A_170 = arith.constant 0 : i32
          %dma_start3A_171 = tpu.memref_slice %arg2[%mul3A_168, %dma_start3A_170] : memref<320000x128xf32, #tpu.memory_space<hbm>> -> memref<200x128xf32, #tpu.memory_space<hbm>>
          tpu.enqueue_dma source(%dma_start3A_171 : memref<200x128xf32, #tpu.memory_space<hbm>>) target(%arg8 : memref<200x128xf32, #tpu.memory_space<vmem>>) target_semaphore(%run_scoped3A : memref<!tpu.dma_semaphore, #tpu.memory_space<semaphore_mem>>)
          %dma_wait3A = arith.constant 0 : i32
          %dma_wait3A_172 = tpu.memref_slice %arg2[%mul3A_168, %dma_wait3A] : memref<320000x128xf32, #tpu.memory_space<hbm>> -> memref<200x128xf32, #tpu.memory_space<hbm>>
          %dma_wait3A_173 = arith.constant 0 : i32
          %dma_wait3A_174 = tpu.memref_slice %arg2[%mul3A_168, %dma_wait3A_173] : memref<320000x128xf32, #tpu.memory_space<hbm>> -> memref<200x128xf32, #tpu.memory_space<hbm>>
          tpu.wait_dma2 semaphore(%run_scoped3A : memref<!tpu.dma_semaphore, #tpu.memory_space<semaphore_mem>>) src(%dma_wait3A_174 : memref<200x128xf32, #tpu.memory_space<hbm>>) dst(%arg8 : memref<200x128xf32, #tpu.memory_space<vmem>>)
          tpu.yield
        }) : () -> ()
        "tpu.region"() ({
          %run_scoped3A = tpu.sem_alloc : memref<!tpu.dma_semaphore, #tpu.memory_space<semaphore_mem>>
          %dma_start3A = arith.constant 0 : i32
          %dma_start3A_169 = arith.constant 0 : i32
          %dma_start3A_170 = tpu.memref_slice %arg6[%dma_start3A, %dma_start3A_169] : memref<10000x128xf32, #tpu.memory_space<vmem_shared>> -> memref<10000x128xf32, #tpu.memory_space<vmem_shared>>
          tpu.enqueue_indirect_dma source(%arg8 : memref<200x128xf32, #tpu.memory_space<vmem>>) target(%dma_start3A_170 : memref<10000x128xf32, #tpu.memory_space<vmem_shared>>) offsets(%arg7 : memref<200xi32, #tpu.memory_space<vmem>>) semaphore(%run_scoped3A : memref<!tpu.dma_semaphore, #tpu.memory_space<semaphore_mem>>) {add = true}
          %dma_wait3A = arith.constant 0 : i32
          %dma_wait3A_171 = arith.constant 0 : i32
          %dma_wait3A_172 = tpu.memref_slice %arg6[%dma_wait3A, %dma_wait3A_171] : memref<10000x128xf32, #tpu.memory_space<vmem_shared>> -> memref<10000x128xf32, #tpu.memory_space<vmem_shared>>
          tpu.wait_indirect_dma semaphore(%run_scoped3A : memref<!tpu.dma_semaphore, #tpu.memory_space<semaphore_mem>>) src(%arg8 : memref<200x128xf32, #tpu.memory_space<vmem>>) dst(%dma_wait3A_172 : memref<10000x128xf32, #tpu.memory_space<vmem_shared>>)
          tpu.yield
        }) : () -> ()
      }
      %scan3A_163 = arith.constant 100 : i32
    } else {
    }
    %barrier3A_55 = arith.constant 0 : index
    tpu.barrier barrier_id(%barrier3A_55)
    %eq3A_56 = arith.constant 0 : i32
    %eq3A_57 = arith.cmpi eq, %arg0, %eq3A_56 : i32
    %eq3A_58 = arith.constant 6 : i32
    %eq3A_59 = arith.cmpi eq, %arg1, %eq3A_58 : i32
    %and3A_60 = arith.andi %eq3A_57, %eq3A_59 : i1
    %convert_element_type3A_61 = arith.extui %and3A_60 : i1 to i32
    %cond3A_62 = arith.constant 0 : i32
    %cond3A_63 = arith.cmpi ne, %convert_element_type3A_61, %cond3A_62 : i32
    scf.if %cond3A_63 {
      %scan3A = arith.constant 0 : i32
      %scan3A_159 = arith.constant 600 : i32
      %scan3A_160 = arith.constant 100 : i32
      %scan3A_161 = arith.addi %scan3A_159, %scan3A_160 : i32
      %scan3A_162 = arith.constant 1 : i32
      scf.for %scan3A_164 = %scan3A_159 to %scan3A_161 step %scan3A_162  : i32 {
        %mul3A_165 = arith.constant 200 : i32
        %mul3A_166 = arith.muli %scan3A_164, %mul3A_165 : i32
        "tpu.region"() ({
          %run_scoped3A = tpu.sem_alloc : memref<!tpu.dma_semaphore, #tpu.memory_space<semaphore_mem>>
          %dma_start3A = tpu.memref_slice %arg3[%mul3A_166] : memref<320000xi32, #tpu.memory_space<hbm>> -> memref<200xi32, #tpu.memory_space<hbm>>
          %dma_start3A_169 = tpu.memref_slice %arg3[%mul3A_166] : memref<320000xi32, #tpu.memory_space<hbm>> -> memref<200xi32, #tpu.memory_space<hbm>>
          tpu.enqueue_dma source(%dma_start3A_169 : memref<200xi32, #tpu.memory_space<hbm>>) target(%arg7 : memref<200xi32, #tpu.memory_space<vmem>>) target_semaphore(%run_scoped3A : memref<!tpu.dma_semaphore, #tpu.memory_space<semaphore_mem>>)
          %dma_wait3A = tpu.memref_slice %arg3[%mul3A_166] : memref<320000xi32, #tpu.memory_space<hbm>> -> memref<200xi32, #tpu.memory_space<hbm>>
          %dma_wait3A_170 = tpu.memref_slice %arg3[%mul3A_166] : memref<320000xi32, #tpu.memory_space<hbm>> -> memref<200xi32, #tpu.memory_space<hbm>>
          tpu.wait_dma2 semaphore(%run_scoped3A : memref<!tpu.dma_semaphore, #tpu.memory_space<semaphore_mem>>) src(%dma_wait3A_170 : memref<200xi32, #tpu.memory_space<hbm>>) dst(%arg7 : memref<200xi32, #tpu.memory_space<vmem>>)
          tpu.yield
        }) : () -> ()
        %mul3A_167 = arith.constant 200 : i32
        %mul3A_168 = arith.muli %scan3A_164, %mul3A_167 : i32
        "tpu.region"() ({
          %run_scoped3A = tpu.sem_alloc : memref<!tpu.dma_semaphore, #tpu.memory_space<semaphore_mem>>
          %dma_start3A = arith.constant 0 : i32
          %dma_start3A_169 = tpu.memref_slice %arg2[%mul3A_168, %dma_start3A] : memref<320000x128xf32, #tpu.memory_space<hbm>> -> memref<200x128xf32, #tpu.memory_space<hbm>>
          %dma_start3A_170 = arith.constant 0 : i32
          %dma_start3A_171 = tpu.memref_slice %arg2[%mul3A_168, %dma_start3A_170] : memref<320000x128xf32, #tpu.memory_space<hbm>> -> memref<200x128xf32, #tpu.memory_space<hbm>>
          tpu.enqueue_dma source(%dma_start3A_171 : memref<200x128xf32, #tpu.memory_space<hbm>>) target(%arg8 : memref<200x128xf32, #tpu.memory_space<vmem>>) target_semaphore(%run_scoped3A : memref<!tpu.dma_semaphore, #tpu.memory_space<semaphore_mem>>)
          %dma_wait3A = arith.constant 0 : i32
          %dma_wait3A_172 = tpu.memref_slice %arg2[%mul3A_168, %dma_wait3A] : memref<320000x128xf32, #tpu.memory_space<hbm>> -> memref<200x128xf32, #tpu.memory_space<hbm>>
          %dma_wait3A_173 = arith.constant 0 : i32
          %dma_wait3A_174 = tpu.memref_slice %arg2[%mul3A_168, %dma_wait3A_173] : memref<320000x128xf32, #tpu.memory_space<hbm>> -> memref<200x128xf32, #tpu.memory_space<hbm>>
          tpu.wait_dma2 semaphore(%run_scoped3A : memref<!tpu.dma_semaphore, #tpu.memory_space<semaphore_mem>>) src(%dma_wait3A_174 : memref<200x128xf32, #tpu.memory_space<hbm>>) dst(%arg8 : memref<200x128xf32, #tpu.memory_space<vmem>>)
          tpu.yield
        }) : () -> ()
        "tpu.region"() ({
          %run_scoped3A = tpu.sem_alloc : memref<!tpu.dma_semaphore, #tpu.memory_space<semaphore_mem>>
          %dma_start3A = arith.constant 0 : i32
          %dma_start3A_169 = arith.constant 0 : i32
          %dma_start3A_170 = tpu.memref_slice %arg6[%dma_start3A, %dma_start3A_169] : memref<10000x128xf32, #tpu.memory_space<vmem_shared>> -> memref<10000x128xf32, #tpu.memory_space<vmem_shared>>
          tpu.enqueue_indirect_dma source(%arg8 : memref<200x128xf32, #tpu.memory_space<vmem>>) target(%dma_start3A_170 : memref<10000x128xf32, #tpu.memory_space<vmem_shared>>) offsets(%arg7 : memref<200xi32, #tpu.memory_space<vmem>>) semaphore(%run_scoped3A : memref<!tpu.dma_semaphore, #tpu.memory_space<semaphore_mem>>) {add = true}
          %dma_wait3A = arith.constant 0 : i32
          %dma_wait3A_171 = arith.constant 0 : i32
          %dma_wait3A_172 = tpu.memref_slice %arg6[%dma_wait3A, %dma_wait3A_171] : memref<10000x128xf32, #tpu.memory_space<vmem_shared>> -> memref<10000x128xf32, #tpu.memory_space<vmem_shared>>
          tpu.wait_indirect_dma semaphore(%run_scoped3A : memref<!tpu.dma_semaphore, #tpu.memory_space<semaphore_mem>>) src(%arg8 : memref<200x128xf32, #tpu.memory_space<vmem>>) dst(%dma_wait3A_172 : memref<10000x128xf32, #tpu.memory_space<vmem_shared>>)
          tpu.yield
        }) : () -> ()
      }
      %scan3A_163 = arith.constant 100 : i32
    } else {
    }
    %barrier3A_64 = arith.constant 0 : index
    tpu.barrier barrier_id(%barrier3A_64)
    %eq3A_65 = arith.constant 0 : i32
    %eq3A_66 = arith.cmpi eq, %arg0, %eq3A_65 : i32
    %eq3A_67 = arith.constant 7 : i32
    %eq3A_68 = arith.cmpi eq, %arg1, %eq3A_67 : i32
    %and3A_69 = arith.andi %eq3A_66, %eq3A_68 : i1
    %convert_element_type3A_70 = arith.extui %and3A_69 : i1 to i32
    %cond3A_71 = arith.constant 0 : i32
    %cond3A_72 = arith.cmpi ne, %convert_element_type3A_70, %cond3A_71 : i32
    scf.if %cond3A_72 {
      %scan3A = arith.constant 0 : i32
      %scan3A_159 = arith.constant 700 : i32
      %scan3A_160 = arith.constant 100 : i32
      %scan3A_161 = arith.addi %scan3A_159, %scan3A_160 : i32
      %scan3A_162 = arith.constant 1 : i32
      scf.for %scan3A_164 = %scan3A_159 to %scan3A_161 step %scan3A_162  : i32 {
        %mul3A_165 = arith.constant 200 : i32
        %mul3A_166 = arith.muli %scan3A_164, %mul3A_165 : i32
        "tpu.region"() ({
          %run_scoped3A = tpu.sem_alloc : memref<!tpu.dma_semaphore, #tpu.memory_space<semaphore_mem>>
          %dma_start3A = tpu.memref_slice %arg3[%mul3A_166] : memref<320000xi32, #tpu.memory_space<hbm>> -> memref<200xi32, #tpu.memory_space<hbm>>
          %dma_start3A_169 = tpu.memref_slice %arg3[%mul3A_166] : memref<320000xi32, #tpu.memory_space<hbm>> -> memref<200xi32, #tpu.memory_space<hbm>>
          tpu.enqueue_dma source(%dma_start3A_169 : memref<200xi32, #tpu.memory_space<hbm>>) target(%arg7 : memref<200xi32, #tpu.memory_space<vmem>>) target_semaphore(%run_scoped3A : memref<!tpu.dma_semaphore, #tpu.memory_space<semaphore_mem>>)
          %dma_wait3A = tpu.memref_slice %arg3[%mul3A_166] : memref<320000xi32, #tpu.memory_space<hbm>> -> memref<200xi32, #tpu.memory_space<hbm>>
          %dma_wait3A_170 = tpu.memref_slice %arg3[%mul3A_166] : memref<320000xi32, #tpu.memory_space<hbm>> -> memref<200xi32, #tpu.memory_space<hbm>>
          tpu.wait_dma2 semaphore(%run_scoped3A : memref<!tpu.dma_semaphore, #tpu.memory_space<semaphore_mem>>) src(%dma_wait3A_170 : memref<200xi32, #tpu.memory_space<hbm>>) dst(%arg7 : memref<200xi32, #tpu.memory_space<vmem>>)
          tpu.yield
        }) : () -> ()
        %mul3A_167 = arith.constant 200 : i32
        %mul3A_168 = arith.muli %scan3A_164, %mul3A_167 : i32
        "tpu.region"() ({
          %run_scoped3A = tpu.sem_alloc : memref<!tpu.dma_semaphore, #tpu.memory_space<semaphore_mem>>
          %dma_start3A = arith.constant 0 : i32
          %dma_start3A_169 = tpu.memref_slice %arg2[%mul3A_168, %dma_start3A] : memref<320000x128xf32, #tpu.memory_space<hbm>> -> memref<200x128xf32, #tpu.memory_space<hbm>>
          %dma_start3A_170 = arith.constant 0 : i32
          %dma_start3A_171 = tpu.memref_slice %arg2[%mul3A_168, %dma_start3A_170] : memref<320000x128xf32, #tpu.memory_space<hbm>> -> memref<200x128xf32, #tpu.memory_space<hbm>>
          tpu.enqueue_dma source(%dma_start3A_171 : memref<200x128xf32, #tpu.memory_space<hbm>>) target(%arg8 : memref<200x128xf32, #tpu.memory_space<vmem>>) target_semaphore(%run_scoped3A : memref<!tpu.dma_semaphore, #tpu.memory_space<semaphore_mem>>)
          %dma_wait3A = arith.constant 0 : i32
          %dma_wait3A_172 = tpu.memref_slice %arg2[%mul3A_168, %dma_wait3A] : memref<320000x128xf32, #tpu.memory_space<hbm>> -> memref<200x128xf32, #tpu.memory_space<hbm>>
          %dma_wait3A_173 = arith.constant 0 : i32
          %dma_wait3A_174 = tpu.memref_slice %arg2[%mul3A_168, %dma_wait3A_173] : memref<320000x128xf32, #tpu.memory_space<hbm>> -> memref<200x128xf32, #tpu.memory_space<hbm>>
          tpu.wait_dma2 semaphore(%run_scoped3A : memref<!tpu.dma_semaphore, #tpu.memory_space<semaphore_mem>>) src(%dma_wait3A_174 : memref<200x128xf32, #tpu.memory_space<hbm>>) dst(%arg8 : memref<200x128xf32, #tpu.memory_space<vmem>>)
          tpu.yield
        }) : () -> ()
        "tpu.region"() ({
          %run_scoped3A = tpu.sem_alloc : memref<!tpu.dma_semaphore, #tpu.memory_space<semaphore_mem>>
          %dma_start3A = arith.constant 0 : i32
          %dma_start3A_169 = arith.constant 0 : i32
          %dma_start3A_170 = tpu.memref_slice %arg6[%dma_start3A, %dma_start3A_169] : memref<10000x128xf32, #tpu.memory_space<vmem_shared>> -> memref<10000x128xf32, #tpu.memory_space<vmem_shared>>
          tpu.enqueue_indirect_dma source(%arg8 : memref<200x128xf32, #tpu.memory_space<vmem>>) target(%dma_start3A_170 : memref<10000x128xf32, #tpu.memory_space<vmem_shared>>) offsets(%arg7 : memref<200xi32, #tpu.memory_space<vmem>>) semaphore(%run_scoped3A : memref<!tpu.dma_semaphore, #tpu.memory_space<semaphore_mem>>) {add = true}
          %dma_wait3A = arith.constant 0 : i32
          %dma_wait3A_171 = arith.constant 0 : i32
          %dma_wait3A_172 = tpu.memref_slice %arg6[%dma_wait3A, %dma_wait3A_171] : memref<10000x128xf32, #tpu.memory_space<vmem_shared>> -> memref<10000x128xf32, #tpu.memory_space<vmem_shared>>
          tpu.wait_indirect_dma semaphore(%run_scoped3A : memref<!tpu.dma_semaphore, #tpu.memory_space<semaphore_mem>>) src(%arg8 : memref<200x128xf32, #tpu.memory_space<vmem>>) dst(%dma_wait3A_172 : memref<10000x128xf32, #tpu.memory_space<vmem_shared>>)
          tpu.yield
        }) : () -> ()
      }
      %scan3A_163 = arith.constant 100 : i32
    } else {
    }
    %barrier3A_73 = arith.constant 0 : index
    tpu.barrier barrier_id(%barrier3A_73)
    %eq3A_74 = arith.constant 0 : i32
    %eq3A_75 = arith.cmpi eq, %arg0, %eq3A_74 : i32
    %eq3A_76 = arith.constant 8 : i32
    %eq3A_77 = arith.cmpi eq, %arg1, %eq3A_76 : i32
    %and3A_78 = arith.andi %eq3A_75, %eq3A_77 : i1
    %convert_element_type3A_79 = arith.extui %and3A_78 : i1 to i32
    %cond3A_80 = arith.constant 0 : i32
    %cond3A_81 = arith.cmpi ne, %convert_element_type3A_79, %cond3A_80 : i32
    scf.if %cond3A_81 {
      %scan3A = arith.constant 0 : i32
      %scan3A_159 = arith.constant 800 : i32
      %scan3A_160 = arith.constant 100 : i32
      %scan3A_161 = arith.addi %scan3A_159, %scan3A_160 : i32
      %scan3A_162 = arith.constant 1 : i32
      scf.for %scan3A_164 = %scan3A_159 to %scan3A_161 step %scan3A_162  : i32 {
        %mul3A_165 = arith.constant 200 : i32
        %mul3A_166 = arith.muli %scan3A_164, %mul3A_165 : i32
        "tpu.region"() ({
          %run_scoped3A = tpu.sem_alloc : memref<!tpu.dma_semaphore, #tpu.memory_space<semaphore_mem>>
          %dma_start3A = tpu.memref_slice %arg3[%mul3A_166] : memref<320000xi32, #tpu.memory_space<hbm>> -> memref<200xi32, #tpu.memory_space<hbm>>
          %dma_start3A_169 = tpu.memref_slice %arg3[%mul3A_166] : memref<320000xi32, #tpu.memory_space<hbm>> -> memref<200xi32, #tpu.memory_space<hbm>>
          tpu.enqueue_dma source(%dma_start3A_169 : memref<200xi32, #tpu.memory_space<hbm>>) target(%arg7 : memref<200xi32, #tpu.memory_space<vmem>>) target_semaphore(%run_scoped3A : memref<!tpu.dma_semaphore, #tpu.memory_space<semaphore_mem>>)
          %dma_wait3A = tpu.memref_slice %arg3[%mul3A_166] : memref<320000xi32, #tpu.memory_space<hbm>> -> memref<200xi32, #tpu.memory_space<hbm>>
          %dma_wait3A_170 = tpu.memref_slice %arg3[%mul3A_166] : memref<320000xi32, #tpu.memory_space<hbm>> -> memref<200xi32, #tpu.memory_space<hbm>>
          tpu.wait_dma2 semaphore(%run_scoped3A : memref<!tpu.dma_semaphore, #tpu.memory_space<semaphore_mem>>) src(%dma_wait3A_170 : memref<200xi32, #tpu.memory_space<hbm>>) dst(%arg7 : memref<200xi32, #tpu.memory_space<vmem>>)
          tpu.yield
        }) : () -> ()
        %mul3A_167 = arith.constant 200 : i32
        %mul3A_168 = arith.muli %scan3A_164, %mul3A_167 : i32
        "tpu.region"() ({
          %run_scoped3A = tpu.sem_alloc : memref<!tpu.dma_semaphore, #tpu.memory_space<semaphore_mem>>
          %dma_start3A = arith.constant 0 : i32
          %dma_start3A_169 = tpu.memref_slice %arg2[%mul3A_168, %dma_start3A] : memref<320000x128xf32, #tpu.memory_space<hbm>> -> memref<200x128xf32, #tpu.memory_space<hbm>>
          %dma_start3A_170 = arith.constant 0 : i32
          %dma_start3A_171 = tpu.memref_slice %arg2[%mul3A_168, %dma_start3A_170] : memref<320000x128xf32, #tpu.memory_space<hbm>> -> memref<200x128xf32, #tpu.memory_space<hbm>>
          tpu.enqueue_dma source(%dma_start3A_171 : memref<200x128xf32, #tpu.memory_space<hbm>>) target(%arg8 : memref<200x128xf32, #tpu.memory_space<vmem>>) target_semaphore(%run_scoped3A : memref<!tpu.dma_semaphore, #tpu.memory_space<semaphore_mem>>)
          %dma_wait3A = arith.constant 0 : i32
          %dma_wait3A_172 = tpu.memref_slice %arg2[%mul3A_168, %dma_wait3A] : memref<320000x128xf32, #tpu.memory_space<hbm>> -> memref<200x128xf32, #tpu.memory_space<hbm>>
          %dma_wait3A_173 = arith.constant 0 : i32
          %dma_wait3A_174 = tpu.memref_slice %arg2[%mul3A_168, %dma_wait3A_173] : memref<320000x128xf32, #tpu.memory_space<hbm>> -> memref<200x128xf32, #tpu.memory_space<hbm>>
          tpu.wait_dma2 semaphore(%run_scoped3A : memref<!tpu.dma_semaphore, #tpu.memory_space<semaphore_mem>>) src(%dma_wait3A_174 : memref<200x128xf32, #tpu.memory_space<hbm>>) dst(%arg8 : memref<200x128xf32, #tpu.memory_space<vmem>>)
          tpu.yield
        }) : () -> ()
        "tpu.region"() ({
          %run_scoped3A = tpu.sem_alloc : memref<!tpu.dma_semaphore, #tpu.memory_space<semaphore_mem>>
          %dma_start3A = arith.constant 0 : i32
          %dma_start3A_169 = arith.constant 0 : i32
          %dma_start3A_170 = tpu.memref_slice %arg6[%dma_start3A, %dma_start3A_169] : memref<10000x128xf32, #tpu.memory_space<vmem_shared>> -> memref<10000x128xf32, #tpu.memory_space<vmem_shared>>
          tpu.enqueue_indirect_dma source(%arg8 : memref<200x128xf32, #tpu.memory_space<vmem>>) target(%dma_start3A_170 : memref<10000x128xf32, #tpu.memory_space<vmem_shared>>) offsets(%arg7 : memref<200xi32, #tpu.memory_space<vmem>>) semaphore(%run_scoped3A : memref<!tpu.dma_semaphore, #tpu.memory_space<semaphore_mem>>) {add = true}
          %dma_wait3A = arith.constant 0 : i32
          %dma_wait3A_171 = arith.constant 0 : i32
          %dma_wait3A_172 = tpu.memref_slice %arg6[%dma_wait3A, %dma_wait3A_171] : memref<10000x128xf32, #tpu.memory_space<vmem_shared>> -> memref<10000x128xf32, #tpu.memory_space<vmem_shared>>
          tpu.wait_indirect_dma semaphore(%run_scoped3A : memref<!tpu.dma_semaphore, #tpu.memory_space<semaphore_mem>>) src(%arg8 : memref<200x128xf32, #tpu.memory_space<vmem>>) dst(%dma_wait3A_172 : memref<10000x128xf32, #tpu.memory_space<vmem_shared>>)
          tpu.yield
        }) : () -> ()
      }
      %scan3A_163 = arith.constant 100 : i32
    } else {
    }
    %barrier3A_82 = arith.constant 0 : index
    tpu.barrier barrier_id(%barrier3A_82)
    %eq3A_83 = arith.constant 0 : i32
    %eq3A_84 = arith.cmpi eq, %arg0, %eq3A_83 : i32
    %eq3A_85 = arith.constant 9 : i32
    %eq3A_86 = arith.cmpi eq, %arg1, %eq3A_85 : i32
    %and3A_87 = arith.andi %eq3A_84, %eq3A_86 : i1
    %convert_element_type3A_88 = arith.extui %and3A_87 : i1 to i32
    %cond3A_89 = arith.constant 0 : i32
    %cond3A_90 = arith.cmpi ne, %convert_element_type3A_88, %cond3A_89 : i32
    scf.if %cond3A_90 {
      %scan3A = arith.constant 0 : i32
      %scan3A_159 = arith.constant 900 : i32
      %scan3A_160 = arith.constant 100 : i32
      %scan3A_161 = arith.addi %scan3A_159, %scan3A_160 : i32
      %scan3A_162 = arith.constant 1 : i32
      scf.for %scan3A_164 = %scan3A_159 to %scan3A_161 step %scan3A_162  : i32 {
        %mul3A_165 = arith.constant 200 : i32
        %mul3A_166 = arith.muli %scan3A_164, %mul3A_165 : i32
        "tpu.region"() ({
          %run_scoped3A = tpu.sem_alloc : memref<!tpu.dma_semaphore, #tpu.memory_space<semaphore_mem>>
          %dma_start3A = tpu.memref_slice %arg3[%mul3A_166] : memref<320000xi32, #tpu.memory_space<hbm>> -> memref<200xi32, #tpu.memory_space<hbm>>
          %dma_start3A_169 = tpu.memref_slice %arg3[%mul3A_166] : memref<320000xi32, #tpu.memory_space<hbm>> -> memref<200xi32, #tpu.memory_space<hbm>>
          tpu.enqueue_dma source(%dma_start3A_169 : memref<200xi32, #tpu.memory_space<hbm>>) target(%arg7 : memref<200xi32, #tpu.memory_space<vmem>>) target_semaphore(%run_scoped3A : memref<!tpu.dma_semaphore, #tpu.memory_space<semaphore_mem>>)
          %dma_wait3A = tpu.memref_slice %arg3[%mul3A_166] : memref<320000xi32, #tpu.memory_space<hbm>> -> memref<200xi32, #tpu.memory_space<hbm>>
          %dma_wait3A_170 = tpu.memref_slice %arg3[%mul3A_166] : memref<320000xi32, #tpu.memory_space<hbm>> -> memref<200xi32, #tpu.memory_space<hbm>>
          tpu.wait_dma2 semaphore(%run_scoped3A : memref<!tpu.dma_semaphore, #tpu.memory_space<semaphore_mem>>) src(%dma_wait3A_170 : memref<200xi32, #tpu.memory_space<hbm>>) dst(%arg7 : memref<200xi32, #tpu.memory_space<vmem>>)
          tpu.yield
        }) : () -> ()
        %mul3A_167 = arith.constant 200 : i32
        %mul3A_168 = arith.muli %scan3A_164, %mul3A_167 : i32
        "tpu.region"() ({
          %run_scoped3A = tpu.sem_alloc : memref<!tpu.dma_semaphore, #tpu.memory_space<semaphore_mem>>
          %dma_start3A = arith.constant 0 : i32
          %dma_start3A_169 = tpu.memref_slice %arg2[%mul3A_168, %dma_start3A] : memref<320000x128xf32, #tpu.memory_space<hbm>> -> memref<200x128xf32, #tpu.memory_space<hbm>>
          %dma_start3A_170 = arith.constant 0 : i32
          %dma_start3A_171 = tpu.memref_slice %arg2[%mul3A_168, %dma_start3A_170] : memref<320000x128xf32, #tpu.memory_space<hbm>> -> memref<200x128xf32, #tpu.memory_space<hbm>>
          tpu.enqueue_dma source(%dma_start3A_171 : memref<200x128xf32, #tpu.memory_space<hbm>>) target(%arg8 : memref<200x128xf32, #tpu.memory_space<vmem>>) target_semaphore(%run_scoped3A : memref<!tpu.dma_semaphore, #tpu.memory_space<semaphore_mem>>)
          %dma_wait3A = arith.constant 0 : i32
          %dma_wait3A_172 = tpu.memref_slice %arg2[%mul3A_168, %dma_wait3A] : memref<320000x128xf32, #tpu.memory_space<hbm>> -> memref<200x128xf32, #tpu.memory_space<hbm>>
          %dma_wait3A_173 = arith.constant 0 : i32
          %dma_wait3A_174 = tpu.memref_slice %arg2[%mul3A_168, %dma_wait3A_173] : memref<320000x128xf32, #tpu.memory_space<hbm>> -> memref<200x128xf32, #tpu.memory_space<hbm>>
          tpu.wait_dma2 semaphore(%run_scoped3A : memref<!tpu.dma_semaphore, #tpu.memory_space<semaphore_mem>>) src(%dma_wait3A_174 : memref<200x128xf32, #tpu.memory_space<hbm>>) dst(%arg8 : memref<200x128xf32, #tpu.memory_space<vmem>>)
          tpu.yield
        }) : () -> ()
        "tpu.region"() ({
          %run_scoped3A = tpu.sem_alloc : memref<!tpu.dma_semaphore, #tpu.memory_space<semaphore_mem>>
          %dma_start3A = arith.constant 0 : i32
          %dma_start3A_169 = arith.constant 0 : i32
          %dma_start3A_170 = tpu.memref_slice %arg6[%dma_start3A, %dma_start3A_169] : memref<10000x128xf32, #tpu.memory_space<vmem_shared>> -> memref<10000x128xf32, #tpu.memory_space<vmem_shared>>
          tpu.enqueue_indirect_dma source(%arg8 : memref<200x128xf32, #tpu.memory_space<vmem>>) target(%dma_start3A_170 : memref<10000x128xf32, #tpu.memory_space<vmem_shared>>) offsets(%arg7 : memref<200xi32, #tpu.memory_space<vmem>>) semaphore(%run_scoped3A : memref<!tpu.dma_semaphore, #tpu.memory_space<semaphore_mem>>) {add = true}
          %dma_wait3A = arith.constant 0 : i32
          %dma_wait3A_171 = arith.constant 0 : i32
          %dma_wait3A_172 = tpu.memref_slice %arg6[%dma_wait3A, %dma_wait3A_171] : memref<10000x128xf32, #tpu.memory_space<vmem_shared>> -> memref<10000x128xf32, #tpu.memory_space<vmem_shared>>
          tpu.wait_indirect_dma semaphore(%run_scoped3A : memref<!tpu.dma_semaphore, #tpu.memory_space<semaphore_mem>>) src(%arg8 : memref<200x128xf32, #tpu.memory_space<vmem>>) dst(%dma_wait3A_172 : memref<10000x128xf32, #tpu.memory_space<vmem_shared>>)
          tpu.yield
        }) : () -> ()
      }
      %scan3A_163 = arith.constant 100 : i32
    } else {
    }
    %barrier3A_91 = arith.constant 0 : index
    tpu.barrier barrier_id(%barrier3A_91)
    %eq3A_92 = arith.constant 0 : i32
    %eq3A_93 = arith.cmpi eq, %arg0, %eq3A_92 : i32
    %eq3A_94 = arith.constant 10 : i32
    %eq3A_95 = arith.cmpi eq, %arg1, %eq3A_94 : i32
    %and3A_96 = arith.andi %eq3A_93, %eq3A_95 : i1
    %convert_element_type3A_97 = arith.extui %and3A_96 : i1 to i32
    %cond3A_98 = arith.constant 0 : i32
    %cond3A_99 = arith.cmpi ne, %convert_element_type3A_97, %cond3A_98 : i32
    scf.if %cond3A_99 {
      %scan3A = arith.constant 0 : i32
      %scan3A_159 = arith.constant 1000 : i32
      %scan3A_160 = arith.constant 100 : i32
      %scan3A_161 = arith.addi %scan3A_159, %scan3A_160 : i32
      %scan3A_162 = arith.constant 1 : i32
      scf.for %scan3A_164 = %scan3A_159 to %scan3A_161 step %scan3A_162  : i32 {
        %mul3A_165 = arith.constant 200 : i32
        %mul3A_166 = arith.muli %scan3A_164, %mul3A_165 : i32
        "tpu.region"() ({
          %run_scoped3A = tpu.sem_alloc : memref<!tpu.dma_semaphore, #tpu.memory_space<semaphore_mem>>
          %dma_start3A = tpu.memref_slice %arg3[%mul3A_166] : memref<320000xi32, #tpu.memory_space<hbm>> -> memref<200xi32, #tpu.memory_space<hbm>>
          %dma_start3A_169 = tpu.memref_slice %arg3[%mul3A_166] : memref<320000xi32, #tpu.memory_space<hbm>> -> memref<200xi32, #tpu.memory_space<hbm>>
          tpu.enqueue_dma source(%dma_start3A_169 : memref<200xi32, #tpu.memory_space<hbm>>) target(%arg7 : memref<200xi32, #tpu.memory_space<vmem>>) target_semaphore(%run_scoped3A : memref<!tpu.dma_semaphore, #tpu.memory_space<semaphore_mem>>)
          %dma_wait3A = tpu.memref_slice %arg3[%mul3A_166] : memref<320000xi32, #tpu.memory_space<hbm>> -> memref<200xi32, #tpu.memory_space<hbm>>
          %dma_wait3A_170 = tpu.memref_slice %arg3[%mul3A_166] : memref<320000xi32, #tpu.memory_space<hbm>> -> memref<200xi32, #tpu.memory_space<hbm>>
          tpu.wait_dma2 semaphore(%run_scoped3A : memref<!tpu.dma_semaphore, #tpu.memory_space<semaphore_mem>>) src(%dma_wait3A_170 : memref<200xi32, #tpu.memory_space<hbm>>) dst(%arg7 : memref<200xi32, #tpu.memory_space<vmem>>)
          tpu.yield
        }) : () -> ()
        %mul3A_167 = arith.constant 200 : i32
        %mul3A_168 = arith.muli %scan3A_164, %mul3A_167 : i32
        "tpu.region"() ({
          %run_scoped3A = tpu.sem_alloc : memref<!tpu.dma_semaphore, #tpu.memory_space<semaphore_mem>>
          %dma_start3A = arith.constant 0 : i32
          %dma_start3A_169 = tpu.memref_slice %arg2[%mul3A_168, %dma_start3A] : memref<320000x128xf32, #tpu.memory_space<hbm>> -> memref<200x128xf32, #tpu.memory_space<hbm>>
          %dma_start3A_170 = arith.constant 0 : i32
          %dma_start3A_171 = tpu.memref_slice %arg2[%mul3A_168, %dma_start3A_170] : memref<320000x128xf32, #tpu.memory_space<hbm>> -> memref<200x128xf32, #tpu.memory_space<hbm>>
          tpu.enqueue_dma source(%dma_start3A_171 : memref<200x128xf32, #tpu.memory_space<hbm>>) target(%arg8 : memref<200x128xf32, #tpu.memory_space<vmem>>) target_semaphore(%run_scoped3A : memref<!tpu.dma_semaphore, #tpu.memory_space<semaphore_mem>>)
          %dma_wait3A = arith.constant 0 : i32
          %dma_wait3A_172 = tpu.memref_slice %arg2[%mul3A_168, %dma_wait3A] : memref<320000x128xf32, #tpu.memory_space<hbm>> -> memref<200x128xf32, #tpu.memory_space<hbm>>
          %dma_wait3A_173 = arith.constant 0 : i32
          %dma_wait3A_174 = tpu.memref_slice %arg2[%mul3A_168, %dma_wait3A_173] : memref<320000x128xf32, #tpu.memory_space<hbm>> -> memref<200x128xf32, #tpu.memory_space<hbm>>
          tpu.wait_dma2 semaphore(%run_scoped3A : memref<!tpu.dma_semaphore, #tpu.memory_space<semaphore_mem>>) src(%dma_wait3A_174 : memref<200x128xf32, #tpu.memory_space<hbm>>) dst(%arg8 : memref<200x128xf32, #tpu.memory_space<vmem>>)
          tpu.yield
        }) : () -> ()
        "tpu.region"() ({
          %run_scoped3A = tpu.sem_alloc : memref<!tpu.dma_semaphore, #tpu.memory_space<semaphore_mem>>
          %dma_start3A = arith.constant 0 : i32
          %dma_start3A_169 = arith.constant 0 : i32
          %dma_start3A_170 = tpu.memref_slice %arg6[%dma_start3A, %dma_start3A_169] : memref<10000x128xf32, #tpu.memory_space<vmem_shared>> -> memref<10000x128xf32, #tpu.memory_space<vmem_shared>>
          tpu.enqueue_indirect_dma source(%arg8 : memref<200x128xf32, #tpu.memory_space<vmem>>) target(%dma_start3A_170 : memref<10000x128xf32, #tpu.memory_space<vmem_shared>>) offsets(%arg7 : memref<200xi32, #tpu.memory_space<vmem>>) semaphore(%run_scoped3A : memref<!tpu.dma_semaphore, #tpu.memory_space<semaphore_mem>>) {add = true}
          %dma_wait3A = arith.constant 0 : i32
          %dma_wait3A_171 = arith.constant 0 : i32
          %dma_wait3A_172 = tpu.memref_slice %arg6[%dma_wait3A, %dma_wait3A_171] : memref<10000x128xf32, #tpu.memory_space<vmem_shared>> -> memref<10000x128xf32, #tpu.memory_space<vmem_shared>>
          tpu.wait_indirect_dma semaphore(%run_scoped3A : memref<!tpu.dma_semaphore, #tpu.memory_space<semaphore_mem>>) src(%arg8 : memref<200x128xf32, #tpu.memory_space<vmem>>) dst(%dma_wait3A_172 : memref<10000x128xf32, #tpu.memory_space<vmem_shared>>)
          tpu.yield
        }) : () -> ()
      }
      %scan3A_163 = arith.constant 100 : i32
    } else {
    }
    %barrier3A_100 = arith.constant 0 : index
    tpu.barrier barrier_id(%barrier3A_100)
    %eq3A_101 = arith.constant 0 : i32
    %eq3A_102 = arith.cmpi eq, %arg0, %eq3A_101 : i32
    %eq3A_103 = arith.constant 11 : i32
    %eq3A_104 = arith.cmpi eq, %arg1, %eq3A_103 : i32
    %and3A_105 = arith.andi %eq3A_102, %eq3A_104 : i1
    %convert_element_type3A_106 = arith.extui %and3A_105 : i1 to i32
    %cond3A_107 = arith.constant 0 : i32
    %cond3A_108 = arith.cmpi ne, %convert_element_type3A_106, %cond3A_107 : i32
    scf.if %cond3A_108 {
      %scan3A = arith.constant 0 : i32
      %scan3A_159 = arith.constant 1100 : i32
      %scan3A_160 = arith.constant 100 : i32
      %scan3A_161 = arith.addi %scan3A_159, %scan3A_160 : i32
      %scan3A_162 = arith.constant 1 : i32
      scf.for %scan3A_164 = %scan3A_159 to %scan3A_161 step %scan3A_162  : i32 {
        %mul3A_165 = arith.constant 200 : i32
        %mul3A_166 = arith.muli %scan3A_164, %mul3A_165 : i32
        "tpu.region"() ({
          %run_scoped3A = tpu.sem_alloc : memref<!tpu.dma_semaphore, #tpu.memory_space<semaphore_mem>>
          %dma_start3A = tpu.memref_slice %arg3[%mul3A_166] : memref<320000xi32, #tpu.memory_space<hbm>> -> memref<200xi32, #tpu.memory_space<hbm>>
          %dma_start3A_169 = tpu.memref_slice %arg3[%mul3A_166] : memref<320000xi32, #tpu.memory_space<hbm>> -> memref<200xi32, #tpu.memory_space<hbm>>
          tpu.enqueue_dma source(%dma_start3A_169 : memref<200xi32, #tpu.memory_space<hbm>>) target(%arg7 : memref<200xi32, #tpu.memory_space<vmem>>) target_semaphore(%run_scoped3A : memref<!tpu.dma_semaphore, #tpu.memory_space<semaphore_mem>>)
          %dma_wait3A = tpu.memref_slice %arg3[%mul3A_166] : memref<320000xi32, #tpu.memory_space<hbm>> -> memref<200xi32, #tpu.memory_space<hbm>>
          %dma_wait3A_170 = tpu.memref_slice %arg3[%mul3A_166] : memref<320000xi32, #tpu.memory_space<hbm>> -> memref<200xi32, #tpu.memory_space<hbm>>
          tpu.wait_dma2 semaphore(%run_scoped3A : memref<!tpu.dma_semaphore, #tpu.memory_space<semaphore_mem>>) src(%dma_wait3A_170 : memref<200xi32, #tpu.memory_space<hbm>>) dst(%arg7 : memref<200xi32, #tpu.memory_space<vmem>>)
          tpu.yield
        }) : () -> ()
        %mul3A_167 = arith.constant 200 : i32
        %mul3A_168 = arith.muli %scan3A_164, %mul3A_167 : i32
        "tpu.region"() ({
          %run_scoped3A = tpu.sem_alloc : memref<!tpu.dma_semaphore, #tpu.memory_space<semaphore_mem>>
          %dma_start3A = arith.constant 0 : i32
          %dma_start3A_169 = tpu.memref_slice %arg2[%mul3A_168, %dma_start3A] : memref<320000x128xf32, #tpu.memory_space<hbm>> -> memref<200x128xf32, #tpu.memory_space<hbm>>
          %dma_start3A_170 = arith.constant 0 : i32
          %dma_start3A_171 = tpu.memref_slice %arg2[%mul3A_168, %dma_start3A_170] : memref<320000x128xf32, #tpu.memory_space<hbm>> -> memref<200x128xf32, #tpu.memory_space<hbm>>
          tpu.enqueue_dma source(%dma_start3A_171 : memref<200x128xf32, #tpu.memory_space<hbm>>) target(%arg8 : memref<200x128xf32, #tpu.memory_space<vmem>>) target_semaphore(%run_scoped3A : memref<!tpu.dma_semaphore, #tpu.memory_space<semaphore_mem>>)
          %dma_wait3A = arith.constant 0 : i32
          %dma_wait3A_172 = tpu.memref_slice %arg2[%mul3A_168, %dma_wait3A] : memref<320000x128xf32, #tpu.memory_space<hbm>> -> memref<200x128xf32, #tpu.memory_space<hbm>>
          %dma_wait3A_173 = arith.constant 0 : i32
          %dma_wait3A_174 = tpu.memref_slice %arg2[%mul3A_168, %dma_wait3A_173] : memref<320000x128xf32, #tpu.memory_space<hbm>> -> memref<200x128xf32, #tpu.memory_space<hbm>>
          tpu.wait_dma2 semaphore(%run_scoped3A : memref<!tpu.dma_semaphore, #tpu.memory_space<semaphore_mem>>) src(%dma_wait3A_174 : memref<200x128xf32, #tpu.memory_space<hbm>>) dst(%arg8 : memref<200x128xf32, #tpu.memory_space<vmem>>)
          tpu.yield
        }) : () -> ()
        "tpu.region"() ({
          %run_scoped3A = tpu.sem_alloc : memref<!tpu.dma_semaphore, #tpu.memory_space<semaphore_mem>>
          %dma_start3A = arith.constant 0 : i32
          %dma_start3A_169 = arith.constant 0 : i32
          %dma_start3A_170 = tpu.memref_slice %arg6[%dma_start3A, %dma_start3A_169] : memref<10000x128xf32, #tpu.memory_space<vmem_shared>> -> memref<10000x128xf32, #tpu.memory_space<vmem_shared>>
          tpu.enqueue_indirect_dma source(%arg8 : memref<200x128xf32, #tpu.memory_space<vmem>>) target(%dma_start3A_170 : memref<10000x128xf32, #tpu.memory_space<vmem_shared>>) offsets(%arg7 : memref<200xi32, #tpu.memory_space<vmem>>) semaphore(%run_scoped3A : memref<!tpu.dma_semaphore, #tpu.memory_space<semaphore_mem>>) {add = true}
          %dma_wait3A = arith.constant 0 : i32
          %dma_wait3A_171 = arith.constant 0 : i32
          %dma_wait3A_172 = tpu.memref_slice %arg6[%dma_wait3A, %dma_wait3A_171] : memref<10000x128xf32, #tpu.memory_space<vmem_shared>> -> memref<10000x128xf32, #tpu.memory_space<vmem_shared>>
          tpu.wait_indirect_dma semaphore(%run_scoped3A : memref<!tpu.dma_semaphore, #tpu.memory_space<semaphore_mem>>) src(%arg8 : memref<200x128xf32, #tpu.memory_space<vmem>>) dst(%dma_wait3A_172 : memref<10000x128xf32, #tpu.memory_space<vmem_shared>>)
          tpu.yield
        }) : () -> ()
      }
      %scan3A_163 = arith.constant 100 : i32
    } else {
    }
    %barrier3A_109 = arith.constant 0 : index
    tpu.barrier barrier_id(%barrier3A_109)
    %eq3A_110 = arith.constant 0 : i32
    %eq3A_111 = arith.cmpi eq, %arg0, %eq3A_110 : i32
    %eq3A_112 = arith.constant 12 : i32
    %eq3A_113 = arith.cmpi eq, %arg1, %eq3A_112 : i32
    %and3A_114 = arith.andi %eq3A_111, %eq3A_113 : i1
    %convert_element_type3A_115 = arith.extui %and3A_114 : i1 to i32
    %cond3A_116 = arith.constant 0 : i32
    %cond3A_117 = arith.cmpi ne, %convert_element_type3A_115, %cond3A_116 : i32
    scf.if %cond3A_117 {
      %scan3A = arith.constant 0 : i32
      %scan3A_159 = arith.constant 1200 : i32
      %scan3A_160 = arith.constant 100 : i32
      %scan3A_161 = arith.addi %scan3A_159, %scan3A_160 : i32
      %scan3A_162 = arith.constant 1 : i32
      scf.for %scan3A_164 = %scan3A_159 to %scan3A_161 step %scan3A_162  : i32 {
        %mul3A_165 = arith.constant 200 : i32
        %mul3A_166 = arith.muli %scan3A_164, %mul3A_165 : i32
        "tpu.region"() ({
          %run_scoped3A = tpu.sem_alloc : memref<!tpu.dma_semaphore, #tpu.memory_space<semaphore_mem>>
          %dma_start3A = tpu.memref_slice %arg3[%mul3A_166] : memref<320000xi32, #tpu.memory_space<hbm>> -> memref<200xi32, #tpu.memory_space<hbm>>
          %dma_start3A_169 = tpu.memref_slice %arg3[%mul3A_166] : memref<320000xi32, #tpu.memory_space<hbm>> -> memref<200xi32, #tpu.memory_space<hbm>>
          tpu.enqueue_dma source(%dma_start3A_169 : memref<200xi32, #tpu.memory_space<hbm>>) target(%arg7 : memref<200xi32, #tpu.memory_space<vmem>>) target_semaphore(%run_scoped3A : memref<!tpu.dma_semaphore, #tpu.memory_space<semaphore_mem>>)
          %dma_wait3A = tpu.memref_slice %arg3[%mul3A_166] : memref<320000xi32, #tpu.memory_space<hbm>> -> memref<200xi32, #tpu.memory_space<hbm>>
          %dma_wait3A_170 = tpu.memref_slice %arg3[%mul3A_166] : memref<320000xi32, #tpu.memory_space<hbm>> -> memref<200xi32, #tpu.memory_space<hbm>>
          tpu.wait_dma2 semaphore(%run_scoped3A : memref<!tpu.dma_semaphore, #tpu.memory_space<semaphore_mem>>) src(%dma_wait3A_170 : memref<200xi32, #tpu.memory_space<hbm>>) dst(%arg7 : memref<200xi32, #tpu.memory_space<vmem>>)
          tpu.yield
        }) : () -> ()
        %mul3A_167 = arith.constant 200 : i32
        %mul3A_168 = arith.muli %scan3A_164, %mul3A_167 : i32
        "tpu.region"() ({
          %run_scoped3A = tpu.sem_alloc : memref<!tpu.dma_semaphore, #tpu.memory_space<semaphore_mem>>
          %dma_start3A = arith.constant 0 : i32
          %dma_start3A_169 = tpu.memref_slice %arg2[%mul3A_168, %dma_start3A] : memref<320000x128xf32, #tpu.memory_space<hbm>> -> memref<200x128xf32, #tpu.memory_space<hbm>>
          %dma_start3A_170 = arith.constant 0 : i32
          %dma_start3A_171 = tpu.memref_slice %arg2[%mul3A_168, %dma_start3A_170] : memref<320000x128xf32, #tpu.memory_space<hbm>> -> memref<200x128xf32, #tpu.memory_space<hbm>>
          tpu.enqueue_dma source(%dma_start3A_171 : memref<200x128xf32, #tpu.memory_space<hbm>>) target(%arg8 : memref<200x128xf32, #tpu.memory_space<vmem>>) target_semaphore(%run_scoped3A : memref<!tpu.dma_semaphore, #tpu.memory_space<semaphore_mem>>)
          %dma_wait3A = arith.constant 0 : i32
          %dma_wait3A_172 = tpu.memref_slice %arg2[%mul3A_168, %dma_wait3A] : memref<320000x128xf32, #tpu.memory_space<hbm>> -> memref<200x128xf32, #tpu.memory_space<hbm>>
          %dma_wait3A_173 = arith.constant 0 : i32
          %dma_wait3A_174 = tpu.memref_slice %arg2[%mul3A_168, %dma_wait3A_173] : memref<320000x128xf32, #tpu.memory_space<hbm>> -> memref<200x128xf32, #tpu.memory_space<hbm>>
          tpu.wait_dma2 semaphore(%run_scoped3A : memref<!tpu.dma_semaphore, #tpu.memory_space<semaphore_mem>>) src(%dma_wait3A_174 : memref<200x128xf32, #tpu.memory_space<hbm>>) dst(%arg8 : memref<200x128xf32, #tpu.memory_space<vmem>>)
          tpu.yield
        }) : () -> ()
        "tpu.region"() ({
          %run_scoped3A = tpu.sem_alloc : memref<!tpu.dma_semaphore, #tpu.memory_space<semaphore_mem>>
          %dma_start3A = arith.constant 0 : i32
          %dma_start3A_169 = arith.constant 0 : i32
          %dma_start3A_170 = tpu.memref_slice %arg6[%dma_start3A, %dma_start3A_169] : memref<10000x128xf32, #tpu.memory_space<vmem_shared>> -> memref<10000x128xf32, #tpu.memory_space<vmem_shared>>
          tpu.enqueue_indirect_dma source(%arg8 : memref<200x128xf32, #tpu.memory_space<vmem>>) target(%dma_start3A_170 : memref<10000x128xf32, #tpu.memory_space<vmem_shared>>) offsets(%arg7 : memref<200xi32, #tpu.memory_space<vmem>>) semaphore(%run_scoped3A : memref<!tpu.dma_semaphore, #tpu.memory_space<semaphore_mem>>) {add = true}
          %dma_wait3A = arith.constant 0 : i32
          %dma_wait3A_171 = arith.constant 0 : i32
          %dma_wait3A_172 = tpu.memref_slice %arg6[%dma_wait3A, %dma_wait3A_171] : memref<10000x128xf32, #tpu.memory_space<vmem_shared>> -> memref<10000x128xf32, #tpu.memory_space<vmem_shared>>
          tpu.wait_indirect_dma semaphore(%run_scoped3A : memref<!tpu.dma_semaphore, #tpu.memory_space<semaphore_mem>>) src(%arg8 : memref<200x128xf32, #tpu.memory_space<vmem>>) dst(%dma_wait3A_172 : memref<10000x128xf32, #tpu.memory_space<vmem_shared>>)
          tpu.yield
        }) : () -> ()
      }
      %scan3A_163 = arith.constant 100 : i32
    } else {
    }
    %barrier3A_118 = arith.constant 0 : index
    tpu.barrier barrier_id(%barrier3A_118)
    %eq3A_119 = arith.constant 0 : i32
    %eq3A_120 = arith.cmpi eq, %arg0, %eq3A_119 : i32
    %eq3A_121 = arith.constant 13 : i32
    %eq3A_122 = arith.cmpi eq, %arg1, %eq3A_121 : i32
    %and3A_123 = arith.andi %eq3A_120, %eq3A_122 : i1
    %convert_element_type3A_124 = arith.extui %and3A_123 : i1 to i32
    %cond3A_125 = arith.constant 0 : i32
    %cond3A_126 = arith.cmpi ne, %convert_element_type3A_124, %cond3A_125 : i32
    scf.if %cond3A_126 {
      %scan3A = arith.constant 0 : i32
      %scan3A_159 = arith.constant 1300 : i32
      %scan3A_160 = arith.constant 100 : i32
      %scan3A_161 = arith.addi %scan3A_159, %scan3A_160 : i32
      %scan3A_162 = arith.constant 1 : i32
      scf.for %scan3A_164 = %scan3A_159 to %scan3A_161 step %scan3A_162  : i32 {
        %mul3A_165 = arith.constant 200 : i32
        %mul3A_166 = arith.muli %scan3A_164, %mul3A_165 : i32
        "tpu.region"() ({
          %run_scoped3A = tpu.sem_alloc : memref<!tpu.dma_semaphore, #tpu.memory_space<semaphore_mem>>
          %dma_start3A = tpu.memref_slice %arg3[%mul3A_166] : memref<320000xi32, #tpu.memory_space<hbm>> -> memref<200xi32, #tpu.memory_space<hbm>>
          %dma_start3A_169 = tpu.memref_slice %arg3[%mul3A_166] : memref<320000xi32, #tpu.memory_space<hbm>> -> memref<200xi32, #tpu.memory_space<hbm>>
          tpu.enqueue_dma source(%dma_start3A_169 : memref<200xi32, #tpu.memory_space<hbm>>) target(%arg7 : memref<200xi32, #tpu.memory_space<vmem>>) target_semaphore(%run_scoped3A : memref<!tpu.dma_semaphore, #tpu.memory_space<semaphore_mem>>)
          %dma_wait3A = tpu.memref_slice %arg3[%mul3A_166] : memref<320000xi32, #tpu.memory_space<hbm>> -> memref<200xi32, #tpu.memory_space<hbm>>
          %dma_wait3A_170 = tpu.memref_slice %arg3[%mul3A_166] : memref<320000xi32, #tpu.memory_space<hbm>> -> memref<200xi32, #tpu.memory_space<hbm>>
          tpu.wait_dma2 semaphore(%run_scoped3A : memref<!tpu.dma_semaphore, #tpu.memory_space<semaphore_mem>>) src(%dma_wait3A_170 : memref<200xi32, #tpu.memory_space<hbm>>) dst(%arg7 : memref<200xi32, #tpu.memory_space<vmem>>)
          tpu.yield
        }) : () -> ()
        %mul3A_167 = arith.constant 200 : i32
        %mul3A_168 = arith.muli %scan3A_164, %mul3A_167 : i32
        "tpu.region"() ({
          %run_scoped3A = tpu.sem_alloc : memref<!tpu.dma_semaphore, #tpu.memory_space<semaphore_mem>>
          %dma_start3A = arith.constant 0 : i32
          %dma_start3A_169 = tpu.memref_slice %arg2[%mul3A_168, %dma_start3A] : memref<320000x128xf32, #tpu.memory_space<hbm>> -> memref<200x128xf32, #tpu.memory_space<hbm>>
          %dma_start3A_170 = arith.constant 0 : i32
          %dma_start3A_171 = tpu.memref_slice %arg2[%mul3A_168, %dma_start3A_170] : memref<320000x128xf32, #tpu.memory_space<hbm>> -> memref<200x128xf32, #tpu.memory_space<hbm>>
          tpu.enqueue_dma source(%dma_start3A_171 : memref<200x128xf32, #tpu.memory_space<hbm>>) target(%arg8 : memref<200x128xf32, #tpu.memory_space<vmem>>) target_semaphore(%run_scoped3A : memref<!tpu.dma_semaphore, #tpu.memory_space<semaphore_mem>>)
          %dma_wait3A = arith.constant 0 : i32
          %dma_wait3A_172 = tpu.memref_slice %arg2[%mul3A_168, %dma_wait3A] : memref<320000x128xf32, #tpu.memory_space<hbm>> -> memref<200x128xf32, #tpu.memory_space<hbm>>
          %dma_wait3A_173 = arith.constant 0 : i32
          %dma_wait3A_174 = tpu.memref_slice %arg2[%mul3A_168, %dma_wait3A_173] : memref<320000x128xf32, #tpu.memory_space<hbm>> -> memref<200x128xf32, #tpu.memory_space<hbm>>
          tpu.wait_dma2 semaphore(%run_scoped3A : memref<!tpu.dma_semaphore, #tpu.memory_space<semaphore_mem>>) src(%dma_wait3A_174 : memref<200x128xf32, #tpu.memory_space<hbm>>) dst(%arg8 : memref<200x128xf32, #tpu.memory_space<vmem>>)
          tpu.yield
        }) : () -> ()
        "tpu.region"() ({
          %run_scoped3A = tpu.sem_alloc : memref<!tpu.dma_semaphore, #tpu.memory_space<semaphore_mem>>
          %dma_start3A = arith.constant 0 : i32
          %dma_start3A_169 = arith.constant 0 : i32
          %dma_start3A_170 = tpu.memref_slice %arg6[%dma_start3A, %dma_start3A_169] : memref<10000x128xf32, #tpu.memory_space<vmem_shared>> -> memref<10000x128xf32, #tpu.memory_space<vmem_shared>>
          tpu.enqueue_indirect_dma source(%arg8 : memref<200x128xf32, #tpu.memory_space<vmem>>) target(%dma_start3A_170 : memref<10000x128xf32, #tpu.memory_space<vmem_shared>>) offsets(%arg7 : memref<200xi32, #tpu.memory_space<vmem>>) semaphore(%run_scoped3A : memref<!tpu.dma_semaphore, #tpu.memory_space<semaphore_mem>>) {add = true}
          %dma_wait3A = arith.constant 0 : i32
          %dma_wait3A_171 = arith.constant 0 : i32
          %dma_wait3A_172 = tpu.memref_slice %arg6[%dma_wait3A, %dma_wait3A_171] : memref<10000x128xf32, #tpu.memory_space<vmem_shared>> -> memref<10000x128xf32, #tpu.memory_space<vmem_shared>>
          tpu.wait_indirect_dma semaphore(%run_scoped3A : memref<!tpu.dma_semaphore, #tpu.memory_space<semaphore_mem>>) src(%arg8 : memref<200x128xf32, #tpu.memory_space<vmem>>) dst(%dma_wait3A_172 : memref<10000x128xf32, #tpu.memory_space<vmem_shared>>)
          tpu.yield
        }) : () -> ()
      }
      %scan3A_163 = arith.constant 100 : i32
    } else {
    }
    %barrier3A_127 = arith.constant 0 : index
    tpu.barrier barrier_id(%barrier3A_127)
    %eq3A_128 = arith.constant 0 : i32
    %eq3A_129 = arith.cmpi eq, %arg0, %eq3A_128 : i32
    %eq3A_130 = arith.constant 14 : i32
    %eq3A_131 = arith.cmpi eq, %arg1, %eq3A_130 : i32
    %and3A_132 = arith.andi %eq3A_129, %eq3A_131 : i1
    %convert_element_type3A_133 = arith.extui %and3A_132 : i1 to i32
    %cond3A_134 = arith.constant 0 : i32
    %cond3A_135 = arith.cmpi ne, %convert_element_type3A_133, %cond3A_134 : i32
    scf.if %cond3A_135 {
      %scan3A = arith.constant 0 : i32
      %scan3A_159 = arith.constant 1400 : i32
      %scan3A_160 = arith.constant 100 : i32
      %scan3A_161 = arith.addi %scan3A_159, %scan3A_160 : i32
      %scan3A_162 = arith.constant 1 : i32
      scf.for %scan3A_164 = %scan3A_159 to %scan3A_161 step %scan3A_162  : i32 {
        %mul3A_165 = arith.constant 200 : i32
        %mul3A_166 = arith.muli %scan3A_164, %mul3A_165 : i32
        "tpu.region"() ({
          %run_scoped3A = tpu.sem_alloc : memref<!tpu.dma_semaphore, #tpu.memory_space<semaphore_mem>>
          %dma_start3A = tpu.memref_slice %arg3[%mul3A_166] : memref<320000xi32, #tpu.memory_space<hbm>> -> memref<200xi32, #tpu.memory_space<hbm>>
          %dma_start3A_169 = tpu.memref_slice %arg3[%mul3A_166] : memref<320000xi32, #tpu.memory_space<hbm>> -> memref<200xi32, #tpu.memory_space<hbm>>
          tpu.enqueue_dma source(%dma_start3A_169 : memref<200xi32, #tpu.memory_space<hbm>>) target(%arg7 : memref<200xi32, #tpu.memory_space<vmem>>) target_semaphore(%run_scoped3A : memref<!tpu.dma_semaphore, #tpu.memory_space<semaphore_mem>>)
          %dma_wait3A = tpu.memref_slice %arg3[%mul3A_166] : memref<320000xi32, #tpu.memory_space<hbm>> -> memref<200xi32, #tpu.memory_space<hbm>>
          %dma_wait3A_170 = tpu.memref_slice %arg3[%mul3A_166] : memref<320000xi32, #tpu.memory_space<hbm>> -> memref<200xi32, #tpu.memory_space<hbm>>
          tpu.wait_dma2 semaphore(%run_scoped3A : memref<!tpu.dma_semaphore, #tpu.memory_space<semaphore_mem>>) src(%dma_wait3A_170 : memref<200xi32, #tpu.memory_space<hbm>>) dst(%arg7 : memref<200xi32, #tpu.memory_space<vmem>>)
          tpu.yield
        }) : () -> ()
        %mul3A_167 = arith.constant 200 : i32
        %mul3A_168 = arith.muli %scan3A_164, %mul3A_167 : i32
        "tpu.region"() ({
          %run_scoped3A = tpu.sem_alloc : memref<!tpu.dma_semaphore, #tpu.memory_space<semaphore_mem>>
          %dma_start3A = arith.constant 0 : i32
          %dma_start3A_169 = tpu.memref_slice %arg2[%mul3A_168, %dma_start3A] : memref<320000x128xf32, #tpu.memory_space<hbm>> -> memref<200x128xf32, #tpu.memory_space<hbm>>
          %dma_start3A_170 = arith.constant 0 : i32
          %dma_start3A_171 = tpu.memref_slice %arg2[%mul3A_168, %dma_start3A_170] : memref<320000x128xf32, #tpu.memory_space<hbm>> -> memref<200x128xf32, #tpu.memory_space<hbm>>
          tpu.enqueue_dma source(%dma_start3A_171 : memref<200x128xf32, #tpu.memory_space<hbm>>) target(%arg8 : memref<200x128xf32, #tpu.memory_space<vmem>>) target_semaphore(%run_scoped3A : memref<!tpu.dma_semaphore, #tpu.memory_space<semaphore_mem>>)
          %dma_wait3A = arith.constant 0 : i32
          %dma_wait3A_172 = tpu.memref_slice %arg2[%mul3A_168, %dma_wait3A] : memref<320000x128xf32, #tpu.memory_space<hbm>> -> memref<200x128xf32, #tpu.memory_space<hbm>>
          %dma_wait3A_173 = arith.constant 0 : i32
          %dma_wait3A_174 = tpu.memref_slice %arg2[%mul3A_168, %dma_wait3A_173] : memref<320000x128xf32, #tpu.memory_space<hbm>> -> memref<200x128xf32, #tpu.memory_space<hbm>>
          tpu.wait_dma2 semaphore(%run_scoped3A : memref<!tpu.dma_semaphore, #tpu.memory_space<semaphore_mem>>) src(%dma_wait3A_174 : memref<200x128xf32, #tpu.memory_space<hbm>>) dst(%arg8 : memref<200x128xf32, #tpu.memory_space<vmem>>)
          tpu.yield
        }) : () -> ()
        "tpu.region"() ({
          %run_scoped3A = tpu.sem_alloc : memref<!tpu.dma_semaphore, #tpu.memory_space<semaphore_mem>>
          %dma_start3A = arith.constant 0 : i32
          %dma_start3A_169 = arith.constant 0 : i32
          %dma_start3A_170 = tpu.memref_slice %arg6[%dma_start3A, %dma_start3A_169] : memref<10000x128xf32, #tpu.memory_space<vmem_shared>> -> memref<10000x128xf32, #tpu.memory_space<vmem_shared>>
          tpu.enqueue_indirect_dma source(%arg8 : memref<200x128xf32, #tpu.memory_space<vmem>>) target(%dma_start3A_170 : memref<10000x128xf32, #tpu.memory_space<vmem_shared>>) offsets(%arg7 : memref<200xi32, #tpu.memory_space<vmem>>) semaphore(%run_scoped3A : memref<!tpu.dma_semaphore, #tpu.memory_space<semaphore_mem>>) {add = true}
          %dma_wait3A = arith.constant 0 : i32
          %dma_wait3A_171 = arith.constant 0 : i32
          %dma_wait3A_172 = tpu.memref_slice %arg6[%dma_wait3A, %dma_wait3A_171] : memref<10000x128xf32, #tpu.memory_space<vmem_shared>> -> memref<10000x128xf32, #tpu.memory_space<vmem_shared>>
          tpu.wait_indirect_dma semaphore(%run_scoped3A : memref<!tpu.dma_semaphore, #tpu.memory_space<semaphore_mem>>) src(%arg8 : memref<200x128xf32, #tpu.memory_space<vmem>>) dst(%dma_wait3A_172 : memref<10000x128xf32, #tpu.memory_space<vmem_shared>>)
          tpu.yield
        }) : () -> ()
      }
      %scan3A_163 = arith.constant 100 : i32
    } else {
    }
    %barrier3A_136 = arith.constant 0 : index
    tpu.barrier barrier_id(%barrier3A_136)
    %eq3A_137 = arith.constant 0 : i32
    %eq3A_138 = arith.cmpi eq, %arg0, %eq3A_137 : i32
    %eq3A_139 = arith.constant 15 : i32
    %eq3A_140 = arith.cmpi eq, %arg1, %eq3A_139 : i32
    %and3A_141 = arith.andi %eq3A_138, %eq3A_140 : i1
    %convert_element_type3A_142 = arith.extui %and3A_141 : i1 to i32
    %cond3A_143 = arith.constant 0 : i32
    %cond3A_144 = arith.cmpi ne, %convert_element_type3A_142, %cond3A_143 : i32
    scf.if %cond3A_144 {
      %scan3A = arith.constant 0 : i32
      %scan3A_159 = arith.constant 1500 : i32
      %scan3A_160 = arith.constant 100 : i32
      %scan3A_161 = arith.addi %scan3A_159, %scan3A_160 : i32
      %scan3A_162 = arith.constant 1 : i32
      scf.for %scan3A_164 = %scan3A_159 to %scan3A_161 step %scan3A_162  : i32 {
        %mul3A_165 = arith.constant 200 : i32
        %mul3A_166 = arith.muli %scan3A_164, %mul3A_165 : i32
        "tpu.region"() ({
          %run_scoped3A = tpu.sem_alloc : memref<!tpu.dma_semaphore, #tpu.memory_space<semaphore_mem>>
          %dma_start3A = tpu.memref_slice %arg3[%mul3A_166] : memref<320000xi32, #tpu.memory_space<hbm>> -> memref<200xi32, #tpu.memory_space<hbm>>
          %dma_start3A_169 = tpu.memref_slice %arg3[%mul3A_166] : memref<320000xi32, #tpu.memory_space<hbm>> -> memref<200xi32, #tpu.memory_space<hbm>>
          tpu.enqueue_dma source(%dma_start3A_169 : memref<200xi32, #tpu.memory_space<hbm>>) target(%arg7 : memref<200xi32, #tpu.memory_space<vmem>>) target_semaphore(%run_scoped3A : memref<!tpu.dma_semaphore, #tpu.memory_space<semaphore_mem>>)
          %dma_wait3A = tpu.memref_slice %arg3[%mul3A_166] : memref<320000xi32, #tpu.memory_space<hbm>> -> memref<200xi32, #tpu.memory_space<hbm>>
          %dma_wait3A_170 = tpu.memref_slice %arg3[%mul3A_166] : memref<320000xi32, #tpu.memory_space<hbm>> -> memref<200xi32, #tpu.memory_space<hbm>>
          tpu.wait_dma2 semaphore(%run_scoped3A : memref<!tpu.dma_semaphore, #tpu.memory_space<semaphore_mem>>) src(%dma_wait3A_170 : memref<200xi32, #tpu.memory_space<hbm>>) dst(%arg7 : memref<200xi32, #tpu.memory_space<vmem>>)
          tpu.yield
        }) : () -> ()
        %mul3A_167 = arith.constant 200 : i32
        %mul3A_168 = arith.muli %scan3A_164, %mul3A_167 : i32
        "tpu.region"() ({
          %run_scoped3A = tpu.sem_alloc : memref<!tpu.dma_semaphore, #tpu.memory_space<semaphore_mem>>
          %dma_start3A = arith.constant 0 : i32
          %dma_start3A_169 = tpu.memref_slice %arg2[%mul3A_168, %dma_start3A] : memref<320000x128xf32, #tpu.memory_space<hbm>> -> memref<200x128xf32, #tpu.memory_space<hbm>>
          %dma_start3A_170 = arith.constant 0 : i32
          %dma_start3A_171 = tpu.memref_slice %arg2[%mul3A_168, %dma_start3A_170] : memref<320000x128xf32, #tpu.memory_space<hbm>> -> memref<200x128xf32, #tpu.memory_space<hbm>>
          tpu.enqueue_dma source(%dma_start3A_171 : memref<200x128xf32, #tpu.memory_space<hbm>>) target(%arg8 : memref<200x128xf32, #tpu.memory_space<vmem>>) target_semaphore(%run_scoped3A : memref<!tpu.dma_semaphore, #tpu.memory_space<semaphore_mem>>)
          %dma_wait3A = arith.constant 0 : i32
          %dma_wait3A_172 = tpu.memref_slice %arg2[%mul3A_168, %dma_wait3A] : memref<320000x128xf32, #tpu.memory_space<hbm>> -> memref<200x128xf32, #tpu.memory_space<hbm>>
          %dma_wait3A_173 = arith.constant 0 : i32
          %dma_wait3A_174 = tpu.memref_slice %arg2[%mul3A_168, %dma_wait3A_173] : memref<320000x128xf32, #tpu.memory_space<hbm>> -> memref<200x128xf32, #tpu.memory_space<hbm>>
          tpu.wait_dma2 semaphore(%run_scoped3A : memref<!tpu.dma_semaphore, #tpu.memory_space<semaphore_mem>>) src(%dma_wait3A_174 : memref<200x128xf32, #tpu.memory_space<hbm>>) dst(%arg8 : memref<200x128xf32, #tpu.memory_space<vmem>>)
          tpu.yield
        }) : () -> ()
        "tpu.region"() ({
          %run_scoped3A = tpu.sem_alloc : memref<!tpu.dma_semaphore, #tpu.memory_space<semaphore_mem>>
          %dma_start3A = arith.constant 0 : i32
          %dma_start3A_169 = arith.constant 0 : i32
          %dma_start3A_170 = tpu.memref_slice %arg6[%dma_start3A, %dma_start3A_169] : memref<10000x128xf32, #tpu.memory_space<vmem_shared>> -> memref<10000x128xf32, #tpu.memory_space<vmem_shared>>
          tpu.enqueue_indirect_dma source(%arg8 : memref<200x128xf32, #tpu.memory_space<vmem>>) target(%dma_start3A_170 : memref<10000x128xf32, #tpu.memory_space<vmem_shared>>) offsets(%arg7 : memref<200xi32, #tpu.memory_space<vmem>>) semaphore(%run_scoped3A : memref<!tpu.dma_semaphore, #tpu.memory_space<semaphore_mem>>) {add = true}
          %dma_wait3A = arith.constant 0 : i32
          %dma_wait3A_171 = arith.constant 0 : i32
          %dma_wait3A_172 = tpu.memref_slice %arg6[%dma_wait3A, %dma_wait3A_171] : memref<10000x128xf32, #tpu.memory_space<vmem_shared>> -> memref<10000x128xf32, #tpu.memory_space<vmem_shared>>
          tpu.wait_indirect_dma semaphore(%run_scoped3A : memref<!tpu.dma_semaphore, #tpu.memory_space<semaphore_mem>>) src(%arg8 : memref<200x128xf32, #tpu.memory_space<vmem>>) dst(%dma_wait3A_172 : memref<10000x128xf32, #tpu.memory_space<vmem_shared>>)
          tpu.yield
        }) : () -> ()
      }
      %scan3A_163 = arith.constant 100 : i32
    } else {
    }
    %barrier3A_145 = arith.constant 0 : index
    tpu.barrier barrier_id(%barrier3A_145)
    %eq3A_146 = arith.constant 0 : i32
    %eq3A_147 = arith.cmpi eq, %arg0, %eq3A_146 : i32
    %convert_element_type3A_148 = arith.extui %eq3A_147 : i1 to i32
    %cond3A_149 = arith.constant 0 : i32
    %cond3A_150 = arith.cmpi ne, %convert_element_type3A_148, %cond3A_149 : i32
    scf.if %cond3A_150 {
      "tpu.region"() ({
        %run_scoped3A = tpu.sem_alloc : memref<!tpu.dma_semaphore, #tpu.memory_space<semaphore_mem>>
        %dma_start3A = arith.constant 0 : i32
        %dma_start3A_159 = tpu.memref_slice %arg5[%mul3A_0, %dma_start3A] : memref<10000x128xf32, #tpu.memory_space<hbm>> -> memref<624x128xf32, #tpu.memory_space<hbm>>
        %dma_start3A_160 = arith.constant 0 : i32
        %dma_start3A_161 = tpu.memref_slice %arg6[%mul3A_0, %dma_start3A_160] : memref<10000x128xf32, #tpu.memory_space<vmem_shared>> -> memref<624x128xf32, #tpu.memory_space<vmem_shared>>
        tpu.enqueue_dma source(%dma_start3A_161 : memref<624x128xf32, #tpu.memory_space<vmem_shared>>) target(%dma_start3A_159 : memref<624x128xf32, #tpu.memory_space<hbm>>) target_semaphore(%run_scoped3A : memref<!tpu.dma_semaphore, #tpu.memory_space<semaphore_mem>>)
        %dma_wait3A = arith.constant 0 : i32
        %dma_wait3A_162 = tpu.memref_slice %arg5[%mul3A_0, %dma_wait3A] : memref<10000x128xf32, #tpu.memory_space<hbm>> -> memref<624x128xf32, #tpu.memory_space<hbm>>
        %dma_wait3A_163 = arith.constant 0 : i32
        %dma_wait3A_164 = tpu.memref_slice %arg6[%mul3A_0, %dma_wait3A_163] : memref<10000x128xf32, #tpu.memory_space<vmem_shared>> -> memref<624x128xf32, #tpu.memory_space<vmem_shared>>
        tpu.wait_dma2 semaphore(%run_scoped3A : memref<!tpu.dma_semaphore, #tpu.memory_space<semaphore_mem>>) src(%dma_wait3A_164 : memref<624x128xf32, #tpu.memory_space<vmem_shared>>) dst(%dma_wait3A_162 : memref<624x128xf32, #tpu.memory_space<hbm>>)
        tpu.yield
      }) : () -> ()
    } else {
    }
    %eq3A_151 = arith.constant 0 : i32
    %eq3A_152 = arith.cmpi eq, %arg0, %eq3A_151 : i32
    %eq3A_153 = arith.constant 15 : i32
    %eq3A_154 = arith.cmpi eq, %arg1, %eq3A_153 : i32
    %and3A_155 = arith.andi %eq3A_152, %eq3A_154 : i1
    %convert_element_type3A_156 = arith.extui %and3A_155 : i1 to i32
    %cond3A_157 = arith.constant 0 : i32
    %cond3A_158 = arith.cmpi ne, %convert_element_type3A_156, %cond3A_157 : i32
    scf.if %cond3A_158 {
      "tpu.region"() ({
        %run_scoped3A = tpu.sem_alloc : memref<!tpu.dma_semaphore, #tpu.memory_space<semaphore_mem>>
        %dma_start3A = arith.constant 9984 : i32
        %dma_start3A_159 = arith.constant 0 : i32
        %dma_start3A_160 = tpu.memref_slice %arg5[%dma_start3A, %dma_start3A_159] : memref<10000x128xf32, #tpu.memory_space<hbm>> -> memref<16x128xf32, #tpu.memory_space<hbm>>
        %dma_start3A_161 = arith.constant 9984 : i32
        %dma_start3A_162 = arith.constant 0 : i32
        %dma_start3A_163 = tpu.memref_slice %arg6[%dma_start3A_161, %dma_start3A_162] : memref<10000x128xf32, #tpu.memory_space<vmem_shared>> -> memref<16x128xf32, #tpu.memory_space<vmem_shared>>
        tpu.enqueue_dma source(%dma_start3A_163 : memref<16x128xf32, #tpu.memory_space<vmem_shared>>) target(%dma_start3A_160 : memref<16x128xf32, #tpu.memory_space<hbm>>) target_semaphore(%run_scoped3A : memref<!tpu.dma_semaphore, #tpu.memory_space<semaphore_mem>>)
        %dma_wait3A = arith.constant 9984 : i32
        %dma_wait3A_164 = arith.constant 0 : i32
        %dma_wait3A_165 = tpu.memref_slice %arg5[%dma_wait3A, %dma_wait3A_164] : memref<10000x128xf32, #tpu.memory_space<hbm>> -> memref<16x128xf32, #tpu.memory_space<hbm>>
        %dma_wait3A_166 = arith.constant 9984 : i32
        %dma_wait3A_167 = arith.constant 0 : i32
        %dma_wait3A_168 = tpu.memref_slice %arg6[%dma_wait3A_166, %dma_wait3A_167] : memref<10000x128xf32, #tpu.memory_space<vmem_shared>> -> memref<16x128xf32, #tpu.memory_space<vmem_shared>>
        tpu.wait_dma2 semaphore(%run_scoped3A : memref<!tpu.dma_semaphore, #tpu.memory_space<semaphore_mem>>) src(%dma_wait3A_168 : memref<16x128xf32, #tpu.memory_space<vmem_shared>>) dst(%dma_wait3A_165 : memref<16x128xf32, #tpu.memory_space<hbm>>)
        tpu.yield
      }) : () -> ()
    } else {
    }
    return
  }
}

#map = affine_map<(d0, d1) -> (0, 0)>
#map1 = affine_map<(d0, d1) -> (0)>
module attributes {stable_mosaic.version = 14 : i64} {
  func.func @_lambda_(%arg0: i32, %arg1: i32, %arg2: memref<320000x128xf32, #tpu.memory_space<hbm>>, %arg3: memref<320000xi32, #tpu.memory_space<hbm>>, %arg4: memref<10000x128xf32, #tpu.memory_space<hbm>>, %arg5: memref<10000x128xf32, #tpu.memory_space<hbm>>, %arg6: memref<10000x128xf32, #tpu.memory_space<vmem_shared>>, %arg7: memref<200xi32, #tpu.memory_space<vmem>>, %arg8: memref<200x128xf32, #tpu.memory_space<vmem>>) attributes {dimension_semantics = [#tpu.dimension_semantics<core_parallel>, #tpu.dimension_semantics<subcore_parallel>], iteration_bounds = array<i64: 2, 16>, scalar_prefetch = 0 : i64, scratch_operands = 3 : i64, tpu.core_type = #tpu.core_type<sc_vector_subcore>, window_params = [{transform_indices = #map}, {transform_indices = #map1}, {transform_indices = #map}, {transform_indices = #map}]} {
    %mul3A = arith.constant 624 : i32
    %mul3A_0 = arith.muli %arg1, %mul3A : i32
    "tpu.region"() ({
      %run_scoped3A = tpu.sem_alloc : memref<!tpu.dma_semaphore, #tpu.memory_space<semaphore_mem>>
      %dma_start3A = arith.constant 0 : i32
      %dma_start3A_159 = tpu.memref_slice %arg6[%mul3A_0, %dma_start3A] : memref<10000x128xf32, #tpu.memory_space<vmem_shared>> -> memref<624x128xf32, #tpu.memory_space<vmem_shared>>
      %dma_start3A_160 = arith.constant 0 : i32
      %dma_start3A_161 = tpu.memref_slice %arg4[%mul3A_0, %dma_start3A_160] : memref<10000x128xf32, #tpu.memory_space<hbm>> -> memref<624x128xf32, #tpu.memory_space<hbm>>
      tpu.enqueue_dma source(%dma_start3A_161 : memref<624x128xf32, #tpu.memory_space<hbm>>) target(%dma_start3A_159 : memref<624x128xf32, #tpu.memory_space<vmem_shared>>) target_semaphore(%run_scoped3A : memref<!tpu.dma_semaphore, #tpu.memory_space<semaphore_mem>>)
      %dma_wait3A = arith.constant 0 : i32
      %dma_wait3A_162 = tpu.memref_slice %arg6[%mul3A_0, %dma_wait3A] : memref<10000x128xf32, #tpu.memory_space<vmem_shared>> -> memref<624x128xf32, #tpu.memory_space<vmem_shared>>
      %dma_wait3A_163 = arith.constant 0 : i32
      %dma_wait3A_164 = tpu.memref_slice %arg4[%mul3A_0, %dma_wait3A_163] : memref<10000x128xf32, #tpu.memory_space<hbm>> -> memref<624x128xf32, #tpu.memory_space<hbm>>
      tpu.wait_dma2 semaphore(%run_scoped3A : memref<!tpu.dma_semaphore, #tpu.memory_space<semaphore_mem>>) src(%dma_wait3A_164 : memref<624x128xf32, #tpu.memory_space<hbm>>) dst(%dma_wait3A_162 : memref<624x128xf32, #tpu.memory_space<vmem_shared>>)
      tpu.yield
    }) : () -> ()
    %eq3A = arith.constant 15 : i32
    %eq3A_1 = arith.cmpi eq, %arg1, %eq3A : i32
    %convert_element_type3A = arith.extui %eq3A_1 : i1 to i32
    %cond3A = arith.constant 0 : i32
    %cond3A_2 = arith.cmpi ne, %convert_element_type3A, %cond3A : i32
    scf.if %cond3A_2 {
      "tpu.region"() ({
        %run_scoped3A = tpu.sem_alloc : memref<!tpu.dma_semaphore, #tpu.memory_space<semaphore_mem>>
        %dma_start3A = arith.constant 9984 : i32
        %dma_start3A_159 = arith.constant 0 : i32
        %dma_start3A_160 = tpu.memref_slice %arg6[%dma_start3A, %dma_start3A_159] : memref<10000x128xf32, #tpu.memory_space<vmem_shared>> -> memref<16x128xf32, #tpu.memory_space<vmem_shared>>
        %dma_start3A_161 = arith.constant 9984 : i32
        %dma_start3A_162 = arith.constant 0 : i32
        %dma_start3A_163 = tpu.memref_slice %arg4[%dma_start3A_161, %dma_start3A_162] : memref<10000x128xf32, #tpu.memory_space<hbm>> -> memref<16x128xf32, #tpu.memory_space<hbm>>
        tpu.enqueue_dma source(%dma_start3A_163 : memref<16x128xf32, #tpu.memory_space<hbm>>) target(%dma_start3A_160 : memref<16x128xf32, #tpu.memory_space<vmem_shared>>) target_semaphore(%run_scoped3A : memref<!tpu.dma_semaphore, #tpu.memory_space<semaphore_mem>>)
        %dma_wait3A = arith.constant 9984 : i32
        %dma_wait3A_164 = arith.constant 0 : i32
        %dma_wait3A_165 = tpu.memref_slice %arg6[%dma_wait3A, %dma_wait3A_164] : memref<10000x128xf32, #tpu.memory_space<vmem_shared>> -> memref<16x128xf32, #tpu.memory_space<vmem_shared>>
        %dma_wait3A_166 = arith.constant 9984 : i32
        %dma_wait3A_167 = arith.constant 0 : i32
        %dma_wait3A_168 = tpu.memref_slice %arg4[%dma_wait3A_166, %dma_wait3A_167] : memref<10000x128xf32, #tpu.memory_space<hbm>> -> memref<16x128xf32, #tpu.memory_space<hbm>>
        tpu.wait_dma2 semaphore(%run_scoped3A : memref<!tpu.dma_semaphore, #tpu.memory_space<semaphore_mem>>) src(%dma_wait3A_168 : memref<16x128xf32, #tpu.memory_space<hbm>>) dst(%dma_wait3A_165 : memref<16x128xf32, #tpu.memory_space<vmem_shared>>)
        tpu.yield
      }) : () -> ()
    } else {
    }
    %barrier3A = arith.constant 0 : index
    tpu.barrier barrier_id(%barrier3A)
    %eq3A_3 = arith.constant 0 : i32
    %eq3A_4 = arith.cmpi eq, %arg0, %eq3A_3 : i32
    %eq3A_5 = arith.constant 0 : i32
    %eq3A_6 = arith.cmpi eq, %arg1, %eq3A_5 : i32
    %and3A = arith.andi %eq3A_4, %eq3A_6 : i1
    %convert_element_type3A_7 = arith.extui %and3A : i1 to i32
    %cond3A_8 = arith.constant 0 : i32
    %cond3A_9 = arith.cmpi ne, %convert_element_type3A_7, %cond3A_8 : i32
    scf.if %cond3A_9 {
      %scan3A = arith.constant 0 : i32
      %scan3A_159 = arith.constant 0 : i32
      %scan3A_160 = arith.constant 100 : i32
      %scan3A_161 = arith.addi %scan3A_159, %scan3A_160 : i32
      %scan3A_162 = arith.constant 1 : i32
      scf.for %scan3A_164 = %scan3A_159 to %scan3A_161 step %scan3A_162  : i32 {
        %mul3A_165 = arith.constant 200 : i32
        %mul3A_166 = arith.muli %scan3A_164, %mul3A_165 : i32
        "tpu.region"() ({
          %run_scoped3A = tpu.sem_alloc : memref<!tpu.dma_semaphore, #tpu.memory_space<semaphore_mem>>
          %dma_start3A = tpu.memref_slice %arg3[%mul3A_166] : memref<320000xi32, #tpu.memory_space<hbm>> -> memref<200xi32, #tpu.memory_space<hbm>>
          %dma_start3A_169 = tpu.memref_slice %arg3[%mul3A_166] : memref<320000xi32, #tpu.memory_space<hbm>> -> memref<200xi32, #tpu.memory_space<hbm>>
          tpu.enqueue_dma source(%dma_start3A_169 : memref<200xi32, #tpu.memory_space<hbm>>) target(%arg7 : memref<200xi32, #tpu.memory_space<vmem>>) target_semaphore(%run_scoped3A : memref<!tpu.dma_semaphore, #tpu.memory_space<semaphore_mem>>)
          %dma_wait3A = tpu.memref_slice %arg3[%mul3A_166] : memref<320000xi32, #tpu.memory_space<hbm>> -> memref<200xi32, #tpu.memory_space<hbm>>
          %dma_wait3A_170 = tpu.memref_slice %arg3[%mul3A_166] : memref<320000xi32, #tpu.memory_space<hbm>> -> memref<200xi32, #tpu.memory_space<hbm>>
          tpu.wait_dma2 semaphore(%run_scoped3A : memref<!tpu.dma_semaphore, #tpu.memory_space<semaphore_mem>>) src(%dma_wait3A_170 : memref<200xi32, #tpu.memory_space<hbm>>) dst(%arg7 : memref<200xi32, #tpu.memory_space<vmem>>)
          tpu.yield
        }) : () -> ()
        %mul3A_167 = arith.constant 200 : i32
        %mul3A_168 = arith.muli %scan3A_164, %mul3A_167 : i32
        "tpu.region"() ({
          %run_scoped3A = tpu.sem_alloc : memref<!tpu.dma_semaphore, #tpu.memory_space<semaphore_mem>>
          %dma_start3A = arith.constant 0 : i32
          %dma_start3A_169 = tpu.memref_slice %arg2[%mul3A_168, %dma_start3A] : memref<320000x128xf32, #tpu.memory_space<hbm>> -> memref<200x128xf32, #tpu.memory_space<hbm>>
          %dma_start3A_170 = arith.constant 0 : i32
          %dma_start3A_171 = tpu.memref_slice %arg2[%mul3A_168, %dma_start3A_170] : memref<320000x128xf32, #tpu.memory_space<hbm>> -> memref<200x128xf32, #tpu.memory_space<hbm>>
          tpu.enqueue_dma source(%dma_start3A_171 : memref<200x128xf32, #tpu.memory_space<hbm>>) target(%arg8 : memref<200x128xf32, #tpu.memory_space<vmem>>) target_semaphore(%run_scoped3A : memref<!tpu.dma_semaphore, #tpu.memory_space<semaphore_mem>>)
          %dma_wait3A = arith.constant 0 : i32
          %dma_wait3A_172 = tpu.memref_slice %arg2[%mul3A_168, %dma_wait3A] : memref<320000x128xf32, #tpu.memory_space<hbm>> -> memref<200x128xf32, #tpu.memory_space<hbm>>
          %dma_wait3A_173 = arith.constant 0 : i32
          %dma_wait3A_174 = tpu.memref_slice %arg2[%mul3A_168, %dma_wait3A_173] : memref<320000x128xf32, #tpu.memory_space<hbm>> -> memref<200x128xf32, #tpu.memory_space<hbm>>
          tpu.wait_dma2 semaphore(%run_scoped3A : memref<!tpu.dma_semaphore, #tpu.memory_space<semaphore_mem>>) src(%dma_wait3A_174 : memref<200x128xf32, #tpu.memory_space<hbm>>) dst(%arg8 : memref<200x128xf32, #tpu.memory_space<vmem>>)
          tpu.yield
        }) : () -> ()
        "tpu.region"() ({
          %run_scoped3A = tpu.sem_alloc : memref<!tpu.dma_semaphore, #tpu.memory_space<semaphore_mem>>
          %dma_start3A = arith.constant 0 : i32
          %dma_start3A_169 = arith.constant 0 : i32
          %dma_start3A_170 = tpu.memref_slice %arg6[%dma_start3A, %dma_start3A_169] : memref<10000x128xf32, #tpu.memory_space<vmem_shared>> -> memref<10000x128xf32, #tpu.memory_space<vmem_shared>>
          tpu.enqueue_indirect_dma source(%arg8 : memref<200x128xf32, #tpu.memory_space<vmem>>) target(%dma_start3A_170 : memref<10000x128xf32, #tpu.memory_space<vmem_shared>>) offsets(%arg7 : memref<200xi32, #tpu.memory_space<vmem>>) semaphore(%run_scoped3A : memref<!tpu.dma_semaphore, #tpu.memory_space<semaphore_mem>>) {add = true}
          %dma_wait3A = arith.constant 0 : i32
          %dma_wait3A_171 = arith.constant 0 : i32
          %dma_wait3A_172 = tpu.memref_slice %arg6[%dma_wait3A, %dma_wait3A_171] : memref<10000x128xf32, #tpu.memory_space<vmem_shared>> -> memref<10000x128xf32, #tpu.memory_space<vmem_shared>>
          tpu.wait_indirect_dma semaphore(%run_scoped3A : memref<!tpu.dma_semaphore, #tpu.memory_space<semaphore_mem>>) src(%arg8 : memref<200x128xf32, #tpu.memory_space<vmem>>) dst(%dma_wait3A_172 : memref<10000x128xf32, #tpu.memory_space<vmem_shared>>)
          tpu.yield
        }) : () -> ()
      }
      %scan3A_163 = arith.constant 100 : i32
    } else {
    }
    %barrier3A_10 = arith.constant 0 : index
    tpu.barrier barrier_id(%barrier3A_10)
    %eq3A_11 = arith.constant 0 : i32
    %eq3A_12 = arith.cmpi eq, %arg0, %eq3A_11 : i32
    %eq3A_13 = arith.constant 1 : i32
    %eq3A_14 = arith.cmpi eq, %arg1, %eq3A_13 : i32
    %and3A_15 = arith.andi %eq3A_12, %eq3A_14 : i1
    %convert_element_type3A_16 = arith.extui %and3A_15 : i1 to i32
    %cond3A_17 = arith.constant 0 : i32
    %cond3A_18 = arith.cmpi ne, %convert_element_type3A_16, %cond3A_17 : i32
    scf.if %cond3A_18 {
      %scan3A = arith.constant 0 : i32
      %scan3A_159 = arith.constant 100 : i32
      %scan3A_160 = arith.constant 100 : i32
      %scan3A_161 = arith.addi %scan3A_159, %scan3A_160 : i32
      %scan3A_162 = arith.constant 1 : i32
      scf.for %scan3A_164 = %scan3A_159 to %scan3A_161 step %scan3A_162  : i32 {
        %mul3A_165 = arith.constant 200 : i32
        %mul3A_166 = arith.muli %scan3A_164, %mul3A_165 : i32
        "tpu.region"() ({
          %run_scoped3A = tpu.sem_alloc : memref<!tpu.dma_semaphore, #tpu.memory_space<semaphore_mem>>
          %dma_start3A = tpu.memref_slice %arg3[%mul3A_166] : memref<320000xi32, #tpu.memory_space<hbm>> -> memref<200xi32, #tpu.memory_space<hbm>>
          %dma_start3A_169 = tpu.memref_slice %arg3[%mul3A_166] : memref<320000xi32, #tpu.memory_space<hbm>> -> memref<200xi32, #tpu.memory_space<hbm>>
          tpu.enqueue_dma source(%dma_start3A_169 : memref<200xi32, #tpu.memory_space<hbm>>) target(%arg7 : memref<200xi32, #tpu.memory_space<vmem>>) target_semaphore(%run_scoped3A : memref<!tpu.dma_semaphore, #tpu.memory_space<semaphore_mem>>)
          %dma_wait3A = tpu.memref_slice %arg3[%mul3A_166] : memref<320000xi32, #tpu.memory_space<hbm>> -> memref<200xi32, #tpu.memory_space<hbm>>
          %dma_wait3A_170 = tpu.memref_slice %arg3[%mul3A_166] : memref<320000xi32, #tpu.memory_space<hbm>> -> memref<200xi32, #tpu.memory_space<hbm>>
          tpu.wait_dma2 semaphore(%run_scoped3A : memref<!tpu.dma_semaphore, #tpu.memory_space<semaphore_mem>>) src(%dma_wait3A_170 : memref<200xi32, #tpu.memory_space<hbm>>) dst(%arg7 : memref<200xi32, #tpu.memory_space<vmem>>)
          tpu.yield
        }) : () -> ()
        %mul3A_167 = arith.constant 200 : i32
        %mul3A_168 = arith.muli %scan3A_164, %mul3A_167 : i32
        "tpu.region"() ({
          %run_scoped3A = tpu.sem_alloc : memref<!tpu.dma_semaphore, #tpu.memory_space<semaphore_mem>>
          %dma_start3A = arith.constant 0 : i32
          %dma_start3A_169 = tpu.memref_slice %arg2[%mul3A_168, %dma_start3A] : memref<320000x128xf32, #tpu.memory_space<hbm>> -> memref<200x128xf32, #tpu.memory_space<hbm>>
          %dma_start3A_170 = arith.constant 0 : i32
          %dma_start3A_171 = tpu.memref_slice %arg2[%mul3A_168, %dma_start3A_170] : memref<320000x128xf32, #tpu.memory_space<hbm>> -> memref<200x128xf32, #tpu.memory_space<hbm>>
          tpu.enqueue_dma source(%dma_start3A_171 : memref<200x128xf32, #tpu.memory_space<hbm>>) target(%arg8 : memref<200x128xf32, #tpu.memory_space<vmem>>) target_semaphore(%run_scoped3A : memref<!tpu.dma_semaphore, #tpu.memory_space<semaphore_mem>>)
          %dma_wait3A = arith.constant 0 : i32
          %dma_wait3A_172 = tpu.memref_slice %arg2[%mul3A_168, %dma_wait3A] : memref<320000x128xf32, #tpu.memory_space<hbm>> -> memref<200x128xf32, #tpu.memory_space<hbm>>
          %dma_wait3A_173 = arith.constant 0 : i32
          %dma_wait3A_174 = tpu.memref_slice %arg2[%mul3A_168, %dma_wait3A_173] : memref<320000x128xf32, #tpu.memory_space<hbm>> -> memref<200x128xf32, #tpu.memory_space<hbm>>
          tpu.wait_dma2 semaphore(%run_scoped3A : memref<!tpu.dma_semaphore, #tpu.memory_space<semaphore_mem>>) src(%dma_wait3A_174 : memref<200x128xf32, #tpu.memory_space<hbm>>) dst(%arg8 : memref<200x128xf32, #tpu.memory_space<vmem>>)
          tpu.yield
        }) : () -> ()
        "tpu.region"() ({
          %run_scoped3A = tpu.sem_alloc : memref<!tpu.dma_semaphore, #tpu.memory_space<semaphore_mem>>
          %dma_start3A = arith.constant 0 : i32
          %dma_start3A_169 = arith.constant 0 : i32
          %dma_start3A_170 = tpu.memref_slice %arg6[%dma_start3A, %dma_start3A_169] : memref<10000x128xf32, #tpu.memory_space<vmem_shared>> -> memref<10000x128xf32, #tpu.memory_space<vmem_shared>>
          tpu.enqueue_indirect_dma source(%arg8 : memref<200x128xf32, #tpu.memory_space<vmem>>) target(%dma_start3A_170 : memref<10000x128xf32, #tpu.memory_space<vmem_shared>>) offsets(%arg7 : memref<200xi32, #tpu.memory_space<vmem>>) semaphore(%run_scoped3A : memref<!tpu.dma_semaphore, #tpu.memory_space<semaphore_mem>>) {add = true}
          %dma_wait3A = arith.constant 0 : i32
          %dma_wait3A_171 = arith.constant 0 : i32
          %dma_wait3A_172 = tpu.memref_slice %arg6[%dma_wait3A, %dma_wait3A_171] : memref<10000x128xf32, #tpu.memory_space<vmem_shared>> -> memref<10000x128xf32, #tpu.memory_space<vmem_shared>>
          tpu.wait_indirect_dma semaphore(%run_scoped3A : memref<!tpu.dma_semaphore, #tpu.memory_space<semaphore_mem>>) src(%arg8 : memref<200x128xf32, #tpu.memory_space<vmem>>) dst(%dma_wait3A_172 : memref<10000x128xf32, #tpu.memory_space<vmem_shared>>)
          tpu.yield
        }) : () -> ()
      }
      %scan3A_163 = arith.constant 100 : i32
    } else {
    }
    %barrier3A_19 = arith.constant 0 : index
    tpu.barrier barrier_id(%barrier3A_19)
    %eq3A_20 = arith.constant 0 : i32
    %eq3A_21 = arith.cmpi eq, %arg0, %eq3A_20 : i32
    %eq3A_22 = arith.constant 2 : i32
    %eq3A_23 = arith.cmpi eq, %arg1, %eq3A_22 : i32
    %and3A_24 = arith.andi %eq3A_21, %eq3A_23 : i1
    %convert_element_type3A_25 = arith.extui %and3A_24 : i1 to i32
    %cond3A_26 = arith.constant 0 : i32
    %cond3A_27 = arith.cmpi ne, %convert_element_type3A_25, %cond3A_26 : i32
    scf.if %cond3A_27 {
      %scan3A = arith.constant 0 : i32
      %scan3A_159 = arith.constant 200 : i32
      %scan3A_160 = arith.constant 100 : i32
      %scan3A_161 = arith.addi %scan3A_159, %scan3A_160 : i32
      %scan3A_162 = arith.constant 1 : i32
      scf.for %scan3A_164 = %scan3A_159 to %scan3A_161 step %scan3A_162  : i32 {
        %mul3A_165 = arith.constant 200 : i32
        %mul3A_166 = arith.muli %scan3A_164, %mul3A_165 : i32
        "tpu.region"() ({
          %run_scoped3A = tpu.sem_alloc : memref<!tpu.dma_semaphore, #tpu.memory_space<semaphore_mem>>
          %dma_start3A = tpu.memref_slice %arg3[%mul3A_166] : memref<320000xi32, #tpu.memory_space<hbm>> -> memref<200xi32, #tpu.memory_space<hbm>>
          %dma_start3A_169 = tpu.memref_slice %arg3[%mul3A_166] : memref<320000xi32, #tpu.memory_space<hbm>> -> memref<200xi32, #tpu.memory_space<hbm>>
          tpu.enqueue_dma source(%dma_start3A_169 : memref<200xi32, #tpu.memory_space<hbm>>) target(%arg7 : memref<200xi32, #tpu.memory_space<vmem>>) target_semaphore(%run_scoped3A : memref<!tpu.dma_semaphore, #tpu.memory_space<semaphore_mem>>)
          %dma_wait3A = tpu.memref_slice %arg3[%mul3A_166] : memref<320000xi32, #tpu.memory_space<hbm>> -> memref<200xi32, #tpu.memory_space<hbm>>
          %dma_wait3A_170 = tpu.memref_slice %arg3[%mul3A_166] : memref<320000xi32, #tpu.memory_space<hbm>> -> memref<200xi32, #tpu.memory_space<hbm>>
          tpu.wait_dma2 semaphore(%run_scoped3A : memref<!tpu.dma_semaphore, #tpu.memory_space<semaphore_mem>>) src(%dma_wait3A_170 : memref<200xi32, #tpu.memory_space<hbm>>) dst(%arg7 : memref<200xi32, #tpu.memory_space<vmem>>)
          tpu.yield
        }) : () -> ()
        %mul3A_167 = arith.constant 200 : i32
        %mul3A_168 = arith.muli %scan3A_164, %mul3A_167 : i32
        "tpu.region"() ({
          %run_scoped3A = tpu.sem_alloc : memref<!tpu.dma_semaphore, #tpu.memory_space<semaphore_mem>>
          %dma_start3A = arith.constant 0 : i32
          %dma_start3A_169 = tpu.memref_slice %arg2[%mul3A_168, %dma_start3A] : memref<320000x128xf32, #tpu.memory_space<hbm>> -> memref<200x128xf32, #tpu.memory_space<hbm>>
          %dma_start3A_170 = arith.constant 0 : i32
          %dma_start3A_171 = tpu.memref_slice %arg2[%mul3A_168, %dma_start3A_170] : memref<320000x128xf32, #tpu.memory_space<hbm>> -> memref<200x128xf32, #tpu.memory_space<hbm>>
          tpu.enqueue_dma source(%dma_start3A_171 : memref<200x128xf32, #tpu.memory_space<hbm>>) target(%arg8 : memref<200x128xf32, #tpu.memory_space<vmem>>) target_semaphore(%run_scoped3A : memref<!tpu.dma_semaphore, #tpu.memory_space<semaphore_mem>>)
          %dma_wait3A = arith.constant 0 : i32
          %dma_wait3A_172 = tpu.memref_slice %arg2[%mul3A_168, %dma_wait3A] : memref<320000x128xf32, #tpu.memory_space<hbm>> -> memref<200x128xf32, #tpu.memory_space<hbm>>
          %dma_wait3A_173 = arith.constant 0 : i32
          %dma_wait3A_174 = tpu.memref_slice %arg2[%mul3A_168, %dma_wait3A_173] : memref<320000x128xf32, #tpu.memory_space<hbm>> -> memref<200x128xf32, #tpu.memory_space<hbm>>
          tpu.wait_dma2 semaphore(%run_scoped3A : memref<!tpu.dma_semaphore, #tpu.memory_space<semaphore_mem>>) src(%dma_wait3A_174 : memref<200x128xf32, #tpu.memory_space<hbm>>) dst(%arg8 : memref<200x128xf32, #tpu.memory_space<vmem>>)
          tpu.yield
        }) : () -> ()
        "tpu.region"() ({
          %run_scoped3A = tpu.sem_alloc : memref<!tpu.dma_semaphore, #tpu.memory_space<semaphore_mem>>
          %dma_start3A = arith.constant 0 : i32
          %dma_start3A_169 = arith.constant 0 : i32
          %dma_start3A_170 = tpu.memref_slice %arg6[%dma_start3A, %dma_start3A_169] : memref<10000x128xf32, #tpu.memory_space<vmem_shared>> -> memref<10000x128xf32, #tpu.memory_space<vmem_shared>>
          tpu.enqueue_indirect_dma source(%arg8 : memref<200x128xf32, #tpu.memory_space<vmem>>) target(%dma_start3A_170 : memref<10000x128xf32, #tpu.memory_space<vmem_shared>>) offsets(%arg7 : memref<200xi32, #tpu.memory_space<vmem>>) semaphore(%run_scoped3A : memref<!tpu.dma_semaphore, #tpu.memory_space<semaphore_mem>>) {add = true}
          %dma_wait3A = arith.constant 0 : i32
          %dma_wait3A_171 = arith.constant 0 : i32
          %dma_wait3A_172 = tpu.memref_slice %arg6[%dma_wait3A, %dma_wait3A_171] : memref<10000x128xf32, #tpu.memory_space<vmem_shared>> -> memref<10000x128xf32, #tpu.memory_space<vmem_shared>>
          tpu.wait_indirect_dma semaphore(%run_scoped3A : memref<!tpu.dma_semaphore, #tpu.memory_space<semaphore_mem>>) src(%arg8 : memref<200x128xf32, #tpu.memory_space<vmem>>) dst(%dma_wait3A_172 : memref<10000x128xf32, #tpu.memory_space<vmem_shared>>)
          tpu.yield
        }) : () -> ()
      }
      %scan3A_163 = arith.constant 100 : i32
    } else {
    }
    %barrier3A_28 = arith.constant 0 : index
    tpu.barrier barrier_id(%barrier3A_28)
    %eq3A_29 = arith.constant 0 : i32
    %eq3A_30 = arith.cmpi eq, %arg0, %eq3A_29 : i32
    %eq3A_31 = arith.constant 3 : i32
    %eq3A_32 = arith.cmpi eq, %arg1, %eq3A_31 : i32
    %and3A_33 = arith.andi %eq3A_30, %eq3A_32 : i1
    %convert_element_type3A_34 = arith.extui %and3A_33 : i1 to i32
    %cond3A_35 = arith.constant 0 : i32
    %cond3A_36 = arith.cmpi ne, %convert_element_type3A_34, %cond3A_35 : i32
    scf.if %cond3A_36 {
      %scan3A = arith.constant 0 : i32
      %scan3A_159 = arith.constant 300 : i32
      %scan3A_160 = arith.constant 100 : i32
      %scan3A_161 = arith.addi %scan3A_159, %scan3A_160 : i32
      %scan3A_162 = arith.constant 1 : i32
      scf.for %scan3A_164 = %scan3A_159 to %scan3A_161 step %scan3A_162  : i32 {
        %mul3A_165 = arith.constant 200 : i32
        %mul3A_166 = arith.muli %scan3A_164, %mul3A_165 : i32
        "tpu.region"() ({
          %run_scoped3A = tpu.sem_alloc : memref<!tpu.dma_semaphore, #tpu.memory_space<semaphore_mem>>
          %dma_start3A = tpu.memref_slice %arg3[%mul3A_166] : memref<320000xi32, #tpu.memory_space<hbm>> -> memref<200xi32, #tpu.memory_space<hbm>>
          %dma_start3A_169 = tpu.memref_slice %arg3[%mul3A_166] : memref<320000xi32, #tpu.memory_space<hbm>> -> memref<200xi32, #tpu.memory_space<hbm>>
          tpu.enqueue_dma source(%dma_start3A_169 : memref<200xi32, #tpu.memory_space<hbm>>) target(%arg7 : memref<200xi32, #tpu.memory_space<vmem>>) target_semaphore(%run_scoped3A : memref<!tpu.dma_semaphore, #tpu.memory_space<semaphore_mem>>)
          %dma_wait3A = tpu.memref_slice %arg3[%mul3A_166] : memref<320000xi32, #tpu.memory_space<hbm>> -> memref<200xi32, #tpu.memory_space<hbm>>
          %dma_wait3A_170 = tpu.memref_slice %arg3[%mul3A_166] : memref<320000xi32, #tpu.memory_space<hbm>> -> memref<200xi32, #tpu.memory_space<hbm>>
          tpu.wait_dma2 semaphore(%run_scoped3A : memref<!tpu.dma_semaphore, #tpu.memory_space<semaphore_mem>>) src(%dma_wait3A_170 : memref<200xi32, #tpu.memory_space<hbm>>) dst(%arg7 : memref<200xi32, #tpu.memory_space<vmem>>)
          tpu.yield
        }) : () -> ()
        %mul3A_167 = arith.constant 200 : i32
        %mul3A_168 = arith.muli %scan3A_164, %mul3A_167 : i32
        "tpu.region"() ({
          %run_scoped3A = tpu.sem_alloc : memref<!tpu.dma_semaphore, #tpu.memory_space<semaphore_mem>>
          %dma_start3A = arith.constant 0 : i32
          %dma_start3A_169 = tpu.memref_slice %arg2[%mul3A_168, %dma_start3A] : memref<320000x128xf32, #tpu.memory_space<hbm>> -> memref<200x128xf32, #tpu.memory_space<hbm>>
          %dma_start3A_170 = arith.constant 0 : i32
          %dma_start3A_171 = tpu.memref_slice %arg2[%mul3A_168, %dma_start3A_170] : memref<320000x128xf32, #tpu.memory_space<hbm>> -> memref<200x128xf32, #tpu.memory_space<hbm>>
          tpu.enqueue_dma source(%dma_start3A_171 : memref<200x128xf32, #tpu.memory_space<hbm>>) target(%arg8 : memref<200x128xf32, #tpu.memory_space<vmem>>) target_semaphore(%run_scoped3A : memref<!tpu.dma_semaphore, #tpu.memory_space<semaphore_mem>>)
          %dma_wait3A = arith.constant 0 : i32
          %dma_wait3A_172 = tpu.memref_slice %arg2[%mul3A_168, %dma_wait3A] : memref<320000x128xf32, #tpu.memory_space<hbm>> -> memref<200x128xf32, #tpu.memory_space<hbm>>
          %dma_wait3A_173 = arith.constant 0 : i32
          %dma_wait3A_174 = tpu.memref_slice %arg2[%mul3A_168, %dma_wait3A_173] : memref<320000x128xf32, #tpu.memory_space<hbm>> -> memref<200x128xf32, #tpu.memory_space<hbm>>
          tpu.wait_dma2 semaphore(%run_scoped3A : memref<!tpu.dma_semaphore, #tpu.memory_space<semaphore_mem>>) src(%dma_wait3A_174 : memref<200x128xf32, #tpu.memory_space<hbm>>) dst(%arg8 : memref<200x128xf32, #tpu.memory_space<vmem>>)
          tpu.yield
        }) : () -> ()
        "tpu.region"() ({
          %run_scoped3A = tpu.sem_alloc : memref<!tpu.dma_semaphore, #tpu.memory_space<semaphore_mem>>
          %dma_start3A = arith.constant 0 : i32
          %dma_start3A_169 = arith.constant 0 : i32
          %dma_start3A_170 = tpu.memref_slice %arg6[%dma_start3A, %dma_start3A_169] : memref<10000x128xf32, #tpu.memory_space<vmem_shared>> -> memref<10000x128xf32, #tpu.memory_space<vmem_shared>>
          tpu.enqueue_indirect_dma source(%arg8 : memref<200x128xf32, #tpu.memory_space<vmem>>) target(%dma_start3A_170 : memref<10000x128xf32, #tpu.memory_space<vmem_shared>>) offsets(%arg7 : memref<200xi32, #tpu.memory_space<vmem>>) semaphore(%run_scoped3A : memref<!tpu.dma_semaphore, #tpu.memory_space<semaphore_mem>>) {add = true}
          %dma_wait3A = arith.constant 0 : i32
          %dma_wait3A_171 = arith.constant 0 : i32
          %dma_wait3A_172 = tpu.memref_slice %arg6[%dma_wait3A, %dma_wait3A_171] : memref<10000x128xf32, #tpu.memory_space<vmem_shared>> -> memref<10000x128xf32, #tpu.memory_space<vmem_shared>>
          tpu.wait_indirect_dma semaphore(%run_scoped3A : memref<!tpu.dma_semaphore, #tpu.memory_space<semaphore_mem>>) src(%arg8 : memref<200x128xf32, #tpu.memory_space<vmem>>) dst(%dma_wait3A_172 : memref<10000x128xf32, #tpu.memory_space<vmem_shared>>)
          tpu.yield
        }) : () -> ()
      }
      %scan3A_163 = arith.constant 100 : i32
    } else {
    }
    %barrier3A_37 = arith.constant 0 : index
    tpu.barrier barrier_id(%barrier3A_37)
    %eq3A_38 = arith.constant 0 : i32
    %eq3A_39 = arith.cmpi eq, %arg0, %eq3A_38 : i32
    %eq3A_40 = arith.constant 4 : i32
    %eq3A_41 = arith.cmpi eq, %arg1, %eq3A_40 : i32
    %and3A_42 = arith.andi %eq3A_39, %eq3A_41 : i1
    %convert_element_type3A_43 = arith.extui %and3A_42 : i1 to i32
    %cond3A_44 = arith.constant 0 : i32
    %cond3A_45 = arith.cmpi ne, %convert_element_type3A_43, %cond3A_44 : i32
    scf.if %cond3A_45 {
      %scan3A = arith.constant 0 : i32
      %scan3A_159 = arith.constant 400 : i32
      %scan3A_160 = arith.constant 100 : i32
      %scan3A_161 = arith.addi %scan3A_159, %scan3A_160 : i32
      %scan3A_162 = arith.constant 1 : i32
      scf.for %scan3A_164 = %scan3A_159 to %scan3A_161 step %scan3A_162  : i32 {
        %mul3A_165 = arith.constant 200 : i32
        %mul3A_166 = arith.muli %scan3A_164, %mul3A_165 : i32
        "tpu.region"() ({
          %run_scoped3A = tpu.sem_alloc : memref<!tpu.dma_semaphore, #tpu.memory_space<semaphore_mem>>
          %dma_start3A = tpu.memref_slice %arg3[%mul3A_166] : memref<320000xi32, #tpu.memory_space<hbm>> -> memref<200xi32, #tpu.memory_space<hbm>>
          %dma_start3A_169 = tpu.memref_slice %arg3[%mul3A_166] : memref<320000xi32, #tpu.memory_space<hbm>> -> memref<200xi32, #tpu.memory_space<hbm>>
          tpu.enqueue_dma source(%dma_start3A_169 : memref<200xi32, #tpu.memory_space<hbm>>) target(%arg7 : memref<200xi32, #tpu.memory_space<vmem>>) target_semaphore(%run_scoped3A : memref<!tpu.dma_semaphore, #tpu.memory_space<semaphore_mem>>)
          %dma_wait3A = tpu.memref_slice %arg3[%mul3A_166] : memref<320000xi32, #tpu.memory_space<hbm>> -> memref<200xi32, #tpu.memory_space<hbm>>
          %dma_wait3A_170 = tpu.memref_slice %arg3[%mul3A_166] : memref<320000xi32, #tpu.memory_space<hbm>> -> memref<200xi32, #tpu.memory_space<hbm>>
          tpu.wait_dma2 semaphore(%run_scoped3A : memref<!tpu.dma_semaphore, #tpu.memory_space<semaphore_mem>>) src(%dma_wait3A_170 : memref<200xi32, #tpu.memory_space<hbm>>) dst(%arg7 : memref<200xi32, #tpu.memory_space<vmem>>)
          tpu.yield
        }) : () -> ()
        %mul3A_167 = arith.constant 200 : i32
        %mul3A_168 = arith.muli %scan3A_164, %mul3A_167 : i32
        "tpu.region"() ({
          %run_scoped3A = tpu.sem_alloc : memref<!tpu.dma_semaphore, #tpu.memory_space<semaphore_mem>>
          %dma_start3A = arith.constant 0 : i32
          %dma_start3A_169 = tpu.memref_slice %arg2[%mul3A_168, %dma_start3A] : memref<320000x128xf32, #tpu.memory_space<hbm>> -> memref<200x128xf32, #tpu.memory_space<hbm>>
          %dma_start3A_170 = arith.constant 0 : i32
          %dma_start3A_171 = tpu.memref_slice %arg2[%mul3A_168, %dma_start3A_170] : memref<320000x128xf32, #tpu.memory_space<hbm>> -> memref<200x128xf32, #tpu.memory_space<hbm>>
          tpu.enqueue_dma source(%dma_start3A_171 : memref<200x128xf32, #tpu.memory_space<hbm>>) target(%arg8 : memref<200x128xf32, #tpu.memory_space<vmem>>) target_semaphore(%run_scoped3A : memref<!tpu.dma_semaphore, #tpu.memory_space<semaphore_mem>>)
          %dma_wait3A = arith.constant 0 : i32
          %dma_wait3A_172 = tpu.memref_slice %arg2[%mul3A_168, %dma_wait3A] : memref<320000x128xf32, #tpu.memory_space<hbm>> -> memref<200x128xf32, #tpu.memory_space<hbm>>
          %dma_wait3A_173 = arith.constant 0 : i32
          %dma_wait3A_174 = tpu.memref_slice %arg2[%mul3A_168, %dma_wait3A_173] : memref<320000x128xf32, #tpu.memory_space<hbm>> -> memref<200x128xf32, #tpu.memory_space<hbm>>
          tpu.wait_dma2 semaphore(%run_scoped3A : memref<!tpu.dma_semaphore, #tpu.memory_space<semaphore_mem>>) src(%dma_wait3A_174 : memref<200x128xf32, #tpu.memory_space<hbm>>) dst(%arg8 : memref<200x128xf32, #tpu.memory_space<vmem>>)
          tpu.yield
        }) : () -> ()
        "tpu.region"() ({
          %run_scoped3A = tpu.sem_alloc : memref<!tpu.dma_semaphore, #tpu.memory_space<semaphore_mem>>
          %dma_start3A = arith.constant 0 : i32
          %dma_start3A_169 = arith.constant 0 : i32
          %dma_start3A_170 = tpu.memref_slice %arg6[%dma_start3A, %dma_start3A_169] : memref<10000x128xf32, #tpu.memory_space<vmem_shared>> -> memref<10000x128xf32, #tpu.memory_space<vmem_shared>>
          tpu.enqueue_indirect_dma source(%arg8 : memref<200x128xf32, #tpu.memory_space<vmem>>) target(%dma_start3A_170 : memref<10000x128xf32, #tpu.memory_space<vmem_shared>>) offsets(%arg7 : memref<200xi32, #tpu.memory_space<vmem>>) semaphore(%run_scoped3A : memref<!tpu.dma_semaphore, #tpu.memory_space<semaphore_mem>>) {add = true}
          %dma_wait3A = arith.constant 0 : i32
          %dma_wait3A_171 = arith.constant 0 : i32
          %dma_wait3A_172 = tpu.memref_slice %arg6[%dma_wait3A, %dma_wait3A_171] : memref<10000x128xf32, #tpu.memory_space<vmem_shared>> -> memref<10000x128xf32, #tpu.memory_space<vmem_shared>>
          tpu.wait_indirect_dma semaphore(%run_scoped3A : memref<!tpu.dma_semaphore, #tpu.memory_space<semaphore_mem>>) src(%arg8 : memref<200x128xf32, #tpu.memory_space<vmem>>) dst(%dma_wait3A_172 : memref<10000x128xf32, #tpu.memory_space<vmem_shared>>)
          tpu.yield
        }) : () -> ()
      }
      %scan3A_163 = arith.constant 100 : i32
    } else {
    }
    %barrier3A_46 = arith.constant 0 : index
    tpu.barrier barrier_id(%barrier3A_46)
    %eq3A_47 = arith.constant 0 : i32
    %eq3A_48 = arith.cmpi eq, %arg0, %eq3A_47 : i32
    %eq3A_49 = arith.constant 5 : i32
    %eq3A_50 = arith.cmpi eq, %arg1, %eq3A_49 : i32
    %and3A_51 = arith.andi %eq3A_48, %eq3A_50 : i1
    %convert_element_type3A_52 = arith.extui %and3A_51 : i1 to i32
    %cond3A_53 = arith.constant 0 : i32
    %cond3A_54 = arith.cmpi ne, %convert_element_type3A_52, %cond3A_53 : i32
    scf.if %cond3A_54 {
      %scan3A = arith.constant 0 : i32
      %scan3A_159 = arith.constant 500 : i32
      %scan3A_160 = arith.constant 100 : i32
      %scan3A_161 = arith.addi %scan3A_159, %scan3A_160 : i32
      %scan3A_162 = arith.constant 1 : i32
      scf.for %scan3A_164 = %scan3A_159 to %scan3A_161 step %scan3A_162  : i32 {
        %mul3A_165 = arith.constant 200 : i32
        %mul3A_166 = arith.muli %scan3A_164, %mul3A_165 : i32
        "tpu.region"() ({
          %run_scoped3A = tpu.sem_alloc : memref<!tpu.dma_semaphore, #tpu.memory_space<semaphore_mem>>
          %dma_start3A = tpu.memref_slice %arg3[%mul3A_166] : memref<320000xi32, #tpu.memory_space<hbm>> -> memref<200xi32, #tpu.memory_space<hbm>>
          %dma_start3A_169 = tpu.memref_slice %arg3[%mul3A_166] : memref<320000xi32, #tpu.memory_space<hbm>> -> memref<200xi32, #tpu.memory_space<hbm>>
          tpu.enqueue_dma source(%dma_start3A_169 : memref<200xi32, #tpu.memory_space<hbm>>) target(%arg7 : memref<200xi32, #tpu.memory_space<vmem>>) target_semaphore(%run_scoped3A : memref<!tpu.dma_semaphore, #tpu.memory_space<semaphore_mem>>)
          %dma_wait3A = tpu.memref_slice %arg3[%mul3A_166] : memref<320000xi32, #tpu.memory_space<hbm>> -> memref<200xi32, #tpu.memory_space<hbm>>
          %dma_wait3A_170 = tpu.memref_slice %arg3[%mul3A_166] : memref<320000xi32, #tpu.memory_space<hbm>> -> memref<200xi32, #tpu.memory_space<hbm>>
          tpu.wait_dma2 semaphore(%run_scoped3A : memref<!tpu.dma_semaphore, #tpu.memory_space<semaphore_mem>>) src(%dma_wait3A_170 : memref<200xi32, #tpu.memory_space<hbm>>) dst(%arg7 : memref<200xi32, #tpu.memory_space<vmem>>)
          tpu.yield
        }) : () -> ()
        %mul3A_167 = arith.constant 200 : i32
        %mul3A_168 = arith.muli %scan3A_164, %mul3A_167 : i32
        "tpu.region"() ({
          %run_scoped3A = tpu.sem_alloc : memref<!tpu.dma_semaphore, #tpu.memory_space<semaphore_mem>>
          %dma_start3A = arith.constant 0 : i32
          %dma_start3A_169 = tpu.memref_slice %arg2[%mul3A_168, %dma_start3A] : memref<320000x128xf32, #tpu.memory_space<hbm>> -> memref<200x128xf32, #tpu.memory_space<hbm>>
          %dma_start3A_170 = arith.constant 0 : i32
          %dma_start3A_171 = tpu.memref_slice %arg2[%mul3A_168, %dma_start3A_170] : memref<320000x128xf32, #tpu.memory_space<hbm>> -> memref<200x128xf32, #tpu.memory_space<hbm>>
          tpu.enqueue_dma source(%dma_start3A_171 : memref<200x128xf32, #tpu.memory_space<hbm>>) target(%arg8 : memref<200x128xf32, #tpu.memory_space<vmem>>) target_semaphore(%run_scoped3A : memref<!tpu.dma_semaphore, #tpu.memory_space<semaphore_mem>>)
          %dma_wait3A = arith.constant 0 : i32
          %dma_wait3A_172 = tpu.memref_slice %arg2[%mul3A_168, %dma_wait3A] : memref<320000x128xf32, #tpu.memory_space<hbm>> -> memref<200x128xf32, #tpu.memory_space<hbm>>
          %dma_wait3A_173 = arith.constant 0 : i32
          %dma_wait3A_174 = tpu.memref_slice %arg2[%mul3A_168, %dma_wait3A_173] : memref<320000x128xf32, #tpu.memory_space<hbm>> -> memref<200x128xf32, #tpu.memory_space<hbm>>
          tpu.wait_dma2 semaphore(%run_scoped3A : memref<!tpu.dma_semaphore, #tpu.memory_space<semaphore_mem>>) src(%dma_wait3A_174 : memref<200x128xf32, #tpu.memory_space<hbm>>) dst(%arg8 : memref<200x128xf32, #tpu.memory_space<vmem>>)
          tpu.yield
        }) : () -> ()
        "tpu.region"() ({
          %run_scoped3A = tpu.sem_alloc : memref<!tpu.dma_semaphore, #tpu.memory_space<semaphore_mem>>
          %dma_start3A = arith.constant 0 : i32
          %dma_start3A_169 = arith.constant 0 : i32
          %dma_start3A_170 = tpu.memref_slice %arg6[%dma_start3A, %dma_start3A_169] : memref<10000x128xf32, #tpu.memory_space<vmem_shared>> -> memref<10000x128xf32, #tpu.memory_space<vmem_shared>>
          tpu.enqueue_indirect_dma source(%arg8 : memref<200x128xf32, #tpu.memory_space<vmem>>) target(%dma_start3A_170 : memref<10000x128xf32, #tpu.memory_space<vmem_shared>>) offsets(%arg7 : memref<200xi32, #tpu.memory_space<vmem>>) semaphore(%run_scoped3A : memref<!tpu.dma_semaphore, #tpu.memory_space<semaphore_mem>>) {add = true}
          %dma_wait3A = arith.constant 0 : i32
          %dma_wait3A_171 = arith.constant 0 : i32
          %dma_wait3A_172 = tpu.memref_slice %arg6[%dma_wait3A, %dma_wait3A_171] : memref<10000x128xf32, #tpu.memory_space<vmem_shared>> -> memref<10000x128xf32, #tpu.memory_space<vmem_shared>>
          tpu.wait_indirect_dma semaphore(%run_scoped3A : memref<!tpu.dma_semaphore, #tpu.memory_space<semaphore_mem>>) src(%arg8 : memref<200x128xf32, #tpu.memory_space<vmem>>) dst(%dma_wait3A_172 : memref<10000x128xf32, #tpu.memory_space<vmem_shared>>)
          tpu.yield
        }) : () -> ()
      }
      %scan3A_163 = arith.constant 100 : i32
    } else {
    }
    %barrier3A_55 = arith.constant 0 : index
    tpu.barrier barrier_id(%barrier3A_55)
    %eq3A_56 = arith.constant 0 : i32
    %eq3A_57 = arith.cmpi eq, %arg0, %eq3A_56 : i32
    %eq3A_58 = arith.constant 6 : i32
    %eq3A_59 = arith.cmpi eq, %arg1, %eq3A_58 : i32
    %and3A_60 = arith.andi %eq3A_57, %eq3A_59 : i1
    %convert_element_type3A_61 = arith.extui %and3A_60 : i1 to i32
    %cond3A_62 = arith.constant 0 : i32
    %cond3A_63 = arith.cmpi ne, %convert_element_type3A_61, %cond3A_62 : i32
    scf.if %cond3A_63 {
      %scan3A = arith.constant 0 : i32
      %scan3A_159 = arith.constant 600 : i32
      %scan3A_160 = arith.constant 100 : i32
      %scan3A_161 = arith.addi %scan3A_159, %scan3A_160 : i32
      %scan3A_162 = arith.constant 1 : i32
      scf.for %scan3A_164 = %scan3A_159 to %scan3A_161 step %scan3A_162  : i32 {
        %mul3A_165 = arith.constant 200 : i32
        %mul3A_166 = arith.muli %scan3A_164, %mul3A_165 : i32
        "tpu.region"() ({
          %run_scoped3A = tpu.sem_alloc : memref<!tpu.dma_semaphore, #tpu.memory_space<semaphore_mem>>
          %dma_start3A = tpu.memref_slice %arg3[%mul3A_166] : memref<320000xi32, #tpu.memory_space<hbm>> -> memref<200xi32, #tpu.memory_space<hbm>>
          %dma_start3A_169 = tpu.memref_slice %arg3[%mul3A_166] : memref<320000xi32, #tpu.memory_space<hbm>> -> memref<200xi32, #tpu.memory_space<hbm>>
          tpu.enqueue_dma source(%dma_start3A_169 : memref<200xi32, #tpu.memory_space<hbm>>) target(%arg7 : memref<200xi32, #tpu.memory_space<vmem>>) target_semaphore(%run_scoped3A : memref<!tpu.dma_semaphore, #tpu.memory_space<semaphore_mem>>)
          %dma_wait3A = tpu.memref_slice %arg3[%mul3A_166] : memref<320000xi32, #tpu.memory_space<hbm>> -> memref<200xi32, #tpu.memory_space<hbm>>
          %dma_wait3A_170 = tpu.memref_slice %arg3[%mul3A_166] : memref<320000xi32, #tpu.memory_space<hbm>> -> memref<200xi32, #tpu.memory_space<hbm>>
          tpu.wait_dma2 semaphore(%run_scoped3A : memref<!tpu.dma_semaphore, #tpu.memory_space<semaphore_mem>>) src(%dma_wait3A_170 : memref<200xi32, #tpu.memory_space<hbm>>) dst(%arg7 : memref<200xi32, #tpu.memory_space<vmem>>)
          tpu.yield
        }) : () -> ()
        %mul3A_167 = arith.constant 200 : i32
        %mul3A_168 = arith.muli %scan3A_164, %mul3A_167 : i32
        "tpu.region"() ({
          %run_scoped3A = tpu.sem_alloc : memref<!tpu.dma_semaphore, #tpu.memory_space<semaphore_mem>>
          %dma_start3A = arith.constant 0 : i32
          %dma_start3A_169 = tpu.memref_slice %arg2[%mul3A_168, %dma_start3A] : memref<320000x128xf32, #tpu.memory_space<hbm>> -> memref<200x128xf32, #tpu.memory_space<hbm>>
          %dma_start3A_170 = arith.constant 0 : i32
          %dma_start3A_171 = tpu.memref_slice %arg2[%mul3A_168, %dma_start3A_170] : memref<320000x128xf32, #tpu.memory_space<hbm>> -> memref<200x128xf32, #tpu.memory_space<hbm>>
          tpu.enqueue_dma source(%dma_start3A_171 : memref<200x128xf32, #tpu.memory_space<hbm>>) target(%arg8 : memref<200x128xf32, #tpu.memory_space<vmem>>) target_semaphore(%run_scoped3A : memref<!tpu.dma_semaphore, #tpu.memory_space<semaphore_mem>>)
          %dma_wait3A = arith.constant 0 : i32
          %dma_wait3A_172 = tpu.memref_slice %arg2[%mul3A_168, %dma_wait3A] : memref<320000x128xf32, #tpu.memory_space<hbm>> -> memref<200x128xf32, #tpu.memory_space<hbm>>
          %dma_wait3A_173 = arith.constant 0 : i32
          %dma_wait3A_174 = tpu.memref_slice %arg2[%mul3A_168, %dma_wait3A_173] : memref<320000x128xf32, #tpu.memory_space<hbm>> -> memref<200x128xf32, #tpu.memory_space<hbm>>
          tpu.wait_dma2 semaphore(%run_scoped3A : memref<!tpu.dma_semaphore, #tpu.memory_space<semaphore_mem>>) src(%dma_wait3A_174 : memref<200x128xf32, #tpu.memory_space<hbm>>) dst(%arg8 : memref<200x128xf32, #tpu.memory_space<vmem>>)
          tpu.yield
        }) : () -> ()
        "tpu.region"() ({
          %run_scoped3A = tpu.sem_alloc : memref<!tpu.dma_semaphore, #tpu.memory_space<semaphore_mem>>
          %dma_start3A = arith.constant 0 : i32
          %dma_start3A_169 = arith.constant 0 : i32
          %dma_start3A_170 = tpu.memref_slice %arg6[%dma_start3A, %dma_start3A_169] : memref<10000x128xf32, #tpu.memory_space<vmem_shared>> -> memref<10000x128xf32, #tpu.memory_space<vmem_shared>>
          tpu.enqueue_indirect_dma source(%arg8 : memref<200x128xf32, #tpu.memory_space<vmem>>) target(%dma_start3A_170 : memref<10000x128xf32, #tpu.memory_space<vmem_shared>>) offsets(%arg7 : memref<200xi32, #tpu.memory_space<vmem>>) semaphore(%run_scoped3A : memref<!tpu.dma_semaphore, #tpu.memory_space<semaphore_mem>>) {add = true}
          %dma_wait3A = arith.constant 0 : i32
          %dma_wait3A_171 = arith.constant 0 : i32
          %dma_wait3A_172 = tpu.memref_slice %arg6[%dma_wait3A, %dma_wait3A_171] : memref<10000x128xf32, #tpu.memory_space<vmem_shared>> -> memref<10000x128xf32, #tpu.memory_space<vmem_shared>>
          tpu.wait_indirect_dma semaphore(%run_scoped3A : memref<!tpu.dma_semaphore, #tpu.memory_space<semaphore_mem>>) src(%arg8 : memref<200x128xf32, #tpu.memory_space<vmem>>) dst(%dma_wait3A_172 : memref<10000x128xf32, #tpu.memory_space<vmem_shared>>)
          tpu.yield
        }) : () -> ()
      }
      %scan3A_163 = arith.constant 100 : i32
    } else {
    }
    %barrier3A_64 = arith.constant 0 : index
    tpu.barrier barrier_id(%barrier3A_64)
    %eq3A_65 = arith.constant 0 : i32
    %eq3A_66 = arith.cmpi eq, %arg0, %eq3A_65 : i32
    %eq3A_67 = arith.constant 7 : i32
    %eq3A_68 = arith.cmpi eq, %arg1, %eq3A_67 : i32
    %and3A_69 = arith.andi %eq3A_66, %eq3A_68 : i1
    %convert_element_type3A_70 = arith.extui %and3A_69 : i1 to i32
    %cond3A_71 = arith.constant 0 : i32
    %cond3A_72 = arith.cmpi ne, %convert_element_type3A_70, %cond3A_71 : i32
    scf.if %cond3A_72 {
      %scan3A = arith.constant 0 : i32
      %scan3A_159 = arith.constant 700 : i32
      %scan3A_160 = arith.constant 100 : i32
      %scan3A_161 = arith.addi %scan3A_159, %scan3A_160 : i32
      %scan3A_162 = arith.constant 1 : i32
      scf.for %scan3A_164 = %scan3A_159 to %scan3A_161 step %scan3A_162  : i32 {
        %mul3A_165 = arith.constant 200 : i32
        %mul3A_166 = arith.muli %scan3A_164, %mul3A_165 : i32
        "tpu.region"() ({
          %run_scoped3A = tpu.sem_alloc : memref<!tpu.dma_semaphore, #tpu.memory_space<semaphore_mem>>
          %dma_start3A = tpu.memref_slice %arg3[%mul3A_166] : memref<320000xi32, #tpu.memory_space<hbm>> -> memref<200xi32, #tpu.memory_space<hbm>>
          %dma_start3A_169 = tpu.memref_slice %arg3[%mul3A_166] : memref<320000xi32, #tpu.memory_space<hbm>> -> memref<200xi32, #tpu.memory_space<hbm>>
          tpu.enqueue_dma source(%dma_start3A_169 : memref<200xi32, #tpu.memory_space<hbm>>) target(%arg7 : memref<200xi32, #tpu.memory_space<vmem>>) target_semaphore(%run_scoped3A : memref<!tpu.dma_semaphore, #tpu.memory_space<semaphore_mem>>)
          %dma_wait3A = tpu.memref_slice %arg3[%mul3A_166] : memref<320000xi32, #tpu.memory_space<hbm>> -> memref<200xi32, #tpu.memory_space<hbm>>
          %dma_wait3A_170 = tpu.memref_slice %arg3[%mul3A_166] : memref<320000xi32, #tpu.memory_space<hbm>> -> memref<200xi32, #tpu.memory_space<hbm>>
          tpu.wait_dma2 semaphore(%run_scoped3A : memref<!tpu.dma_semaphore, #tpu.memory_space<semaphore_mem>>) src(%dma_wait3A_170 : memref<200xi32, #tpu.memory_space<hbm>>) dst(%arg7 : memref<200xi32, #tpu.memory_space<vmem>>)
          tpu.yield
        }) : () -> ()
        %mul3A_167 = arith.constant 200 : i32
        %mul3A_168 = arith.muli %scan3A_164, %mul3A_167 : i32
        "tpu.region"() ({
          %run_scoped3A = tpu.sem_alloc : memref<!tpu.dma_semaphore, #tpu.memory_space<semaphore_mem>>
          %dma_start3A = arith.constant 0 : i32
          %dma_start3A_169 = tpu.memref_slice %arg2[%mul3A_168, %dma_start3A] : memref<320000x128xf32, #tpu.memory_space<hbm>> -> memref<200x128xf32, #tpu.memory_space<hbm>>
          %dma_start3A_170 = arith.constant 0 : i32
          %dma_start3A_171 = tpu.memref_slice %arg2[%mul3A_168, %dma_start3A_170] : memref<320000x128xf32, #tpu.memory_space<hbm>> -> memref<200x128xf32, #tpu.memory_space<hbm>>
          tpu.enqueue_dma source(%dma_start3A_171 : memref<200x128xf32, #tpu.memory_space<hbm>>) target(%arg8 : memref<200x128xf32, #tpu.memory_space<vmem>>) target_semaphore(%run_scoped3A : memref<!tpu.dma_semaphore, #tpu.memory_space<semaphore_mem>>)
          %dma_wait3A = arith.constant 0 : i32
          %dma_wait3A_172 = tpu.memref_slice %arg2[%mul3A_168, %dma_wait3A] : memref<320000x128xf32, #tpu.memory_space<hbm>> -> memref<200x128xf32, #tpu.memory_space<hbm>>
          %dma_wait3A_173 = arith.constant 0 : i32
          %dma_wait3A_174 = tpu.memref_slice %arg2[%mul3A_168, %dma_wait3A_173] : memref<320000x128xf32, #tpu.memory_space<hbm>> -> memref<200x128xf32, #tpu.memory_space<hbm>>
          tpu.wait_dma2 semaphore(%run_scoped3A : memref<!tpu.dma_semaphore, #tpu.memory_space<semaphore_mem>>) src(%dma_wait3A_174 : memref<200x128xf32, #tpu.memory_space<hbm>>) dst(%arg8 : memref<200x128xf32, #tpu.memory_space<vmem>>)
          tpu.yield
        }) : () -> ()
        "tpu.region"() ({
          %run_scoped3A = tpu.sem_alloc : memref<!tpu.dma_semaphore, #tpu.memory_space<semaphore_mem>>
          %dma_start3A = arith.constant 0 : i32
          %dma_start3A_169 = arith.constant 0 : i32
          %dma_start3A_170 = tpu.memref_slice %arg6[%dma_start3A, %dma_start3A_169] : memref<10000x128xf32, #tpu.memory_space<vmem_shared>> -> memref<10000x128xf32, #tpu.memory_space<vmem_shared>>
          tpu.enqueue_indirect_dma source(%arg8 : memref<200x128xf32, #tpu.memory_space<vmem>>) target(%dma_start3A_170 : memref<10000x128xf32, #tpu.memory_space<vmem_shared>>) offsets(%arg7 : memref<200xi32, #tpu.memory_space<vmem>>) semaphore(%run_scoped3A : memref<!tpu.dma_semaphore, #tpu.memory_space<semaphore_mem>>) {add = true}
          %dma_wait3A = arith.constant 0 : i32
          %dma_wait3A_171 = arith.constant 0 : i32
          %dma_wait3A_172 = tpu.memref_slice %arg6[%dma_wait3A, %dma_wait3A_171] : memref<10000x128xf32, #tpu.memory_space<vmem_shared>> -> memref<10000x128xf32, #tpu.memory_space<vmem_shared>>
          tpu.wait_indirect_dma semaphore(%run_scoped3A : memref<!tpu.dma_semaphore, #tpu.memory_space<semaphore_mem>>) src(%arg8 : memref<200x128xf32, #tpu.memory_space<vmem>>) dst(%dma_wait3A_172 : memref<10000x128xf32, #tpu.memory_space<vmem_shared>>)
          tpu.yield
        }) : () -> ()
      }
      %scan3A_163 = arith.constant 100 : i32
    } else {
    }
    %barrier3A_73 = arith.constant 0 : index
    tpu.barrier barrier_id(%barrier3A_73)
    %eq3A_74 = arith.constant 0 : i32
    %eq3A_75 = arith.cmpi eq, %arg0, %eq3A_74 : i32
    %eq3A_76 = arith.constant 8 : i32
    %eq3A_77 = arith.cmpi eq, %arg1, %eq3A_76 : i32
    %and3A_78 = arith.andi %eq3A_75, %eq3A_77 : i1
    %convert_element_type3A_79 = arith.extui %and3A_78 : i1 to i32
    %cond3A_80 = arith.constant 0 : i32
    %cond3A_81 = arith.cmpi ne, %convert_element_type3A_79, %cond3A_80 : i32
    scf.if %cond3A_81 {
      %scan3A = arith.constant 0 : i32
      %scan3A_159 = arith.constant 800 : i32
      %scan3A_160 = arith.constant 100 : i32
      %scan3A_161 = arith.addi %scan3A_159, %scan3A_160 : i32
      %scan3A_162 = arith.constant 1 : i32
      scf.for %scan3A_164 = %scan3A_159 to %scan3A_161 step %scan3A_162  : i32 {
        %mul3A_165 = arith.constant 200 : i32
        %mul3A_166 = arith.muli %scan3A_164, %mul3A_165 : i32
        "tpu.region"() ({
          %run_scoped3A = tpu.sem_alloc : memref<!tpu.dma_semaphore, #tpu.memory_space<semaphore_mem>>
          %dma_start3A = tpu.memref_slice %arg3[%mul3A_166] : memref<320000xi32, #tpu.memory_space<hbm>> -> memref<200xi32, #tpu.memory_space<hbm>>
          %dma_start3A_169 = tpu.memref_slice %arg3[%mul3A_166] : memref<320000xi32, #tpu.memory_space<hbm>> -> memref<200xi32, #tpu.memory_space<hbm>>
          tpu.enqueue_dma source(%dma_start3A_169 : memref<200xi32, #tpu.memory_space<hbm>>) target(%arg7 : memref<200xi32, #tpu.memory_space<vmem>>) target_semaphore(%run_scoped3A : memref<!tpu.dma_semaphore, #tpu.memory_space<semaphore_mem>>)
          %dma_wait3A = tpu.memref_slice %arg3[%mul3A_166] : memref<320000xi32, #tpu.memory_space<hbm>> -> memref<200xi32, #tpu.memory_space<hbm>>
          %dma_wait3A_170 = tpu.memref_slice %arg3[%mul3A_166] : memref<320000xi32, #tpu.memory_space<hbm>> -> memref<200xi32, #tpu.memory_space<hbm>>
          tpu.wait_dma2 semaphore(%run_scoped3A : memref<!tpu.dma_semaphore, #tpu.memory_space<semaphore_mem>>) src(%dma_wait3A_170 : memref<200xi32, #tpu.memory_space<hbm>>) dst(%arg7 : memref<200xi32, #tpu.memory_space<vmem>>)
          tpu.yield
        }) : () -> ()
        %mul3A_167 = arith.constant 200 : i32
        %mul3A_168 = arith.muli %scan3A_164, %mul3A_167 : i32
        "tpu.region"() ({
          %run_scoped3A = tpu.sem_alloc : memref<!tpu.dma_semaphore, #tpu.memory_space<semaphore_mem>>
          %dma_start3A = arith.constant 0 : i32
          %dma_start3A_169 = tpu.memref_slice %arg2[%mul3A_168, %dma_start3A] : memref<320000x128xf32, #tpu.memory_space<hbm>> -> memref<200x128xf32, #tpu.memory_space<hbm>>
          %dma_start3A_170 = arith.constant 0 : i32
          %dma_start3A_171 = tpu.memref_slice %arg2[%mul3A_168, %dma_start3A_170] : memref<320000x128xf32, #tpu.memory_space<hbm>> -> memref<200x128xf32, #tpu.memory_space<hbm>>
          tpu.enqueue_dma source(%dma_start3A_171 : memref<200x128xf32, #tpu.memory_space<hbm>>) target(%arg8 : memref<200x128xf32, #tpu.memory_space<vmem>>) target_semaphore(%run_scoped3A : memref<!tpu.dma_semaphore, #tpu.memory_space<semaphore_mem>>)
          %dma_wait3A = arith.constant 0 : i32
          %dma_wait3A_172 = tpu.memref_slice %arg2[%mul3A_168, %dma_wait3A] : memref<320000x128xf32, #tpu.memory_space<hbm>> -> memref<200x128xf32, #tpu.memory_space<hbm>>
          %dma_wait3A_173 = arith.constant 0 : i32
          %dma_wait3A_174 = tpu.memref_slice %arg2[%mul3A_168, %dma_wait3A_173] : memref<320000x128xf32, #tpu.memory_space<hbm>> -> memref<200x128xf32, #tpu.memory_space<hbm>>
          tpu.wait_dma2 semaphore(%run_scoped3A : memref<!tpu.dma_semaphore, #tpu.memory_space<semaphore_mem>>) src(%dma_wait3A_174 : memref<200x128xf32, #tpu.memory_space<hbm>>) dst(%arg8 : memref<200x128xf32, #tpu.memory_space<vmem>>)
          tpu.yield
        }) : () -> ()
        "tpu.region"() ({
          %run_scoped3A = tpu.sem_alloc : memref<!tpu.dma_semaphore, #tpu.memory_space<semaphore_mem>>
          %dma_start3A = arith.constant 0 : i32
          %dma_start3A_169 = arith.constant 0 : i32
          %dma_start3A_170 = tpu.memref_slice %arg6[%dma_start3A, %dma_start3A_169] : memref<10000x128xf32, #tpu.memory_space<vmem_shared>> -> memref<10000x128xf32, #tpu.memory_space<vmem_shared>>
          tpu.enqueue_indirect_dma source(%arg8 : memref<200x128xf32, #tpu.memory_space<vmem>>) target(%dma_start3A_170 : memref<10000x128xf32, #tpu.memory_space<vmem_shared>>) offsets(%arg7 : memref<200xi32, #tpu.memory_space<vmem>>) semaphore(%run_scoped3A : memref<!tpu.dma_semaphore, #tpu.memory_space<semaphore_mem>>) {add = true}
          %dma_wait3A = arith.constant 0 : i32
          %dma_wait3A_171 = arith.constant 0 : i32
          %dma_wait3A_172 = tpu.memref_slice %arg6[%dma_wait3A, %dma_wait3A_171] : memref<10000x128xf32, #tpu.memory_space<vmem_shared>> -> memref<10000x128xf32, #tpu.memory_space<vmem_shared>>
          tpu.wait_indirect_dma semaphore(%run_scoped3A : memref<!tpu.dma_semaphore, #tpu.memory_space<semaphore_mem>>) src(%arg8 : memref<200x128xf32, #tpu.memory_space<vmem>>) dst(%dma_wait3A_172 : memref<10000x128xf32, #tpu.memory_space<vmem_shared>>)
          tpu.yield
        }) : () -> ()
      }
      %scan3A_163 = arith.constant 100 : i32
    } else {
    }
    %barrier3A_82 = arith.constant 0 : index
    tpu.barrier barrier_id(%barrier3A_82)
    %eq3A_83 = arith.constant 0 : i32
    %eq3A_84 = arith.cmpi eq, %arg0, %eq3A_83 : i32
    %eq3A_85 = arith.constant 9 : i32
    %eq3A_86 = arith.cmpi eq, %arg1, %eq3A_85 : i32
    %and3A_87 = arith.andi %eq3A_84, %eq3A_86 : i1
    %convert_element_type3A_88 = arith.extui %and3A_87 : i1 to i32
    %cond3A_89 = arith.constant 0 : i32
    %cond3A_90 = arith.cmpi ne, %convert_element_type3A_88, %cond3A_89 : i32
    scf.if %cond3A_90 {
      %scan3A = arith.constant 0 : i32
      %scan3A_159 = arith.constant 900 : i32
      %scan3A_160 = arith.constant 100 : i32
      %scan3A_161 = arith.addi %scan3A_159, %scan3A_160 : i32
      %scan3A_162 = arith.constant 1 : i32
      scf.for %scan3A_164 = %scan3A_159 to %scan3A_161 step %scan3A_162  : i32 {
        %mul3A_165 = arith.constant 200 : i32
        %mul3A_166 = arith.muli %scan3A_164, %mul3A_165 : i32
        "tpu.region"() ({
          %run_scoped3A = tpu.sem_alloc : memref<!tpu.dma_semaphore, #tpu.memory_space<semaphore_mem>>
          %dma_start3A = tpu.memref_slice %arg3[%mul3A_166] : memref<320000xi32, #tpu.memory_space<hbm>> -> memref<200xi32, #tpu.memory_space<hbm>>
          %dma_start3A_169 = tpu.memref_slice %arg3[%mul3A_166] : memref<320000xi32, #tpu.memory_space<hbm>> -> memref<200xi32, #tpu.memory_space<hbm>>
          tpu.enqueue_dma source(%dma_start3A_169 : memref<200xi32, #tpu.memory_space<hbm>>) target(%arg7 : memref<200xi32, #tpu.memory_space<vmem>>) target_semaphore(%run_scoped3A : memref<!tpu.dma_semaphore, #tpu.memory_space<semaphore_mem>>)
          %dma_wait3A = tpu.memref_slice %arg3[%mul3A_166] : memref<320000xi32, #tpu.memory_space<hbm>> -> memref<200xi32, #tpu.memory_space<hbm>>
          %dma_wait3A_170 = tpu.memref_slice %arg3[%mul3A_166] : memref<320000xi32, #tpu.memory_space<hbm>> -> memref<200xi32, #tpu.memory_space<hbm>>
          tpu.wait_dma2 semaphore(%run_scoped3A : memref<!tpu.dma_semaphore, #tpu.memory_space<semaphore_mem>>) src(%dma_wait3A_170 : memref<200xi32, #tpu.memory_space<hbm>>) dst(%arg7 : memref<200xi32, #tpu.memory_space<vmem>>)
          tpu.yield
        }) : () -> ()
        %mul3A_167 = arith.constant 200 : i32
        %mul3A_168 = arith.muli %scan3A_164, %mul3A_167 : i32
        "tpu.region"() ({
          %run_scoped3A = tpu.sem_alloc : memref<!tpu.dma_semaphore, #tpu.memory_space<semaphore_mem>>
          %dma_start3A = arith.constant 0 : i32
          %dma_start3A_169 = tpu.memref_slice %arg2[%mul3A_168, %dma_start3A] : memref<320000x128xf32, #tpu.memory_space<hbm>> -> memref<200x128xf32, #tpu.memory_space<hbm>>
          %dma_start3A_170 = arith.constant 0 : i32
          %dma_start3A_171 = tpu.memref_slice %arg2[%mul3A_168, %dma_start3A_170] : memref<320000x128xf32, #tpu.memory_space<hbm>> -> memref<200x128xf32, #tpu.memory_space<hbm>>
          tpu.enqueue_dma source(%dma_start3A_171 : memref<200x128xf32, #tpu.memory_space<hbm>>) target(%arg8 : memref<200x128xf32, #tpu.memory_space<vmem>>) target_semaphore(%run_scoped3A : memref<!tpu.dma_semaphore, #tpu.memory_space<semaphore_mem>>)
          %dma_wait3A = arith.constant 0 : i32
          %dma_wait3A_172 = tpu.memref_slice %arg2[%mul3A_168, %dma_wait3A] : memref<320000x128xf32, #tpu.memory_space<hbm>> -> memref<200x128xf32, #tpu.memory_space<hbm>>
          %dma_wait3A_173 = arith.constant 0 : i32
          %dma_wait3A_174 = tpu.memref_slice %arg2[%mul3A_168, %dma_wait3A_173] : memref<320000x128xf32, #tpu.memory_space<hbm>> -> memref<200x128xf32, #tpu.memory_space<hbm>>
          tpu.wait_dma2 semaphore(%run_scoped3A : memref<!tpu.dma_semaphore, #tpu.memory_space<semaphore_mem>>) src(%dma_wait3A_174 : memref<200x128xf32, #tpu.memory_space<hbm>>) dst(%arg8 : memref<200x128xf32, #tpu.memory_space<vmem>>)
          tpu.yield
        }) : () -> ()
        "tpu.region"() ({
          %run_scoped3A = tpu.sem_alloc : memref<!tpu.dma_semaphore, #tpu.memory_space<semaphore_mem>>
          %dma_start3A = arith.constant 0 : i32
          %dma_start3A_169 = arith.constant 0 : i32
          %dma_start3A_170 = tpu.memref_slice %arg6[%dma_start3A, %dma_start3A_169] : memref<10000x128xf32, #tpu.memory_space<vmem_shared>> -> memref<10000x128xf32, #tpu.memory_space<vmem_shared>>
          tpu.enqueue_indirect_dma source(%arg8 : memref<200x128xf32, #tpu.memory_space<vmem>>) target(%dma_start3A_170 : memref<10000x128xf32, #tpu.memory_space<vmem_shared>>) offsets(%arg7 : memref<200xi32, #tpu.memory_space<vmem>>) semaphore(%run_scoped3A : memref<!tpu.dma_semaphore, #tpu.memory_space<semaphore_mem>>) {add = true}
          %dma_wait3A = arith.constant 0 : i32
          %dma_wait3A_171 = arith.constant 0 : i32
          %dma_wait3A_172 = tpu.memref_slice %arg6[%dma_wait3A, %dma_wait3A_171] : memref<10000x128xf32, #tpu.memory_space<vmem_shared>> -> memref<10000x128xf32, #tpu.memory_space<vmem_shared>>
          tpu.wait_indirect_dma semaphore(%run_scoped3A : memref<!tpu.dma_semaphore, #tpu.memory_space<semaphore_mem>>) src(%arg8 : memref<200x128xf32, #tpu.memory_space<vmem>>) dst(%dma_wait3A_172 : memref<10000x128xf32, #tpu.memory_space<vmem_shared>>)
          tpu.yield
        }) : () -> ()
      }
      %scan3A_163 = arith.constant 100 : i32
    } else {
    }
    %barrier3A_91 = arith.constant 0 : index
    tpu.barrier barrier_id(%barrier3A_91)
    %eq3A_92 = arith.constant 0 : i32
    %eq3A_93 = arith.cmpi eq, %arg0, %eq3A_92 : i32
    %eq3A_94 = arith.constant 10 : i32
    %eq3A_95 = arith.cmpi eq, %arg1, %eq3A_94 : i32
    %and3A_96 = arith.andi %eq3A_93, %eq3A_95 : i1
    %convert_element_type3A_97 = arith.extui %and3A_96 : i1 to i32
    %cond3A_98 = arith.constant 0 : i32
    %cond3A_99 = arith.cmpi ne, %convert_element_type3A_97, %cond3A_98 : i32
    scf.if %cond3A_99 {
      %scan3A = arith.constant 0 : i32
      %scan3A_159 = arith.constant 1000 : i32
      %scan3A_160 = arith.constant 100 : i32
      %scan3A_161 = arith.addi %scan3A_159, %scan3A_160 : i32
      %scan3A_162 = arith.constant 1 : i32
      scf.for %scan3A_164 = %scan3A_159 to %scan3A_161 step %scan3A_162  : i32 {
        %mul3A_165 = arith.constant 200 : i32
        %mul3A_166 = arith.muli %scan3A_164, %mul3A_165 : i32
        "tpu.region"() ({
          %run_scoped3A = tpu.sem_alloc : memref<!tpu.dma_semaphore, #tpu.memory_space<semaphore_mem>>
          %dma_start3A = tpu.memref_slice %arg3[%mul3A_166] : memref<320000xi32, #tpu.memory_space<hbm>> -> memref<200xi32, #tpu.memory_space<hbm>>
          %dma_start3A_169 = tpu.memref_slice %arg3[%mul3A_166] : memref<320000xi32, #tpu.memory_space<hbm>> -> memref<200xi32, #tpu.memory_space<hbm>>
          tpu.enqueue_dma source(%dma_start3A_169 : memref<200xi32, #tpu.memory_space<hbm>>) target(%arg7 : memref<200xi32, #tpu.memory_space<vmem>>) target_semaphore(%run_scoped3A : memref<!tpu.dma_semaphore, #tpu.memory_space<semaphore_mem>>)
          %dma_wait3A = tpu.memref_slice %arg3[%mul3A_166] : memref<320000xi32, #tpu.memory_space<hbm>> -> memref<200xi32, #tpu.memory_space<hbm>>
          %dma_wait3A_170 = tpu.memref_slice %arg3[%mul3A_166] : memref<320000xi32, #tpu.memory_space<hbm>> -> memref<200xi32, #tpu.memory_space<hbm>>
          tpu.wait_dma2 semaphore(%run_scoped3A : memref<!tpu.dma_semaphore, #tpu.memory_space<semaphore_mem>>) src(%dma_wait3A_170 : memref<200xi32, #tpu.memory_space<hbm>>) dst(%arg7 : memref<200xi32, #tpu.memory_space<vmem>>)
          tpu.yield
        }) : () -> ()
        %mul3A_167 = arith.constant 200 : i32
        %mul3A_168 = arith.muli %scan3A_164, %mul3A_167 : i32
        "tpu.region"() ({
          %run_scoped3A = tpu.sem_alloc : memref<!tpu.dma_semaphore, #tpu.memory_space<semaphore_mem>>
          %dma_start3A = arith.constant 0 : i32
          %dma_start3A_169 = tpu.memref_slice %arg2[%mul3A_168, %dma_start3A] : memref<320000x128xf32, #tpu.memory_space<hbm>> -> memref<200x128xf32, #tpu.memory_space<hbm>>
          %dma_start3A_170 = arith.constant 0 : i32
          %dma_start3A_171 = tpu.memref_slice %arg2[%mul3A_168, %dma_start3A_170] : memref<320000x128xf32, #tpu.memory_space<hbm>> -> memref<200x128xf32, #tpu.memory_space<hbm>>
          tpu.enqueue_dma source(%dma_start3A_171 : memref<200x128xf32, #tpu.memory_space<hbm>>) target(%arg8 : memref<200x128xf32, #tpu.memory_space<vmem>>) target_semaphore(%run_scoped3A : memref<!tpu.dma_semaphore, #tpu.memory_space<semaphore_mem>>)
          %dma_wait3A = arith.constant 0 : i32
          %dma_wait3A_172 = tpu.memref_slice %arg2[%mul3A_168, %dma_wait3A] : memref<320000x128xf32, #tpu.memory_space<hbm>> -> memref<200x128xf32, #tpu.memory_space<hbm>>
          %dma_wait3A_173 = arith.constant 0 : i32
          %dma_wait3A_174 = tpu.memref_slice %arg2[%mul3A_168, %dma_wait3A_173] : memref<320000x128xf32, #tpu.memory_space<hbm>> -> memref<200x128xf32, #tpu.memory_space<hbm>>
          tpu.wait_dma2 semaphore(%run_scoped3A : memref<!tpu.dma_semaphore, #tpu.memory_space<semaphore_mem>>) src(%dma_wait3A_174 : memref<200x128xf32, #tpu.memory_space<hbm>>) dst(%arg8 : memref<200x128xf32, #tpu.memory_space<vmem>>)
          tpu.yield
        }) : () -> ()
        "tpu.region"() ({
          %run_scoped3A = tpu.sem_alloc : memref<!tpu.dma_semaphore, #tpu.memory_space<semaphore_mem>>
          %dma_start3A = arith.constant 0 : i32
          %dma_start3A_169 = arith.constant 0 : i32
          %dma_start3A_170 = tpu.memref_slice %arg6[%dma_start3A, %dma_start3A_169] : memref<10000x128xf32, #tpu.memory_space<vmem_shared>> -> memref<10000x128xf32, #tpu.memory_space<vmem_shared>>
          tpu.enqueue_indirect_dma source(%arg8 : memref<200x128xf32, #tpu.memory_space<vmem>>) target(%dma_start3A_170 : memref<10000x128xf32, #tpu.memory_space<vmem_shared>>) offsets(%arg7 : memref<200xi32, #tpu.memory_space<vmem>>) semaphore(%run_scoped3A : memref<!tpu.dma_semaphore, #tpu.memory_space<semaphore_mem>>) {add = true}
          %dma_wait3A = arith.constant 0 : i32
          %dma_wait3A_171 = arith.constant 0 : i32
          %dma_wait3A_172 = tpu.memref_slice %arg6[%dma_wait3A, %dma_wait3A_171] : memref<10000x128xf32, #tpu.memory_space<vmem_shared>> -> memref<10000x128xf32, #tpu.memory_space<vmem_shared>>
          tpu.wait_indirect_dma semaphore(%run_scoped3A : memref<!tpu.dma_semaphore, #tpu.memory_space<semaphore_mem>>) src(%arg8 : memref<200x128xf32, #tpu.memory_space<vmem>>) dst(%dma_wait3A_172 : memref<10000x128xf32, #tpu.memory_space<vmem_shared>>)
          tpu.yield
        }) : () -> ()
      }
      %scan3A_163 = arith.constant 100 : i32
    } else {
    }
    %barrier3A_100 = arith.constant 0 : index
    tpu.barrier barrier_id(%barrier3A_100)
    %eq3A_101 = arith.constant 0 : i32
    %eq3A_102 = arith.cmpi eq, %arg0, %eq3A_101 : i32
    %eq3A_103 = arith.constant 11 : i32
    %eq3A_104 = arith.cmpi eq, %arg1, %eq3A_103 : i32
    %and3A_105 = arith.andi %eq3A_102, %eq3A_104 : i1
    %convert_element_type3A_106 = arith.extui %and3A_105 : i1 to i32
    %cond3A_107 = arith.constant 0 : i32
    %cond3A_108 = arith.cmpi ne, %convert_element_type3A_106, %cond3A_107 : i32
    scf.if %cond3A_108 {
      %scan3A = arith.constant 0 : i32
      %scan3A_159 = arith.constant 1100 : i32
      %scan3A_160 = arith.constant 100 : i32
      %scan3A_161 = arith.addi %scan3A_159, %scan3A_160 : i32
      %scan3A_162 = arith.constant 1 : i32
      scf.for %scan3A_164 = %scan3A_159 to %scan3A_161 step %scan3A_162  : i32 {
        %mul3A_165 = arith.constant 200 : i32
        %mul3A_166 = arith.muli %scan3A_164, %mul3A_165 : i32
        "tpu.region"() ({
          %run_scoped3A = tpu.sem_alloc : memref<!tpu.dma_semaphore, #tpu.memory_space<semaphore_mem>>
          %dma_start3A = tpu.memref_slice %arg3[%mul3A_166] : memref<320000xi32, #tpu.memory_space<hbm>> -> memref<200xi32, #tpu.memory_space<hbm>>
          %dma_start3A_169 = tpu.memref_slice %arg3[%mul3A_166] : memref<320000xi32, #tpu.memory_space<hbm>> -> memref<200xi32, #tpu.memory_space<hbm>>
          tpu.enqueue_dma source(%dma_start3A_169 : memref<200xi32, #tpu.memory_space<hbm>>) target(%arg7 : memref<200xi32, #tpu.memory_space<vmem>>) target_semaphore(%run_scoped3A : memref<!tpu.dma_semaphore, #tpu.memory_space<semaphore_mem>>)
          %dma_wait3A = tpu.memref_slice %arg3[%mul3A_166] : memref<320000xi32, #tpu.memory_space<hbm>> -> memref<200xi32, #tpu.memory_space<hbm>>
          %dma_wait3A_170 = tpu.memref_slice %arg3[%mul3A_166] : memref<320000xi32, #tpu.memory_space<hbm>> -> memref<200xi32, #tpu.memory_space<hbm>>
          tpu.wait_dma2 semaphore(%run_scoped3A : memref<!tpu.dma_semaphore, #tpu.memory_space<semaphore_mem>>) src(%dma_wait3A_170 : memref<200xi32, #tpu.memory_space<hbm>>) dst(%arg7 : memref<200xi32, #tpu.memory_space<vmem>>)
          tpu.yield
        }) : () -> ()
        %mul3A_167 = arith.constant 200 : i32
        %mul3A_168 = arith.muli %scan3A_164, %mul3A_167 : i32
        "tpu.region"() ({
          %run_scoped3A = tpu.sem_alloc : memref<!tpu.dma_semaphore, #tpu.memory_space<semaphore_mem>>
          %dma_start3A = arith.constant 0 : i32
          %dma_start3A_169 = tpu.memref_slice %arg2[%mul3A_168, %dma_start3A] : memref<320000x128xf32, #tpu.memory_space<hbm>> -> memref<200x128xf32, #tpu.memory_space<hbm>>
          %dma_start3A_170 = arith.constant 0 : i32
          %dma_start3A_171 = tpu.memref_slice %arg2[%mul3A_168, %dma_start3A_170] : memref<320000x128xf32, #tpu.memory_space<hbm>> -> memref<200x128xf32, #tpu.memory_space<hbm>>
          tpu.enqueue_dma source(%dma_start3A_171 : memref<200x128xf32, #tpu.memory_space<hbm>>) target(%arg8 : memref<200x128xf32, #tpu.memory_space<vmem>>) target_semaphore(%run_scoped3A : memref<!tpu.dma_semaphore, #tpu.memory_space<semaphore_mem>>)
          %dma_wait3A = arith.constant 0 : i32
          %dma_wait3A_172 = tpu.memref_slice %arg2[%mul3A_168, %dma_wait3A] : memref<320000x128xf32, #tpu.memory_space<hbm>> -> memref<200x128xf32, #tpu.memory_space<hbm>>
          %dma_wait3A_173 = arith.constant 0 : i32
          %dma_wait3A_174 = tpu.memref_slice %arg2[%mul3A_168, %dma_wait3A_173] : memref<320000x128xf32, #tpu.memory_space<hbm>> -> memref<200x128xf32, #tpu.memory_space<hbm>>
          tpu.wait_dma2 semaphore(%run_scoped3A : memref<!tpu.dma_semaphore, #tpu.memory_space<semaphore_mem>>) src(%dma_wait3A_174 : memref<200x128xf32, #tpu.memory_space<hbm>>) dst(%arg8 : memref<200x128xf32, #tpu.memory_space<vmem>>)
          tpu.yield
        }) : () -> ()
        "tpu.region"() ({
          %run_scoped3A = tpu.sem_alloc : memref<!tpu.dma_semaphore, #tpu.memory_space<semaphore_mem>>
          %dma_start3A = arith.constant 0 : i32
          %dma_start3A_169 = arith.constant 0 : i32
          %dma_start3A_170 = tpu.memref_slice %arg6[%dma_start3A, %dma_start3A_169] : memref<10000x128xf32, #tpu.memory_space<vmem_shared>> -> memref<10000x128xf32, #tpu.memory_space<vmem_shared>>
          tpu.enqueue_indirect_dma source(%arg8 : memref<200x128xf32, #tpu.memory_space<vmem>>) target(%dma_start3A_170 : memref<10000x128xf32, #tpu.memory_space<vmem_shared>>) offsets(%arg7 : memref<200xi32, #tpu.memory_space<vmem>>) semaphore(%run_scoped3A : memref<!tpu.dma_semaphore, #tpu.memory_space<semaphore_mem>>) {add = true}
          %dma_wait3A = arith.constant 0 : i32
          %dma_wait3A_171 = arith.constant 0 : i32
          %dma_wait3A_172 = tpu.memref_slice %arg6[%dma_wait3A, %dma_wait3A_171] : memref<10000x128xf32, #tpu.memory_space<vmem_shared>> -> memref<10000x128xf32, #tpu.memory_space<vmem_shared>>
          tpu.wait_indirect_dma semaphore(%run_scoped3A : memref<!tpu.dma_semaphore, #tpu.memory_space<semaphore_mem>>) src(%arg8 : memref<200x128xf32, #tpu.memory_space<vmem>>) dst(%dma_wait3A_172 : memref<10000x128xf32, #tpu.memory_space<vmem_shared>>)
          tpu.yield
        }) : () -> ()
      }
      %scan3A_163 = arith.constant 100 : i32
    } else {
    }
    %barrier3A_109 = arith.constant 0 : index
    tpu.barrier barrier_id(%barrier3A_109)
    %eq3A_110 = arith.constant 0 : i32
    %eq3A_111 = arith.cmpi eq, %arg0, %eq3A_110 : i32
    %eq3A_112 = arith.constant 12 : i32
    %eq3A_113 = arith.cmpi eq, %arg1, %eq3A_112 : i32
    %and3A_114 = arith.andi %eq3A_111, %eq3A_113 : i1
    %convert_element_type3A_115 = arith.extui %and3A_114 : i1 to i32
    %cond3A_116 = arith.constant 0 : i32
    %cond3A_117 = arith.cmpi ne, %convert_element_type3A_115, %cond3A_116 : i32
    scf.if %cond3A_117 {
      %scan3A = arith.constant 0 : i32
      %scan3A_159 = arith.constant 1200 : i32
      %scan3A_160 = arith.constant 100 : i32
      %scan3A_161 = arith.addi %scan3A_159, %scan3A_160 : i32
      %scan3A_162 = arith.constant 1 : i32
      scf.for %scan3A_164 = %scan3A_159 to %scan3A_161 step %scan3A_162  : i32 {
        %mul3A_165 = arith.constant 200 : i32
        %mul3A_166 = arith.muli %scan3A_164, %mul3A_165 : i32
        "tpu.region"() ({
          %run_scoped3A = tpu.sem_alloc : memref<!tpu.dma_semaphore, #tpu.memory_space<semaphore_mem>>
          %dma_start3A = tpu.memref_slice %arg3[%mul3A_166] : memref<320000xi32, #tpu.memory_space<hbm>> -> memref<200xi32, #tpu.memory_space<hbm>>
          %dma_start3A_169 = tpu.memref_slice %arg3[%mul3A_166] : memref<320000xi32, #tpu.memory_space<hbm>> -> memref<200xi32, #tpu.memory_space<hbm>>
          tpu.enqueue_dma source(%dma_start3A_169 : memref<200xi32, #tpu.memory_space<hbm>>) target(%arg7 : memref<200xi32, #tpu.memory_space<vmem>>) target_semaphore(%run_scoped3A : memref<!tpu.dma_semaphore, #tpu.memory_space<semaphore_mem>>)
          %dma_wait3A = tpu.memref_slice %arg3[%mul3A_166] : memref<320000xi32, #tpu.memory_space<hbm>> -> memref<200xi32, #tpu.memory_space<hbm>>
          %dma_wait3A_170 = tpu.memref_slice %arg3[%mul3A_166] : memref<320000xi32, #tpu.memory_space<hbm>> -> memref<200xi32, #tpu.memory_space<hbm>>
          tpu.wait_dma2 semaphore(%run_scoped3A : memref<!tpu.dma_semaphore, #tpu.memory_space<semaphore_mem>>) src(%dma_wait3A_170 : memref<200xi32, #tpu.memory_space<hbm>>) dst(%arg7 : memref<200xi32, #tpu.memory_space<vmem>>)
          tpu.yield
        }) : () -> ()
        %mul3A_167 = arith.constant 200 : i32
        %mul3A_168 = arith.muli %scan3A_164, %mul3A_167 : i32
        "tpu.region"() ({
          %run_scoped3A = tpu.sem_alloc : memref<!tpu.dma_semaphore, #tpu.memory_space<semaphore_mem>>
          %dma_start3A = arith.constant 0 : i32
          %dma_start3A_169 = tpu.memref_slice %arg2[%mul3A_168, %dma_start3A] : memref<320000x128xf32, #tpu.memory_space<hbm>> -> memref<200x128xf32, #tpu.memory_space<hbm>>
          %dma_start3A_170 = arith.constant 0 : i32
          %dma_start3A_171 = tpu.memref_slice %arg2[%mul3A_168, %dma_start3A_170] : memref<320000x128xf32, #tpu.memory_space<hbm>> -> memref<200x128xf32, #tpu.memory_space<hbm>>
          tpu.enqueue_dma source(%dma_start3A_171 : memref<200x128xf32, #tpu.memory_space<hbm>>) target(%arg8 : memref<200x128xf32, #tpu.memory_space<vmem>>) target_semaphore(%run_scoped3A : memref<!tpu.dma_semaphore, #tpu.memory_space<semaphore_mem>>)
          %dma_wait3A = arith.constant 0 : i32
          %dma_wait3A_172 = tpu.memref_slice %arg2[%mul3A_168, %dma_wait3A] : memref<320000x128xf32, #tpu.memory_space<hbm>> -> memref<200x128xf32, #tpu.memory_space<hbm>>
          %dma_wait3A_173 = arith.constant 0 : i32
          %dma_wait3A_174 = tpu.memref_slice %arg2[%mul3A_168, %dma_wait3A_173] : memref<320000x128xf32, #tpu.memory_space<hbm>> -> memref<200x128xf32, #tpu.memory_space<hbm>>
          tpu.wait_dma2 semaphore(%run_scoped3A : memref<!tpu.dma_semaphore, #tpu.memory_space<semaphore_mem>>) src(%dma_wait3A_174 : memref<200x128xf32, #tpu.memory_space<hbm>>) dst(%arg8 : memref<200x128xf32, #tpu.memory_space<vmem>>)
          tpu.yield
        }) : () -> ()
        "tpu.region"() ({
          %run_scoped3A = tpu.sem_alloc : memref<!tpu.dma_semaphore, #tpu.memory_space<semaphore_mem>>
          %dma_start3A = arith.constant 0 : i32
          %dma_start3A_169 = arith.constant 0 : i32
          %dma_start3A_170 = tpu.memref_slice %arg6[%dma_start3A, %dma_start3A_169] : memref<10000x128xf32, #tpu.memory_space<vmem_shared>> -> memref<10000x128xf32, #tpu.memory_space<vmem_shared>>
          tpu.enqueue_indirect_dma source(%arg8 : memref<200x128xf32, #tpu.memory_space<vmem>>) target(%dma_start3A_170 : memref<10000x128xf32, #tpu.memory_space<vmem_shared>>) offsets(%arg7 : memref<200xi32, #tpu.memory_space<vmem>>) semaphore(%run_scoped3A : memref<!tpu.dma_semaphore, #tpu.memory_space<semaphore_mem>>) {add = true}
          %dma_wait3A = arith.constant 0 : i32
          %dma_wait3A_171 = arith.constant 0 : i32
          %dma_wait3A_172 = tpu.memref_slice %arg6[%dma_wait3A, %dma_wait3A_171] : memref<10000x128xf32, #tpu.memory_space<vmem_shared>> -> memref<10000x128xf32, #tpu.memory_space<vmem_shared>>
          tpu.wait_indirect_dma semaphore(%run_scoped3A : memref<!tpu.dma_semaphore, #tpu.memory_space<semaphore_mem>>) src(%arg8 : memref<200x128xf32, #tpu.memory_space<vmem>>) dst(%dma_wait3A_172 : memref<10000x128xf32, #tpu.memory_space<vmem_shared>>)
          tpu.yield
        }) : () -> ()
      }
      %scan3A_163 = arith.constant 100 : i32
    } else {
    }
    %barrier3A_118 = arith.constant 0 : index
    tpu.barrier barrier_id(%barrier3A_118)
    %eq3A_119 = arith.constant 0 : i32
    %eq3A_120 = arith.cmpi eq, %arg0, %eq3A_119 : i32
    %eq3A_121 = arith.constant 13 : i32
    %eq3A_122 = arith.cmpi eq, %arg1, %eq3A_121 : i32
    %and3A_123 = arith.andi %eq3A_120, %eq3A_122 : i1
    %convert_element_type3A_124 = arith.extui %and3A_123 : i1 to i32
    %cond3A_125 = arith.constant 0 : i32
    %cond3A_126 = arith.cmpi ne, %convert_element_type3A_124, %cond3A_125 : i32
    scf.if %cond3A_126 {
      %scan3A = arith.constant 0 : i32
      %scan3A_159 = arith.constant 1300 : i32
      %scan3A_160 = arith.constant 100 : i32
      %scan3A_161 = arith.addi %scan3A_159, %scan3A_160 : i32
      %scan3A_162 = arith.constant 1 : i32
      scf.for %scan3A_164 = %scan3A_159 to %scan3A_161 step %scan3A_162  : i32 {
        %mul3A_165 = arith.constant 200 : i32
        %mul3A_166 = arith.muli %scan3A_164, %mul3A_165 : i32
        "tpu.region"() ({
          %run_scoped3A = tpu.sem_alloc : memref<!tpu.dma_semaphore, #tpu.memory_space<semaphore_mem>>
          %dma_start3A = tpu.memref_slice %arg3[%mul3A_166] : memref<320000xi32, #tpu.memory_space<hbm>> -> memref<200xi32, #tpu.memory_space<hbm>>
          %dma_start3A_169 = tpu.memref_slice %arg3[%mul3A_166] : memref<320000xi32, #tpu.memory_space<hbm>> -> memref<200xi32, #tpu.memory_space<hbm>>
          tpu.enqueue_dma source(%dma_start3A_169 : memref<200xi32, #tpu.memory_space<hbm>>) target(%arg7 : memref<200xi32, #tpu.memory_space<vmem>>) target_semaphore(%run_scoped3A : memref<!tpu.dma_semaphore, #tpu.memory_space<semaphore_mem>>)
          %dma_wait3A = tpu.memref_slice %arg3[%mul3A_166] : memref<320000xi32, #tpu.memory_space<hbm>> -> memref<200xi32, #tpu.memory_space<hbm>>
          %dma_wait3A_170 = tpu.memref_slice %arg3[%mul3A_166] : memref<320000xi32, #tpu.memory_space<hbm>> -> memref<200xi32, #tpu.memory_space<hbm>>
          tpu.wait_dma2 semaphore(%run_scoped3A : memref<!tpu.dma_semaphore, #tpu.memory_space<semaphore_mem>>) src(%dma_wait3A_170 : memref<200xi32, #tpu.memory_space<hbm>>) dst(%arg7 : memref<200xi32, #tpu.memory_space<vmem>>)
          tpu.yield
        }) : () -> ()
        %mul3A_167 = arith.constant 200 : i32
        %mul3A_168 = arith.muli %scan3A_164, %mul3A_167 : i32
        "tpu.region"() ({
          %run_scoped3A = tpu.sem_alloc : memref<!tpu.dma_semaphore, #tpu.memory_space<semaphore_mem>>
          %dma_start3A = arith.constant 0 : i32
          %dma_start3A_169 = tpu.memref_slice %arg2[%mul3A_168, %dma_start3A] : memref<320000x128xf32, #tpu.memory_space<hbm>> -> memref<200x128xf32, #tpu.memory_space<hbm>>
          %dma_start3A_170 = arith.constant 0 : i32
          %dma_start3A_171 = tpu.memref_slice %arg2[%mul3A_168, %dma_start3A_170] : memref<320000x128xf32, #tpu.memory_space<hbm>> -> memref<200x128xf32, #tpu.memory_space<hbm>>
          tpu.enqueue_dma source(%dma_start3A_171 : memref<200x128xf32, #tpu.memory_space<hbm>>) target(%arg8 : memref<200x128xf32, #tpu.memory_space<vmem>>) target_semaphore(%run_scoped3A : memref<!tpu.dma_semaphore, #tpu.memory_space<semaphore_mem>>)
          %dma_wait3A = arith.constant 0 : i32
          %dma_wait3A_172 = tpu.memref_slice %arg2[%mul3A_168, %dma_wait3A] : memref<320000x128xf32, #tpu.memory_space<hbm>> -> memref<200x128xf32, #tpu.memory_space<hbm>>
          %dma_wait3A_173 = arith.constant 0 : i32
          %dma_wait3A_174 = tpu.memref_slice %arg2[%mul3A_168, %dma_wait3A_173] : memref<320000x128xf32, #tpu.memory_space<hbm>> -> memref<200x128xf32, #tpu.memory_space<hbm>>
          tpu.wait_dma2 semaphore(%run_scoped3A : memref<!tpu.dma_semaphore, #tpu.memory_space<semaphore_mem>>) src(%dma_wait3A_174 : memref<200x128xf32, #tpu.memory_space<hbm>>) dst(%arg8 : memref<200x128xf32, #tpu.memory_space<vmem>>)
          tpu.yield
        }) : () -> ()
        "tpu.region"() ({
          %run_scoped3A = tpu.sem_alloc : memref<!tpu.dma_semaphore, #tpu.memory_space<semaphore_mem>>
          %dma_start3A = arith.constant 0 : i32
          %dma_start3A_169 = arith.constant 0 : i32
          %dma_start3A_170 = tpu.memref_slice %arg6[%dma_start3A, %dma_start3A_169] : memref<10000x128xf32, #tpu.memory_space<vmem_shared>> -> memref<10000x128xf32, #tpu.memory_space<vmem_shared>>
          tpu.enqueue_indirect_dma source(%arg8 : memref<200x128xf32, #tpu.memory_space<vmem>>) target(%dma_start3A_170 : memref<10000x128xf32, #tpu.memory_space<vmem_shared>>) offsets(%arg7 : memref<200xi32, #tpu.memory_space<vmem>>) semaphore(%run_scoped3A : memref<!tpu.dma_semaphore, #tpu.memory_space<semaphore_mem>>) {add = true}
          %dma_wait3A = arith.constant 0 : i32
          %dma_wait3A_171 = arith.constant 0 : i32
          %dma_wait3A_172 = tpu.memref_slice %arg6[%dma_wait3A, %dma_wait3A_171] : memref<10000x128xf32, #tpu.memory_space<vmem_shared>> -> memref<10000x128xf32, #tpu.memory_space<vmem_shared>>
          tpu.wait_indirect_dma semaphore(%run_scoped3A : memref<!tpu.dma_semaphore, #tpu.memory_space<semaphore_mem>>) src(%arg8 : memref<200x128xf32, #tpu.memory_space<vmem>>) dst(%dma_wait3A_172 : memref<10000x128xf32, #tpu.memory_space<vmem_shared>>)
          tpu.yield
        }) : () -> ()
      }
      %scan3A_163 = arith.constant 100 : i32
    } else {
    }
    %barrier3A_127 = arith.constant 0 : index
    tpu.barrier barrier_id(%barrier3A_127)
    %eq3A_128 = arith.constant 0 : i32
    %eq3A_129 = arith.cmpi eq, %arg0, %eq3A_128 : i32
    %eq3A_130 = arith.constant 14 : i32
    %eq3A_131 = arith.cmpi eq, %arg1, %eq3A_130 : i32
    %and3A_132 = arith.andi %eq3A_129, %eq3A_131 : i1
    %convert_element_type3A_133 = arith.extui %and3A_132 : i1 to i32
    %cond3A_134 = arith.constant 0 : i32
    %cond3A_135 = arith.cmpi ne, %convert_element_type3A_133, %cond3A_134 : i32
    scf.if %cond3A_135 {
      %scan3A = arith.constant 0 : i32
      %scan3A_159 = arith.constant 1400 : i32
      %scan3A_160 = arith.constant 100 : i32
      %scan3A_161 = arith.addi %scan3A_159, %scan3A_160 : i32
      %scan3A_162 = arith.constant 1 : i32
      scf.for %scan3A_164 = %scan3A_159 to %scan3A_161 step %scan3A_162  : i32 {
        %mul3A_165 = arith.constant 200 : i32
        %mul3A_166 = arith.muli %scan3A_164, %mul3A_165 : i32
        "tpu.region"() ({
          %run_scoped3A = tpu.sem_alloc : memref<!tpu.dma_semaphore, #tpu.memory_space<semaphore_mem>>
          %dma_start3A = tpu.memref_slice %arg3[%mul3A_166] : memref<320000xi32, #tpu.memory_space<hbm>> -> memref<200xi32, #tpu.memory_space<hbm>>
          %dma_start3A_169 = tpu.memref_slice %arg3[%mul3A_166] : memref<320000xi32, #tpu.memory_space<hbm>> -> memref<200xi32, #tpu.memory_space<hbm>>
          tpu.enqueue_dma source(%dma_start3A_169 : memref<200xi32, #tpu.memory_space<hbm>>) target(%arg7 : memref<200xi32, #tpu.memory_space<vmem>>) target_semaphore(%run_scoped3A : memref<!tpu.dma_semaphore, #tpu.memory_space<semaphore_mem>>)
          %dma_wait3A = tpu.memref_slice %arg3[%mul3A_166] : memref<320000xi32, #tpu.memory_space<hbm>> -> memref<200xi32, #tpu.memory_space<hbm>>
          %dma_wait3A_170 = tpu.memref_slice %arg3[%mul3A_166] : memref<320000xi32, #tpu.memory_space<hbm>> -> memref<200xi32, #tpu.memory_space<hbm>>
          tpu.wait_dma2 semaphore(%run_scoped3A : memref<!tpu.dma_semaphore, #tpu.memory_space<semaphore_mem>>) src(%dma_wait3A_170 : memref<200xi32, #tpu.memory_space<hbm>>) dst(%arg7 : memref<200xi32, #tpu.memory_space<vmem>>)
          tpu.yield
        }) : () -> ()
        %mul3A_167 = arith.constant 200 : i32
        %mul3A_168 = arith.muli %scan3A_164, %mul3A_167 : i32
        "tpu.region"() ({
          %run_scoped3A = tpu.sem_alloc : memref<!tpu.dma_semaphore, #tpu.memory_space<semaphore_mem>>
          %dma_start3A = arith.constant 0 : i32
          %dma_start3A_169 = tpu.memref_slice %arg2[%mul3A_168, %dma_start3A] : memref<320000x128xf32, #tpu.memory_space<hbm>> -> memref<200x128xf32, #tpu.memory_space<hbm>>
          %dma_start3A_170 = arith.constant 0 : i32
          %dma_start3A_171 = tpu.memref_slice %arg2[%mul3A_168, %dma_start3A_170] : memref<320000x128xf32, #tpu.memory_space<hbm>> -> memref<200x128xf32, #tpu.memory_space<hbm>>
          tpu.enqueue_dma source(%dma_start3A_171 : memref<200x128xf32, #tpu.memory_space<hbm>>) target(%arg8 : memref<200x128xf32, #tpu.memory_space<vmem>>) target_semaphore(%run_scoped3A : memref<!tpu.dma_semaphore, #tpu.memory_space<semaphore_mem>>)
          %dma_wait3A = arith.constant 0 : i32
          %dma_wait3A_172 = tpu.memref_slice %arg2[%mul3A_168, %dma_wait3A] : memref<320000x128xf32, #tpu.memory_space<hbm>> -> memref<200x128xf32, #tpu.memory_space<hbm>>
          %dma_wait3A_173 = arith.constant 0 : i32
          %dma_wait3A_174 = tpu.memref_slice %arg2[%mul3A_168, %dma_wait3A_173] : memref<320000x128xf32, #tpu.memory_space<hbm>> -> memref<200x128xf32, #tpu.memory_space<hbm>>
          tpu.wait_dma2 semaphore(%run_scoped3A : memref<!tpu.dma_semaphore, #tpu.memory_space<semaphore_mem>>) src(%dma_wait3A_174 : memref<200x128xf32, #tpu.memory_space<hbm>>) dst(%arg8 : memref<200x128xf32, #tpu.memory_space<vmem>>)
          tpu.yield
        }) : () -> ()
        "tpu.region"() ({
          %run_scoped3A = tpu.sem_alloc : memref<!tpu.dma_semaphore, #tpu.memory_space<semaphore_mem>>
          %dma_start3A = arith.constant 0 : i32
          %dma_start3A_169 = arith.constant 0 : i32
          %dma_start3A_170 = tpu.memref_slice %arg6[%dma_start3A, %dma_start3A_169] : memref<10000x128xf32, #tpu.memory_space<vmem_shared>> -> memref<10000x128xf32, #tpu.memory_space<vmem_shared>>
          tpu.enqueue_indirect_dma source(%arg8 : memref<200x128xf32, #tpu.memory_space<vmem>>) target(%dma_start3A_170 : memref<10000x128xf32, #tpu.memory_space<vmem_shared>>) offsets(%arg7 : memref<200xi32, #tpu.memory_space<vmem>>) semaphore(%run_scoped3A : memref<!tpu.dma_semaphore, #tpu.memory_space<semaphore_mem>>) {add = true}
          %dma_wait3A = arith.constant 0 : i32
          %dma_wait3A_171 = arith.constant 0 : i32
          %dma_wait3A_172 = tpu.memref_slice %arg6[%dma_wait3A, %dma_wait3A_171] : memref<10000x128xf32, #tpu.memory_space<vmem_shared>> -> memref<10000x128xf32, #tpu.memory_space<vmem_shared>>
          tpu.wait_indirect_dma semaphore(%run_scoped3A : memref<!tpu.dma_semaphore, #tpu.memory_space<semaphore_mem>>) src(%arg8 : memref<200x128xf32, #tpu.memory_space<vmem>>) dst(%dma_wait3A_172 : memref<10000x128xf32, #tpu.memory_space<vmem_shared>>)
          tpu.yield
        }) : () -> ()
      }
      %scan3A_163 = arith.constant 100 : i32
    } else {
    }
    %barrier3A_136 = arith.constant 0 : index
    tpu.barrier barrier_id(%barrier3A_136)
    %eq3A_137 = arith.constant 0 : i32
    %eq3A_138 = arith.cmpi eq, %arg0, %eq3A_137 : i32
    %eq3A_139 = arith.constant 15 : i32
    %eq3A_140 = arith.cmpi eq, %arg1, %eq3A_139 : i32
    %and3A_141 = arith.andi %eq3A_138, %eq3A_140 : i1
    %convert_element_type3A_142 = arith.extui %and3A_141 : i1 to i32
    %cond3A_143 = arith.constant 0 : i32
    %cond3A_144 = arith.cmpi ne, %convert_element_type3A_142, %cond3A_143 : i32
    scf.if %cond3A_144 {
      %scan3A = arith.constant 0 : i32
      %scan3A_159 = arith.constant 1500 : i32
      %scan3A_160 = arith.constant 100 : i32
      %scan3A_161 = arith.addi %scan3A_159, %scan3A_160 : i32
      %scan3A_162 = arith.constant 1 : i32
      scf.for %scan3A_164 = %scan3A_159 to %scan3A_161 step %scan3A_162  : i32 {
        %mul3A_165 = arith.constant 200 : i32
        %mul3A_166 = arith.muli %scan3A_164, %mul3A_165 : i32
        "tpu.region"() ({
          %run_scoped3A = tpu.sem_alloc : memref<!tpu.dma_semaphore, #tpu.memory_space<semaphore_mem>>
          %dma_start3A = tpu.memref_slice %arg3[%mul3A_166] : memref<320000xi32, #tpu.memory_space<hbm>> -> memref<200xi32, #tpu.memory_space<hbm>>
          %dma_start3A_169 = tpu.memref_slice %arg3[%mul3A_166] : memref<320000xi32, #tpu.memory_space<hbm>> -> memref<200xi32, #tpu.memory_space<hbm>>
          tpu.enqueue_dma source(%dma_start3A_169 : memref<200xi32, #tpu.memory_space<hbm>>) target(%arg7 : memref<200xi32, #tpu.memory_space<vmem>>) target_semaphore(%run_scoped3A : memref<!tpu.dma_semaphore, #tpu.memory_space<semaphore_mem>>)
          %dma_wait3A = tpu.memref_slice %arg3[%mul3A_166] : memref<320000xi32, #tpu.memory_space<hbm>> -> memref<200xi32, #tpu.memory_space<hbm>>
          %dma_wait3A_170 = tpu.memref_slice %arg3[%mul3A_166] : memref<320000xi32, #tpu.memory_space<hbm>> -> memref<200xi32, #tpu.memory_space<hbm>>
          tpu.wait_dma2 semaphore(%run_scoped3A : memref<!tpu.dma_semaphore, #tpu.memory_space<semaphore_mem>>) src(%dma_wait3A_170 : memref<200xi32, #tpu.memory_space<hbm>>) dst(%arg7 : memref<200xi32, #tpu.memory_space<vmem>>)
          tpu.yield
        }) : () -> ()
        %mul3A_167 = arith.constant 200 : i32
        %mul3A_168 = arith.muli %scan3A_164, %mul3A_167 : i32
        "tpu.region"() ({
          %run_scoped3A = tpu.sem_alloc : memref<!tpu.dma_semaphore, #tpu.memory_space<semaphore_mem>>
          %dma_start3A = arith.constant 0 : i32
          %dma_start3A_169 = tpu.memref_slice %arg2[%mul3A_168, %dma_start3A] : memref<320000x128xf32, #tpu.memory_space<hbm>> -> memref<200x128xf32, #tpu.memory_space<hbm>>
          %dma_start3A_170 = arith.constant 0 : i32
          %dma_start3A_171 = tpu.memref_slice %arg2[%mul3A_168, %dma_start3A_170] : memref<320000x128xf32, #tpu.memory_space<hbm>> -> memref<200x128xf32, #tpu.memory_space<hbm>>
          tpu.enqueue_dma source(%dma_start3A_171 : memref<200x128xf32, #tpu.memory_space<hbm>>) target(%arg8 : memref<200x128xf32, #tpu.memory_space<vmem>>) target_semaphore(%run_scoped3A : memref<!tpu.dma_semaphore, #tpu.memory_space<semaphore_mem>>)
          %dma_wait3A = arith.constant 0 : i32
          %dma_wait3A_172 = tpu.memref_slice %arg2[%mul3A_168, %dma_wait3A] : memref<320000x128xf32, #tpu.memory_space<hbm>> -> memref<200x128xf32, #tpu.memory_space<hbm>>
          %dma_wait3A_173 = arith.constant 0 : i32
          %dma_wait3A_174 = tpu.memref_slice %arg2[%mul3A_168, %dma_wait3A_173] : memref<320000x128xf32, #tpu.memory_space<hbm>> -> memref<200x128xf32, #tpu.memory_space<hbm>>
          tpu.wait_dma2 semaphore(%run_scoped3A : memref<!tpu.dma_semaphore, #tpu.memory_space<semaphore_mem>>) src(%dma_wait3A_174 : memref<200x128xf32, #tpu.memory_space<hbm>>) dst(%arg8 : memref<200x128xf32, #tpu.memory_space<vmem>>)
          tpu.yield
        }) : () -> ()
        "tpu.region"() ({
          %run_scoped3A = tpu.sem_alloc : memref<!tpu.dma_semaphore, #tpu.memory_space<semaphore_mem>>
          %dma_start3A = arith.constant 0 : i32
          %dma_start3A_169 = arith.constant 0 : i32
          %dma_start3A_170 = tpu.memref_slice %arg6[%dma_start3A, %dma_start3A_169] : memref<10000x128xf32, #tpu.memory_space<vmem_shared>> -> memref<10000x128xf32, #tpu.memory_space<vmem_shared>>
          tpu.enqueue_indirect_dma source(%arg8 : memref<200x128xf32, #tpu.memory_space<vmem>>) target(%dma_start3A_170 : memref<10000x128xf32, #tpu.memory_space<vmem_shared>>) offsets(%arg7 : memref<200xi32, #tpu.memory_space<vmem>>) semaphore(%run_scoped3A : memref<!tpu.dma_semaphore, #tpu.memory_space<semaphore_mem>>) {add = true}
          %dma_wait3A = arith.constant 0 : i32
          %dma_wait3A_171 = arith.constant 0 : i32
          %dma_wait3A_172 = tpu.memref_slice %arg6[%dma_wait3A, %dma_wait3A_171] : memref<10000x128xf32, #tpu.memory_space<vmem_shared>> -> memref<10000x128xf32, #tpu.memory_space<vmem_shared>>
          tpu.wait_indirect_dma semaphore(%run_scoped3A : memref<!tpu.dma_semaphore, #tpu.memory_space<semaphore_mem>>) src(%arg8 : memref<200x128xf32, #tpu.memory_space<vmem>>) dst(%dma_wait3A_172 : memref<10000x128xf32, #tpu.memory_space<vmem_shared>>)
          tpu.yield
        }) : () -> ()
      }
      %scan3A_163 = arith.constant 100 : i32
    } else {
    }
    %barrier3A_145 = arith.constant 0 : index
    tpu.barrier barrier_id(%barrier3A_145)
    %eq3A_146 = arith.constant 0 : i32
    %eq3A_147 = arith.cmpi eq, %arg0, %eq3A_146 : i32
    %convert_element_type3A_148 = arith.extui %eq3A_147 : i1 to i32
    %cond3A_149 = arith.constant 0 : i32
    %cond3A_150 = arith.cmpi ne, %convert_element_type3A_148, %cond3A_149 : i32
    scf.if %cond3A_150 {
      "tpu.region"() ({
        %run_scoped3A = tpu.sem_alloc : memref<!tpu.dma_semaphore, #tpu.memory_space<semaphore_mem>>
        %dma_start3A = arith.constant 0 : i32
        %dma_start3A_159 = tpu.memref_slice %arg5[%mul3A_0, %dma_start3A] : memref<10000x128xf32, #tpu.memory_space<hbm>> -> memref<624x128xf32, #tpu.memory_space<hbm>>
        %dma_start3A_160 = arith.constant 0 : i32
        %dma_start3A_161 = tpu.memref_slice %arg6[%mul3A_0, %dma_start3A_160] : memref<10000x128xf32, #tpu.memory_space<vmem_shared>> -> memref<624x128xf32, #tpu.memory_space<vmem_shared>>
        tpu.enqueue_dma source(%dma_start3A_161 : memref<624x128xf32, #tpu.memory_space<vmem_shared>>) target(%dma_start3A_159 : memref<624x128xf32, #tpu.memory_space<hbm>>) target_semaphore(%run_scoped3A : memref<!tpu.dma_semaphore, #tpu.memory_space<semaphore_mem>>)
        %dma_wait3A = arith.constant 0 : i32
        %dma_wait3A_162 = tpu.memref_slice %arg5[%mul3A_0, %dma_wait3A] : memref<10000x128xf32, #tpu.memory_space<hbm>> -> memref<624x128xf32, #tpu.memory_space<hbm>>
        %dma_wait3A_163 = arith.constant 0 : i32
        %dma_wait3A_164 = tpu.memref_slice %arg6[%mul3A_0, %dma_wait3A_163] : memref<10000x128xf32, #tpu.memory_space<vmem_shared>> -> memref<624x128xf32, #tpu.memory_space<vmem_shared>>
        tpu.wait_dma2 semaphore(%run_scoped3A : memref<!tpu.dma_semaphore, #tpu.memory_space<semaphore_mem>>) src(%dma_wait3A_164 : memref<624x128xf32, #tpu.memory_space<vmem_shared>>) dst(%dma_wait3A_162 : memref<624x128xf32, #tpu.memory_space<hbm>>)
        tpu.yield
      }) : () -> ()
    } else {
    }
    %eq3A_151 = arith.constant 0 : i32
    %eq3A_152 = arith.cmpi eq, %arg0, %eq3A_151 : i32
    %eq3A_153 = arith.constant 15 : i32
    %eq3A_154 = arith.cmpi eq, %arg1, %eq3A_153 : i32
    %and3A_155 = arith.andi %eq3A_152, %eq3A_154 : i1
    %convert_element_type3A_156 = arith.extui %and3A_155 : i1 to i32
    %cond3A_157 = arith.constant 0 : i32
    %cond3A_158 = arith.cmpi ne, %convert_element_type3A_156, %cond3A_157 : i32
    scf.if %cond3A_158 {
      "tpu.region"() ({
        %run_scoped3A = tpu.sem_alloc : memref<!tpu.dma_semaphore, #tpu.memory_space<semaphore_mem>>
        %dma_start3A = arith.constant 9984 : i32
        %dma_start3A_159 = arith.constant 0 : i32
        %dma_start3A_160 = tpu.memref_slice %arg5[%dma_start3A, %dma_start3A_159] : memref<10000x128xf32, #tpu.memory_space<hbm>> -> memref<16x128xf32, #tpu.memory_space<hbm>>
        %dma_start3A_161 = arith.constant 9984 : i32
        %dma_start3A_162 = arith.constant 0 : i32
        %dma_start3A_163 = tpu.memref_slice %arg6[%dma_start3A_161, %dma_start3A_162] : memref<10000x128xf32, #tpu.memory_space<vmem_shared>> -> memref<16x128xf32, #tpu.memory_space<vmem_shared>>
        tpu.enqueue_dma source(%dma_start3A_163 : memref<16x128xf32, #tpu.memory_space<vmem_shared>>) target(%dma_start3A_160 : memref<16x128xf32, #tpu.memory_space<hbm>>) target_semaphore(%run_scoped3A : memref<!tpu.dma_semaphore, #tpu.memory_space<semaphore_mem>>)
        %dma_wait3A = arith.constant 9984 : i32
        %dma_wait3A_164 = arith.constant 0 : i32
        %dma_wait3A_165 = tpu.memref_slice %arg5[%dma_wait3A, %dma_wait3A_164] : memref<10000x128xf32, #tpu.memory_space<hbm>> -> memref<16x128xf32, #tpu.memory_space<hbm>>
        %dma_wait3A_166 = arith.constant 9984 : i32
        %dma_wait3A_167 = arith.constant 0 : i32
        %dma_wait3A_168 = tpu.memref_slice %arg6[%dma_wait3A_166, %dma_wait3A_167] : memref<10000x128xf32, #tpu.memory_space<vmem_shared>> -> memref<16x128xf32, #tpu.memory_space<vmem_shared>>
        tpu.wait_dma2 semaphore(%run_scoped3A : memref<!tpu.dma_semaphore, #tpu.memory_space<semaphore_mem>>) src(%dma_wait3A_168 : memref<16x128xf32, #tpu.memory_space<vmem_shared>>) dst(%dma_wait3A_165 : memref<16x128xf32, #tpu.memory_space<hbm>>)
        tpu.yield
      }) : () -> ()
    } else {
    }
    return
  }
}

module attributes {stable_mosaic.version = 14 : i64} {
  func.func @_encode_body(%arg0: i32, %arg1: memref<1000x128xf32, #tpu.memory_space<vmem>>, %arg2: memref<128x128xf32, #tpu.memory_space<vmem>>, %arg3: memref<1x128xf32, #tpu.memory_space<vmem>>, %arg4: memref<1000x128xf32, #tpu.memory_space<vmem>>) attributes {dimension_semantics = [#tpu.dimension_semantics<arbitrary>], iteration_bounds = array<i64: 10>, scalar_prefetch = 0 : i64, scratch_operands = 0 : i64, tpu.core_type = #tpu.core_type<tc>, window_params = [{transform_indices = @transform_0, window_bounds = array<i64: 1000, 128>}, {pipeline_mode = #tpu.pipeline_mode<synchronous>, transform_indices = @transform_1, window_bounds = array<i64: 128, 128>}, {pipeline_mode = #tpu.pipeline_mode<synchronous>, transform_indices = @transform_2, window_bounds = array<i64: 1, 128>}, {transform_indices = @transform_3, window_bounds = array<i64: 1000, 128>}]} {
    %get3A = arith.constant 0 : index
    %get3A_0 = arith.constant 0 : index
    %get3A_1 = vector.load %arg1[%get3A, %get3A_0] : memref<1000x128xf32, #tpu.memory_space<vmem>>, vector<1000x128xf32>
    %get3A_2 = arith.constant 0 : index
    %get3A_3 = arith.constant 0 : index
    %get3A_4 = vector.load %arg2[%get3A_2, %get3A_3] : memref<128x128xf32, #tpu.memory_space<vmem>>, vector<128x128xf32>
    %dot_general3A = arith.constant dense<0.000000e+00> : vector<1000x128xf32>
    %dot_general3A_5 = tpu.matmul %get3A_1, %get3A_4, %dot_general3A {dimension_numbers = #tpu.dot_dimension_numbers<[1], [0], [0], [1], [0, 0, 1, 1], [], []>, transpose_lhs_hint = false} : vector<1000x128xf32>, vector<128x128xf32>, vector<1000x128xf32> -> vector<1000x128xf32>
    %get3A_6 = arith.constant 0 : index
    %get3A_7 = arith.constant 0 : index
    %get3A_8 = vector.load %arg3[%get3A_6, %get3A_7] : memref<1x128xf32, #tpu.memory_space<vmem>>, vector<1x128xf32>
    %add3A = vector.broadcast %get3A_8 : vector<1x128xf32> to vector<1000x128xf32>
    %add3A_9 = arith.addf %dot_general3A_5, %add3A : vector<1000x128xf32>
    %max3A = arith.constant 0.000000e+00 : f32
    %max3A_10 = vector.broadcast %max3A : f32 to vector<1000x128xf32>
    %max3A_11 = arith.maximumf %add3A_9, %max3A_10 : vector<1000x128xf32>
    %swap3A = arith.constant 0 : index
    %swap3A_12 = arith.constant 0 : index
    %swap3A_13 = vector.load %arg4[%swap3A, %swap3A_12] : memref<1000x128xf32, #tpu.memory_space<vmem>>, vector<1000x128xf32>
    tpu.vector_store %arg4[%swap3A, %swap3A_12], %max3A_11 {strides = array<i32>} : memref<1000x128xf32, #tpu.memory_space<vmem>>, vector<1000x128xf32>,
    return
  }
  func.func @transform_0(%arg0: i32) -> (i32, i32) {
    %c0_i32 = arith.constant 0 : i32
    %c0_i32_0 = arith.constant 0 : i32
    return %arg0, %c0_i32 : i32, i32
  }
  func.func @transform_1(%arg0: i32) -> (i32, i32) {
    %c0_i32 = arith.constant 0 : i32
    %c0_i32_0 = arith.constant 0 : i32
    %c0_i32_1 = arith.constant 0 : i32
    return %c0_i32, %c0_i32_0 : i32, i32
  }
  func.func @transform_2(%arg0: i32) -> (i32, i32) {
    %c0_i32 = arith.constant 0 : i32
    %c0_i32_0 = arith.constant 0 : i32
    %c0_i32_1 = arith.constant 0 : i32
    return %c0_i32, %c0_i32_0 : i32, i32
  }
  func.func @transform_3(%arg0: i32) -> (i32, i32) {
    %c0_i32 = arith.constant 0 : i32
    %c0_i32_0 = arith.constant 0 : i32
    return %arg0, %c0_i32 : i32, i32
  }
}

module attributes {stable_mosaic.version = 14 : i64} {
  func.func @_edge_body(%arg0: i32, %arg1: memref<1280x128xf32, #tpu.memory_space<vmem>>, %arg2: memref<1280x128xf32, #tpu.memory_space<vmem>>, %arg3: memref<1280x16xf32, #tpu.memory_space<vmem>>, %arg4: memref<1280x1xf32, #tpu.memory_space<vmem>>, %arg5: memref<256x128xf32, #tpu.memory_space<vmem>>, %arg6: memref<17x128xf32, #tpu.memory_space<vmem>>, %arg7: memref<1x128xf32, #tpu.memory_space<vmem>>, %arg8: memref<128x128xf32, #tpu.memory_space<vmem>>, %arg9: memref<1x128xf32, #tpu.memory_space<vmem>>, %arg10: memref<1280x128xf32, #tpu.memory_space<vmem>>) attributes {dimension_semantics = [#tpu.dimension_semantics<arbitrary>], iteration_bounds = array<i64: 250>, scalar_prefetch = 0 : i64, scratch_operands = 0 : i64, tpu.core_type = #tpu.core_type<tc>, window_params = [{transform_indices = @transform_0, window_bounds = array<i64: 1280, 128>}, {transform_indices = @transform_1, window_bounds = array<i64: 1280, 128>}, {transform_indices = @transform_2, window_bounds = array<i64: 1280, 16>}, {transform_indices = @transform_3, window_bounds = array<i64: 1280, 1>}, {pipeline_mode = #tpu.pipeline_mode<synchronous>, transform_indices = @transform_4, window_bounds = array<i64: 256, 128>}, {pipeline_mode = #tpu.pipeline_mode<synchronous>, transform_indices = @transform_5, window_bounds = array<i64: 17, 128>}, {pipeline_mode = #tpu.pipeline_mode<synchronous>, transform_indices = @transform_6, window_bounds = array<i64: 1, 128>}, {pipeline_mode = #tpu.pipeline_mode<synchronous>, transform_indices = @transform_7, window_bounds = array<i64: 128, 128>}, {pipeline_mode = #tpu.pipeline_mode<synchronous>, transform_indices = @transform_8, window_bounds = array<i64: 1, 128>}, {transform_indices = @transform_9, window_bounds = array<i64: 1280, 128>}]} {
    %get3A = arith.constant 0 : index
    %get3A_0 = arith.constant 0 : index
    %get3A_1 = vector.load %arg1[%get3A, %get3A_0] : memref<1280x128xf32, #tpu.memory_space<vmem>>, vector<1280x128xf32>
    %get3A_2 = arith.constant 0 : index
    %get3A_3 = arith.constant 0 : index
    %get3A_4 = vector.load %arg2[%get3A_2, %get3A_3] : memref<1280x128xf32, #tpu.memory_space<vmem>>, vector<1280x128xf32>
    %concatenate3A = tpu.concatenate %get3A_1, %get3A_4 in 1 : vector<1280x128xf32>, vector<1280x128xf32> -> vector<1280x256xf32>
    %get3A_5 = arith.constant 0 : index
    %get3A_6 = arith.constant 0 : index
    %get3A_7 = vector.load %arg3[%get3A_5, %get3A_6] : memref<1280x16xf32, #tpu.memory_space<vmem>>, vector<1280x16xf32>
    %get3A_8 = arith.constant 0 : index
    %get3A_9 = arith.constant 0 : index
    %get3A_10 = vector.load %arg4[%get3A_8, %get3A_9] : memref<1280x1xf32, #tpu.memory_space<vmem>>, vector<1280x1xf32>
    %concatenate3A_11 = tpu.concatenate %get3A_7, %get3A_10 in 1 : vector<1280x16xf32>, vector<1280x1xf32> -> vector<1280x17xf32>
    %get3A_12 = arith.constant 0 : index
    %get3A_13 = arith.constant 0 : index
    %get3A_14 = vector.load %arg5[%get3A_12, %get3A_13] : memref<256x128xf32, #tpu.memory_space<vmem>>, vector<256x128xf32>
    %dot_general3A = arith.constant dense<0.000000e+00> : vector<1280x128xf32>
    %dot_general3A_15 = tpu.matmul %concatenate3A, %get3A_14, %dot_general3A {dimension_numbers = #tpu.dot_dimension_numbers<[1], [0], [0], [1], [0, 0, 1, 1], [], []>, transpose_lhs_hint = false} : vector<1280x256xf32>, vector<256x128xf32>, vector<1280x128xf32> -> vector<1280x128xf32>
    %get3A_16 = arith.constant 0 : index
    %get3A_17 = arith.constant 0 : index
    %get3A_18 = vector.load %arg6[%get3A_16, %get3A_17] : memref<17x128xf32, #tpu.memory_space<vmem>>, vector<17x128xf32>
    %dot_general3A_19 = arith.constant dense<0.000000e+00> : vector<1280x128xf32>
    %dot_general3A_20 = tpu.matmul %concatenate3A_11, %get3A_18, %dot_general3A_19 {dimension_numbers = #tpu.dot_dimension_numbers<[1], [0], [0], [1], [0, 0, 1, 1], [], []>, transpose_lhs_hint = false} : vector<1280x17xf32>, vector<17x128xf32>, vector<1280x128xf32> -> vector<1280x128xf32>
    %add3A = arith.addf %dot_general3A_15, %dot_general3A_20 : vector<1280x128xf32>
    %get3A_21 = arith.constant 0 : index
    %get3A_22 = arith.constant 0 : index
    %get3A_23 = vector.load %arg7[%get3A_21, %get3A_22] : memref<1x128xf32, #tpu.memory_space<vmem>>, vector<1x128xf32>
    %add3A_24 = vector.broadcast %get3A_23 : vector<1x128xf32> to vector<1280x128xf32>
    %add3A_25 = arith.addf %add3A, %add3A_24 : vector<1280x128xf32>
    %max3A = arith.constant 0.000000e+00 : f32
    %max3A_26 = vector.broadcast %max3A : f32 to vector<1280x128xf32>
    %max3A_27 = arith.maximumf %add3A_25, %max3A_26 : vector<1280x128xf32>
    %get3A_28 = arith.constant 0 : index
    %get3A_29 = arith.constant 0 : index
    %get3A_30 = vector.load %arg8[%get3A_28, %get3A_29] : memref<128x128xf32, #tpu.memory_space<vmem>>, vector<128x128xf32>
    %dot_general3A_31 = arith.constant dense<0.000000e+00> : vector<1280x128xf32>
    %dot_general3A_32 = tpu.matmul %max3A_27, %get3A_30, %dot_general3A_31 {dimension_numbers = #tpu.dot_dimension_numbers<[1], [0], [0], [1], [0, 0, 1, 1], [], []>, transpose_lhs_hint = false} : vector<1280x128xf32>, vector<128x128xf32>, vector<1280x128xf32> -> vector<1280x128xf32>
    %get3A_33 = arith.constant 0 : index
    %get3A_34 = arith.constant 0 : index
    %get3A_35 = vector.load %arg9[%get3A_33, %get3A_34] : memref<1x128xf32, #tpu.memory_space<vmem>>, vector<1x128xf32>
    %add3A_36 = vector.broadcast %get3A_35 : vector<1x128xf32> to vector<1280x128xf32>
    %add3A_37 = arith.addf %dot_general3A_32, %add3A_36 : vector<1280x128xf32>
    %max3A_38 = arith.constant 0.000000e+00 : f32
    %max3A_39 = vector.broadcast %max3A_38 : f32 to vector<1280x128xf32>
    %max3A_40 = arith.maximumf %add3A_37, %max3A_39 : vector<1280x128xf32>
    %swap3A = arith.constant 0 : index
    %swap3A_41 = arith.constant 0 : index
    %swap3A_42 = vector.load %arg10[%swap3A, %swap3A_41] : memref<1280x128xf32, #tpu.memory_space<vmem>>, vector<1280x128xf32>
    tpu.vector_store %arg10[%swap3A, %swap3A_41], %max3A_40 {strides = array<i32>} : memref<1280x128xf32, #tpu.memory_space<vmem>>, vector<1280x128xf32>,
    return
  }
  func.func @transform_0(%arg0: i32) -> (i32, i32) {
    %c0_i32 = arith.constant 0 : i32
    %c0_i32_0 = arith.constant 0 : i32
    return %arg0, %c0_i32 : i32, i32
  }
  func.func @transform_1(%arg0: i32) -> (i32, i32) {
    %c0_i32 = arith.constant 0 : i32
    %c0_i32_0 = arith.constant 0 : i32
    return %arg0, %c0_i32 : i32, i32
  }
  func.func @transform_2(%arg0: i32) -> (i32, i32) {
    %c0_i32 = arith.constant 0 : i32
    %c0_i32_0 = arith.constant 0 : i32
    return %arg0, %c0_i32 : i32, i32
  }
  func.func @transform_3(%arg0: i32) -> (i32, i32) {
    %c0_i32 = arith.constant 0 : i32
    %c0_i32_0 = arith.constant 0 : i32
    return %arg0, %c0_i32 : i32, i32
  }
  func.func @transform_4(%arg0: i32) -> (i32, i32) {
    %c0_i32 = arith.constant 0 : i32
    %c0_i32_0 = arith.constant 0 : i32
    %c0_i32_1 = arith.constant 0 : i32
    return %c0_i32, %c0_i32_0 : i32, i32
  }
  func.func @transform_5(%arg0: i32) -> (i32, i32) {
    %c0_i32 = arith.constant 0 : i32
    %c0_i32_0 = arith.constant 0 : i32
    %c0_i32_1 = arith.constant 0 : i32
    return %c0_i32, %c0_i32_0 : i32, i32
  }
  func.func @transform_6(%arg0: i32) -> (i32, i32) {
    %c0_i32 = arith.constant 0 : i32
    %c0_i32_0 = arith.constant 0 : i32
    %c0_i32_1 = arith.constant 0 : i32
    return %c0_i32, %c0_i32_0 : i32, i32
  }
  func.func @transform_7(%arg0: i32) -> (i32, i32) {
    %c0_i32 = arith.constant 0 : i32
    %c0_i32_0 = arith.constant 0 : i32
    %c0_i32_1 = arith.constant 0 : i32
    return %c0_i32, %c0_i32_0 : i32, i32
  }
  func.func @transform_8(%arg0: i32) -> (i32, i32) {
    %c0_i32 = arith.constant 0 : i32
    %c0_i32_0 = arith.constant 0 : i32
    %c0_i32_1 = arith.constant 0 : i32
    return %c0_i32, %c0_i32_0 : i32, i32
  }
  func.func @transform_9(%arg0: i32) -> (i32, i32) {
    %c0_i32 = arith.constant 0 : i32
    %c0_i32_0 = arith.constant 0 : i32
    return %arg0, %c0_i32 : i32, i32
  }
}

module attributes {stable_mosaic.version = 14 : i64} {
  func.func @_node_body(%arg0: i32, %arg1: memref<1000x128xf32, #tpu.memory_space<vmem>>, %arg2: memref<1000x128xf32, #tpu.memory_space<vmem>>, %arg3: memref<256x128xf32, #tpu.memory_space<vmem>>, %arg4: memref<1x128xf32, #tpu.memory_space<vmem>>, %arg5: memref<128x128xf32, #tpu.memory_space<vmem>>, %arg6: memref<1x128xf32, #tpu.memory_space<vmem>>, %arg7: memref<1000x128xf32, #tpu.memory_space<vmem>>) attributes {dimension_semantics = [#tpu.dimension_semantics<arbitrary>], iteration_bounds = array<i64: 10>, scalar_prefetch = 0 : i64, scratch_operands = 0 : i64, tpu.core_type = #tpu.core_type<tc>, window_params = [{transform_indices = @transform_0, window_bounds = array<i64: 1000, 128>}, {transform_indices = @transform_1, window_bounds = array<i64: 1000, 128>}, {pipeline_mode = #tpu.pipeline_mode<synchronous>, transform_indices = @transform_2, window_bounds = array<i64: 256, 128>}, {pipeline_mode = #tpu.pipeline_mode<synchronous>, transform_indices = @transform_3, window_bounds = array<i64: 1, 128>}, {pipeline_mode = #tpu.pipeline_mode<synchronous>, transform_indices = @transform_4, window_bounds = array<i64: 128, 128>}, {pipeline_mode = #tpu.pipeline_mode<synchronous>, transform_indices = @transform_5, window_bounds = array<i64: 1, 128>}, {transform_indices = @transform_6, window_bounds = array<i64: 1000, 128>}]} {
    %get3A = arith.constant 0 : index
    %get3A_0 = arith.constant 0 : index
    %get3A_1 = vector.load %arg1[%get3A, %get3A_0] : memref<1000x128xf32, #tpu.memory_space<vmem>>, vector<1000x128xf32>
    %get3A_2 = arith.constant 0 : index
    %get3A_3 = arith.constant 0 : index
    %get3A_4 = vector.load %arg2[%get3A_2, %get3A_3] : memref<1000x128xf32, #tpu.memory_space<vmem>>, vector<1000x128xf32>
    %concatenate3A = tpu.concatenate %get3A_1, %get3A_4 in 1 : vector<1000x128xf32>, vector<1000x128xf32> -> vector<1000x256xf32>
    %get3A_5 = arith.constant 0 : index
    %get3A_6 = arith.constant 0 : index
    %get3A_7 = vector.load %arg3[%get3A_5, %get3A_6] : memref<256x128xf32, #tpu.memory_space<vmem>>, vector<256x128xf32>
    %dot_general3A = arith.constant dense<0.000000e+00> : vector<1000x128xf32>
    %dot_general3A_8 = tpu.matmul %concatenate3A, %get3A_7, %dot_general3A {dimension_numbers = #tpu.dot_dimension_numbers<[1], [0], [0], [1], [0, 0, 1, 1], [], []>, transpose_lhs_hint = false} : vector<1000x256xf32>, vector<256x128xf32>, vector<1000x128xf32> -> vector<1000x128xf32>
    %get3A_9 = arith.constant 0 : index
    %get3A_10 = arith.constant 0 : index
    %get3A_11 = vector.load %arg4[%get3A_9, %get3A_10] : memref<1x128xf32, #tpu.memory_space<vmem>>, vector<1x128xf32>
    %add3A = vector.broadcast %get3A_11 : vector<1x128xf32> to vector<1000x128xf32>
    %add3A_12 = arith.addf %dot_general3A_8, %add3A : vector<1000x128xf32>
    %max3A = arith.constant 0.000000e+00 : f32
    %max3A_13 = vector.broadcast %max3A : f32 to vector<1000x128xf32>
    %max3A_14 = arith.maximumf %add3A_12, %max3A_13 : vector<1000x128xf32>
    %get3A_15 = arith.constant 0 : index
    %get3A_16 = arith.constant 0 : index
    %get3A_17 = vector.load %arg5[%get3A_15, %get3A_16] : memref<128x128xf32, #tpu.memory_space<vmem>>, vector<128x128xf32>
    %dot_general3A_18 = arith.constant dense<0.000000e+00> : vector<1000x128xf32>
    %dot_general3A_19 = tpu.matmul %max3A_14, %get3A_17, %dot_general3A_18 {dimension_numbers = #tpu.dot_dimension_numbers<[1], [0], [0], [1], [0, 0, 1, 1], [], []>, transpose_lhs_hint = false} : vector<1000x128xf32>, vector<128x128xf32>, vector<1000x128xf32> -> vector<1000x128xf32>
    %get3A_20 = arith.constant 0 : index
    %get3A_21 = arith.constant 0 : index
    %get3A_22 = vector.load %arg6[%get3A_20, %get3A_21] : memref<1x128xf32, #tpu.memory_space<vmem>>, vector<1x128xf32>
    %add3A_23 = vector.broadcast %get3A_22 : vector<1x128xf32> to vector<1000x128xf32>
    %add3A_24 = arith.addf %dot_general3A_19, %add3A_23 : vector<1000x128xf32>
    %swap3A = arith.constant 0 : index
    %swap3A_25 = arith.constant 0 : index
    %swap3A_26 = vector.load %arg7[%swap3A, %swap3A_25] : memref<1000x128xf32, #tpu.memory_space<vmem>>, vector<1000x128xf32>
    tpu.vector_store %arg7[%swap3A, %swap3A_25], %add3A_24 {strides = array<i32>} : memref<1000x128xf32, #tpu.memory_space<vmem>>, vector<1000x128xf32>,
    return
  }
  func.func @transform_0(%arg0: i32) -> (i32, i32) {
    %c0_i32 = arith.constant 0 : i32
    %c0_i32_0 = arith.constant 0 : i32
    return %arg0, %c0_i32 : i32, i32
  }
  func.func @transform_1(%arg0: i32) -> (i32, i32) {
    %c0_i32 = arith.constant 0 : i32
    %c0_i32_0 = arith.constant 0 : i32
    return %arg0, %c0_i32 : i32, i32
  }
  func.func @transform_2(%arg0: i32) -> (i32, i32) {
    %c0_i32 = arith.constant 0 : i32
    %c0_i32_0 = arith.constant 0 : i32
    %c0_i32_1 = arith.constant 0 : i32
    return %c0_i32, %c0_i32_0 : i32, i32
  }
  func.func @transform_3(%arg0: i32) -> (i32, i32) {
    %c0_i32 = arith.constant 0 : i32
    %c0_i32_0 = arith.constant 0 : i32
    %c0_i32_1 = arith.constant 0 : i32
    return %c0_i32, %c0_i32_0 : i32, i32
  }
  func.func @transform_4(%arg0: i32) -> (i32, i32) {
    %c0_i32 = arith.constant 0 : i32
    %c0_i32_0 = arith.constant 0 : i32
    %c0_i32_1 = arith.constant 0 : i32
    return %c0_i32, %c0_i32_0 : i32, i32
  }
  func.func @transform_5(%arg0: i32) -> (i32, i32) {
    %c0_i32 = arith.constant 0 : i32
    %c0_i32_0 = arith.constant 0 : i32
    %c0_i32_1 = arith.constant 0 : i32
    return %c0_i32, %c0_i32_0 : i32, i32
  }
  func.func @transform_6(%arg0: i32) -> (i32, i32) {
    %c0_i32 = arith.constant 0 : i32
    %c0_i32_0 = arith.constant 0 : i32
    return %arg0, %c0_i32 : i32, i32
  }
}

module attributes {stable_mosaic.version = 14 : i64} {
  func.func @_lambda_(%arg0: i32, %arg1: memref<80x128xf32, #tpu.memory_space<vmem>>, %arg2: memref<80x1xi32, #tpu.memory_space<vmem>>, %arg3: memref<384x128xf32, #tpu.memory_space<vmem>>, %arg4: memref<1x128xf32, #tpu.memory_space<vmem>>, %arg5: memref<128x64xf32, #tpu.memory_space<vmem>>, %arg6: memref<1x64xf32, #tpu.memory_space<vmem>>, %arg7: memref<64x128xf32, #tpu.memory_space<vmem>>, %arg8: memref<1x128xf32, #tpu.memory_space<vmem>>, %arg9: memref<64x128xf32, #tpu.memory_space<vmem>>, %arg10: memref<64x128xf32, #tpu.memory_space<vmem>>, %arg11: memref<64x128xf32, #tpu.memory_space<vmem>>, %arg12: memref<64x128xf32, #tpu.memory_space<vmem>>) attributes {dimension_semantics = [#tpu.dimension_semantics<arbitrary>], iteration_bounds = array<i64: 125>, scalar_prefetch = 0 : i64, scratch_operands = 3 : i64, tpu.core_type = #tpu.core_type<tc>, window_params = [{transform_indices = @transform_0, window_bounds = array<i64: 80, 128>}, {transform_indices = @transform_1, window_bounds = array<i64: 80, 1>}, {pipeline_mode = #tpu.pipeline_mode<synchronous>, transform_indices = @transform_2, window_bounds = array<i64: 384, 128>}, {pipeline_mode = #tpu.pipeline_mode<synchronous>, transform_indices = @transform_3, window_bounds = array<i64: 1, 128>}, {pipeline_mode = #tpu.pipeline_mode<synchronous>, transform_indices = @transform_4, window_bounds = array<i64: 128, 64>}, {pipeline_mode = #tpu.pipeline_mode<synchronous>, transform_indices = @transform_5, window_bounds = array<i64: 1, 64>}, {pipeline_mode = #tpu.pipeline_mode<synchronous>, transform_indices = @transform_6, window_bounds = array<i64: 64, 128>}, {pipeline_mode = #tpu.pipeline_mode<synchronous>, transform_indices = @transform_7, window_bounds = array<i64: 1, 128>}, {pipeline_mode = #tpu.pipeline_mode<synchronous>, transform_indices = @transform_8, window_bounds = array<i64: 64, 128>}]} {
    %eq3A = arith.constant 0 : i32
    %eq3A_0 = arith.cmpi eq, %arg0, %eq3A : i32
    %convert_element_type3A = arith.extui %eq3A_0 : i1 to i32
    %cond3A = arith.constant 0 : i32
    %cond3A_1 = arith.cmpi ne, %convert_element_type3A, %cond3A : i32
    scf.if %cond3A_1 {
      %broadcast_in_dim3A_51 = arith.constant 0.000000e+00 : f32
      %broadcast_in_dim3A_52 = vector.broadcast %broadcast_in_dim3A_51 : f32 to vector<64x128xf32>
      %swap3A_53 = arith.constant 0 : index
      %swap3A_54 = arith.constant 0 : index
      %swap3A_55 = vector.load %arg10[%swap3A_53, %swap3A_54] : memref<64x128xf32, #tpu.memory_space<vmem>>, vector<64x128xf32>
      tpu.vector_store %arg10[%swap3A_53, %swap3A_54], %broadcast_in_dim3A_52 {strides = array<i32>} : memref<64x128xf32, #tpu.memory_space<vmem>>, vector<64x128xf32>,
      %broadcast_in_dim3A_56 = arith.constant 0.000000e+00 : f32
      %broadcast_in_dim3A_57 = vector.broadcast %broadcast_in_dim3A_56 : f32 to vector<64x128xf32>
      %swap3A_58 = arith.constant 0 : index
      %swap3A_59 = arith.constant 0 : index
      %swap3A_60 = vector.load %arg12[%swap3A_58, %swap3A_59] : memref<64x128xf32, #tpu.memory_space<vmem>>, vector<64x128xf32>
      tpu.vector_store %arg12[%swap3A_58, %swap3A_59], %broadcast_in_dim3A_57 {strides = array<i32>} : memref<64x128xf32, #tpu.memory_space<vmem>>, vector<64x128xf32>,
      %broadcast_in_dim3A_61 = arith.constant -3.000000e+38 : f32
      %broadcast_in_dim3A_62 = vector.broadcast %broadcast_in_dim3A_61 : f32 to vector<64x128xf32>
      %swap3A_63 = arith.constant 0 : index
      %swap3A_64 = arith.constant 0 : index
      %swap3A_65 = vector.load %arg11[%swap3A_63, %swap3A_64] : memref<64x128xf32, #tpu.memory_space<vmem>>, vector<64x128xf32>
      tpu.vector_store %arg11[%swap3A_63, %swap3A_64], %broadcast_in_dim3A_62 {strides = array<i32>} : memref<64x128xf32, #tpu.memory_space<vmem>>, vector<64x128xf32>,
    } else {
    }
    %get3A = arith.constant 0 : index
    %get3A_2 = arith.constant 0 : index
    %get3A_3 = vector.load %arg1[%get3A, %get3A_2] : memref<80x128xf32, #tpu.memory_space<vmem>>, vector<80x128xf32>
    %get3A_4 = arith.constant 0 : index
    %get3A_5 = arith.constant 0 : index
    %get3A_6 = vector.load %arg2[%get3A_4, %get3A_5] : memref<80x1xi32, #tpu.memory_space<vmem>>, vector<80x1xi32>
    %iota3A = tpu.iota {dimensions = array<i32: 1>} : vector<1x64xi32>
    %eq3A_7 = vector.broadcast %get3A_6 : vector<80x1xi32> to vector<80x64xi32>
    %eq3A_8 = vector.broadcast %iota3A : vector<1x64xi32> to vector<80x64xi32>
    %eq3A_9 = arith.cmpi eq, %eq3A_7, %eq3A_8 : vector<80x64xi32>
    %convert_element_type3A_10 = arith.extui %eq3A_9 : vector<80x64xi1> to vector<80x64xi32>
    %convert_element_type3A_11 = arith.sitofp %convert_element_type3A_10 : vector<80x64xi32> to vector<80x64xf32>
    %get3A_12 = arith.constant 0 : index
    %get3A_13 = arith.constant 0 : index
    %get3A_14 = vector.load %arg10[%get3A_12, %get3A_13] : memref<64x128xf32, #tpu.memory_space<vmem>>, vector<64x128xf32>
    %dot_general3A = arith.constant dense<0.000000e+00> : vector<64x128xf32>
    %dot_general3A_15 = tpu.matmul %convert_element_type3A_11, %get3A_3, %dot_general3A {dimension_numbers = #tpu.dot_dimension_numbers<[0], [0], [1], [1], [0, 1, 1, 1], [], []>, precision = #tpu.contract_precision<fp32>, transpose_lhs_hint = false} : vector<80x64xf32>, vector<80x128xf32>, vector<64x128xf32> -> vector<64x128xf32>
    %add3A = arith.addf %get3A_14, %dot_general3A_15 : vector<64x128xf32>
    %swap3A = arith.constant 0 : index
    %swap3A_16 = arith.constant 0 : index
    %swap3A_17 = vector.load %arg10[%swap3A, %swap3A_16] : memref<64x128xf32, #tpu.memory_space<vmem>>, vector<64x128xf32>
    tpu.vector_store %arg10[%swap3A, %swap3A_16], %add3A {strides = array<i32>} : memref<64x128xf32, #tpu.memory_space<vmem>>, vector<64x128xf32>,
    %get3A_18 = arith.constant 0 : index
    %get3A_19 = arith.constant 0 : index
    %get3A_20 = vector.load %arg12[%get3A_18, %get3A_19] : memref<64x128xf32, #tpu.memory_space<vmem>>, vector<64x128xf32>
    %broadcast_in_dim3A = arith.constant 1.000000e+00 : f32
    %broadcast_in_dim3A_21 = vector.broadcast %broadcast_in_dim3A : f32 to vector<80x128xf32>
    %dot_general3A_22 = arith.constant dense<0.000000e+00> : vector<64x128xf32>
    %dot_general3A_23 = tpu.matmul %convert_element_type3A_11, %broadcast_in_dim3A_21, %dot_general3A_22 {dimension_numbers = #tpu.dot_dimension_numbers<[0], [0], [1], [1], [0, 1, 1, 1], [], []>, precision = #tpu.contract_precision<fp32>, transpose_lhs_hint = false} : vector<80x64xf32>, vector<80x128xf32>, vector<64x128xf32> -> vector<64x128xf32>
    %add3A_24 = arith.addf %get3A_20, %dot_general3A_23 : vector<64x128xf32>
    %swap3A_25 = arith.constant 0 : index
    %swap3A_26 = arith.constant 0 : index
    %swap3A_27 = vector.load %arg12[%swap3A_25, %swap3A_26] : memref<64x128xf32, #tpu.memory_space<vmem>>, vector<64x128xf32>
    tpu.vector_store %arg12[%swap3A_25, %swap3A_26], %add3A_24 {strides = array<i32>} : memref<64x128xf32, #tpu.memory_space<vmem>>, vector<64x128xf32>,
    %iota3A_28 = tpu.iota {dimensions = array<i32: 1>} : vector<1x64x1xi32>
    %broadcast_in_dim3A_29 = vector.shape_cast %get3A_6 : vector<80x1xi32> to vector<80x1x1xi32>
    %eq3A_30 = vector.broadcast %broadcast_in_dim3A_29 : vector<80x1x1xi32> to vector<80x64x1xi32>
    %eq3A_31 = vector.broadcast %iota3A_28 : vector<1x64x1xi32> to vector<80x64x1xi32>
    %eq3A_32 = arith.cmpi eq, %eq3A_30, %eq3A_31 : vector<80x64x1xi32>
    %broadcast_in_dim3A_33 = vector.shape_cast %get3A_3 : vector<80x128xf32> to vector<80x1x128xf32>
    %jit3A = arith.constant -3.000000e+38 : f32
    %broadcast_in_dim3A_34 = vector.shape_cast %eq3A_32 : vector<80x64x1xi1> to vector<80x64x1xi1>
    %broadcast_in_dim3A_35 = vector.broadcast %broadcast_in_dim3A_34 : vector<80x64x1xi1> to vector<80x64x128xi1>
    %broadcast_in_dim3A_36 = vector.shape_cast %broadcast_in_dim3A_33 : vector<80x1x128xf32> to vector<80x1x128xf32>
    %broadcast_in_dim3A_37 = vector.broadcast %broadcast_in_dim3A_36 : vector<80x1x128xf32> to vector<80x64x128xf32>
    %broadcast_in_dim3A_38 = vector.broadcast %jit3A : f32 to vector<80x64x128xf32>
    %select_n3A = arith.select %broadcast_in_dim3A_35, %broadcast_in_dim3A_37, %broadcast_in_dim3A_38 : vector<80x64x128xi1>, vector<80x64x128xf32>
    %get3A_39 = arith.constant 0 : index
    %get3A_40 = arith.constant 0 : index
    %get3A_41 = vector.load %arg11[%get3A_39, %get3A_40] : memref<64x128xf32, #tpu.memory_space<vmem>>, vector<64x128xf32>
    %reduce_max3A = arith.constant dense<0xFF800000> : vector<64x128xf32>
    %reduce_max3A_42 = vector.multi_reduction <maximumf>, %select_n3A, %reduce_max3A [0] : vector<80x64x128xf32> to vector<64x128xf32>
    %max3A = arith.maximumf %get3A_41, %reduce_max3A_42 : vector<64x128xf32>
    %swap3A_43 = arith.constant 0 : index
    %swap3A_44 = arith.constant 0 : index
    %swap3A_45 = vector.load %arg11[%swap3A_43, %swap3A_44] : memref<64x128xf32, #tpu.memory_space<vmem>>, vector<64x128xf32>
    tpu.vector_store %arg11[%swap3A_43, %swap3A_44], %max3A {strides = array<i32>} : memref<64x128xf32, #tpu.memory_space<vmem>>, vector<64x128xf32>,
    %eq3A_46 = arith.constant 124 : i32
    %eq3A_47 = arith.cmpi eq, %arg0, %eq3A_46 : i32
    %convert_element_type3A_48 = arith.extui %eq3A_47 : i1 to i32
    %cond3A_49 = arith.constant 0 : i32
    %cond3A_50 = arith.cmpi ne, %convert_element_type3A_48, %cond3A_49 : i32
    scf.if %cond3A_50 {
      %get3A_51 = arith.constant 0 : index
      %get3A_52 = arith.constant 0 : index
      %get3A_53 = vector.load %arg12[%get3A_51, %get3A_52] : memref<64x128xf32, #tpu.memory_space<vmem>>, vector<64x128xf32>
      %get3A_54 = arith.constant 0 : index
      %get3A_55 = arith.constant 0 : index
      %get3A_56 = vector.load %arg10[%get3A_54, %get3A_55] : memref<64x128xf32, #tpu.memory_space<vmem>>, vector<64x128xf32>
      %max3A_57 = arith.constant 1.000000e+00 : f32
      %max3A_58 = vector.broadcast %max3A_57 : f32 to vector<64x128xf32>
      %max3A_59 = arith.maximumf %get3A_53, %max3A_58 : vector<64x128xf32>
      %div3A = arith.divf %get3A_56, %max3A_59 : vector<64x128xf32>
      %gt3A = arith.constant 0.000000e+00 : f32
      %gt3A_60 = vector.broadcast %gt3A : f32 to vector<64x128xf32>
      %gt3A_61 = arith.cmpf ogt, %get3A_53, %gt3A_60 : vector<64x128xf32>
      %get3A_62 = arith.constant 0 : index
      %get3A_63 = arith.constant 0 : index
      %get3A_64 = vector.load %arg11[%get3A_62, %get3A_63] : memref<64x128xf32, #tpu.memory_space<vmem>>, vector<64x128xf32>
      %jit3A_65 = arith.constant 0.000000e+00 : f32
      %broadcast_in_dim3A_66 = vector.broadcast %jit3A_65 : f32 to vector<64x128xf32>
      %select_n3A_67 = arith.select %gt3A_61, %get3A_64, %broadcast_in_dim3A_66 : vector<64x128xi1>, vector<64x128xf32>
      %concatenate3A = tpu.concatenate %div3A, %select_n3A_67, %get3A_56 in 1 : vector<64x128xf32>, vector<64x128xf32>, vector<64x128xf32> -> vector<64x384xf32>
      %get3A_68 = arith.constant 0 : index
      %get3A_69 = arith.constant 0 : index
      %get3A_70 = vector.load %arg3[%get3A_68, %get3A_69] : memref<384x128xf32, #tpu.memory_space<vmem>>, vector<384x128xf32>
      %dot_general3A_71 = arith.constant dense<0.000000e+00> : vector<64x128xf32>
      %dot_general3A_72 = tpu.matmul %concatenate3A, %get3A_70, %dot_general3A_71 {dimension_numbers = #tpu.dot_dimension_numbers<[1], [0], [0], [1], [0, 0, 1, 1], [], []>, transpose_lhs_hint = false} : vector<64x384xf32>, vector<384x128xf32>, vector<64x128xf32> -> vector<64x128xf32>
      %get3A_73 = arith.constant 0 : index
      %get3A_74 = arith.constant 0 : index
      %get3A_75 = vector.load %arg4[%get3A_73, %get3A_74] : memref<1x128xf32, #tpu.memory_space<vmem>>, vector<1x128xf32>
      %add3A_76 = vector.broadcast %get3A_75 : vector<1x128xf32> to vector<64x128xf32>
      %add3A_77 = arith.addf %dot_general3A_72, %add3A_76 : vector<64x128xf32>
      %max3A_78 = arith.constant 0.000000e+00 : f32
      %max3A_79 = vector.broadcast %max3A_78 : f32 to vector<64x128xf32>
      %max3A_80 = arith.maximumf %add3A_77, %max3A_79 : vector<64x128xf32>
      %get3A_81 = arith.constant 0 : index
      %get3A_82 = arith.constant 0 : index
      %get3A_83 = vector.load %arg5[%get3A_81, %get3A_82] : memref<128x64xf32, #tpu.memory_space<vmem>>, vector<128x64xf32>
      %dot_general3A_84 = arith.constant dense<0.000000e+00> : vector<64x64xf32>
      %dot_general3A_85 = tpu.matmul %max3A_80, %get3A_83, %dot_general3A_84 {dimension_numbers = #tpu.dot_dimension_numbers<[1], [0], [0], [1], [0, 0, 1, 1], [], []>, transpose_lhs_hint = false} : vector<64x128xf32>, vector<128x64xf32>, vector<64x64xf32> -> vector<64x64xf32>
      %get3A_86 = arith.constant 0 : index
      %get3A_87 = arith.constant 0 : index
      %get3A_88 = vector.load %arg6[%get3A_86, %get3A_87] : memref<1x64xf32, #tpu.memory_space<vmem>>, vector<1x64xf32>
      %add3A_89 = vector.broadcast %get3A_88 : vector<1x64xf32> to vector<64x64xf32>
      %add3A_90 = arith.addf %dot_general3A_85, %add3A_89 : vector<64x64xf32>
      %max3A_91 = arith.constant 0.000000e+00 : f32
      %max3A_92 = vector.broadcast %max3A_91 : f32 to vector<64x64xf32>
      %max3A_93 = arith.maximumf %add3A_90, %max3A_92 : vector<64x64xf32>
      %get3A_94 = arith.constant 0 : index
      %get3A_95 = arith.constant 0 : index
      %get3A_96 = vector.load %arg7[%get3A_94, %get3A_95] : memref<64x128xf32, #tpu.memory_space<vmem>>, vector<64x128xf32>
      %dot_general3A_97 = arith.constant dense<0.000000e+00> : vector<64x128xf32>
      %dot_general3A_98 = tpu.matmul %max3A_93, %get3A_96, %dot_general3A_97 {dimension_numbers = #tpu.dot_dimension_numbers<[1], [0], [0], [1], [0, 0, 1, 1], [], []>, transpose_lhs_hint = false} : vector<64x64xf32>, vector<64x128xf32>, vector<64x128xf32> -> vector<64x128xf32>
      %get3A_99 = arith.constant 0 : index
      %get3A_100 = arith.constant 0 : index
      %get3A_101 = vector.load %arg8[%get3A_99, %get3A_100] : memref<1x128xf32, #tpu.memory_space<vmem>>, vector<1x128xf32>
      %add3A_102 = vector.broadcast %get3A_101 : vector<1x128xf32> to vector<64x128xf32>
      %add3A_103 = arith.addf %dot_general3A_98, %add3A_102 : vector<64x128xf32>
      %max3A_104 = arith.constant 0.000000e+00 : f32
      %max3A_105 = vector.broadcast %max3A_104 : f32 to vector<64x128xf32>
      %max3A_106 = arith.maximumf %add3A_103, %max3A_105 : vector<64x128xf32>
      %abs3A = math.absf %add3A_103 : vector<64x128xf32>
      %neg3A = arith.constant 0.000000e+00 : f32
      %neg3A_107 = vector.broadcast %neg3A : f32 to vector<64x128xf32>
      %neg3A_108 = arith.subf %neg3A_107, %abs3A : vector<64x128xf32>
      %exp3A = math.exp %neg3A_108 : vector<64x128xf32>
      %log1p3A = math.log1p %exp3A : vector<64x128xf32>
      %add3A_109 = arith.addf %max3A_106, %log1p3A : vector<64x128xf32>
      %swap3A_110 = arith.constant 0 : index
      %swap3A_111 = arith.constant 0 : index
      %swap3A_112 = vector.load %arg9[%swap3A_110, %swap3A_111] : memref<64x128xf32, #tpu.memory_space<vmem>>, vector<64x128xf32>
      tpu.vector_store %arg9[%swap3A_110, %swap3A_111], %add3A_109 {strides = array<i32>} : memref<64x128xf32, #tpu.memory_space<vmem>>, vector<64x128xf32>,
    } else {
    }
    return
  }
  func.func @transform_0(%arg0: i32) -> (i32, i32) {
    %c0_i32 = arith.constant 0 : i32
    %c0_i32_0 = arith.constant 0 : i32
    return %arg0, %c0_i32 : i32, i32
  }
  func.func @transform_1(%arg0: i32) -> (i32, i32) {
    %c0_i32 = arith.constant 0 : i32
    %c0_i32_0 = arith.constant 0 : i32
    return %arg0, %c0_i32 : i32, i32
  }
  func.func @transform_2(%arg0: i32) -> (i32, i32) {
    %c0_i32 = arith.constant 0 : i32
    %c0_i32_0 = arith.constant 0 : i32
    %c0_i32_1 = arith.constant 0 : i32
    return %c0_i32, %c0_i32_0 : i32, i32
  }
  func.func @transform_3(%arg0: i32) -> (i32, i32) {
    %c0_i32 = arith.constant 0 : i32
    %c0_i32_0 = arith.constant 0 : i32
    %c0_i32_1 = arith.constant 0 : i32
    return %c0_i32, %c0_i32_0 : i32, i32
  }
  func.func @transform_4(%arg0: i32) -> (i32, i32) {
    %c0_i32 = arith.constant 0 : i32
    %c0_i32_0 = arith.constant 0 : i32
    %c0_i32_1 = arith.constant 0 : i32
    return %c0_i32, %c0_i32_0 : i32, i32
  }
  func.func @transform_5(%arg0: i32) -> (i32, i32) {
    %c0_i32 = arith.constant 0 : i32
    %c0_i32_0 = arith.constant 0 : i32
    %c0_i32_1 = arith.constant 0 : i32
    return %c0_i32, %c0_i32_0 : i32, i32
  }
  func.func @transform_6(%arg0: i32) -> (i32, i32) {
    %c0_i32 = arith.constant 0 : i32
    %c0_i32_0 = arith.constant 0 : i32
    %c0_i32_1 = arith.constant 0 : i32
    return %c0_i32, %c0_i32_0 : i32, i32
  }
  func.func @transform_7(%arg0: i32) -> (i32, i32) {
    %c0_i32 = arith.constant 0 : i32
    %c0_i32_0 = arith.constant 0 : i32
    %c0_i32_1 = arith.constant 0 : i32
    return %c0_i32, %c0_i32_0 : i32, i32
  }
  func.func @transform_8(%arg0: i32) -> (i32, i32) {
    %c0_i32 = arith.constant 0 : i32
    %c0_i32_0 = arith.constant 0 : i32
    %c0_i32_1 = arith.constant 0 : i32
    return %c0_i32, %c0_i32_0 : i32, i32
  }
}

</mosaic_0001>

<sc_bundles>
// kernel: kernel.12.cloned.1.call-start
scs
__scs_entry_jumppad:
0x0: {  	(pc) =	sbr.rel $0x88, $3  }
0x1: {  	(tag) =	ssettag $0x0;
	lr =	simm.s32 $0x1  }
0x2: {  	[smem:$0x3F8C] =	sst lr;
	_ =	strace $0xD0000000  }
0x3: {  	_ = 	snop  }
0x4: {  	_ = 	snop  }
0x5: {  	_ = 	snop  }
0x6: {  	_ = 	snop  }
0x7: {  	_ = 	snop  }
__scs_overlays_trampoline_lowered:
0x8: {  	[smem:$0x3F9B] =	sst s0  }
0x9: {  	[smem:$0x3F9C] =	sst s1  }
0xa: {  	[smem:$0x3F9D] =	sst s2  }
0xb: {  	[smem:$0x3F9E] =	sst s3  }
0xc: {  	[smem:$0x3F9F] =	sst s4  }
0xd: {  	[smem:$0x3FA0] =	sst s5  }
0xe: {  	[smem:$0x3FA1] =	sst s6  }
0xf: {  	[smem:$0x3FA2] =	sst s7  }
0x10: {  	[smem:$0x3FA3] =	sst s8  }
0x11: {  	[smem:$0x3FA4] =	sst s9;
	s0 =	simm.s32 @!p0 $0x0  }
0x12: {  	s1 =	sld [smem:$0x3F8A];
	s0 =	simm.s32 @p0 $0x1  }
0x13: {  	[smem:$0x3FA5] =	sst s0;
	s0 =	simm.s32 @!p1 $0x0  }
0x14: {  	s2 =	sld [smem:$0x3F89];
	s0 =	simm.s32 @p1 $0x1  }
0x15: {  	[smem:$0x3FA6] =	sst s0;
	s0 =	simm.s32 @!p2 $0x0  }
0x16: {  	s3 =	sld [smem:$0x3FDB];
	s0 =	simm.s32 @p2 $0x1  }
0x17: {  	s4 =	simm.s32 $0x1BF5;
	[smem:$0x3FA8] =	sst s0  }
0x18: {  	s0 =	sld [smem:$0x3F8B];
	_ =	swait.ge [sflag:s4], $0x0  }
0x19: {  	s7 =	sld [smem:$0x3F8C]  }
0x1a: {  	s8 =	sadd.s32 $0xFFFFE003, lr  }
0x1b: {  	s9 =	sadd.s32 $0xFFFFFEF7, lr;
	s5 =	simm.s32 $0xFFFFFFFF;
	p2 =	slt.u32 s8, $0xFFFFF086  }
0x1c: {  	p1 =	slt.u32 s9, $0xF7A;
	s5 =	simm.s32 @!p2 $0x0  }
0x1d: {  	s5 =	simm.s32 @p1 $0x1;
	p0 =	seq.s32 s7, s2  }
0x1e: {  	s7 =	smul.u32 @!p0 $0xF7A, s2;
	p2 =	seq.s32 @!p0 s5, $0x0  }
0x1f: {  	s9 =	smul.u32 $0xF7A, s1;
	s8 =	simm.s32 @!p0 $0x1BF5;
	p2 =	por !p2, p0  }
0x20: {  	[sflag:s8] =	ssyncset.s32 @!p0 $0xFFFFF086;
	s6 =	sadd.s32 @!p0 s3, s7;
	s7 =	simm.s32 @!p0 $0x108  }
0x21: {  	s3 =	sadd.s32 s3, s9;
	s6 =	sadd.s32 @!p0 $0x88, s6;
	s7 =	simm.s32 @p2 $0x1082  }
0x22: {  	[simem:s7], [sflag:s8] =	dma.local @!p0 [hbm:s6], $0xF7A  }
0x23: {  	s9 =	sor.u32 $0xD0000000, s2;
	s6 =	simm.s32 $0x108;
	_ =	swait.ge @!p0 [sflag:s8], $0x0  }
0x24: {  	s3 =	sadd.s32 $0x88, s3;
	s6 =	simm.s32 @!p1 $0x1082;
	[sflag:s4] =	ssyncset.s32 $0xFFFFF086  }
0x25: {  	[simem:s6], [sflag:s4] =	dma.local [hbm:s3], $0xF7A  }
0x26: {  	[smem:$0x3F8C] =	sst s1;
	(tag) =	ssettag s2;
	_ =	strace s9  }
0x27: {  	s1 =	sld [smem:$0x3F9C]  }
0x28: {  	s2 =	sld [smem:$0x3F9D]  }
0x29: {  	s4 =	sld [smem:$0x3F9F]  }
0x2a: {  	p0 =	seq.s32 s5, $0x0;
	s5 =	sld [smem:$0x3FA0]  }
0x2b: {  	s6 =	sld [smem:$0x3FA1]  }
0x2c: {  	s7 =	sld [smem:$0x3FA2]  }
0x2d: {  	s3 =	simm.s32 $0x108;
	s8 =	sld [smem:$0x3FA3]  }
0x2e: {  	s3 =	simm.s32 @!p0 $0x1082;
	s9 =	sld [smem:$0x3FA4]  }
0x2f: {  	lr =	sadd.s32 s0, s3;
	s0 =	sld [smem:$0x3F9B]  }
0x30: {  	s3 =	sld [smem:$0x3F9E]  }
0x31: {  	[smem:$0x3FA7] =	sst s10  }
0x32: {  	s10 =	sld [smem:$0x3FA5];
	_ =	sdelay $0x3  }
0x33: {  	p0 =	seq.s32 s10, $0x1;
	s10 =	sld [smem:$0x3FA7];
	_ =	sdelay $0x3  }
0x34: {  	[smem:$0x3FA7] =	sst s10  }
0x35: {  	s10 =	sld [smem:$0x3FA6];
	_ =	sdelay $0x3  }
0x36: {  	p1 =	seq.s32 s10, $0x1;
	s10 =	sld [smem:$0x3FA7];
	_ =	sdelay $0x3  }
0x37: {  	[smem:$0x3FA7] =	sst s10  }
0x38: {  	s10 =	sld [smem:$0x3FA8]  }
0x39: {  	_ = 	snop;
	(pc) =	sbr.ind lr, $3  }
0x3a: {  	_ = 	snop  }
0x3b: {  	_ = 	snop  }
0x3c: {  	p2 =	seq.s32 s10, $0x1;
	s10 =	sld [smem:$0x3FA7]  }
0x3d: {  	_ =	shalt  }
0x3e: {  	_ =	shalt  }
0x3f: {  	_ =	shalt  }
0x40: {  	_ =	shalt  }
0x41: {  	_ =	shalt  }
0x42: {  	_ =	shalt  }
0x43: {  	_ =	shalt  }
0x44: {  	_ =	shalt  }
0x45: {  	_ =	shalt  }
0x46: {  	_ =	shalt  }
0x47: {  	_ =	shalt  }
0x48: {  	_ =	shalt  }
0x49: {  	_ =	shalt  }
0x4a: {  	_ =	shalt  }
0x4b: {  	_ =	shalt  }
0x4c: {  	_ =	shalt  }
0x4d: {  	_ =	shalt  }
0x4e: {  	_ =	shalt  }
0x4f: {  	_ =	shalt  }
0x50: {  	_ =	shalt  }
0x51: {  	_ =	shalt  }
0x52: {  	_ =	shalt  }
0x53: {  	_ =	shalt  }
0x54: {  	_ =	shalt  }
0x55: {  	_ =	shalt  }
0x56: {  	_ =	shalt  }
0x57: {  	_ =	shalt  }
0x58: {  	_ =	shalt  }
0x59: {  	_ =	shalt  }
0x5a: {  	_ =	shalt  }
0x5b: {  	_ =	shalt  }
0x5c: {  	_ =	shalt  }
0x5d: {  	_ =	shalt  }
0x5e: {  	_ =	shalt  }
0x5f: {  	_ =	shalt  }
0x60: {  	_ =	shalt  }
0x61: {  	_ =	shalt  }
0x62: {  	_ =	shalt  }
0x63: {  	_ =	shalt  }
0x64: {  	_ =	shalt  }
0x65: {  	_ =	shalt  }
0x66: {  	_ =	shalt  }
0x67: {  	_ =	shalt  }
0x68: {  	_ =	shalt  }
0x69: {  	_ =	shalt  }
0x6a: {  	_ =	shalt  }
0x6b: {  	_ =	shalt  }
0x6c: {  	_ =	shalt  }
0x6d: {  	_ =	shalt  }
0x6e: {  	_ =	shalt  }
0x6f: {  	_ =	shalt  }
0x70: {  	_ =	shalt  }
0x71: {  	_ =	shalt  }
0x72: {  	_ =	shalt  }
0x73: {  	_ =	shalt  }
0x74: {  	_ =	shalt  }
0x75: {  	_ =	shalt  }
0x76: {  	_ =	shalt  }
0x77: {  	_ =	shalt  }
0x78: {  	_ =	shalt  }
0x79: {  	_ =	shalt  }
0x7a: {  	_ =	shalt  }
0x7b: {  	_ =	shalt  }
0x7c: {  	_ =	shalt  }
0x7d: {  	_ =	shalt  }
0x7e: {  	_ =	shalt  }
0x7f: {  	_ =	shalt  }
0x80: {  	_ =	shalt  }
0x81: {  	_ =	shalt  }
0x82: {  	_ =	shalt  }
0x83: {  	_ =	shalt  }
0x84: {  	_ =	shalt  }
0x85: {  	_ =	shalt  }
0x86: {  	_ =	shalt  }
0x87: {  	_ =	shalt  }
.Lfunc_end0:
.L_simem_size_0:
called_computation_lowered:
.L_overlay_start_0:
0x88: {  	s2 =	sld [smem:$0x3FD9]  }
0x89: {  	s3 =	sld [smem:$0x3FFE];
	_ =	sdelay $0x1  }
0x8a: {  	s1 =	srdreg.scid  }
0x8b: {  	s0 =	sand.u32 $0x1, s1  }
0x8c: {  	s16 =	sshll.u32 s0, $0xA;
	s2 =	sadd.s32 s3, s2  }
0x8d: {  	s2 =	sadd.s32 s2, s16  }
0x8e: {  	[smem:$0x3FB3] =	sst s2  }
0x8f: {  	_ = 	snop  }
0x90: {  	(tm) =	ssettm $0x1  }
0x91: {  	s17 =	sld [smem:$0x3FFB];
	_ =	sdelay $0x3  }
0x92: {  	_ =	strace s17  }
0x93: {  	s2 =	sld [smem:$0x3FFC];
	_ =	sdelay $0x3  }
0x94: {  	_ =	strace s2  }
0x95: {  	s2 =	sld [smem:$0x3FFD];
	_ =	sdelay $0x3  }
0x96: {  	_ =	strace s2  }
0x97: {  	_ =	strace $0x8FFFFFFF  }
0x98: {  	s18 =	sld [smem:$0x3FDB];
	_ =	sdelay $0x1  }
0x99: {  	s19 =	simm.s32 $_scs_section_size  }
0x9a: {  	s4 =	simm.s32 $_size__tile_overlayer_lowered;
	s5 =	simm.s32 $_tile_overlayer_lowered  }
0x9b: {  	s22 =	simm.s32 $0x1BFF;
	s21 =	sshll.u32 s5, $0x1;
	s2 =	sadd.s32 s19, s18  }
0x9c: {  	s6 =	simm.s32 $0x0;
	s20 =	sshll.u32 s4, $0x1;
	s4 =	sadd.s32 s21, s2  }
0x9d: {  	[timem:s6], [sflag:s22] =	dma.local [hbm:s4], s20  }
0x9e: {  	_ =	swait.ge [sflag:s22], s20  }
0x9f: {  	s3 =	ssub.s32 $0x0, s20;
	[sflag:s22] =	ssyncset.done $0x0  }
0xa0: {  	[sflag:s22] =	ssyncadd.s32 s3;
	_ =	sdelay $0x1  }
0xa1: {  	s23 =	simm.s32 $0x1B8B  }
0xa2: {  	_ =	swait.ge [sflag:s23], $0x1  }
0xa3: {  	[sflag:s23] =	ssyncset.done $0x0  }
0xa4: {  	s25 =	simm.s32 $0x1B8E;
	s24 =	sld [smem:$0x3FFE];
	[sflag:s23] =	ssyncadd.s32 $0xFFFFFFFF  }
0xa5: {  	s26 =	simm.s32 $execute0_lowered;
	[smem:$0x3FD2] =	sst s25  }
0xa6: {  	s4 =	sshll.u32 s26, $0x1;
	_ =	strace $0x80000046;
	[dreg:$0x1] =	wrdreg $0xFFFFFFFF  }
0xa7: {  	s28 =	simm.s32 $_size_execute0_lowered;
	s2 =	sadd.s32 s2, s4;
	[dreg:$0x0] =	wrdreg $0x0  }
0xa8: {  	s4 =	sshll.u32 s28, $0x1;
	[dreg:$0x2] =	wrdreg s2  }
0xa9: {  	[dreg:$0x3] =	wrdreg s4  }
0xaa: {  	[dreg:$0x4] =	wrdreg $0xC0  }
0xab: {  	_ =	task [dreg:s6], $0x5FFFF  }
0xac: {  	[dreg:$0x1] =	wrdreg $0xFFFFFFFF  }
0xad: {  	[dreg:$0x0] =	wrdreg $0x60  }
0xae: {  	[dreg:$0x2] =	wrdreg s24  }
0xaf: {  	[dreg:$0x3] =	wrdreg $0x9  }
0xb0: {  	_ =	task.clear_ibuf [dreg:s6], $0x4FFFF;
	_ =	strace $0x90000046  }
0xb1: {  	s29 =	simm.s32 $0x9;
	_ =	strace $0x80000048  }
0xb2: {  	_ =	swait.ge [sflag:s29], $0x1  }
0xb3: {  	[sflag:s29] =	ssyncadd.s32 $0xFFFFFFFF  }
0xb4: {  	_ =	strace $0x90000048  }
0xb5: {  	_ =	sfence  }
0xb6: {  	s30 =	sld [smem:$0x0];
	_ =	sdelay $0x2  }
0xb7: {  	s31 =	sshll.u32 s1, $0xD;
	s1 =	sshrl.u32 s1, $0x2  }
0xb8: {  	s3 =	sand.u32 $0x4000, s31;
	s1 =	sadd.s32 s1, s30  }
0xb9: {  	s0 =	sor.u32 s3, s0;
	s1 =	sshll.u32 s1, $0x11  }
0xba: {  	s0 =	sor.u32 s1, s0  }
0xbb: {  	s0 =	sadd.s32 $0x8F2B, s0  }
0xbc: {  	[sflag:s0] =	ssyncadd.remote.s32 $0x1  }
0xbd: {  	_ =	sfence.sel $0xFFFF  }
0xbe: {  	[dreg:$0x0] =	wrdreg $0xFFFFFFFF;
	(pc) =	sbr.abs _section_cstart, $3  }
0xbf: {  	[dreg:$0x1] =	wrdreg $0xFFFFFFFF  }
0xc0: {  	_ =	task.clear_ibuf [dreg:s6], $0x2FFFF;
	_ =	strace $0x9FFFFFFF  }
0xc1: {  	(tm) =	ssettm $0x7FFFFFFF  }
tec
execute0_lowered:
.L_overlay_start_1:
0x0: {  	(tag) =	ssettag $0x1  }
0x1: {  	s4 =	rddreg [dreg:$0x0]  }
0x2: {  	s0 =	rddreg [dreg:$0x1];
	s2 =	simm.s32 $0x0;
	s3 =	srdreg.scid  }
0x3: {  	s1 =	stileid.u32;
	s10 =	simm.s32 $0x3;
	s11 =	simm.s32 $0x190  }
0x4: {  	s12 =	simm.s32 $0x400;
	s13 =	simm.s32 $0xCC00;
	s14 =	simm.s32 $0x1  }
0x5: {  	s15 =	simm.s32 $0x2;
	s16 =	simm.s32 $0x0;
	s6 =	smul.u32 $0x4E20, s1  }
0x6: {  	[smem:$0x7FF] =	sst s2;
	s5 =	sand.u32 $0x1, s3;
	s8 =	smul.u32 $0x4E200, s1  }
0x7: {  	s3 =	sadd.s32 $0x1AA00, s4;
	s7 =	smul.u32 $0x2710, s5;
	s9 =	ssub.s32 $0x2, s5  }
0x8: {  	_ =	strace $0x80000047;
	s5 =	smul.u32 $0x27100, s5;
	s29 =	sshrl.u32 s9, $0x1  }
0x9: {  	s8 =	sadd.s32 s8, s4;
	s6 =	sadd.s32 s7, s6;
	s7 =	ssub.s32 s9, s29  }
0xa: {  	s31 =	sadd.s32 s5, s8;
	s9 =	simm.s32 $0x200;
	s6 =	sshrl.u32 s6, $0x3  }
0xb: {  	s5 =	sadd.s32 $0x41C00, s31;
	s30 =	sadd.s32 s6, s4;
	s4 =	smax.u32 s7, $0x1  }
0xc: {  	s6 =	sadd.s32 $0x523C00, s31;
	s7 =	sadd.s32 $0x6E00, s30;
	s8 =	sadd.s32 $0x10C00, s30  }
.LBB2_1:
0xd: {  	s17 =	sadd.s32 $0x0, s8  }
0xe: {  	[tilespmem:s9], [sflag:$0x3] =	stream.linear.gather [hbm4b:s17+s2], $0x190, $0x38;
	[tilespmem:$0x19400] =	vst v63  }
0xf: {  	_ =	swait.ge [sflag:s10], $0x190  }
0x10: {  	[sflag:s10] =	ssyncset.done $0x0  }
0x11: {  	s31 =	sadd.s32 $0x0, s7;
	[sflag:s10] =	ssyncadd.s32 $0xFFFFFE70  }
0x12: {  	[tilespmem:s2], [sflag:$0x3] =	stream.linear.gather [hbm4b:s31+s2], $0x190, $0x38;
	[tilespmem:$0x19400] =	vst v63  }
0x13: {  	_ =	swait.ge [sflag:s10], $0x190  }
0x14: {  	[sflag:s10] =	ssyncset.done $0x0  }
0x15: {  	[sflag:s10] =	ssyncadd.s32 $0xFFFFFE70  }
0x16: {  	[tilespmem:s12], [sflag:$0x1] =	stream.indirect.gather [hbm4b:s3+s11], $0x80, s9, s11, $0xb8;
	[tilespmem:$0x19400] =	vst v63  }
0x17: {  	_ = 	snop  }
0x18: {  	[tilespmem:s13], [sflag:$0x2] =	stream.indirect.gather [hbm4b:s3+s11], $0x80, s2, s11, $0xb8;
	[tilespmem:$0x19400] =	vst v63  }
0x19: {  	_ =	swait.ge [sflag:s14], $0xC800  }
0x1a: {  	[sflag:s14] =	ssyncset.done $0x0  }
0x1b: {  	[sflag:s14] =	ssyncadd.s32 $0xFFFF3800  }
0x1c: {  	[hbm4b:s5+s2] =	stream.linear.scatter [tilespmem:s12], [sflag:$0x3], $0xC800, $0x38;
	[tilespmem:$0x19400] =	vst v63  }
0x1d: {  	_ =	swait.ge [sflag:s10], $0xC800  }
0x1e: {  	[sflag:s10] =	ssyncset.done $0x0  }
0x1f: {  	[sflag:s10] =	ssyncadd.s32 $0xFFFF3800  }
0x20: {  	_ =	swait.ge [sflag:s15], $0xC800  }
0x21: {  	[sflag:s15] =	ssyncset.done $0x0  }
0x22: {  	[sflag:s15] =	ssyncadd.s32 $0xFFFF3800  }
0x23: {  	[hbm4b:s6+s2] =	stream.linear.scatter [tilespmem:s13], [sflag:$0x3], $0xC800, $0x38;
	[tilespmem:$0x19400] =	vst v63  }
0x24: {  	s19 =	simm.s32 $0x32;
	s20 =	simm.s32 $0x64;
	_ =	swait.ge [sflag:s10], $0xC800  }
0x25: {  	s18 =	sadd.s32 $0x1900, s5;
	s17 =	sadd.s32 $0x1900, s6;
	[sflag:s10] =	ssyncset.done $0x0  }
.LBB2_2:
0x26: {  	s21 =	sadd.s32 s19, s8  }
0x27: {  	[sflag:s10] =	ssyncadd.s32 $0xFFFF3800;
	s22 =	smov.u32 s20;
	s23 =	sadd.s32 $0x32, s20  }
0x28: {  	[tilespmem:s9], [sflag:$0x3] =	stream.linear.gather [hbm4b:s21+s2], $0x190, $0x38;
	[tilespmem:$0x19400] =	vst v63  }
0x29: {  	p0 =	sne.s32 s20, $0x4B0;
	_ =	swait.ge [sflag:s10], $0x190  }
0x2a: {  	[sflag:s10] =	ssyncset.done $0x0  }
0x2b: {  	s20 =	sadd.s32 s19, s7;
	s19 =	smov.u32 s22;
	[sflag:s10] =	ssyncadd.s32 $0xFFFFFE70  }
0x2c: {  	[tilespmem:s2], [sflag:$0x3] =	stream.linear.gather [hbm4b:s20+s2], $0x190, $0x38;
	[tilespmem:$0x19400] =	vst v63  }
0x2d: {  	_ =	swait.ge [sflag:s10], $0x190  }
0x2e: {  	[sflag:s10] =	ssyncset.done $0x0  }
0x2f: {  	[sflag:s10] =	ssyncadd.s32 $0xFFFFFE70  }
0x30: {  	[tilespmem:s12], [sflag:$0x1] =	stream.indirect.gather [hbm4b:s3+s11], $0x80, s9, s11, $0xb8;
	[tilespmem:$0x19400] =	vst v63  }
0x31: {  	_ = 	snop  }
0x32: {  	[tilespmem:s13], [sflag:$0x2] =	stream.indirect.gather [hbm4b:s3+s11], $0x80, s2, s11, $0xb8;
	[tilespmem:$0x19400] =	vst v63  }
0x33: {  	_ =	swait.ge [sflag:s14], $0xC800  }
0x34: {  	[sflag:s14] =	ssyncset.done $0x0  }
0x35: {  	[sflag:s14] =	ssyncadd.s32 $0xFFFF3800  }
0x36: {  	[hbm4b:s18+s2] =	stream.linear.scatter [tilespmem:s12], [sflag:$0x3], $0xC800, $0x38;
	[tilespmem:$0x19400] =	vst v63  }
0x37: {  	_ =	swait.ge [sflag:s10], $0xC800  }
0x38: {  	[sflag:s10] =	ssyncset.done $0x0  }
0x39: {  	[sflag:s10] =	ssyncadd.s32 $0xFFFF3800  }
0x3a: {  	_ =	swait.ge [sflag:s15], $0xC800  }
.Ltmp0:
0x3b: {  	[sflag:s15] =	ssyncset.done $0x0;
	(pc) =	sbr.rel @p0 .LBB2_2-.Ltmp0, $4  }
0x3c: {  	[sflag:s15] =	ssyncadd.s32 $0xFFFF3800  }
0x3d: {  	[hbm4b:s17+s2] =	stream.linear.scatter [tilespmem:s13], [sflag:$0x3], $0xC800, $0x38;
	[tilespmem:$0x19400] =	vst v63  }
0x3e: {  	s20 =	smov.u32 s23;
	_ =	swait.ge [sflag:s10], $0xC800  }
0x3f: {  	s18 =	sadd.s32 $0x1900, s18;
	s17 =	sadd.s32 $0x1900, s17;
	[sflag:s10] =	ssyncset.done $0x0  }
0x40: {  	s20 =	sadd.s32 s19, s8;
	[sflag:s10] =	ssyncadd.s32 $0xFFFF3800  }
0x41: {  	[tilespmem:s9], [sflag:$0x3] =	stream.linear.gather [hbm4b:s20+s2], $0x190, $0x38;
	[tilespmem:$0x19400] =	vst v63  }
0x42: {  	_ =	swait.ge [sflag:s10], $0x190  }
0x43: {  	[sflag:s10] =	ssyncset.done $0x0  }
0x44: {  	s31 =	sadd.s32 s19, s7;
	[sflag:s10] =	ssyncadd.s32 $0xFFFFFE70  }
0x45: {  	[tilespmem:s2], [sflag:$0x3] =	stream.linear.gather [hbm4b:s31+s2], $0x190, $0x38;
	[tilespmem:$0x19400] =	vst v63  }
0x46: {  	_ =	swait.ge [sflag:s10], $0x190  }
0x47: {  	[sflag:s10] =	ssyncset.done $0x0  }
0x48: {  	[sflag:s10] =	ssyncadd.s32 $0xFFFFFE70  }
0x49: {  	[tilespmem:s12], [sflag:$0x1] =	stream.indirect.gather [hbm4b:s3+s11], $0x80, s9, s11, $0xb8;
	[tilespmem:$0x19400] =	vst v63  }
0x4a: {  	_ = 	snop  }
0x4b: {  	[tilespmem:s13], [sflag:$0x2] =	stream.indirect.gather [hbm4b:s3+s11], $0x80, s2, s11, $0xb8;
	[tilespmem:$0x19400] =	vst v63  }
0x4c: {  	_ =	swait.ge [sflag:s14], $0xC800  }
0x4d: {  	[sflag:s14] =	ssyncset.done $0x0  }
0x4e: {  	[sflag:s14] =	ssyncadd.s32 $0xFFFF3800  }
0x4f: {  	[hbm4b:s18+s2] =	stream.linear.scatter [tilespmem:s12], [sflag:$0x3], $0xC800, $0x38;
	[tilespmem:$0x19400] =	vst v63  }
0x50: {  	_ =	swait.ge [sflag:s10], $0xC800  }
0x51: {  	[sflag:s10] =	ssyncset.done $0x0  }
0x52: {  	[sflag:s10] =	ssyncadd.s32 $0xFFFF3800  }
0x53: {  	s16 =	sadd.s32 $0x1, s16;
	_ =	swait.ge [sflag:s15], $0xC800  }
0x54: {  	p0 =	sne.s32 s16, s4;
	[sflag:s15] =	ssyncset.done $0x0  }
.Ltmp1:
0x55: {  	[sflag:s15] =	ssyncadd.s32 $0xFFFF3800;
	(pc) =	sbr.rel @p0 .LBB2_1-.Ltmp1, $4  }
0x56: {  	[hbm4b:s17+s2] =	stream.linear.scatter [tilespmem:s13], [sflag:$0x3], $0xC800, $0x38;
	[tilespmem:$0x19400] =	vst v63  }
0x57: {  	_ =	swait.ge [sflag:s10], $0xC800  }
0x58: {  	[sflag:s10] =	ssyncset.done $0x0  }
0x59: {  	[sflag:s10] =	ssyncadd.s32 $0xFFFF3800  }
0x5a: {  	_ =	sfence.sel $0x180000  }
0x5b: {  	[bflag:$0x0] =	sbarrier.arrive $0xFFFF  }
0x5c: {  	p0 =	sne.s32 s1, $0x0;
	_ =	strace $0x90000047  }
0x5d: {  	s0 =	sadd.s32 @!p0 $0x100000, s0;
	[bflag:$0x2] =	sbarrier.arrive $0xFFFF  }
0x5e: {  	[sflag:s0] =	ssyncadd.tile.s32 @!p0 $0x1;
	_ =	shalt  }
.Lfunc_end2:
_tile_overlayer_lowered:
.L_overlay_start_2:
0x5f: {  	(tag) =	ssettag $0x2  }
0x60: {  	s0 =	rddreg [dreg:$0x0];
	s2 =	stileid.u32  }
0x61: {  	s1 =	rddreg [dreg:$0x1];
	p0 =	sne.s32 s2, $0x0  }
0x62: {  	s3 =	rddreg [dreg:$0x2];
	[bflag:$0x3] =	sbarrier.arrive $0xFFFF;
	s2 =	simm.s32 @!p0 $0x1C03  }
0x63: {  	[timem:s3], [sflag:s2] =	dma.local @!p0 [hbm:s0], s1  }
0x64: {  	s0 =	simm.s32 @!p0 $0x3  }
0x65: {  	_ =	swait.ge @!p0 [sflag:s0], s1  }
0x66: {  	s1 =	ssub.s32 @!p0 $0x0, s1;
	[sflag:s0] =	ssyncset.done @!p0 $0x0  }
0x67: {  	[sflag:s0] =	ssyncadd.s32 @!p0 s1  }
0x68: {  	[bflag:$0x3] =	sbarrier.arrive $0xFFFF  }
0x69: {  	_ =	shalt  }

// kernel: kernel.15.cloned.1.call-start
scs
__scs_entry_jumppad:
0x0: {  	(pc) =	sbr.rel $0x88, $3  }
0x1: {  	(tag) =	ssettag $0x0;
	lr =	simm.s32 $0x1  }
0x2: {  	[smem:$0x3F8C] =	sst lr;
	_ =	strace $0xD0000000  }
0x3: {  	_ = 	snop  }
0x4: {  	_ = 	snop  }
0x5: {  	_ = 	snop  }
0x6: {  	_ = 	snop  }
0x7: {  	_ = 	snop  }
__scs_overlays_trampoline_lowered:
0x8: {  	[smem:$0x3F9B] =	sst s0  }
0x9: {  	[smem:$0x3F9C] =	sst s1  }
0xa: {  	[smem:$0x3F9D] =	sst s2  }
0xb: {  	[smem:$0x3F9E] =	sst s3  }
0xc: {  	[smem:$0x3F9F] =	sst s4  }
0xd: {  	[smem:$0x3FA0] =	sst s5  }
0xe: {  	[smem:$0x3FA1] =	sst s6  }
0xf: {  	[smem:$0x3FA2] =	sst s7  }
0x10: {  	[smem:$0x3FA3] =	sst s8  }
0x11: {  	[smem:$0x3FA4] =	sst s9;
	s0 =	simm.s32 @!p0 $0x0  }
0x12: {  	s1 =	sld [smem:$0x3F8A];
	s0 =	simm.s32 @p0 $0x1  }
0x13: {  	[smem:$0x3FA5] =	sst s0;
	s0 =	simm.s32 @!p1 $0x0  }
0x14: {  	s2 =	sld [smem:$0x3F89];
	s0 =	simm.s32 @p1 $0x1  }
0x15: {  	[smem:$0x3FA6] =	sst s0;
	s0 =	simm.s32 @!p2 $0x0  }
0x16: {  	s3 =	sld [smem:$0x3FDB];
	s0 =	simm.s32 @p2 $0x1  }
0x17: {  	s4 =	simm.s32 $0x1BF5;
	[smem:$0x3FA8] =	sst s0  }
0x18: {  	s0 =	sld [smem:$0x3F8B];
	_ =	swait.ge [sflag:s4], $0x0  }
0x19: {  	s7 =	sld [smem:$0x3F8C]  }
0x1a: {  	s8 =	sadd.s32 $0xFFFFE003, lr  }
0x1b: {  	s9 =	sadd.s32 $0xFFFFFEF7, lr;
	s5 =	simm.s32 $0xFFFFFFFF;
	p2 =	slt.u32 s8, $0xFFFFF086  }
0x1c: {  	p1 =	slt.u32 s9, $0xF7A;
	s5 =	simm.s32 @!p2 $0x0  }
0x1d: {  	s5 =	simm.s32 @p1 $0x1;
	p0 =	seq.s32 s7, s2  }
0x1e: {  	s7 =	smul.u32 @!p0 $0xF7A, s2;
	p2 =	seq.s32 @!p0 s5, $0x0  }
0x1f: {  	s9 =	smul.u32 $0xF7A, s1;
	s8 =	simm.s32 @!p0 $0x1BF5;
	p2 =	por !p2, p0  }
0x20: {  	[sflag:s8] =	ssyncset.s32 @!p0 $0xFFFFF086;
	s6 =	sadd.s32 @!p0 s3, s7;
	s7 =	simm.s32 @!p0 $0x108  }
0x21: {  	s3 =	sadd.s32 s3, s9;
	s6 =	sadd.s32 @!p0 $0x88, s6;
	s7 =	simm.s32 @p2 $0x1082  }
0x22: {  	[simem:s7], [sflag:s8] =	dma.local @!p0 [hbm:s6], $0xF7A  }
0x23: {  	s9 =	sor.u32 $0xD0000000, s2;
	s6 =	simm.s32 $0x108;
	_ =	swait.ge @!p0 [sflag:s8], $0x0  }
0x24: {  	s3 =	sadd.s32 $0x88, s3;
	s6 =	simm.s32 @!p1 $0x1082;
	[sflag:s4] =	ssyncset.s32 $0xFFFFF086  }
0x25: {  	[simem:s6], [sflag:s4] =	dma.local [hbm:s3], $0xF7A  }
0x26: {  	[smem:$0x3F8C] =	sst s1;
	(tag) =	ssettag s2;
	_ =	strace s9  }
0x27: {  	s1 =	sld [smem:$0x3F9C]  }
0x28: {  	s2 =	sld [smem:$0x3F9D]  }
0x29: {  	s4 =	sld [smem:$0x3F9F]  }
0x2a: {  	p0 =	seq.s32 s5, $0x0;
	s5 =	sld [smem:$0x3FA0]  }
0x2b: {  	s6 =	sld [smem:$0x3FA1]  }
0x2c: {  	s7 =	sld [smem:$0x3FA2]  }
0x2d: {  	s3 =	simm.s32 $0x108;
	s8 =	sld [smem:$0x3FA3]  }
0x2e: {  	s3 =	simm.s32 @!p0 $0x1082;
	s9 =	sld [smem:$0x3FA4]  }
0x2f: {  	lr =	sadd.s32 s0, s3;
	s0 =	sld [smem:$0x3F9B]  }
0x30: {  	s3 =	sld [smem:$0x3F9E]  }
0x31: {  	[smem:$0x3FA7] =	sst s10  }
0x32: {  	s10 =	sld [smem:$0x3FA5];
	_ =	sdelay $0x3  }
0x33: {  	p0 =	seq.s32 s10, $0x1;
	s10 =	sld [smem:$0x3FA7];
	_ =	sdelay $0x3  }
0x34: {  	[smem:$0x3FA7] =	sst s10  }
0x35: {  	s10 =	sld [smem:$0x3FA6];
	_ =	sdelay $0x3  }
0x36: {  	p1 =	seq.s32 s10, $0x1;
	s10 =	sld [smem:$0x3FA7];
	_ =	sdelay $0x3  }
0x37: {  	[smem:$0x3FA7] =	sst s10  }
0x38: {  	s10 =	sld [smem:$0x3FA8]  }
0x39: {  	_ = 	snop;
	(pc) =	sbr.ind lr, $3  }
0x3a: {  	_ = 	snop  }
0x3b: {  	_ = 	snop  }
0x3c: {  	p2 =	seq.s32 s10, $0x1;
	s10 =	sld [smem:$0x3FA7]  }
0x3d: {  	_ =	shalt  }
0x3e: {  	_ =	shalt  }
0x3f: {  	_ =	shalt  }
0x40: {  	_ =	shalt  }
0x41: {  	_ =	shalt  }
0x42: {  	_ =	shalt  }
0x43: {  	_ =	shalt  }
0x44: {  	_ =	shalt  }
0x45: {  	_ =	shalt  }
0x46: {  	_ =	shalt  }
0x47: {  	_ =	shalt  }
0x48: {  	_ =	shalt  }
0x49: {  	_ =	shalt  }
0x4a: {  	_ =	shalt  }
0x4b: {  	_ =	shalt  }
0x4c: {  	_ =	shalt  }
0x4d: {  	_ =	shalt  }
0x4e: {  	_ =	shalt  }
0x4f: {  	_ =	shalt  }
0x50: {  	_ =	shalt  }
0x51: {  	_ =	shalt  }
0x52: {  	_ =	shalt  }
0x53: {  	_ =	shalt  }
0x54: {  	_ =	shalt  }
0x55: {  	_ =	shalt  }
0x56: {  	_ =	shalt  }
0x57: {  	_ =	shalt  }
0x58: {  	_ =	shalt  }
0x59: {  	_ =	shalt  }
0x5a: {  	_ =	shalt  }
0x5b: {  	_ =	shalt  }
0x5c: {  	_ =	shalt  }
0x5d: {  	_ =	shalt  }
0x5e: {  	_ =	shalt  }
0x5f: {  	_ =	shalt  }
0x60: {  	_ =	shalt  }
0x61: {  	_ =	shalt  }
0x62: {  	_ =	shalt  }
0x63: {  	_ =	shalt  }
0x64: {  	_ =	shalt  }
0x65: {  	_ =	shalt  }
0x66: {  	_ =	shalt  }
0x67: {  	_ =	shalt  }
0x68: {  	_ =	shalt  }
0x69: {  	_ =	shalt  }
0x6a: {  	_ =	shalt  }
0x6b: {  	_ =	shalt  }
0x6c: {  	_ =	shalt  }
0x6d: {  	_ =	shalt  }
0x6e: {  	_ =	shalt  }
0x6f: {  	_ =	shalt  }
0x70: {  	_ =	shalt  }
0x71: {  	_ =	shalt  }
0x72: {  	_ =	shalt  }
0x73: {  	_ =	shalt  }
0x74: {  	_ =	shalt  }
0x75: {  	_ =	shalt  }
0x76: {  	_ =	shalt  }
0x77: {  	_ =	shalt  }
0x78: {  	_ =	shalt  }
0x79: {  	_ =	shalt  }
0x7a: {  	_ =	shalt  }
0x7b: {  	_ =	shalt  }
0x7c: {  	_ =	shalt  }
0x7d: {  	_ =	shalt  }
0x7e: {  	_ =	shalt  }
0x7f: {  	_ =	shalt  }
0x80: {  	_ =	shalt  }
0x81: {  	_ =	shalt  }
0x82: {  	_ =	shalt  }
0x83: {  	_ =	shalt  }
0x84: {  	_ =	shalt  }
0x85: {  	_ =	shalt  }
0x86: {  	_ =	shalt  }
0x87: {  	_ =	shalt  }
.Lfunc_end0:
.L_simem_size_0:
called_computation.1_lowered:
.L_overlay_start_0:
0x88: {  	s2 =	sld [smem:$0x3FD9]  }
0x89: {  	s3 =	sld [smem:$0x3FFE];
	_ =	sdelay $0x1  }
0x8a: {  	s1 =	srdreg.scid  }
0x8b: {  	s0 =	sand.u32 $0x1, s1  }
0x8c: {  	s16 =	sshll.u32 s0, $0xA;
	s2 =	sadd.s32 s3, s2  }
0x8d: {  	s2 =	sadd.s32 s2, s16  }
0x8e: {  	[smem:$0x3FB3] =	sst s2  }
0x8f: {  	_ = 	snop  }
0x90: {  	(tm) =	ssettm $0x1  }
0x91: {  	s17 =	sld [smem:$0x3FFB];
	_ =	sdelay $0x3  }
0x92: {  	_ =	strace s17  }
0x93: {  	s2 =	sld [smem:$0x3FFC];
	_ =	sdelay $0x3  }
0x94: {  	_ =	strace s2  }
0x95: {  	s2 =	sld [smem:$0x3FFD];
	_ =	sdelay $0x3  }
0x96: {  	_ =	strace s2  }
0x97: {  	_ =	strace $0x8FFFFFFF  }
0x98: {  	s18 =	sld [smem:$0x3FDB];
	_ =	sdelay $0x1  }
0x99: {  	s19 =	simm.s32 $_scs_section_size  }
0x9a: {  	s4 =	simm.s32 $_size__tile_overlayer_lowered;
	s5 =	simm.s32 $_tile_overlayer_lowered  }
0x9b: {  	s22 =	simm.s32 $0x1BFF;
	s21 =	sshll.u32 s5, $0x1;
	s2 =	sadd.s32 s19, s18  }
0x9c: {  	s6 =	simm.s32 $0x0;
	s20 =	sshll.u32 s4, $0x1;
	s4 =	sadd.s32 s21, s2  }
0x9d: {  	[timem:s6], [sflag:s22] =	dma.local [hbm:s4], s20  }
0x9e: {  	_ =	swait.ge [sflag:s22], s20  }
0x9f: {  	s3 =	ssub.s32 $0x0, s20;
	[sflag:s22] =	ssyncset.done $0x0  }
0xa0: {  	[sflag:s22] =	ssyncadd.s32 s3;
	_ =	sdelay $0x1  }
0xa1: {  	s23 =	simm.s32 $0x1B8B  }
0xa2: {  	_ =	swait.ge [sflag:s23], $0x1  }
0xa3: {  	[sflag:s23] =	ssyncset.done $0x0  }
0xa4: {  	s25 =	simm.s32 $0x1B8E;
	s24 =	sld [smem:$0x3FFE];
	[sflag:s23] =	ssyncadd.s32 $0xFFFFFFFF  }
0xa5: {  	s26 =	simm.s32 $execute0_lowered;
	[smem:$0x3FD2] =	sst s25  }
0xa6: {  	s4 =	sshll.u32 s26, $0x1;
	_ =	strace $0x80000049;
	[dreg:$0x1] =	wrdreg $0xFFFFFFFF  }
0xa7: {  	s28 =	simm.s32 $_size_execute0_lowered;
	s2 =	sadd.s32 s2, s4;
	[dreg:$0x0] =	wrdreg $0x0  }
0xa8: {  	s4 =	sshll.u32 s28, $0x1;
	[dreg:$0x2] =	wrdreg s2  }
0xa9: {  	[dreg:$0x3] =	wrdreg s4  }
0xaa: {  	[dreg:$0x4] =	wrdreg $0xC0  }
0xab: {  	_ =	task [dreg:s6], $0x5FFFF  }
0xac: {  	[dreg:$0x1] =	wrdreg $0xFFFFFFFF  }
0xad: {  	[dreg:$0x0] =	wrdreg $0x60  }
0xae: {  	[dreg:$0x2] =	wrdreg s24  }
0xaf: {  	[dreg:$0x3] =	wrdreg $0x0  }
0xb0: {  	[dreg:$0x4] =	wrdreg $0x9  }
0xb1: {  	_ =	task.clear_ibuf [dreg:s6], $0x5FFFF;
	_ =	strace $0x90000049  }
0xb2: {  	s29 =	simm.s32 $0x9;
	_ =	strace $0x8000004B  }
0xb3: {  	_ =	swait.ge [sflag:s29], $0x1  }
0xb4: {  	[sflag:s29] =	ssyncadd.s32 $0xFFFFFFFF  }
0xb5: {  	_ =	strace $0x9000004B  }
0xb6: {  	_ =	sfence  }
0xb7: {  	s30 =	sld [smem:$0x0];
	_ =	sdelay $0x2  }
0xb8: {  	s31 =	sshll.u32 s1, $0xD;
	s1 =	sshrl.u32 s1, $0x2  }
0xb9: {  	s3 =	sand.u32 $0x4000, s31;
	s1 =	sadd.s32 s1, s30  }
0xba: {  	s0 =	sor.u32 s3, s0;
	s1 =	sshll.u32 s1, $0x11  }
0xbb: {  	s0 =	sor.u32 s1, s0  }
0xbc: {  	s0 =	sadd.s32 $0x8F2B, s0  }
0xbd: {  	[sflag:s0] =	ssyncadd.remote.s32 $0x1  }
0xbe: {  	_ =	sfence.sel $0xFFFF  }
0xbf: {  	[dreg:$0x0] =	wrdreg $0xFFFFFFFF;
	(pc) =	sbr.abs _section_cstart, $3  }
0xc0: {  	[dreg:$0x1] =	wrdreg $0xFFFFFFFF  }
0xc1: {  	_ =	task.clear_ibuf [dreg:s6], $0x2FFFF;
	_ =	strace $0x9FFFFFFF  }
0xc2: {  	(tm) =	ssettm $0x7FFFFFFF  }
0xc3: {  	_ =	shalt  }
tec
execute0_lowered:
.L_overlay_start_1:
0x0: {  	(tag) =	ssettag $0x1  }
0x1: {  	s0 =	srdreg.scid  }
0x2: {  	s10 =	stileid.u32;
	s11 =	sand.u32 $0x1, s0  }
0x3: {  	p1 =	seq.s32 s10, $0x2;
	p3 =	seq.s32 s11, $0x0  }
0x4: {  	p0 =	seq.s32 s10, $0x1;
	p4 =	por !p3, !p1;
	p1 =	seq.s32 s10, $0x4  }
0x5: {  	p6 =	seq.s32 s10, $0x3;
	p2 =	por !p3, !p0;
	p0 =	por !p3, !p1  }
0x6: {  	p5 =	por !p3, !p6;
	p6 =	seq.s32 s10, $0x5;
	s0 =	simm.s32 @!p0 $0x0  }
0x7: {  	s0 =	simm.s32 @p0 $0x1;
	p0 =	por !p3, !p6  }
0x8: {  	p6 =	seq.s32 s10, $0x6;
	[smem:$0x7EA] =	sst s0;
	s0 =	simm.s32 @!p0 $0x0  }
0x9: {  	s0 =	simm.s32 @p0 $0x1;
	p0 =	por !p3, !p6  }
0xa: {  	p1 =	seq.s32 s10, $0x7;
	[smem:$0x7EB] =	sst s0;
	s0 =	simm.s32 @!p0 $0x0  }
0xb: {  	s0 =	simm.s32 @p0 $0x1;
	p0 =	por !p3, !p1  }
0xc: {  	p6 =	seq.s32 s10, $0x8;
	[smem:$0x7ED] =	sst s0;
	s0 =	simm.s32 @!p0 $0x0  }
0xd: {  	s0 =	simm.s32 @p0 $0x1;
	p0 =	por !p3, !p6  }
0xe: {  	p6 =	seq.s32 s10, $0x9;
	[smem:$0x7EF] =	sst s0;
	s0 =	simm.s32 @!p0 $0x0  }
0xf: {  	s0 =	simm.s32 @p0 $0x1;
	p0 =	por !p3, !p6  }
0x10: {  	p1 =	seq.s32 s10, $0xA;
	[smem:$0x7F1] =	sst s0;
	s0 =	simm.s32 @!p0 $0x0  }
0x11: {  	s0 =	simm.s32 @p0 $0x1;
	p0 =	por !p3, !p1  }
0x12: {  	p6 =	seq.s32 s10, $0xB;
	[smem:$0x7F3] =	sst s0;
	s0 =	simm.s32 @!p0 $0x0  }
0x13: {  	s0 =	simm.s32 @p0 $0x1;
	p0 =	por !p3, !p6  }
0x14: {  	p6 =	seq.s32 s10, $0xC;
	[smem:$0x7F5] =	sst s0;
	s0 =	simm.s32 @!p0 $0x0  }
0x15: {  	s4 =	rddreg [dreg:$0x0];
	s0 =	simm.s32 @p0 $0x1;
	p0 =	por !p3, !p6  }
0x16: {  	[smem:$0x7F7] =	sst s0;
	s0 =	simm.s32 @!p0 $0x0  }
0x17: {  	p1 =	seq.s32 s10, $0xD;
	p6 =	seq.s32 s10, $0xE;
	s0 =	simm.s32 @p0 $0x1  }
0x18: {  	p0 =	por !p3, !p1;
	p1 =	por !p3, !p6;
	p6 =	seq.s32 s10, $0xF  }
0x19: {  	s1 =	rddreg [dreg:$0x1];
	s3 =	simm.s32 $0x0;
	p3 =	por !p3, !p6  }
0x1a: {  	s5 =	smul.u32 $0x4E000, s10;
	[smem:$0x7F9] =	sst s0;
	s0 =	simm.s32 @!p3 $0x0  }
0x1b: {  	[smem:$0x7FF] =	sst s3;
	s0 =	simm.s32 @p3 $0x1  }
0x1c: {  	s2 =	sadd.s32 $0x13CB800, s4;
	s5 =	sshrl.u32 s5, $0x2;
	[smem:$0x7FD] =	sst s0  }
0x1d: {  	s5 =	sadd.s32 s5, s1;
	_ =	strace $0x8000004A;
	[dreg:$0x4] =	wrdreg s2  }
0x1e: {  	s23 =	smul.u32 $0x2700, s10;
	s20 =	sadd.s32 $0x8FE00, s4;
	[dreg:$0x5] =	wrdreg s5  }
0x1f: {  	s25 =	sshll.u32 s10, $0x6;
	s22 =	sadd.s32 $0x1419A00, s4;
	[dreg:$0x9] =	wrdreg s20  }
0x20: {  	s0 =	sadd.s32 s23, s4;
	s23 =	sadd.s32 $0x1467C00, s4;
	[dreg:$0xa] =	wrdreg s22  }
0x21: {  	s9 =	sor.u32 $0x1C01, s25;
	s25 =	sadd.s32 $0x1504000, s4;
	[dreg:$0xb] =	wrdreg s23  }
0x22: {  	s24 =	ssub.s32 $0x2, s11;
	[dreg:$0xd] =	wrdreg s25  }
0x23: {  	s7 =	sshrl.u32 s24, $0x1;
	s26 =	sadd.s32 $0x41C00, s0;
	[dreg:$0x3] =	wrdreg s11  }
0x24: {  	s2 =	ssub.s32 s24, s7;
	s7 =	sadd.s32 $0x68C00, s4;
	[dreg:$0x6] =	wrdreg s26  }
0x25: {  	[dreg:$0x7] =	wrdreg s7  }
0x26: {  	s8 =	sld [smem:$0x7EA]  }
0x27: {  	s12 =	sld [smem:$0x7EB]  }
0x28: {  	s13 =	sld [smem:$0x7ED]  }
0x29: {  	s14 =	sld [smem:$0x7EF]  }
0x2a: {  	s15 =	sld [smem:$0x7F1]  }
0x2b: {  	s29 =	simm.s32 $0x13880;
	s30 =	simm.s32 $0x13980;
	s16 =	sld [smem:$0x7F3]  }
0x2c: {  	s31 =	simm.s32 $0xC8;
	s6 =	sadd.s32 $0x10C00, s4;
	s17 =	sld [smem:$0x7F5]  }
0x2d: {  	s28 =	sadd.s32 $0x15A20, s4;
	p6 =	por !p4, !p4;
	s18 =	sld [smem:$0x7F7]  }
0x2e: {  	p4 =	por !p5, !p5;
	s0 =	sadd.s32 $0x68E00, s0;
	s19 =	sld [smem:$0x7F9]  }
0x2f: {  	p0 =	por !p0, !p0;
	p3 =	por !p2, !p2;
	[dreg:$0x8] =	wrdreg s0  }
0x30: {  	s24 =	sadd.s32 $0x14B5E00, s4;
	s20 =	sadd.s32 $0x1775000, s4;
	s21 =	sld [smem:$0x7FD]  }
0x31: {  	[dreg:$0xc] =	wrdreg s24;
	s26 =	sadd.s32 $0x1552200, s4;
	p2 =	seq.s32 s12, $0x1  }
0x32: {  	s7 =	sadd.s32 $0x15EE600, s4;
	[dreg:$0x16] =	wrdreg s20;
	p2 =	por !p2, !p2  }
0x33: {  	s24 =	sadd.s32 $0x1811400, s4;
	[dreg:$0xe] =	wrdreg s26;
	s5 =	simm.s32 @!p2 $0x0  }
0x34: {  	[dreg:$0x10] =	wrdreg s7;
	s5 =	simm.s32 @p2 $0x1;
	p2 =	seq.s32 s13, $0x1  }
0x35: {  	s22 =	sadd.s32 $0x13CD4, s4;
	[dreg:$0x18] =	wrdreg s24;
	p2 =	por !p2, !p2  }
0x36: {  	s23 =	sadd.s32 $0x14698, s4;
	[smem:$0x7EC] =	sst s5;
	s5 =	simm.s32 @!p2 $0x0  }
0x37: {  	s26 =	sor.u32 s10, s11;
	s5 =	simm.s32 @p2 $0x1;
	p2 =	seq.s32 s14, $0x1  }
0x38: {  	s25 =	sadd.s32 $0x1505C, s4;
	[dreg:$0x1a] =	wrdreg s26;
	p2 =	por !p2, !p2  }
0x39: {  	s0 =	sadd.s32 $0x163E4, s4;
	[smem:$0x7EE] =	sst s5;
	s5 =	simm.s32 @!p2 $0x0  }
0x3a: {  	s26 =	simm.s32 $0x1;
	s5 =	simm.s32 @p2 $0x1;
	p2 =	seq.s32 s15, $0x1  }
0x3b: {  	p5 =	seq.s32 s8, $0x1;
	s8 =	smax.u32 s2, $0x1;
	p2 =	por !p2, !p2  }
0x3c: {  	s12 =	sadd.s32 $0x163C800, s4;
	[smem:$0x7F0] =	sst s5;
	s5 =	simm.s32 @!p2 $0x0  }
0x3d: {  	[dreg:$0x11] =	wrdreg s8;
	s5 =	simm.s32 @p2 $0x1;
	p2 =	seq.s32 s16, $0x1  }
0x3e: {  	s2 =	sadd.s32 $0x16DA8, s4;
	[dreg:$0x12] =	wrdreg s12;
	p2 =	por !p2, !p2  }
0x3f: {  	p5 =	por !p5, !p5;
	[smem:$0x7F2] =	sst s5;
	s5 =	simm.s32 @!p2 $0x0  }
0x40: {  	s14 =	sadd.s32 $0x168AA00, s4;
	s5 =	simm.s32 @p2 $0x1;
	p2 =	seq.s32 s17, $0x1  }
0x41: {  	s12 =	sadd.s32 $0x18130, s4;
	[dreg:$0x13] =	wrdreg s14;
	p2 =	por !p2, !p2  }
0x42: {  	s8 =	sadd.s32 $0x18AF4, s4;
	[smem:$0x7F4] =	sst s5;
	s5 =	simm.s32 @!p2 $0x0  }
0x43: {  	s15 =	sadd.s32 $0x16D8C00, s4;
	s5 =	simm.s32 @p2 $0x1;
	p2 =	seq.s32 s18, $0x1  }
0x44: {  	s13 =	sadd.s32 $0x115C4, s4;
	[dreg:$0x14] =	wrdreg s15;
	p2 =	por !p2, !p2  }
0x45: {  	s14 =	sadd.s32 $0x194B8, s4;
	[smem:$0x7F6] =	sst s5;
	s5 =	simm.s32 @!p2 $0x0  }
0x46: {  	s18 =	sadd.s32 $0x1726E00, s4;
	s5 =	simm.s32 @p2 $0x1;
	p2 =	seq.s32 s19, $0x1  }
0x47: {  	s16 =	sadd.s32 $0x11F88, s4;
	[dreg:$0x15] =	wrdreg s18;
	p2 =	por !p2, !p2  }
0x48: {  	s17 =	sadd.s32 $0x1294C, s4;
	[smem:$0x7F8] =	sst s5;
	s5 =	simm.s32 @!p2 $0x0  }
0x49: {  	s18 =	sadd.s32 $0x19E7C, s4;
	s19 =	sadd.s32 $0x13310, s4;
	s5 =	simm.s32 @p2 $0x1  }
0x4a: {  	p2 =	seq.s32 s21, $0x1;
	[smem:$0x7FA] =	sst s5;
	s5 =	simm.s32 @!p0 $0x0  }
0x4b: {  	s21 =	sadd.s32 $0x17C3200, s4;
	s5 =	simm.s32 @p0 $0x1;
	p0 =	por !p1, !p1  }
.Ltmp0:
0x4c: {  	[smem:$0x7FB] =	sst s5;
	s5 =	simm.s32 @!p0 $0x0;
	(pc) =	sbr.rel .LBB2_1-.Ltmp0, $4  }
0x4d: {  	[dreg:$0x17] =	wrdreg s21;
	s21 =	sadd.s32 $0x138000, s1;
	s5 =	simm.s32 @p0 $0x1  }
0x4e: {  	p1 =	sne.s32 s10, $0xF;
	[smem:$0x7FC] =	sst s5;
	s5 =	sadd.s32 $0x15A0400, s4  }
0x4f: {  	[dreg:$0xf] =	wrdreg s5;
	s5 =	sadd.s32 $0x1776C, s4;
	s4 =	sadd.s32 $0x185F600, s4  }
0x50: {  	p0 =	por !p2, !p2;
	[dreg:$0x19] =	wrdreg s4;
	s4 =	simm.s32 $0x0  }
.LBB2_64:
0x51: {  	s10 =	sadd.s32 s10, s18;
	[sflag:s26] =	ssyncadd.s32 $0xFFFF9C00  }
0x52: {  	[tilespmem:s29], [sflag:$0x1] =	stream.linear.gather [hbm4b:s10+s3], $0xC8, $0x38;
	[tilespmem:$0x19D80] =	vst v63  }
0x53: {  	_ =	swait.ge [sflag:s26], $0xC8  }
0x54: {  	[sflag:s26] =	ssyncset.done $0x0  }
0x55: {  	[sflag:s26] =	ssyncadd.s32 $0xFFFFFF38  }
0x56: {  	[tilespmem:s30], [sflag:$0x1] =	stream.linear.gather [hbm4b:s7+s3], $0x6400, $0x38;
	[tilespmem:$0x19D80] =	vst v63  }
0x57: {  	_ =	swait.ge [sflag:s26], $0x6400  }
0x58: {  	[sflag:s26] =	ssyncset.done $0x0  }
0x59: {  	[sflag:s26] =	ssyncadd.s32 $0xFFFF9C00  }
0x5a: {  	[spmem:s1] =	stream.indirect.scatter.add.f32 [tilespmem:s30], [sflag:$0x1], $0x80, s29, s31, $0xb8;
	[tilespmem:$0x19D80] =	vst v63  }
0x5b: {  	_ =	swait.ge [sflag:s26], $0x6400  }
0x5c: {  	[sflag:s26] =	ssyncset.done $0x0  }
0x5d: {  	[sflag:s26] =	ssyncadd.s32 $0xFFFF9C00  }
0x5e: {  	[bflag:$0x0] =	sbarrier.arrive $0xFFFF  }
.LBB2_66:
0x5f: {  	s7 =	rddreg [dreg:$0x8]  }
0x60: {  	[hbm:s7], [sflag:s9] =	dma.local [spmem:s11], $0x2700  }
0x61: {  	_ =	swait.ge [sflag:s26], $0x2700  }
0x62: {  	[sflag:s26] =	ssyncset.done $0x0  }
0x63: {  	s7 =	sshrl.u32 @p0 s21, $0x3;
	s10 =	rddreg [dreg:$0x9];
	[sflag:s26] =	ssyncadd.s32 $0xFFFFD900  }
0x64: {  	[hbm:s10], [sflag:s9] =	dma.local @p0 [spmem:s7], $0x100  }
0x65: {  	s7 =	simm.s32 @p0 $0x1  }
0x66: {  	_ =	swait.ge @p0 [sflag:s7], $0x100  }
0x67: {  	[sflag:s7] =	ssyncset.done @p0 $0x0  }
0x68: {  	[sflag:s7] =	ssyncadd.s32 @p0 $0xFFFFFF00  }
.LBB2_67:
0x69: {  	s4 =	sadd.s32 $0x1, s4;
	s7 =	rddreg [dreg:$0x11]  }
0x6a: {  	p2 =	sne.s32 s4, s7  }
.Ltmp1:
0x6b: {  	_ = 	snop;
	(pc) =	sbr.rel @!p2 .LBB2_68-.Ltmp1, $1  }
0x6c: {  	_ =	sdelay $0x3  }
.LBB2_1:
0x6d: {  	s7 =	rddreg [dreg:$0x5]  }
0x6e: {  	s20 =	rddreg [dreg:$0x6];
	s11 =	sshrl.u32 s7, $0x3  }
0x6f: {  	[spmem:s11], [sflag:s9] =	dma.local [hbm:s20], $0x2700  }
0x70: {  	_ =	swait.ge [sflag:s26], $0x2700  }
0x71: {  	[sflag:s26] =	ssyncset.done $0x0  }
0x72: {  	s7 =	sshrl.u32 @!p1 s21, $0x3;
	s10 =	rddreg [dreg:$0x7];
	[sflag:s26] =	ssyncadd.s32 $0xFFFFD900  }
0x73: {  	[spmem:s7], [sflag:s9] =	dma.local @!p1 [hbm:s10], $0x100  }
0x74: {  	s7 =	simm.s32 @!p1 $0x1  }
0x75: {  	_ =	swait.ge @!p1 [sflag:s7], $0x100  }
0x76: {  	s24 =	rddreg [dreg:$0x1a]  }
0x77: {  	p2 =	sne.s32 s24, $0x0  }
.Ltmp2:
0x78: {  	_ = 	snop;
	(pc) =	sbr.rel @p2 .LBB2_5-.Ltmp2, $3  }
0x79: {  	[sflag:s7] =	ssyncset.done @!p1 $0x0  }
0x7a: {  	[sflag:s7] =	ssyncadd.s32 @!p1 $0xFFFFFF00  }
0x7b: {  	[bflag:$0x0] =	sbarrier.arrive $0xFFFF;
	_ =	sdelay $0x1  }
0x7c: {  	s7 =	sadd.s32 $0x0, s6  }
0x7d: {  	[tilespmem:s29], [sflag:$0x1] =	stream.linear.gather [hbm4b:s7+s3], $0xC8, $0x38;
	[tilespmem:$0x19D80] =	vst v63  }
0x7e: {  	_ =	swait.ge [sflag:s26], $0xC8  }
0x7f: {  	[sflag:s26] =	ssyncset.done $0x0  }
0x80: {  	s24 =	rddreg [dreg:$0x4];
	[sflag:s26] =	ssyncadd.s32 $0xFFFFFF38  }
0x81: {  	[tilespmem:s30], [sflag:$0x1] =	stream.linear.gather [hbm4b:s24+s3], $0x6400, $0x38;
	[tilespmem:$0x19D80] =	vst v63  }
0x82: {  	_ =	swait.ge [sflag:s26], $0x6400  }
0x83: {  	[sflag:s26] =	ssyncset.done $0x0  }
0x84: {  	[sflag:s26] =	ssyncadd.s32 $0xFFFF9C00  }
0x85: {  	[spmem:s1] =	stream.indirect.scatter.add.f32 [tilespmem:s30], [sflag:$0x1], $0x80, s29, s31, $0xb8;
	[tilespmem:$0x19D80] =	vst v63  }
0x86: {  	s10 =	simm.s32 $0x19;
	_ =	swait.ge [sflag:s26], $0x6400  }
0x87: {  	s15 =	simm.s32 $0x32;
	s7 =	sadd.s32 $0xC80, s24;
	[sflag:s26] =	ssyncset.done $0x0  }
.LBB2_3:
0x88: {  	s20 =	sadd.s32 s10, s6  }
0x89: {  	[sflag:s26] =	ssyncadd.s32 $0xFFFF9C00;
	s10 =	smov.u32 s15;
	s24 =	sadd.s32 $0x19, s15  }
0x8a: {  	[tilespmem:s29], [sflag:$0x1] =	stream.linear.gather [hbm4b:s20+s3], $0xC8, $0x38;
	[tilespmem:$0x19D80] =	vst v63  }
0x8b: {  	p2 =	sne.s32 s15, $0x9AB;
	_ =	swait.ge [sflag:s26], $0xC8  }
0x8c: {  	[sflag:s26] =	ssyncset.done $0x0  }
0x8d: {  	[sflag:s26] =	ssyncadd.s32 $0xFFFFFF38  }
0x8e: {  	[tilespmem:s30], [sflag:$0x1] =	stream.linear.gather [hbm4b:s7+s3], $0x6400, $0x38;
	[tilespmem:$0x19D80] =	vst v63  }
0x8f: {  	_ =	swait.ge [sflag:s26], $0x6400  }
.Ltmp3:
0x90: {  	[sflag:s26] =	ssyncset.done $0x0;
	(pc) =	sbr.rel @p2 .LBB2_3-.Ltmp3, $4  }
0x91: {  	[sflag:s26] =	ssyncadd.s32 $0xFFFF9C00  }
0x92: {  	[spmem:s1] =	stream.indirect.scatter.add.f32 [tilespmem:s30], [sflag:$0x1], $0x80, s29, s31, $0xb8;
	[tilespmem:$0x19D80] =	vst v63  }
0x93: {  	_ =	swait.ge [sflag:s26], $0x6400  }
0x94: {  	s15 =	smov.u32 s24;
	s7 =	sadd.s32 $0xC80, s7;
	[sflag:s26] =	ssyncset.done $0x0  }
0x95: {  	s10 =	sadd.s32 s10, s6;
	[sflag:s26] =	ssyncadd.s32 $0xFFFF9C00  }
0x96: {  	[tilespmem:s29], [sflag:$0x1] =	stream.linear.gather [hbm4b:s10+s3], $0xC8, $0x38;
	[tilespmem:$0x19D80] =	vst v63  }
0x97: {  	_ =	swait.ge [sflag:s26], $0xC8  }
0x98: {  	[sflag:s26] =	ssyncset.done $0x0  }
0x99: {  	[sflag:s26] =	ssyncadd.s32 $0xFFFFFF38  }
0x9a: {  	[tilespmem:s30], [sflag:$0x1] =	stream.linear.gather [hbm4b:s7+s3], $0x6400, $0x38;
	[tilespmem:$0x19D80] =	vst v63  }
0x9b: {  	_ =	swait.ge [sflag:s26], $0x6400  }
0x9c: {  	[sflag:s26] =	ssyncset.done $0x0  }
0x9d: {  	[sflag:s26] =	ssyncadd.s32 $0xFFFF9C00  }
0x9e: {  	[spmem:s1] =	stream.indirect.scatter.add.f32 [tilespmem:s30], [sflag:$0x1], $0x80, s29, s31, $0xb8;
	[tilespmem:$0x19D80] =	vst v63  }
0x9f: {  	_ =	swait.ge [sflag:s26], $0x6400  }
0xa0: {  	[sflag:s26] =	ssyncset.done $0x0  }
0xa1: {  	[sflag:s26] =	ssyncadd.s32 $0xFFFF9C00  }
.LBB2_5:
.Ltmp4:
0xa2: {  	(pc) =	sbr.rel @!p3 .LBB2_9-.Ltmp4, $2  }
0xa3: {  	_ =	sdelay $0x1  }
0xa4: {  	[bflag:$0x0] =	sbarrier.arrive $0xFFFF;
	_ =	sdelay $0x1  }
0xa5: {  	s7 =	sadd.s32 $0x0, s13  }
0xa6: {  	[tilespmem:s29], [sflag:$0x1] =	stream.linear.gather [hbm4b:s7+s3], $0xC8, $0x38;
	[tilespmem:$0x19D80] =	vst v63  }
0xa7: {  	_ =	swait.ge [sflag:s26], $0xC8  }
0xa8: {  	[sflag:s26] =	ssyncset.done $0x0  }
0xa9: {  	s24 =	rddreg [dreg:$0xa];
	[sflag:s26] =	ssyncadd.s32 $0xFFFFFF38  }
0xaa: {  	[tilespmem:s30], [sflag:$0x1] =	stream.linear.gather [hbm4b:s24+s3], $0x6400, $0x38;
	[tilespmem:$0x19D80] =	vst v63  }
0xab: {  	_ =	swait.ge [sflag:s26], $0x6400  }
0xac: {  	[sflag:s26] =	ssyncset.done $0x0  }
0xad: {  	[sflag:s26] =	ssyncadd.s32 $0xFFFF9C00  }
0xae: {  	[spmem:s1] =	stream.indirect.scatter.add.f32 [tilespmem:s30], [sflag:$0x1], $0x80, s29, s31, $0xb8;
	[tilespmem:$0x19D80] =	vst v63  }
0xaf: {  	s10 =	simm.s32 $0x19;
	_ =	swait.ge [sflag:s26], $0x6400  }
0xb0: {  	s15 =	simm.s32 $0x32;
	s7 =	sadd.s32 $0xC80, s24;
	[sflag:s26] =	ssyncset.done $0x0  }
.LBB2_7:
0xb1: {  	s20 =	sadd.s32 s10, s13  }
0xb2: {  	[sflag:s26] =	ssyncadd.s32 $0xFFFF9C00;
	s10 =	smov.u32 s15;
	s24 =	sadd.s32 $0x19, s15  }
0xb3: {  	[tilespmem:s29], [sflag:$0x1] =	stream.linear.gather [hbm4b:s20+s3], $0xC8, $0x38;
	[tilespmem:$0x19D80] =	vst v63  }
0xb4: {  	p2 =	sne.s32 s15, $0x9AB;
	_ =	swait.ge [sflag:s26], $0xC8  }
0xb5: {  	[sflag:s26] =	ssyncset.done $0x0  }
0xb6: {  	[sflag:s26] =	ssyncadd.s32 $0xFFFFFF38  }
0xb7: {  	[tilespmem:s30], [sflag:$0x1] =	stream.linear.gather [hbm4b:s7+s3], $0x6400, $0x38;
	[tilespmem:$0x19D80] =	vst v63  }
0xb8: {  	_ =	swait.ge [sflag:s26], $0x6400  }
.Ltmp5:
0xb9: {  	[sflag:s26] =	ssyncset.done $0x0;
	(pc) =	sbr.rel @p2 .LBB2_7-.Ltmp5, $4  }
0xba: {  	[sflag:s26] =	ssyncadd.s32 $0xFFFF9C00  }
0xbb: {  	[spmem:s1] =	stream.indirect.scatter.add.f32 [tilespmem:s30], [sflag:$0x1], $0x80, s29, s31, $0xb8;
	[tilespmem:$0x19D80] =	vst v63  }
0xbc: {  	_ =	swait.ge [sflag:s26], $0x6400  }
0xbd: {  	s15 =	smov.u32 s24;
	s7 =	sadd.s32 $0xC80, s7;
	[sflag:s26] =	ssyncset.done $0x0  }
0xbe: {  	s10 =	sadd.s32 s10, s13;
	[sflag:s26] =	ssyncadd.s32 $0xFFFF9C00  }
0xbf: {  	[tilespmem:s29], [sflag:$0x1] =	stream.linear.gather [hbm4b:s10+s3], $0xC8, $0x38;
	[tilespmem:$0x19D80] =	vst v63  }
0xc0: {  	_ =	swait.ge [sflag:s26], $0xC8  }
0xc1: {  	[sflag:s26] =	ssyncset.done $0x0  }
0xc2: {  	[sflag:s26] =	ssyncadd.s32 $0xFFFFFF38  }
0xc3: {  	[tilespmem:s30], [sflag:$0x1] =	stream.linear.gather [hbm4b:s7+s3], $0x6400, $0x38;
	[tilespmem:$0x19D80] =	vst v63  }
0xc4: {  	_ =	swait.ge [sflag:s26], $0x6400  }
0xc5: {  	[sflag:s26] =	ssyncset.done $0x0  }
0xc6: {  	[sflag:s26] =	ssyncadd.s32 $0xFFFF9C00  }
0xc7: {  	[spmem:s1] =	stream.indirect.scatter.add.f32 [tilespmem:s30], [sflag:$0x1], $0x80, s29, s31, $0xb8;
	[tilespmem:$0x19D80] =	vst v63  }
0xc8: {  	_ =	swait.ge [sflag:s26], $0x6400  }
0xc9: {  	[sflag:s26] =	ssyncset.done $0x0  }
0xca: {  	[sflag:s26] =	ssyncadd.s32 $0xFFFF9C00  }
.LBB2_9:
.Ltmp6:
0xcb: {  	(pc) =	sbr.rel @!p6 .LBB2_13-.Ltmp6, $2  }
0xcc: {  	_ =	sdelay $0x1  }
0xcd: {  	[bflag:$0x0] =	sbarrier.arrive $0xFFFF;
	_ =	sdelay $0x1  }
0xce: {  	s7 =	sadd.s32 $0x0, s16  }
0xcf: {  	[tilespmem:s29], [sflag:$0x1] =	stream.linear.gather [hbm4b:s7+s3], $0xC8, $0x38;
	[tilespmem:$0x19D80] =	vst v63  }
0xd0: {  	_ =	swait.ge [sflag:s26], $0xC8  }
0xd1: {  	[sflag:s26] =	ssyncset.done $0x0  }
0xd2: {  	s24 =	rddreg [dreg:$0xb];
	[sflag:s26] =	ssyncadd.s32 $0xFFFFFF38  }
0xd3: {  	[tilespmem:s30], [sflag:$0x1] =	stream.linear.gather [hbm4b:s24+s3], $0x6400, $0x38;
	[tilespmem:$0x19D80] =	vst v63  }
0xd4: {  	_ =	swait.ge [sflag:s26], $0x6400  }
0xd5: {  	[sflag:s26] =	ssyncset.done $0x0  }
0xd6: {  	[sflag:s26] =	ssyncadd.s32 $0xFFFF9C00  }
0xd7: {  	[spmem:s1] =	stream.indirect.scatter.add.f32 [tilespmem:s30], [sflag:$0x1], $0x80, s29, s31, $0xb8;
	[tilespmem:$0x19D80] =	vst v63  }
0xd8: {  	s10 =	simm.s32 $0x19;
	_ =	swait.ge [sflag:s26], $0x6400  }
0xd9: {  	s15 =	simm.s32 $0x32;
	s7 =	sadd.s32 $0xC80, s24;
	[sflag:s26] =	ssyncset.done $0x0  }
.LBB2_11:
0xda: {  	s20 =	sadd.s32 s10, s16  }
0xdb: {  	[sflag:s26] =	ssyncadd.s32 $0xFFFF9C00;
	s10 =	smov.u32 s15;
	s24 =	sadd.s32 $0x19, s15  }
0xdc: {  	[tilespmem:s29], [sflag:$0x1] =	stream.linear.gather [hbm4b:s20+s3], $0xC8, $0x38;
	[tilespmem:$0x19D80] =	vst v63  }
0xdd: {  	p2 =	sne.s32 s15, $0x9AB;
	_ =	swait.ge [sflag:s26], $0xC8  }
0xde: {  	[sflag:s26] =	ssyncset.done $0x0  }
0xdf: {  	[sflag:s26] =	ssyncadd.s32 $0xFFFFFF38  }
0xe0: {  	[tilespmem:s30], [sflag:$0x1] =	stream.linear.gather [hbm4b:s7+s3], $0x6400, $0x38;
	[tilespmem:$0x19D80] =	vst v63  }
0xe1: {  	_ =	swait.ge [sflag:s26], $0x6400  }
.Ltmp7:
0xe2: {  	[sflag:s26] =	ssyncset.done $0x0;
	(pc) =	sbr.rel @p2 .LBB2_11-.Ltmp7, $4  }
0xe3: {  	[sflag:s26] =	ssyncadd.s32 $0xFFFF9C00  }
0xe4: {  	[spmem:s1] =	stream.indirect.scatter.add.f32 [tilespmem:s30], [sflag:$0x1], $0x80, s29, s31, $0xb8;
	[tilespmem:$0x19D80] =	vst v63  }
0xe5: {  	_ =	swait.ge [sflag:s26], $0x6400  }
0xe6: {  	s15 =	smov.u32 s24;
	s7 =	sadd.s32 $0xC80, s7;
	[sflag:s26] =	ssyncset.done $0x0  }
0xe7: {  	s10 =	sadd.s32 s10, s16;
	[sflag:s26] =	ssyncadd.s32 $0xFFFF9C00  }
0xe8: {  	[tilespmem:s29], [sflag:$0x1] =	stream.linear.gather [hbm4b:s10+s3], $0xC8, $0x38;
	[tilespmem:$0x19D80] =	vst v63  }
0xe9: {  	_ =	swait.ge [sflag:s26], $0xC8  }
0xea: {  	[sflag:s26] =	ssyncset.done $0x0  }
0xeb: {  	[sflag:s26] =	ssyncadd.s32 $0xFFFFFF38  }
0xec: {  	[tilespmem:s30], [sflag:$0x1] =	stream.linear.gather [hbm4b:s7+s3], $0x6400, $0x38;
	[tilespmem:$0x19D80] =	vst v63  }
0xed: {  	_ =	swait.ge [sflag:s26], $0x6400  }
0xee: {  	[sflag:s26] =	ssyncset.done $0x0  }
0xef: {  	[sflag:s26] =	ssyncadd.s32 $0xFFFF9C00  }
0xf0: {  	[spmem:s1] =	stream.indirect.scatter.add.f32 [tilespmem:s30], [sflag:$0x1], $0x80, s29, s31, $0xb8;
	[tilespmem:$0x19D80] =	vst v63  }
0xf1: {  	_ =	swait.ge [sflag:s26], $0x6400  }
0xf2: {  	[sflag:s26] =	ssyncset.done $0x0  }
0xf3: {  	[sflag:s26] =	ssyncadd.s32 $0xFFFF9C00  }
.LBB2_13:
.Ltmp8:
0xf4: {  	(pc) =	sbr.rel @!p4 .LBB2_17-.Ltmp8, $2  }
0xf5: {  	_ =	sdelay $0x1  }
0xf6: {  	[bflag:$0x0] =	sbarrier.arrive $0xFFFF;
	_ =	sdelay $0x1  }
0xf7: {  	s7 =	sadd.s32 $0x0, s17  }
0xf8: {  	[tilespmem:s29], [sflag:$0x1] =	stream.linear.gather [hbm4b:s7+s3], $0xC8, $0x38;
	[tilespmem:$0x19D80] =	vst v63  }
0xf9: {  	_ =	swait.ge [sflag:s26], $0xC8  }
0xfa: {  	[sflag:s26] =	ssyncset.done $0x0  }
0xfb: {  	s24 =	rddreg [dreg:$0xc];
	[sflag:s26] =	ssyncadd.s32 $0xFFFFFF38  }
0xfc: {  	[tilespmem:s30], [sflag:$0x1] =	stream.linear.gather [hbm4b:s24+s3], $0x6400, $0x38;
	[tilespmem:$0x19D80] =	vst v63  }
0xfd: {  	_ =	swait.ge [sflag:s26], $0x6400  }
0xfe: {  	[sflag:s26] =	ssyncset.done $0x0  }
0xff: {  	[sflag:s26] =	ssyncadd.s32 $0xFFFF9C00  }
0x100: {  	[spmem:s1] =	stream.indirect.scatter.add.f32 [tilespmem:s30], [sflag:$0x1], $0x80, s29, s31, $0xb8;
	[tilespmem:$0x19D80] =	vst v63  }
0x101: {  	s10 =	simm.s32 $0x19;
	_ =	swait.ge [sflag:s26], $0x6400  }
0x102: {  	s15 =	simm.s32 $0x32;
	s7 =	sadd.s32 $0xC80, s24;
	[sflag:s26] =	ssyncset.done $0x0  }
.LBB2_15:
0x103: {  	s20 =	sadd.s32 s10, s17  }
0x104: {  	[sflag:s26] =	ssyncadd.s32 $0xFFFF9C00;
	s10 =	smov.u32 s15;
	s24 =	sadd.s32 $0x19, s15  }
0x105: {  	[tilespmem:s29], [sflag:$0x1] =	stream.linear.gather [hbm4b:s20+s3], $0xC8, $0x38;
	[tilespmem:$0x19D80] =	vst v63  }
0x106: {  	p2 =	sne.s32 s15, $0x9AB;
	_ =	swait.ge [sflag:s26], $0xC8  }
0x107: {  	[sflag:s26] =	ssyncset.done $0x0  }
0x108: {  	[sflag:s26] =	ssyncadd.s32 $0xFFFFFF38  }
0x109: {  	[tilespmem:s30], [sflag:$0x1] =	stream.linear.gather [hbm4b:s7+s3], $0x6400, $0x38;
	[tilespmem:$0x19D80] =	vst v63  }
0x10a: {  	_ =	swait.ge [sflag:s26], $0x6400  }
.Ltmp9:
0x10b: {  	[sflag:s26] =	ssyncset.done $0x0;
	(pc) =	sbr.rel @p2 .LBB2_15-.Ltmp9, $4  }
0x10c: {  	[sflag:s26] =	ssyncadd.s32 $0xFFFF9C00  }
0x10d: {  	[spmem:s1] =	stream.indirect.scatter.add.f32 [tilespmem:s30], [sflag:$0x1], $0x80, s29, s31, $0xb8;
	[tilespmem:$0x19D80] =	vst v63  }
0x10e: {  	_ =	swait.ge [sflag:s26], $0x6400  }
0x10f: {  	s15 =	smov.u32 s24;
	s7 =	sadd.s32 $0xC80, s7;
	[sflag:s26] =	ssyncset.done $0x0  }
0x110: {  	s10 =	sadd.s32 s10, s17;
	[sflag:s26] =	ssyncadd.s32 $0xFFFF9C00  }
0x111: {  	[tilespmem:s29], [sflag:$0x1] =	stream.linear.gather [hbm4b:s10+s3], $0xC8, $0x38;
	[tilespmem:$0x19D80] =	vst v63  }
0x112: {  	_ =	swait.ge [sflag:s26], $0xC8  }
0x113: {  	[sflag:s26] =	ssyncset.done $0x0  }
0x114: {  	[sflag:s26] =	ssyncadd.s32 $0xFFFFFF38  }
0x115: {  	[tilespmem:s30], [sflag:$0x1] =	stream.linear.gather [hbm4b:s7+s3], $0x6400, $0x38;
	[tilespmem:$0x19D80] =	vst v63  }
0x116: {  	_ =	swait.ge [sflag:s26], $0x6400  }
0x117: {  	[sflag:s26] =	ssyncset.done $0x0  }
0x118: {  	[sflag:s26] =	ssyncadd.s32 $0xFFFF9C00  }
0x119: {  	[spmem:s1] =	stream.indirect.scatter.add.f32 [tilespmem:s30], [sflag:$0x1], $0x80, s29, s31, $0xb8;
	[tilespmem:$0x19D80] =	vst v63  }
0x11a: {  	_ =	swait.ge [sflag:s26], $0x6400  }
0x11b: {  	[sflag:s26] =	ssyncset.done $0x0  }
0x11c: {  	[sflag:s26] =	ssyncadd.s32 $0xFFFF9C00  }
.LBB2_17:
.Ltmp10:
0x11d: {  	(pc) =	sbr.rel @!p5 .LBB2_21-.Ltmp10, $2  }
0x11e: {  	_ =	sdelay $0x1  }
0x11f: {  	[bflag:$0x0] =	sbarrier.arrive $0xFFFF;
	_ =	sdelay $0x1  }
0x120: {  	s7 =	sadd.s32 $0x0, s19  }
0x121: {  	[tilespmem:s29], [sflag:$0x1] =	stream.linear.gather [hbm4b:s7+s3], $0xC8, $0x38;
	[tilespmem:$0x19D80] =	vst v63  }
0x122: {  	_ =	swait.ge [sflag:s26], $0xC8  }
0x123: {  	[sflag:s26] =	ssyncset.done $0x0  }
0x124: {  	s24 =	rddreg [dreg:$0xd];
	[sflag:s26] =	ssyncadd.s32 $0xFFFFFF38  }
0x125: {  	[tilespmem:s30], [sflag:$0x1] =	stream.linear.gather [hbm4b:s24+s3], $0x6400, $0x38;
	[tilespmem:$0x19D80] =	vst v63  }
0x126: {  	_ =	swait.ge [sflag:s26], $0x6400  }
0x127: {  	[sflag:s26] =	ssyncset.done $0x0  }
0x128: {  	[sflag:s26] =	ssyncadd.s32 $0xFFFF9C00  }
0x129: {  	[spmem:s1] =	stream.indirect.scatter.add.f32 [tilespmem:s30], [sflag:$0x1], $0x80, s29, s31, $0xb8;
	[tilespmem:$0x19D80] =	vst v63  }
0x12a: {  	s10 =	simm.s32 $0x19;
	_ =	swait.ge [sflag:s26], $0x6400  }
0x12b: {  	s15 =	simm.s32 $0x32;
	s7 =	sadd.s32 $0xC80, s24;
	[sflag:s26] =	ssyncset.done $0x0  }
.LBB2_19:
0x12c: {  	s20 =	sadd.s32 s10, s19  }
0x12d: {  	[sflag:s26] =	ssyncadd.s32 $0xFFFF9C00;
	s10 =	smov.u32 s15;
	s24 =	sadd.s32 $0x19, s15  }
0x12e: {  	[tilespmem:s29], [sflag:$0x1] =	stream.linear.gather [hbm4b:s20+s3], $0xC8, $0x38;
	[tilespmem:$0x19D80] =	vst v63  }
0x12f: {  	p2 =	sne.s32 s15, $0x9AB;
	_ =	swait.ge [sflag:s26], $0xC8  }
0x130: {  	[sflag:s26] =	ssyncset.done $0x0  }
0x131: {  	[sflag:s26] =	ssyncadd.s32 $0xFFFFFF38  }
0x132: {  	[tilespmem:s30], [sflag:$0x1] =	stream.linear.gather [hbm4b:s7+s3], $0x6400, $0x38;
	[tilespmem:$0x19D80] =	vst v63  }
0x133: {  	_ =	swait.ge [sflag:s26], $0x6400  }
.Ltmp11:
0x134: {  	[sflag:s26] =	ssyncset.done $0x0;
	(pc) =	sbr.rel @p2 .LBB2_19-.Ltmp11, $4  }
0x135: {  	[sflag:s26] =	ssyncadd.s32 $0xFFFF9C00  }
0x136: {  	[spmem:s1] =	stream.indirect.scatter.add.f32 [tilespmem:s30], [sflag:$0x1], $0x80, s29, s31, $0xb8;
	[tilespmem:$0x19D80] =	vst v63  }
0x137: {  	_ =	swait.ge [sflag:s26], $0x6400  }
0x138: {  	s15 =	smov.u32 s24;
	s7 =	sadd.s32 $0xC80, s7;
	[sflag:s26] =	ssyncset.done $0x0  }
0x139: {  	s10 =	sadd.s32 s10, s19;
	[sflag:s26] =	ssyncadd.s32 $0xFFFF9C00  }
0x13a: {  	[tilespmem:s29], [sflag:$0x1] =	stream.linear.gather [hbm4b:s10+s3], $0xC8, $0x38;
	[tilespmem:$0x19D80] =	vst v63  }
0x13b: {  	_ =	swait.ge [sflag:s26], $0xC8  }
0x13c: {  	[sflag:s26] =	ssyncset.done $0x0  }
0x13d: {  	[sflag:s26] =	ssyncadd.s32 $0xFFFFFF38  }
0x13e: {  	[tilespmem:s30], [sflag:$0x1] =	stream.linear.gather [hbm4b:s7+s3], $0x6400, $0x38;
	[tilespmem:$0x19D80] =	vst v63  }
0x13f: {  	_ =	swait.ge [sflag:s26], $0x6400  }
0x140: {  	[sflag:s26] =	ssyncset.done $0x0  }
0x141: {  	[sflag:s26] =	ssyncadd.s32 $0xFFFF9C00  }
0x142: {  	[spmem:s1] =	stream.indirect.scatter.add.f32 [tilespmem:s30], [sflag:$0x1], $0x80, s29, s31, $0xb8;
	[tilespmem:$0x19D80] =	vst v63  }
0x143: {  	_ =	swait.ge [sflag:s26], $0x6400  }
0x144: {  	[sflag:s26] =	ssyncset.done $0x0  }
0x145: {  	[sflag:s26] =	ssyncadd.s32 $0xFFFF9C00  }
.LBB2_21:
0x146: {  	[bflag:$0x0] =	sbarrier.arrive $0xFFFF  }
0x147: {  	s7 =	sld [smem:$0x7EC];
	_ =	sdelay $0x2  }
0x148: {  	p2 =	seq.s32 s7, $0x1  }
.Ltmp12:
0x149: {  	_ = 	snop;
	(pc) =	sbr.rel @!p2 .LBB2_25-.Ltmp12, $1  }
0x14a: {  	_ =	sdelay $0x3  }
0x14b: {  	s7 =	sadd.s32 $0x0, s22  }
0x14c: {  	[tilespmem:s29], [sflag:$0x1] =	stream.linear.gather [hbm4b:s7+s3], $0xC8, $0x38;
	[tilespmem:$0x19D80] =	vst v63  }
0x14d: {  	_ =	swait.ge [sflag:s26], $0xC8  }
0x14e: {  	[sflag:s26] =	ssyncset.done $0x0  }
0x14f: {  	s24 =	rddreg [dreg:$0xe];
	[sflag:s26] =	ssyncadd.s32 $0xFFFFFF38  }
0x150: {  	[tilespmem:s30], [sflag:$0x1] =	stream.linear.gather [hbm4b:s24+s3], $0x6400, $0x38;
	[tilespmem:$0x19D80] =	vst v63  }
0x151: {  	_ =	swait.ge [sflag:s26], $0x6400  }
0x152: {  	[sflag:s26] =	ssyncset.done $0x0  }
0x153: {  	[sflag:s26] =	ssyncadd.s32 $0xFFFF9C00  }
0x154: {  	[spmem:s1] =	stream.indirect.scatter.add.f32 [tilespmem:s30], [sflag:$0x1], $0x80, s29, s31, $0xb8;
	[tilespmem:$0x19D80] =	vst v63  }
0x155: {  	s10 =	simm.s32 $0x19;
	_ =	swait.ge [sflag:s26], $0x6400  }
0x156: {  	s15 =	simm.s32 $0x32;
	s7 =	sadd.s32 $0xC80, s24;
	[sflag:s26] =	ssyncset.done $0x0  }
.LBB2_23:
0x157: {  	s20 =	sadd.s32 s10, s22  }
0x158: {  	[sflag:s26] =	ssyncadd.s32 $0xFFFF9C00;
	s10 =	smov.u32 s15;
	s24 =	sadd.s32 $0x19, s15  }
0x159: {  	[tilespmem:s29], [sflag:$0x1] =	stream.linear.gather [hbm4b:s20+s3], $0xC8, $0x38;
	[tilespmem:$0x19D80] =	vst v63  }
0x15a: {  	p2 =	sne.s32 s15, $0x9AB;
	_ =	swait.ge [sflag:s26], $0xC8  }
0x15b: {  	[sflag:s26] =	ssyncset.done $0x0  }
0x15c: {  	[sflag:s26] =	ssyncadd.s32 $0xFFFFFF38  }
0x15d: {  	[tilespmem:s30], [sflag:$0x1] =	stream.linear.gather [hbm4b:s7+s3], $0x6400, $0x38;
	[tilespmem:$0x19D80] =	vst v63  }
0x15e: {  	_ =	swait.ge [sflag:s26], $0x6400  }
.Ltmp13:
0x15f: {  	[sflag:s26] =	ssyncset.done $0x0;
	(pc) =	sbr.rel @p2 .LBB2_23-.Ltmp13, $4  }
0x160: {  	[sflag:s26] =	ssyncadd.s32 $0xFFFF9C00  }
0x161: {  	[spmem:s1] =	stream.indirect.scatter.add.f32 [tilespmem:s30], [sflag:$0x1], $0x80, s29, s31, $0xb8;
	[tilespmem:$0x19D80] =	vst v63  }
0x162: {  	_ =	swait.ge [sflag:s26], $0x6400  }
0x163: {  	s15 =	smov.u32 s24;
	s7 =	sadd.s32 $0xC80, s7;
	[sflag:s26] =	ssyncset.done $0x0  }
0x164: {  	s10 =	sadd.s32 s10, s22;
	[sflag:s26] =	ssyncadd.s32 $0xFFFF9C00  }
0x165: {  	[tilespmem:s29], [sflag:$0x1] =	stream.linear.gather [hbm4b:s10+s3], $0xC8, $0x38;
	[tilespmem:$0x19D80] =	vst v63  }
0x166: {  	_ =	swait.ge [sflag:s26], $0xC8  }
0x167: {  	[sflag:s26] =	ssyncset.done $0x0  }
0x168: {  	[sflag:s26] =	ssyncadd.s32 $0xFFFFFF38  }
0x169: {  	[tilespmem:s30], [sflag:$0x1] =	stream.linear.gather [hbm4b:s7+s3], $0x6400, $0x38;
	[tilespmem:$0x19D80] =	vst v63  }
0x16a: {  	_ =	swait.ge [sflag:s26], $0x6400  }
0x16b: {  	[sflag:s26] =	ssyncset.done $0x0  }
0x16c: {  	[sflag:s26] =	ssyncadd.s32 $0xFFFF9C00  }
0x16d: {  	[spmem:s1] =	stream.indirect.scatter.add.f32 [tilespmem:s30], [sflag:$0x1], $0x80, s29, s31, $0xb8;
	[tilespmem:$0x19D80] =	vst v63  }
0x16e: {  	_ =	swait.ge [sflag:s26], $0x6400  }
0x16f: {  	[sflag:s26] =	ssyncset.done $0x0  }
0x170: {  	[sflag:s26] =	ssyncadd.s32 $0xFFFF9C00  }
.LBB2_25:
0x171: {  	[bflag:$0x0] =	sbarrier.arrive $0xFFFF  }
0x172: {  	s7 =	sld [smem:$0x7EE];
	_ =	sdelay $0x2  }
0x173: {  	p2 =	seq.s32 s7, $0x1  }
.Ltmp14:
0x174: {  	_ = 	snop;
	(pc) =	sbr.rel @!p2 .LBB2_29-.Ltmp14, $1  }
0x175: {  	_ =	sdelay $0x3  }
0x176: {  	s7 =	sadd.s32 $0x0, s23  }
0x177: {  	[tilespmem:s29], [sflag:$0x1] =	stream.linear.gather [hbm4b:s7+s3], $0xC8, $0x38;
	[tilespmem:$0x19D80] =	vst v63  }
0x178: {  	_ =	swait.ge [sflag:s26], $0xC8  }
0x179: {  	[sflag:s26] =	ssyncset.done $0x0  }
0x17a: {  	s24 =	rddreg [dreg:$0xf];
	[sflag:s26] =	ssyncadd.s32 $0xFFFFFF38  }
0x17b: {  	[tilespmem:s30], [sflag:$0x1] =	stream.linear.gather [hbm4b:s24+s3], $0x6400, $0x38;
	[tilespmem:$0x19D80] =	vst v63  }
0x17c: {  	_ =	swait.ge [sflag:s26], $0x6400  }
0x17d: {  	[sflag:s26] =	ssyncset.done $0x0  }
0x17e: {  	[sflag:s26] =	ssyncadd.s32 $0xFFFF9C00  }
0x17f: {  	[spmem:s1] =	stream.indirect.scatter.add.f32 [tilespmem:s30], [sflag:$0x1], $0x80, s29, s31, $0xb8;
	[tilespmem:$0x19D80] =	vst v63  }
0x180: {  	s10 =	simm.s32 $0x19;
	_ =	swait.ge [sflag:s26], $0x6400  }
0x181: {  	s15 =	simm.s32 $0x32;
	s7 =	sadd.s32 $0xC80, s24;
	[sflag:s26] =	ssyncset.done $0x0  }
.LBB2_27:
0x182: {  	s20 =	sadd.s32 s10, s23  }
0x183: {  	[sflag:s26] =	ssyncadd.s32 $0xFFFF9C00;
	s10 =	smov.u32 s15;
	s24 =	sadd.s32 $0x19, s15  }
0x184: {  	[tilespmem:s29], [sflag:$0x1] =	stream.linear.gather [hbm4b:s20+s3], $0xC8, $0x38;
	[tilespmem:$0x19D80] =	vst v63  }
0x185: {  	p2 =	sne.s32 s15, $0x9AB;
	_ =	swait.ge [sflag:s26], $0xC8  }
0x186: {  	[sflag:s26] =	ssyncset.done $0x0  }
0x187: {  	[sflag:s26] =	ssyncadd.s32 $0xFFFFFF38  }
0x188: {  	[tilespmem:s30], [sflag:$0x1] =	stream.linear.gather [hbm4b:s7+s3], $0x6400, $0x38;
	[tilespmem:$0x19D80] =	vst v63  }
0x189: {  	_ =	swait.ge [sflag:s26], $0x6400  }
.Ltmp15:
0x18a: {  	[sflag:s26] =	ssyncset.done $0x0;
	(pc) =	sbr.rel @p2 .LBB2_27-.Ltmp15, $4  }
0x18b: {  	[sflag:s26] =	ssyncadd.s32 $0xFFFF9C00  }
0x18c: {  	[spmem:s1] =	stream.indirect.scatter.add.f32 [tilespmem:s30], [sflag:$0x1], $0x80, s29, s31, $0xb8;
	[tilespmem:$0x19D80] =	vst v63  }
0x18d: {  	_ =	swait.ge [sflag:s26], $0x6400  }
0x18e: {  	s15 =	smov.u32 s24;
	s7 =	sadd.s32 $0xC80, s7;
	[sflag:s26] =	ssyncset.done $0x0  }
0x18f: {  	s10 =	sadd.s32 s10, s23;
	[sflag:s26] =	ssyncadd.s32 $0xFFFF9C00  }
0x190: {  	[tilespmem:s29], [sflag:$0x1] =	stream.linear.gather [hbm4b:s10+s3], $0xC8, $0x38;
	[tilespmem:$0x19D80] =	vst v63  }
0x191: {  	_ =	swait.ge [sflag:s26], $0xC8  }
0x192: {  	[sflag:s26] =	ssyncset.done $0x0  }
0x193: {  	[sflag:s26] =	ssyncadd.s32 $0xFFFFFF38  }
0x194: {  	[tilespmem:s30], [sflag:$0x1] =	stream.linear.gather [hbm4b:s7+s3], $0x6400, $0x38;
	[tilespmem:$0x19D80] =	vst v63  }
0x195: {  	_ =	swait.ge [sflag:s26], $0x6400  }
0x196: {  	[sflag:s26] =	ssyncset.done $0x0  }
0x197: {  	[sflag:s26] =	ssyncadd.s32 $0xFFFF9C00  }
0x198: {  	[spmem:s1] =	stream.indirect.scatter.add.f32 [tilespmem:s30], [sflag:$0x1], $0x80, s29, s31, $0xb8;
	[tilespmem:$0x19D80] =	vst v63  }
0x199: {  	_ =	swait.ge [sflag:s26], $0x6400  }
0x19a: {  	[sflag:s26] =	ssyncset.done $0x0  }
0x19b: {  	[sflag:s26] =	ssyncadd.s32 $0xFFFF9C00  }
.LBB2_29:
0x19c: {  	[bflag:$0x0] =	sbarrier.arrive $0xFFFF  }
0x19d: {  	s7 =	sld [smem:$0x7F0];
	_ =	sdelay $0x2  }
0x19e: {  	p2 =	seq.s32 s7, $0x1  }
.Ltmp16:
0x19f: {  	_ = 	snop;
	(pc) =	sbr.rel @!p2 .LBB2_33-.Ltmp16, $1  }
0x1a0: {  	_ =	sdelay $0x3  }
0x1a1: {  	s7 =	sadd.s32 $0x0, s25  }
0x1a2: {  	[tilespmem:s29], [sflag:$0x1] =	stream.linear.gather [hbm4b:s7+s3], $0xC8, $0x38;
	[tilespmem:$0x19D80] =	vst v63  }
0x1a3: {  	_ =	swait.ge [sflag:s26], $0xC8  }
0x1a4: {  	[sflag:s26] =	ssyncset.done $0x0  }
0x1a5: {  	s24 =	rddreg [dreg:$0x10];
	[sflag:s26] =	ssyncadd.s32 $0xFFFFFF38  }
0x1a6: {  	[tilespmem:s30], [sflag:$0x1] =	stream.linear.gather [hbm4b:s24+s3], $0x6400, $0x38;
	[tilespmem:$0x19D80] =	vst v63  }
0x1a7: {  	_ =	swait.ge [sflag:s26], $0x6400  }
0x1a8: {  	[sflag:s26] =	ssyncset.done $0x0  }
0x1a9: {  	[sflag:s26] =	ssyncadd.s32 $0xFFFF9C00  }
0x1aa: {  	[spmem:s1] =	stream.indirect.scatter.add.f32 [tilespmem:s30], [sflag:$0x1], $0x80, s29, s31, $0xb8;
	[tilespmem:$0x19D80] =	vst v63  }
0x1ab: {  	s10 =	simm.s32 $0x19;
	_ =	swait.ge [sflag:s26], $0x6400  }
0x1ac: {  	s15 =	simm.s32 $0x32;
	s7 =	sadd.s32 $0xC80, s24;
	[sflag:s26] =	ssyncset.done $0x0  }
.LBB2_31:
0x1ad: {  	s20 =	sadd.s32 s10, s25  }
0x1ae: {  	[sflag:s26] =	ssyncadd.s32 $0xFFFF9C00;
	s10 =	smov.u32 s15;
	s24 =	sadd.s32 $0x19, s15  }
0x1af: {  	[tilespmem:s29], [sflag:$0x1] =	stream.linear.gather [hbm4b:s20+s3], $0xC8, $0x38;
	[tilespmem:$0x19D80] =	vst v63  }
0x1b0: {  	p2 =	sne.s32 s15, $0x9AB;
	_ =	swait.ge [sflag:s26], $0xC8  }
0x1b1: {  	[sflag:s26] =	ssyncset.done $0x0  }
0x1b2: {  	[sflag:s26] =	ssyncadd.s32 $0xFFFFFF38  }
0x1b3: {  	[tilespmem:s30], [sflag:$0x1] =	stream.linear.gather [hbm4b:s7+s3], $0x6400, $0x38;
	[tilespmem:$0x19D80] =	vst v63  }
0x1b4: {  	_ =	swait.ge [sflag:s26], $0x6400  }
.Ltmp17:
0x1b5: {  	[sflag:s26] =	ssyncset.done $0x0;
	(pc) =	sbr.rel @p2 .LBB2_31-.Ltmp17, $4  }
0x1b6: {  	[sflag:s26] =	ssyncadd.s32 $0xFFFF9C00  }
0x1b7: {  	[spmem:s1] =	stream.indirect.scatter.add.f32 [tilespmem:s30], [sflag:$0x1], $0x80, s29, s31, $0xb8;
	[tilespmem:$0x19D80] =	vst v63  }
0x1b8: {  	_ =	swait.ge [sflag:s26], $0x6400  }
0x1b9: {  	s15 =	smov.u32 s24;
	s7 =	sadd.s32 $0xC80, s7;
	[sflag:s26] =	ssyncset.done $0x0  }
0x1ba: {  	s10 =	sadd.s32 s10, s25;
	[sflag:s26] =	ssyncadd.s32 $0xFFFF9C00  }
0x1bb: {  	[tilespmem:s29], [sflag:$0x1] =	stream.linear.gather [hbm4b:s10+s3], $0xC8, $0x38;
	[tilespmem:$0x19D80] =	vst v63  }
0x1bc: {  	_ =	swait.ge [sflag:s26], $0xC8  }
0x1bd: {  	[sflag:s26] =	ssyncset.done $0x0  }
0x1be: {  	[sflag:s26] =	ssyncadd.s32 $0xFFFFFF38  }
0x1bf: {  	[tilespmem:s30], [sflag:$0x1] =	stream.linear.gather [hbm4b:s7+s3], $0x6400, $0x38;
	[tilespmem:$0x19D80] =	vst v63  }
0x1c0: {  	_ =	swait.ge [sflag:s26], $0x6400  }
0x1c1: {  	[sflag:s26] =	ssyncset.done $0x0  }
0x1c2: {  	[sflag:s26] =	ssyncadd.s32 $0xFFFF9C00  }
0x1c3: {  	[spmem:s1] =	stream.indirect.scatter.add.f32 [tilespmem:s30], [sflag:$0x1], $0x80, s29, s31, $0xb8;
	[tilespmem:$0x19D80] =	vst v63  }
0x1c4: {  	_ =	swait.ge [sflag:s26], $0x6400  }
0x1c5: {  	[sflag:s26] =	ssyncset.done $0x0  }
0x1c6: {  	[sflag:s26] =	ssyncadd.s32 $0xFFFF9C00  }
.LBB2_33:
0x1c7: {  	[bflag:$0x0] =	sbarrier.arrive $0xFFFF  }
0x1c8: {  	s7 =	sld [smem:$0x7F2];
	_ =	sdelay $0x2  }
0x1c9: {  	p2 =	seq.s32 s7, $0x1  }
.Ltmp18:
0x1ca: {  	_ = 	snop;
	(pc) =	sbr.rel @!p2 .LBB2_37-.Ltmp18, $1  }
0x1cb: {  	_ =	sdelay $0x3  }
0x1cc: {  	s7 =	sadd.s32 $0x0, s28  }
0x1cd: {  	[tilespmem:s29], [sflag:$0x1] =	stream.linear.gather [hbm4b:s7+s3], $0xC8, $0x38;
	[tilespmem:$0x19D80] =	vst v63  }
0x1ce: {  	_ =	swait.ge [sflag:s26], $0xC8  }
0x1cf: {  	[sflag:s26] =	ssyncset.done $0x0  }
0x1d0: {  	s24 =	rddreg [dreg:$0x12];
	[sflag:s26] =	ssyncadd.s32 $0xFFFFFF38  }
0x1d1: {  	[tilespmem:s30], [sflag:$0x1] =	stream.linear.gather [hbm4b:s24+s3], $0x6400, $0x38;
	[tilespmem:$0x19D80] =	vst v63  }
0x1d2: {  	_ =	swait.ge [sflag:s26], $0x6400  }
0x1d3: {  	[sflag:s26] =	ssyncset.done $0x0  }
0x1d4: {  	[sflag:s26] =	ssyncadd.s32 $0xFFFF9C00  }
0x1d5: {  	[spmem:s1] =	stream.indirect.scatter.add.f32 [tilespmem:s30], [sflag:$0x1], $0x80, s29, s31, $0xb8;
	[tilespmem:$0x19D80] =	vst v63  }
0x1d6: {  	s10 =	simm.s32 $0x19;
	_ =	swait.ge [sflag:s26], $0x6400  }
0x1d7: {  	s15 =	simm.s32 $0x32;
	s7 =	sadd.s32 $0xC80, s24;
	[sflag:s26] =	ssyncset.done $0x0  }
.LBB2_35:
0x1d8: {  	s20 =	sadd.s32 s10, s28  }
0x1d9: {  	[sflag:s26] =	ssyncadd.s32 $0xFFFF9C00;
	s10 =	smov.u32 s15;
	s24 =	sadd.s32 $0x19, s15  }
0x1da: {  	[tilespmem:s29], [sflag:$0x1] =	stream.linear.gather [hbm4b:s20+s3], $0xC8, $0x38;
	[tilespmem:$0x19D80] =	vst v63  }
0x1db: {  	p2 =	sne.s32 s15, $0x9AB;
	_ =	swait.ge [sflag:s26], $0xC8  }
0x1dc: {  	[sflag:s26] =	ssyncset.done $0x0  }
0x1dd: {  	[sflag:s26] =	ssyncadd.s32 $0xFFFFFF38  }
0x1de: {  	[tilespmem:s30], [sflag:$0x1] =	stream.linear.gather [hbm4b:s7+s3], $0x6400, $0x38;
	[tilespmem:$0x19D80] =	vst v63  }
0x1df: {  	_ =	swait.ge [sflag:s26], $0x6400  }
.Ltmp19:
0x1e0: {  	[sflag:s26] =	ssyncset.done $0x0;
	(pc) =	sbr.rel @p2 .LBB2_35-.Ltmp19, $4  }
0x1e1: {  	[sflag:s26] =	ssyncadd.s32 $0xFFFF9C00  }
0x1e2: {  	[spmem:s1] =	stream.indirect.scatter.add.f32 [tilespmem:s30], [sflag:$0x1], $0x80, s29, s31, $0xb8;
	[tilespmem:$0x19D80] =	vst v63  }
0x1e3: {  	_ =	swait.ge [sflag:s26], $0x6400  }
0x1e4: {  	s15 =	smov.u32 s24;
	s7 =	sadd.s32 $0xC80, s7;
	[sflag:s26] =	ssyncset.done $0x0  }
0x1e5: {  	s10 =	sadd.s32 s10, s28;
	[sflag:s26] =	ssyncadd.s32 $0xFFFF9C00  }
0x1e6: {  	[tilespmem:s29], [sflag:$0x1] =	stream.linear.gather [hbm4b:s10+s3], $0xC8, $0x38;
	[tilespmem:$0x19D80] =	vst v63  }
0x1e7: {  	_ =	swait.ge [sflag:s26], $0xC8  }
0x1e8: {  	[sflag:s26] =	ssyncset.done $0x0  }
0x1e9: {  	[sflag:s26] =	ssyncadd.s32 $0xFFFFFF38  }
0x1ea: {  	[tilespmem:s30], [sflag:$0x1] =	stream.linear.gather [hbm4b:s7+s3], $0x6400, $0x38;
	[tilespmem:$0x19D80] =	vst v63  }
0x1eb: {  	_ =	swait.ge [sflag:s26], $0x6400  }
0x1ec: {  	[sflag:s26] =	ssyncset.done $0x0  }
0x1ed: {  	[sflag:s26] =	ssyncadd.s32 $0xFFFF9C00  }
0x1ee: {  	[spmem:s1] =	stream.indirect.scatter.add.f32 [tilespmem:s30], [sflag:$0x1], $0x80, s29, s31, $0xb8;
	[tilespmem:$0x19D80] =	vst v63  }
0x1ef: {  	_ =	swait.ge [sflag:s26], $0x6400  }
0x1f0: {  	[sflag:s26] =	ssyncset.done $0x0  }
0x1f1: {  	[sflag:s26] =	ssyncadd.s32 $0xFFFF9C00  }
.LBB2_37:
0x1f2: {  	[bflag:$0x0] =	sbarrier.arrive $0xFFFF  }
0x1f3: {  	s7 =	sld [smem:$0x7F4];
	_ =	sdelay $0x2  }
0x1f4: {  	p2 =	seq.s32 s7, $0x1  }
.Ltmp20:
0x1f5: {  	_ = 	snop;
	(pc) =	sbr.rel @!p2 .LBB2_41-.Ltmp20, $1  }
0x1f6: {  	_ =	sdelay $0x3  }
0x1f7: {  	s7 =	sadd.s32 $0x0, s0  }
0x1f8: {  	[tilespmem:s29], [sflag:$0x1] =	stream.linear.gather [hbm4b:s7+s3], $0xC8, $0x38;
	[tilespmem:$0x19D80] =	vst v63  }
0x1f9: {  	_ =	swait.ge [sflag:s26], $0xC8  }
0x1fa: {  	[sflag:s26] =	ssyncset.done $0x0  }
0x1fb: {  	s24 =	rddreg [dreg:$0x13];
	[sflag:s26] =	ssyncadd.s32 $0xFFFFFF38  }
0x1fc: {  	[tilespmem:s30], [sflag:$0x1] =	stream.linear.gather [hbm4b:s24+s3], $0x6400, $0x38;
	[tilespmem:$0x19D80] =	vst v63  }
0x1fd: {  	_ =	swait.ge [sflag:s26], $0x6400  }
0x1fe: {  	[sflag:s26] =	ssyncset.done $0x0  }
0x1ff: {  	[sflag:s26] =	ssyncadd.s32 $0xFFFF9C00  }
0x200: {  	[spmem:s1] =	stream.indirect.scatter.add.f32 [tilespmem:s30], [sflag:$0x1], $0x80, s29, s31, $0xb8;
	[tilespmem:$0x19D80] =	vst v63  }
0x201: {  	s10 =	simm.s32 $0x19;
	_ =	swait.ge [sflag:s26], $0x6400  }
0x202: {  	s15 =	simm.s32 $0x32;
	s7 =	sadd.s32 $0xC80, s24;
	[sflag:s26] =	ssyncset.done $0x0  }
.LBB2_39:
0x203: {  	s20 =	sadd.s32 s10, s0  }
0x204: {  	[sflag:s26] =	ssyncadd.s32 $0xFFFF9C00;
	s10 =	smov.u32 s15;
	s24 =	sadd.s32 $0x19, s15  }
0x205: {  	[tilespmem:s29], [sflag:$0x1] =	stream.linear.gather [hbm4b:s20+s3], $0xC8, $0x38;
	[tilespmem:$0x19D80] =	vst v63  }
0x206: {  	p2 =	sne.s32 s15, $0x9AB;
	_ =	swait.ge [sflag:s26], $0xC8  }
0x207: {  	[sflag:s26] =	ssyncset.done $0x0  }
0x208: {  	[sflag:s26] =	ssyncadd.s32 $0xFFFFFF38  }
0x209: {  	[tilespmem:s30], [sflag:$0x1] =	stream.linear.gather [hbm4b:s7+s3], $0x6400, $0x38;
	[tilespmem:$0x19D80] =	vst v63  }
0x20a: {  	_ =	swait.ge [sflag:s26], $0x6400  }
.Ltmp21:
0x20b: {  	[sflag:s26] =	ssyncset.done $0x0;
	(pc) =	sbr.rel @p2 .LBB2_39-.Ltmp21, $4  }
0x20c: {  	[sflag:s26] =	ssyncadd.s32 $0xFFFF9C00  }
0x20d: {  	[spmem:s1] =	stream.indirect.scatter.add.f32 [tilespmem:s30], [sflag:$0x1], $0x80, s29, s31, $0xb8;
	[tilespmem:$0x19D80] =	vst v63  }
0x20e: {  	_ =	swait.ge [sflag:s26], $0x6400  }
0x20f: {  	s15 =	smov.u32 s24;
	s7 =	sadd.s32 $0xC80, s7;
	[sflag:s26] =	ssyncset.done $0x0  }
0x210: {  	s10 =	sadd.s32 s10, s0;
	[sflag:s26] =	ssyncadd.s32 $0xFFFF9C00  }
0x211: {  	[tilespmem:s29], [sflag:$0x1] =	stream.linear.gather [hbm4b:s10+s3], $0xC8, $0x38;
	[tilespmem:$0x19D80] =	vst v63  }
0x212: {  	_ =	swait.ge [sflag:s26], $0xC8  }
0x213: {  	[sflag:s26] =	ssyncset.done $0x0  }
0x214: {  	[sflag:s26] =	ssyncadd.s32 $0xFFFFFF38  }
0x215: {  	[tilespmem:s30], [sflag:$0x1] =	stream.linear.gather [hbm4b:s7+s3], $0x6400, $0x38;
	[tilespmem:$0x19D80] =	vst v63  }
0x216: {  	_ =	swait.ge [sflag:s26], $0x6400  }
0x217: {  	[sflag:s26] =	ssyncset.done $0x0  }
0x218: {  	[sflag:s26] =	ssyncadd.s32 $0xFFFF9C00  }
0x219: {  	[spmem:s1] =	stream.indirect.scatter.add.f32 [tilespmem:s30], [sflag:$0x1], $0x80, s29, s31, $0xb8;
	[tilespmem:$0x19D80] =	vst v63  }
0x21a: {  	_ =	swait.ge [sflag:s26], $0x6400  }
0x21b: {  	[sflag:s26] =	ssyncset.done $0x0  }
0x21c: {  	[sflag:s26] =	ssyncadd.s32 $0xFFFF9C00  }
.LBB2_41:
0x21d: {  	[bflag:$0x0] =	sbarrier.arrive $0xFFFF  }
0x21e: {  	s7 =	sld [smem:$0x7F6];
	_ =	sdelay $0x2  }
0x21f: {  	p2 =	seq.s32 s7, $0x1  }
.Ltmp22:
0x220: {  	_ = 	snop;
	(pc) =	sbr.rel @!p2 .LBB2_45-.Ltmp22, $1  }
0x221: {  	_ =	sdelay $0x3  }
0x222: {  	s7 =	sadd.s32 $0x0, s2  }
0x223: {  	[tilespmem:s29], [sflag:$0x1] =	stream.linear.gather [hbm4b:s7+s3], $0xC8, $0x38;
	[tilespmem:$0x19D80] =	vst v63  }
0x224: {  	_ =	swait.ge [sflag:s26], $0xC8  }
0x225: {  	[sflag:s26] =	ssyncset.done $0x0  }
0x226: {  	s24 =	rddreg [dreg:$0x14];
	[sflag:s26] =	ssyncadd.s32 $0xFFFFFF38  }
0x227: {  	[tilespmem:s30], [sflag:$0x1] =	stream.linear.gather [hbm4b:s24+s3], $0x6400, $0x38;
	[tilespmem:$0x19D80] =	vst v63  }
0x228: {  	_ =	swait.ge [sflag:s26], $0x6400  }
0x229: {  	[sflag:s26] =	ssyncset.done $0x0  }
0x22a: {  	[sflag:s26] =	ssyncadd.s32 $0xFFFF9C00  }
0x22b: {  	[spmem:s1] =	stream.indirect.scatter.add.f32 [tilespmem:s30], [sflag:$0x1], $0x80, s29, s31, $0xb8;
	[tilespmem:$0x19D80] =	vst v63  }
0x22c: {  	s10 =	simm.s32 $0x19;
	_ =	swait.ge [sflag:s26], $0x6400  }
0x22d: {  	s15 =	simm.s32 $0x32;
	s7 =	sadd.s32 $0xC80, s24;
	[sflag:s26] =	ssyncset.done $0x0  }
.LBB2_43:
0x22e: {  	s20 =	sadd.s32 s10, s2  }
0x22f: {  	[sflag:s26] =	ssyncadd.s32 $0xFFFF9C00;
	s10 =	smov.u32 s15;
	s24 =	sadd.s32 $0x19, s15  }
0x230: {  	[tilespmem:s29], [sflag:$0x1] =	stream.linear.gather [hbm4b:s20+s3], $0xC8, $0x38;
	[tilespmem:$0x19D80] =	vst v63  }
0x231: {  	p2 =	sne.s32 s15, $0x9AB;
	_ =	swait.ge [sflag:s26], $0xC8  }
0x232: {  	[sflag:s26] =	ssyncset.done $0x0  }
0x233: {  	[sflag:s26] =	ssyncadd.s32 $0xFFFFFF38  }
0x234: {  	[tilespmem:s30], [sflag:$0x1] =	stream.linear.gather [hbm4b:s7+s3], $0x6400, $0x38;
	[tilespmem:$0x19D80] =	vst v63  }
0x235: {  	_ =	swait.ge [sflag:s26], $0x6400  }
.Ltmp23:
0x236: {  	[sflag:s26] =	ssyncset.done $0x0;
	(pc) =	sbr.rel @p2 .LBB2_43-.Ltmp23, $4  }
0x237: {  	[sflag:s26] =	ssyncadd.s32 $0xFFFF9C00  }
0x238: {  	[spmem:s1] =	stream.indirect.scatter.add.f32 [tilespmem:s30], [sflag:$0x1], $0x80, s29, s31, $0xb8;
	[tilespmem:$0x19D80] =	vst v63  }
0x239: {  	_ =	swait.ge [sflag:s26], $0x6400  }
0x23a: {  	s15 =	smov.u32 s24;
	s7 =	sadd.s32 $0xC80, s7;
	[sflag:s26] =	ssyncset.done $0x0  }
0x23b: {  	s10 =	sadd.s32 s10, s2;
	[sflag:s26] =	ssyncadd.s32 $0xFFFF9C00  }
0x23c: {  	[tilespmem:s29], [sflag:$0x1] =	stream.linear.gather [hbm4b:s10+s3], $0xC8, $0x38;
	[tilespmem:$0x19D80] =	vst v63  }
0x23d: {  	_ =	swait.ge [sflag:s26], $0xC8  }
0x23e: {  	[sflag:s26] =	ssyncset.done $0x0  }
0x23f: {  	[sflag:s26] =	ssyncadd.s32 $0xFFFFFF38  }
0x240: {  	[tilespmem:s30], [sflag:$0x1] =	stream.linear.gather [hbm4b:s7+s3], $0x6400, $0x38;
	[tilespmem:$0x19D80] =	vst v63  }
0x241: {  	_ =	swait.ge [sflag:s26], $0x6400  }
0x242: {  	[sflag:s26] =	ssyncset.done $0x0  }
0x243: {  	[sflag:s26] =	ssyncadd.s32 $0xFFFF9C00  }
0x244: {  	[spmem:s1] =	stream.indirect.scatter.add.f32 [tilespmem:s30], [sflag:$0x1], $0x80, s29, s31, $0xb8;
	[tilespmem:$0x19D80] =	vst v63  }
0x245: {  	_ =	swait.ge [sflag:s26], $0x6400  }
0x246: {  	[sflag:s26] =	ssyncset.done $0x0  }
0x247: {  	[sflag:s26] =	ssyncadd.s32 $0xFFFF9C00  }
.LBB2_45:
0x248: {  	[bflag:$0x0] =	sbarrier.arrive $0xFFFF  }
0x249: {  	s7 =	sld [smem:$0x7F8];
	_ =	sdelay $0x2  }
0x24a: {  	p2 =	seq.s32 s7, $0x1  }
.Ltmp24:
0x24b: {  	_ = 	snop;
	(pc) =	sbr.rel @!p2 .LBB2_49-.Ltmp24, $1  }
0x24c: {  	_ =	sdelay $0x3  }
0x24d: {  	s7 =	sadd.s32 $0x0, s5  }
0x24e: {  	[tilespmem:s29], [sflag:$0x1] =	stream.linear.gather [hbm4b:s7+s3], $0xC8, $0x38;
	[tilespmem:$0x19D80] =	vst v63  }
0x24f: {  	_ =	swait.ge [sflag:s26], $0xC8  }
0x250: {  	[sflag:s26] =	ssyncset.done $0x0  }
0x251: {  	s24 =	rddreg [dreg:$0x15];
	[sflag:s26] =	ssyncadd.s32 $0xFFFFFF38  }
0x252: {  	[tilespmem:s30], [sflag:$0x1] =	stream.linear.gather [hbm4b:s24+s3], $0x6400, $0x38;
	[tilespmem:$0x19D80] =	vst v63  }
0x253: {  	_ =	swait.ge [sflag:s26], $0x6400  }
0x254: {  	[sflag:s26] =	ssyncset.done $0x0  }
0x255: {  	[sflag:s26] =	ssyncadd.s32 $0xFFFF9C00  }
0x256: {  	[spmem:s1] =	stream.indirect.scatter.add.f32 [tilespmem:s30], [sflag:$0x1], $0x80, s29, s31, $0xb8;
	[tilespmem:$0x19D80] =	vst v63  }
0x257: {  	s10 =	simm.s32 $0x19;
	_ =	swait.ge [sflag:s26], $0x6400  }
0x258: {  	s15 =	simm.s32 $0x32;
	s7 =	sadd.s32 $0xC80, s24;
	[sflag:s26] =	ssyncset.done $0x0  }
.LBB2_47:
0x259: {  	s20 =	sadd.s32 s10, s5  }
0x25a: {  	[sflag:s26] =	ssyncadd.s32 $0xFFFF9C00;
	s10 =	smov.u32 s15;
	s24 =	sadd.s32 $0x19, s15  }
0x25b: {  	[tilespmem:s29], [sflag:$0x1] =	stream.linear.gather [hbm4b:s20+s3], $0xC8, $0x38;
	[tilespmem:$0x19D80] =	vst v63  }
0x25c: {  	p2 =	sne.s32 s15, $0x9AB;
	_ =	swait.ge [sflag:s26], $0xC8  }
0x25d: {  	[sflag:s26] =	ssyncset.done $0x0  }
0x25e: {  	[sflag:s26] =	ssyncadd.s32 $0xFFFFFF38  }
0x25f: {  	[tilespmem:s30], [sflag:$0x1] =	stream.linear.gather [hbm4b:s7+s3], $0x6400, $0x38;
	[tilespmem:$0x19D80] =	vst v63  }
0x260: {  	_ =	swait.ge [sflag:s26], $0x6400  }
.Ltmp25:
0x261: {  	[sflag:s26] =	ssyncset.done $0x0;
	(pc) =	sbr.rel @p2 .LBB2_47-.Ltmp25, $4  }
0x262: {  	[sflag:s26] =	ssyncadd.s32 $0xFFFF9C00  }
0x263: {  	[spmem:s1] =	stream.indirect.scatter.add.f32 [tilespmem:s30], [sflag:$0x1], $0x80, s29, s31, $0xb8;
	[tilespmem:$0x19D80] =	vst v63  }
0x264: {  	_ =	swait.ge [sflag:s26], $0x6400  }
0x265: {  	s15 =	smov.u32 s24;
	s7 =	sadd.s32 $0xC80, s7;
	[sflag:s26] =	ssyncset.done $0x0  }
0x266: {  	s10 =	sadd.s32 s10, s5;
	[sflag:s26] =	ssyncadd.s32 $0xFFFF9C00  }
0x267: {  	[tilespmem:s29], [sflag:$0x1] =	stream.linear.gather [hbm4b:s10+s3], $0xC8, $0x38;
	[tilespmem:$0x19D80] =	vst v63  }
0x268: {  	_ =	swait.ge [sflag:s26], $0xC8  }
0x269: {  	[sflag:s26] =	ssyncset.done $0x0  }
0x26a: {  	[sflag:s26] =	ssyncadd.s32 $0xFFFFFF38  }
0x26b: {  	[tilespmem:s30], [sflag:$0x1] =	stream.linear.gather [hbm4b:s7+s3], $0x6400, $0x38;
	[tilespmem:$0x19D80] =	vst v63  }
0x26c: {  	_ =	swait.ge [sflag:s26], $0x6400  }
0x26d: {  	[sflag:s26] =	ssyncset.done $0x0  }
0x26e: {  	[sflag:s26] =	ssyncadd.s32 $0xFFFF9C00  }
0x26f: {  	[spmem:s1] =	stream.indirect.scatter.add.f32 [tilespmem:s30], [sflag:$0x1], $0x80, s29, s31, $0xb8;
	[tilespmem:$0x19D80] =	vst v63  }
0x270: {  	_ =	swait.ge [sflag:s26], $0x6400  }
0x271: {  	[sflag:s26] =	ssyncset.done $0x0  }
0x272: {  	[sflag:s26] =	ssyncadd.s32 $0xFFFF9C00  }
.LBB2_49:
0x273: {  	[bflag:$0x0] =	sbarrier.arrive $0xFFFF  }
0x274: {  	s7 =	sld [smem:$0x7FA];
	_ =	sdelay $0x2  }
0x275: {  	p2 =	seq.s32 s7, $0x1  }
.Ltmp26:
0x276: {  	_ = 	snop;
	(pc) =	sbr.rel @!p2 .LBB2_53-.Ltmp26, $1  }
0x277: {  	_ =	sdelay $0x3  }
0x278: {  	s7 =	sadd.s32 $0x0, s12  }
0x279: {  	[tilespmem:s29], [sflag:$0x1] =	stream.linear.gather [hbm4b:s7+s3], $0xC8, $0x38;
	[tilespmem:$0x19D80] =	vst v63  }
0x27a: {  	_ =	swait.ge [sflag:s26], $0xC8  }
0x27b: {  	[sflag:s26] =	ssyncset.done $0x0  }
0x27c: {  	s24 =	rddreg [dreg:$0x16];
	[sflag:s26] =	ssyncadd.s32 $0xFFFFFF38  }
0x27d: {  	[tilespmem:s30], [sflag:$0x1] =	stream.linear.gather [hbm4b:s24+s3], $0x6400, $0x38;
	[tilespmem:$0x19D80] =	vst v63  }
0x27e: {  	_ =	swait.ge [sflag:s26], $0x6400  }
0x27f: {  	[sflag:s26] =	ssyncset.done $0x0  }
0x280: {  	[sflag:s26] =	ssyncadd.s32 $0xFFFF9C00  }
0x281: {  	[spmem:s1] =	stream.indirect.scatter.add.f32 [tilespmem:s30], [sflag:$0x1], $0x80, s29, s31, $0xb8;
	[tilespmem:$0x19D80] =	vst v63  }
0x282: {  	s10 =	simm.s32 $0x19;
	_ =	swait.ge [sflag:s26], $0x6400  }
0x283: {  	s15 =	simm.s32 $0x32;
	s7 =	sadd.s32 $0xC80, s24;
	[sflag:s26] =	ssyncset.done $0x0  }
.LBB2_51:
0x284: {  	s20 =	sadd.s32 s10, s12  }
0x285: {  	[sflag:s26] =	ssyncadd.s32 $0xFFFF9C00;
	s10 =	smov.u32 s15;
	s24 =	sadd.s32 $0x19, s15  }
0x286: {  	[tilespmem:s29], [sflag:$0x1] =	stream.linear.gather [hbm4b:s20+s3], $0xC8, $0x38;
	[tilespmem:$0x19D80] =	vst v63  }
0x287: {  	p2 =	sne.s32 s15, $0x9AB;
	_ =	swait.ge [sflag:s26], $0xC8  }
0x288: {  	[sflag:s26] =	ssyncset.done $0x0  }
0x289: {  	[sflag:s26] =	ssyncadd.s32 $0xFFFFFF38  }
0x28a: {  	[tilespmem:s30], [sflag:$0x1] =	stream.linear.gather [hbm4b:s7+s3], $0x6400, $0x38;
	[tilespmem:$0x19D80] =	vst v63  }
0x28b: {  	_ =	swait.ge [sflag:s26], $0x6400  }
.Ltmp27:
0x28c: {  	[sflag:s26] =	ssyncset.done $0x0;
	(pc) =	sbr.rel @p2 .LBB2_51-.Ltmp27, $4  }
0x28d: {  	[sflag:s26] =	ssyncadd.s32 $0xFFFF9C00  }
0x28e: {  	[spmem:s1] =	stream.indirect.scatter.add.f32 [tilespmem:s30], [sflag:$0x1], $0x80, s29, s31, $0xb8;
	[tilespmem:$0x19D80] =	vst v63  }
0x28f: {  	_ =	swait.ge [sflag:s26], $0x6400  }
0x290: {  	s15 =	smov.u32 s24;
	s7 =	sadd.s32 $0xC80, s7;
	[sflag:s26] =	ssyncset.done $0x0  }
0x291: {  	s10 =	sadd.s32 s10, s12;
	[sflag:s26] =	ssyncadd.s32 $0xFFFF9C00  }
0x292: {  	[tilespmem:s29], [sflag:$0x1] =	stream.linear.gather [hbm4b:s10+s3], $0xC8, $0x38;
	[tilespmem:$0x19D80] =	vst v63  }
0x293: {  	_ =	swait.ge [sflag:s26], $0xC8  }
0x294: {  	[sflag:s26] =	ssyncset.done $0x0  }
0x295: {  	[sflag:s26] =	ssyncadd.s32 $0xFFFFFF38  }
0x296: {  	[tilespmem:s30], [sflag:$0x1] =	stream.linear.gather [hbm4b:s7+s3], $0x6400, $0x38;
	[tilespmem:$0x19D80] =	vst v63  }
0x297: {  	_ =	swait.ge [sflag:s26], $0x6400  }
0x298: {  	[sflag:s26] =	ssyncset.done $0x0  }
0x299: {  	[sflag:s26] =	ssyncadd.s32 $0xFFFF9C00  }
0x29a: {  	[spmem:s1] =	stream.indirect.scatter.add.f32 [tilespmem:s30], [sflag:$0x1], $0x80, s29, s31, $0xb8;
	[tilespmem:$0x19D80] =	vst v63  }
0x29b: {  	_ =	swait.ge [sflag:s26], $0x6400  }
0x29c: {  	[sflag:s26] =	ssyncset.done $0x0  }
0x29d: {  	[sflag:s26] =	ssyncadd.s32 $0xFFFF9C00  }
.LBB2_53:
0x29e: {  	[bflag:$0x0] =	sbarrier.arrive $0xFFFF  }
0x29f: {  	s7 =	sld [smem:$0x7FB];
	_ =	sdelay $0x2  }
0x2a0: {  	p2 =	seq.s32 s7, $0x1  }
.Ltmp28:
0x2a1: {  	_ = 	snop;
	(pc) =	sbr.rel @!p2 .LBB2_57-.Ltmp28, $1  }
0x2a2: {  	_ =	sdelay $0x3  }
0x2a3: {  	s7 =	sadd.s32 $0x0, s8  }
0x2a4: {  	[tilespmem:s29], [sflag:$0x1] =	stream.linear.gather [hbm4b:s7+s3], $0xC8, $0x38;
	[tilespmem:$0x19D80] =	vst v63  }
0x2a5: {  	_ =	swait.ge [sflag:s26], $0xC8  }
0x2a6: {  	[sflag:s26] =	ssyncset.done $0x0  }
0x2a7: {  	s24 =	rddreg [dreg:$0x17];
	[sflag:s26] =	ssyncadd.s32 $0xFFFFFF38  }
0x2a8: {  	[tilespmem:s30], [sflag:$0x1] =	stream.linear.gather [hbm4b:s24+s3], $0x6400, $0x38;
	[tilespmem:$0x19D80] =	vst v63  }
0x2a9: {  	_ =	swait.ge [sflag:s26], $0x6400  }
0x2aa: {  	[sflag:s26] =	ssyncset.done $0x0  }
0x2ab: {  	[sflag:s26] =	ssyncadd.s32 $0xFFFF9C00  }
0x2ac: {  	[spmem:s1] =	stream.indirect.scatter.add.f32 [tilespmem:s30], [sflag:$0x1], $0x80, s29, s31, $0xb8;
	[tilespmem:$0x19D80] =	vst v63  }
0x2ad: {  	s10 =	simm.s32 $0x19;
	_ =	swait.ge [sflag:s26], $0x6400  }
0x2ae: {  	s15 =	simm.s32 $0x32;
	s7 =	sadd.s32 $0xC80, s24;
	[sflag:s26] =	ssyncset.done $0x0  }
.LBB2_55:
0x2af: {  	s20 =	sadd.s32 s10, s8  }
0x2b0: {  	[sflag:s26] =	ssyncadd.s32 $0xFFFF9C00;
	s10 =	smov.u32 s15;
	s24 =	sadd.s32 $0x19, s15  }
0x2b1: {  	[tilespmem:s29], [sflag:$0x1] =	stream.linear.gather [hbm4b:s20+s3], $0xC8, $0x38;
	[tilespmem:$0x19D80] =	vst v63  }
0x2b2: {  	p2 =	sne.s32 s15, $0x9AB;
	_ =	swait.ge [sflag:s26], $0xC8  }
0x2b3: {  	[sflag:s26] =	ssyncset.done $0x0  }
0x2b4: {  	[sflag:s26] =	ssyncadd.s32 $0xFFFFFF38  }
0x2b5: {  	[tilespmem:s30], [sflag:$0x1] =	stream.linear.gather [hbm4b:s7+s3], $0x6400, $0x38;
	[tilespmem:$0x19D80] =	vst v63  }
0x2b6: {  	_ =	swait.ge [sflag:s26], $0x6400  }
.Ltmp29:
0x2b7: {  	[sflag:s26] =	ssyncset.done $0x0;
	(pc) =	sbr.rel @p2 .LBB2_55-.Ltmp29, $4  }
0x2b8: {  	[sflag:s26] =	ssyncadd.s32 $0xFFFF9C00  }
0x2b9: {  	[spmem:s1] =	stream.indirect.scatter.add.f32 [tilespmem:s30], [sflag:$0x1], $0x80, s29, s31, $0xb8;
	[tilespmem:$0x19D80] =	vst v63  }
0x2ba: {  	_ =	swait.ge [sflag:s26], $0x6400  }
0x2bb: {  	s15 =	smov.u32 s24;
	s7 =	sadd.s32 $0xC80, s7;
	[sflag:s26] =	ssyncset.done $0x0  }
0x2bc: {  	s10 =	sadd.s32 s10, s8;
	[sflag:s26] =	ssyncadd.s32 $0xFFFF9C00  }
0x2bd: {  	[tilespmem:s29], [sflag:$0x1] =	stream.linear.gather [hbm4b:s10+s3], $0xC8, $0x38;
	[tilespmem:$0x19D80] =	vst v63  }
0x2be: {  	_ =	swait.ge [sflag:s26], $0xC8  }
0x2bf: {  	[sflag:s26] =	ssyncset.done $0x0  }
0x2c0: {  	[sflag:s26] =	ssyncadd.s32 $0xFFFFFF38  }
0x2c1: {  	[tilespmem:s30], [sflag:$0x1] =	stream.linear.gather [hbm4b:s7+s3], $0x6400, $0x38;
	[tilespmem:$0x19D80] =	vst v63  }
0x2c2: {  	_ =	swait.ge [sflag:s26], $0x6400  }
0x2c3: {  	[sflag:s26] =	ssyncset.done $0x0  }
0x2c4: {  	[sflag:s26] =	ssyncadd.s32 $0xFFFF9C00  }
0x2c5: {  	[spmem:s1] =	stream.indirect.scatter.add.f32 [tilespmem:s30], [sflag:$0x1], $0x80, s29, s31, $0xb8;
	[tilespmem:$0x19D80] =	vst v63  }
0x2c6: {  	_ =	swait.ge [sflag:s26], $0x6400  }
0x2c7: {  	[sflag:s26] =	ssyncset.done $0x0  }
0x2c8: {  	[sflag:s26] =	ssyncadd.s32 $0xFFFF9C00  }
.LBB2_57:
0x2c9: {  	[bflag:$0x0] =	sbarrier.arrive $0xFFFF  }
0x2ca: {  	s7 =	sld [smem:$0x7FC];
	_ =	sdelay $0x2  }
0x2cb: {  	p2 =	seq.s32 s7, $0x1  }
.Ltmp30:
0x2cc: {  	_ = 	snop;
	(pc) =	sbr.rel @!p2 .LBB2_61-.Ltmp30, $1  }
0x2cd: {  	_ =	sdelay $0x3  }
0x2ce: {  	s7 =	sadd.s32 $0x0, s14  }
0x2cf: {  	[tilespmem:s29], [sflag:$0x1] =	stream.linear.gather [hbm4b:s7+s3], $0xC8, $0x38;
	[tilespmem:$0x19D80] =	vst v63  }
0x2d0: {  	_ =	swait.ge [sflag:s26], $0xC8  }
0x2d1: {  	[sflag:s26] =	ssyncset.done $0x0  }
0x2d2: {  	s24 =	rddreg [dreg:$0x18];
	[sflag:s26] =	ssyncadd.s32 $0xFFFFFF38  }
0x2d3: {  	[tilespmem:s30], [sflag:$0x1] =	stream.linear.gather [hbm4b:s24+s3], $0x6400, $0x38;
	[tilespmem:$0x19D80] =	vst v63  }
0x2d4: {  	_ =	swait.ge [sflag:s26], $0x6400  }
0x2d5: {  	[sflag:s26] =	ssyncset.done $0x0  }
0x2d6: {  	[sflag:s26] =	ssyncadd.s32 $0xFFFF9C00  }
0x2d7: {  	[spmem:s1] =	stream.indirect.scatter.add.f32 [tilespmem:s30], [sflag:$0x1], $0x80, s29, s31, $0xb8;
	[tilespmem:$0x19D80] =	vst v63  }
0x2d8: {  	s10 =	simm.s32 $0x19;
	_ =	swait.ge [sflag:s26], $0x6400  }
0x2d9: {  	s15 =	simm.s32 $0x32;
	s7 =	sadd.s32 $0xC80, s24;
	[sflag:s26] =	ssyncset.done $0x0  }
.LBB2_59:
0x2da: {  	s20 =	sadd.s32 s10, s14  }
0x2db: {  	[sflag:s26] =	ssyncadd.s32 $0xFFFF9C00;
	s10 =	smov.u32 s15;
	s24 =	sadd.s32 $0x19, s15  }
0x2dc: {  	[tilespmem:s29], [sflag:$0x1] =	stream.linear.gather [hbm4b:s20+s3], $0xC8, $0x38;
	[tilespmem:$0x19D80] =	vst v63  }
0x2dd: {  	p2 =	sne.s32 s15, $0x9AB;
	_ =	swait.ge [sflag:s26], $0xC8  }
0x2de: {  	[sflag:s26] =	ssyncset.done $0x0  }
0x2df: {  	[sflag:s26] =	ssyncadd.s32 $0xFFFFFF38  }
0x2e0: {  	[tilespmem:s30], [sflag:$0x1] =	stream.linear.gather [hbm4b:s7+s3], $0x6400, $0x38;
	[tilespmem:$0x19D80] =	vst v63  }
0x2e1: {  	_ =	swait.ge [sflag:s26], $0x6400  }
.Ltmp31:
0x2e2: {  	[sflag:s26] =	ssyncset.done $0x0;
	(pc) =	sbr.rel @p2 .LBB2_59-.Ltmp31, $4  }
0x2e3: {  	[sflag:s26] =	ssyncadd.s32 $0xFFFF9C00  }
0x2e4: {  	[spmem:s1] =	stream.indirect.scatter.add.f32 [tilespmem:s30], [sflag:$0x1], $0x80, s29, s31, $0xb8;
	[tilespmem:$0x19D80] =	vst v63  }
0x2e5: {  	_ =	swait.ge [sflag:s26], $0x6400  }
0x2e6: {  	s15 =	smov.u32 s24;
	s7 =	sadd.s32 $0xC80, s7;
	[sflag:s26] =	ssyncset.done $0x0  }
0x2e7: {  	s10 =	sadd.s32 s10, s14;
	[sflag:s26] =	ssyncadd.s32 $0xFFFF9C00  }
0x2e8: {  	[tilespmem:s29], [sflag:$0x1] =	stream.linear.gather [hbm4b:s10+s3], $0xC8, $0x38;
	[tilespmem:$0x19D80] =	vst v63  }
0x2e9: {  	_ =	swait.ge [sflag:s26], $0xC8  }
0x2ea: {  	[sflag:s26] =	ssyncset.done $0x0  }
0x2eb: {  	[sflag:s26] =	ssyncadd.s32 $0xFFFFFF38  }
0x2ec: {  	[tilespmem:s30], [sflag:$0x1] =	stream.linear.gather [hbm4b:s7+s3], $0x6400, $0x38;
	[tilespmem:$0x19D80] =	vst v63  }
0x2ed: {  	_ =	swait.ge [sflag:s26], $0x6400  }
0x2ee: {  	[sflag:s26] =	ssyncset.done $0x0  }
0x2ef: {  	[sflag:s26] =	ssyncadd.s32 $0xFFFF9C00  }
0x2f0: {  	[spmem:s1] =	stream.indirect.scatter.add.f32 [tilespmem:s30], [sflag:$0x1], $0x80, s29, s31, $0xb8;
	[tilespmem:$0x19D80] =	vst v63  }
0x2f1: {  	_ =	swait.ge [sflag:s26], $0x6400  }
0x2f2: {  	[sflag:s26] =	ssyncset.done $0x0  }
0x2f3: {  	[sflag:s26] =	ssyncadd.s32 $0xFFFF9C00  }
.LBB2_61:
.Ltmp32:
0x2f4: {  	(pc) =	sbr.rel @!p0 .LBB2_65-.Ltmp32, $2  }
0x2f5: {  	_ =	sdelay $0x1  }
0x2f6: {  	[bflag:$0x0] =	sbarrier.arrive $0xFFFF;
	_ =	sdelay $0x1  }
0x2f7: {  	s7 =	sadd.s32 $0x0, s18  }
0x2f8: {  	[tilespmem:s29], [sflag:$0x1] =	stream.linear.gather [hbm4b:s7+s3], $0xC8, $0x38;
	[tilespmem:$0x19D80] =	vst v63  }
0x2f9: {  	_ =	swait.ge [sflag:s26], $0xC8  }
0x2fa: {  	[sflag:s26] =	ssyncset.done $0x0  }
0x2fb: {  	s24 =	rddreg [dreg:$0x19];
	[sflag:s26] =	ssyncadd.s32 $0xFFFFFF38  }
0x2fc: {  	[tilespmem:s30], [sflag:$0x1] =	stream.linear.gather [hbm4b:s24+s3], $0x6400, $0x38;
	[tilespmem:$0x19D80] =	vst v63  }
0x2fd: {  	_ =	swait.ge [sflag:s26], $0x6400  }
0x2fe: {  	[sflag:s26] =	ssyncset.done $0x0  }
0x2ff: {  	[sflag:s26] =	ssyncadd.s32 $0xFFFF9C00  }
0x300: {  	[spmem:s1] =	stream.indirect.scatter.add.f32 [tilespmem:s30], [sflag:$0x1], $0x80, s29, s31, $0xb8;
	[tilespmem:$0x19D80] =	vst v63  }
0x301: {  	s10 =	simm.s32 $0x19;
	_ =	swait.ge [sflag:s26], $0x6400  }
0x302: {  	s15 =	simm.s32 $0x32;
	s7 =	sadd.s32 $0xC80, s24;
	[sflag:s26] =	ssyncset.done $0x0  }
.LBB2_63:
0x303: {  	s20 =	sadd.s32 s10, s18  }
0x304: {  	[sflag:s26] =	ssyncadd.s32 $0xFFFF9C00;
	s10 =	smov.u32 s15;
	s24 =	sadd.s32 $0x19, s15  }
0x305: {  	[tilespmem:s29], [sflag:$0x1] =	stream.linear.gather [hbm4b:s20+s3], $0xC8, $0x38;
	[tilespmem:$0x19D80] =	vst v63  }
0x306: {  	p2 =	sne.s32 s15, $0x9AB;
	_ =	swait.ge [sflag:s26], $0xC8  }
0x307: {  	[sflag:s26] =	ssyncset.done $0x0  }
0x308: {  	[sflag:s26] =	ssyncadd.s32 $0xFFFFFF38  }
0x309: {  	[tilespmem:s30], [sflag:$0x1] =	stream.linear.gather [hbm4b:s7+s3], $0x6400, $0x38;
	[tilespmem:$0x19D80] =	vst v63  }
0x30a: {  	_ =	swait.ge [sflag:s26], $0x6400  }
.Ltmp33:
0x30b: {  	[sflag:s26] =	ssyncset.done $0x0;
	(pc) =	sbr.rel @p2 .LBB2_63-.Ltmp33, $4  }
0x30c: {  	[sflag:s26] =	ssyncadd.s32 $0xFFFF9C00  }
0x30d: {  	[spmem:s1] =	stream.indirect.scatter.add.f32 [tilespmem:s30], [sflag:$0x1], $0x80, s29, s31, $0xb8;
	[tilespmem:$0x19D80] =	vst v63  }
0x30e: {  	_ =	swait.ge [sflag:s26], $0x6400  }
0x30f: {  	s15 =	smov.u32 s24;
	s7 =	sadd.s32 $0xC80, s7;
	[sflag:s26] =	ssyncset.done $0x0  }
.Ltmp34:
0x310: {  	_ = 	snop;
	(pc) =	sbr.rel .LBB2_64-.Ltmp34, $1  }
0x311: {  	_ =	sdelay $0x3  }
.LBB2_65:
0x312: {  	s7 =	rddreg [dreg:$0x3]  }
0x313: {  	p2 =	sne.s32 s7, $0x0  }
.Ltmp35:
0x314: {  	_ = 	snop;
	(pc) =	sbr.rel @p2 .LBB2_67-.Ltmp35, $4  }
.Ltmp36:
0x315: {  	_ = 	snop;
	(pc) =	sbr.rel @!p2 .LBB2_66-.Ltmp36, $4  }
0x316: {  	_ = 	snop  }
0x317: {  	[bflag:$0x0] =	sbarrier.arrive $0xFFFF  }
0x318: {  	_ = 	snop  }
0x319: {  	_ = 	snop  }
.LBB2_68:
0x31a: {  	_ =	sfence.sel $0x180000  }
0x31b: {  	[bflag:$0x0] =	sbarrier.arrive $0xFFFF  }
0x31c: {  	_ =	strace $0x9000004A  }
0x31d: {  	s0 =	stileid.u32;
	[bflag:$0x2] =	sbarrier.arrive $0xFFFF  }
0x31e: {  	p0 =	sne.s32 s0, $0x0;
	s0 =	rddreg [dreg:$0x2]  }
0x31f: {  	s0 =	sadd.s32 @!p0 $0x100000, s0  }
0x320: {  	[sflag:s0] =	ssyncadd.tile.s32 @!p0 $0x1;
	_ =	shalt  }
.Lfunc_end2:
_tile_overlayer_lowered:
.L_overlay_start_2:
0x321: {  	(tag) =	ssettag $0x2  }
0x322: {  	s0 =	rddreg [dreg:$0x0];
	s2 =	stileid.u32  }
0x323: {  	s1 =	rddreg [dreg:$0x1];
	p0 =	sne.s32 s2, $0x0  }
0x324: {  	s3 =	rddreg [dreg:$0x2];
	[bflag:$0x3] =	sbarrier.arrive $0xFFFF;
	s2 =	simm.s32 @!p0 $0x1C01  }
0x325: {  	[timem:s3], [sflag:s2] =	dma.local @!p0 [hbm:s0], s1  }
0x326: {  	s0 =	simm.s32 @!p0 $0x1  }
0x327: {  	_ =	swait.ge @!p0 [sflag:s0], s1  }
0x328: {  	s1 =	ssub.s32 @!p0 $0x0, s1;
	[sflag:s0] =	ssyncset.done @!p0 $0x0  }
0x329: {  	[sflag:s0] =	ssyncadd.s32 @!p0 s1  }
0x32a: {  	[bflag:$0x3] =	sbarrier.arrive $0xFFFF  }
0x32b: {  	_ =	shalt  }

// kernel: kernel.18.cloned.1.call-start
scs
__scs_entry_jumppad:
0x0: {  	(pc) =	sbr.rel $0x88, $3  }
0x1: {  	(tag) =	ssettag $0x0;
	lr =	simm.s32 $0x1  }
0x2: {  	[smem:$0x3F8C] =	sst lr;
	_ =	strace $0xD0000000  }
0x3: {  	_ = 	snop  }
0x4: {  	_ = 	snop  }
0x5: {  	_ = 	snop  }
0x6: {  	_ = 	snop  }
0x7: {  	_ = 	snop  }
__scs_overlays_trampoline_lowered:
0x8: {  	[smem:$0x3F9B] =	sst s0  }
0x9: {  	[smem:$0x3F9C] =	sst s1  }
0xa: {  	[smem:$0x3F9D] =	sst s2  }
0xb: {  	[smem:$0x3F9E] =	sst s3  }
0xc: {  	[smem:$0x3F9F] =	sst s4  }
0xd: {  	[smem:$0x3FA0] =	sst s5  }
0xe: {  	[smem:$0x3FA1] =	sst s6  }
0xf: {  	[smem:$0x3FA2] =	sst s7  }
0x10: {  	[smem:$0x3FA3] =	sst s8  }
0x11: {  	[smem:$0x3FA4] =	sst s9;
	s0 =	simm.s32 @!p0 $0x0  }
0x12: {  	s1 =	sld [smem:$0x3F8A];
	s0 =	simm.s32 @p0 $0x1  }
0x13: {  	[smem:$0x3FA5] =	sst s0;
	s0 =	simm.s32 @!p1 $0x0  }
0x14: {  	s2 =	sld [smem:$0x3F89];
	s0 =	simm.s32 @p1 $0x1  }
0x15: {  	[smem:$0x3FA6] =	sst s0;
	s0 =	simm.s32 @!p2 $0x0  }
0x16: {  	s3 =	sld [smem:$0x3FDB];
	s0 =	simm.s32 @p2 $0x1  }
0x17: {  	s4 =	simm.s32 $0x1BF5;
	[smem:$0x3FA8] =	sst s0  }
0x18: {  	s0 =	sld [smem:$0x3F8B];
	_ =	swait.ge [sflag:s4], $0x0  }
0x19: {  	s7 =	sld [smem:$0x3F8C]  }
0x1a: {  	s8 =	sadd.s32 $0xFFFFE003, lr  }
0x1b: {  	s9 =	sadd.s32 $0xFFFFFEF7, lr;
	s5 =	simm.s32 $0xFFFFFFFF;
	p2 =	slt.u32 s8, $0xFFFFF086  }
0x1c: {  	p1 =	slt.u32 s9, $0xF7A;
	s5 =	simm.s32 @!p2 $0x0  }
0x1d: {  	s5 =	simm.s32 @p1 $0x1;
	p0 =	seq.s32 s7, s2  }
0x1e: {  	s7 =	smul.u32 @!p0 $0xF7A, s2;
	p2 =	seq.s32 @!p0 s5, $0x0  }
0x1f: {  	s9 =	smul.u32 $0xF7A, s1;
	s8 =	simm.s32 @!p0 $0x1BF5;
	p2 =	por !p2, p0  }
0x20: {  	[sflag:s8] =	ssyncset.s32 @!p0 $0xFFFFF086;
	s6 =	sadd.s32 @!p0 s3, s7;
	s7 =	simm.s32 @!p0 $0x108  }
0x21: {  	s3 =	sadd.s32 s3, s9;
	s6 =	sadd.s32 @!p0 $0x88, s6;
	s7 =	simm.s32 @p2 $0x1082  }
0x22: {  	[simem:s7], [sflag:s8] =	dma.local @!p0 [hbm:s6], $0xF7A  }
0x23: {  	s9 =	sor.u32 $0xD0000000, s2;
	s6 =	simm.s32 $0x108;
	_ =	swait.ge @!p0 [sflag:s8], $0x0  }
0x24: {  	s3 =	sadd.s32 $0x88, s3;
	s6 =	simm.s32 @!p1 $0x1082;
	[sflag:s4] =	ssyncset.s32 $0xFFFFF086  }
0x25: {  	[simem:s6], [sflag:s4] =	dma.local [hbm:s3], $0xF7A  }
0x26: {  	[smem:$0x3F8C] =	sst s1;
	(tag) =	ssettag s2;
	_ =	strace s9  }
0x27: {  	s1 =	sld [smem:$0x3F9C]  }
0x28: {  	s2 =	sld [smem:$0x3F9D]  }
0x29: {  	s4 =	sld [smem:$0x3F9F]  }
0x2a: {  	p0 =	seq.s32 s5, $0x0;
	s5 =	sld [smem:$0x3FA0]  }
0x2b: {  	s6 =	sld [smem:$0x3FA1]  }
0x2c: {  	s7 =	sld [smem:$0x3FA2]  }
0x2d: {  	s3 =	simm.s32 $0x108;
	s8 =	sld [smem:$0x3FA3]  }
0x2e: {  	s3 =	simm.s32 @!p0 $0x1082;
	s9 =	sld [smem:$0x3FA4]  }
0x2f: {  	lr =	sadd.s32 s0, s3;
	s0 =	sld [smem:$0x3F9B]  }
0x30: {  	s3 =	sld [smem:$0x3F9E]  }
0x31: {  	[smem:$0x3FA7] =	sst s10  }
0x32: {  	s10 =	sld [smem:$0x3FA5];
	_ =	sdelay $0x3  }
0x33: {  	p0 =	seq.s32 s10, $0x1;
	s10 =	sld [smem:$0x3FA7];
	_ =	sdelay $0x3  }
0x34: {  	[smem:$0x3FA7] =	sst s10  }
0x35: {  	s10 =	sld [smem:$0x3FA6];
	_ =	sdelay $0x3  }
0x36: {  	p1 =	seq.s32 s10, $0x1;
	s10 =	sld [smem:$0x3FA7];
	_ =	sdelay $0x3  }
0x37: {  	[smem:$0x3FA7] =	sst s10  }
0x38: {  	s10 =	sld [smem:$0x3FA8]  }
0x39: {  	_ = 	snop;
	(pc) =	sbr.ind lr, $3  }
0x3a: {  	_ = 	snop  }
0x3b: {  	_ = 	snop  }
0x3c: {  	p2 =	seq.s32 s10, $0x1;
	s10 =	sld [smem:$0x3FA7]  }
0x3d: {  	_ =	shalt  }
0x3e: {  	_ =	shalt  }
0x3f: {  	_ =	shalt  }
0x40: {  	_ =	shalt  }
0x41: {  	_ =	shalt  }
0x42: {  	_ =	shalt  }
0x43: {  	_ =	shalt  }
0x44: {  	_ =	shalt  }
0x45: {  	_ =	shalt  }
0x46: {  	_ =	shalt  }
0x47: {  	_ =	shalt  }
0x48: {  	_ =	shalt  }
0x49: {  	_ =	shalt  }
0x4a: {  	_ =	shalt  }
0x4b: {  	_ =	shalt  }
0x4c: {  	_ =	shalt  }
0x4d: {  	_ =	shalt  }
0x4e: {  	_ =	shalt  }
0x4f: {  	_ =	shalt  }
0x50: {  	_ =	shalt  }
0x51: {  	_ =	shalt  }
0x52: {  	_ =	shalt  }
0x53: {  	_ =	shalt  }
0x54: {  	_ =	shalt  }
0x55: {  	_ =	shalt  }
0x56: {  	_ =	shalt  }
0x57: {  	_ =	shalt  }
0x58: {  	_ =	shalt  }
0x59: {  	_ =	shalt  }
0x5a: {  	_ =	shalt  }
0x5b: {  	_ =	shalt  }
0x5c: {  	_ =	shalt  }
0x5d: {  	_ =	shalt  }
0x5e: {  	_ =	shalt  }
0x5f: {  	_ =	shalt  }
0x60: {  	_ =	shalt  }
0x61: {  	_ =	shalt  }
0x62: {  	_ =	shalt  }
0x63: {  	_ =	shalt  }
0x64: {  	_ =	shalt  }
0x65: {  	_ =	shalt  }
0x66: {  	_ =	shalt  }
0x67: {  	_ =	shalt  }
0x68: {  	_ =	shalt  }
0x69: {  	_ =	shalt  }
0x6a: {  	_ =	shalt  }
0x6b: {  	_ =	shalt  }
0x6c: {  	_ =	shalt  }
0x6d: {  	_ =	shalt  }
0x6e: {  	_ =	shalt  }
0x6f: {  	_ =	shalt  }
0x70: {  	_ =	shalt  }
0x71: {  	_ =	shalt  }
0x72: {  	_ =	shalt  }
0x73: {  	_ =	shalt  }
0x74: {  	_ =	shalt  }
0x75: {  	_ =	shalt  }
0x76: {  	_ =	shalt  }
0x77: {  	_ =	shalt  }
0x78: {  	_ =	shalt  }
0x79: {  	_ =	shalt  }
0x7a: {  	_ =	shalt  }
0x7b: {  	_ =	shalt  }
0x7c: {  	_ =	shalt  }
0x7d: {  	_ =	shalt  }
0x7e: {  	_ =	shalt  }
0x7f: {  	_ =	shalt  }
0x80: {  	_ =	shalt  }
0x81: {  	_ =	shalt  }
0x82: {  	_ =	shalt  }
0x83: {  	_ =	shalt  }
0x84: {  	_ =	shalt  }
0x85: {  	_ =	shalt  }
0x86: {  	_ =	shalt  }
0x87: {  	_ =	shalt  }
.Lfunc_end0:
.L_simem_size_0:
called_computation.2_lowered:
.L_overlay_start_0:
0x88: {  	s2 =	sld [smem:$0x3FD9]  }
0x89: {  	s3 =	sld [smem:$0x3FFE];
	_ =	sdelay $0x1  }
0x8a: {  	s1 =	srdreg.scid  }
0x8b: {  	s0 =	sand.u32 $0x1, s1  }
0x8c: {  	s16 =	sshll.u32 s0, $0xA;
	s2 =	sadd.s32 s3, s2  }
0x8d: {  	s2 =	sadd.s32 s2, s16  }
0x8e: {  	[smem:$0x3FB3] =	sst s2  }
0x8f: {  	_ = 	snop  }
0x90: {  	(tm) =	ssettm $0x1  }
0x91: {  	s17 =	sld [smem:$0x3FFB];
	_ =	sdelay $0x3  }
0x92: {  	_ =	strace s17  }
0x93: {  	s2 =	sld [smem:$0x3FFC];
	_ =	sdelay $0x3  }
0x94: {  	_ =	strace s2  }
0x95: {  	s2 =	sld [smem:$0x3FFD];
	_ =	sdelay $0x3  }
0x96: {  	_ =	strace s2  }
0x97: {  	_ =	strace $0x8FFFFFFF  }
0x98: {  	s18 =	sld [smem:$0x3FDB];
	_ =	sdelay $0x1  }
0x99: {  	s19 =	simm.s32 $_scs_section_size  }
0x9a: {  	s4 =	simm.s32 $_size__tile_overlayer_lowered;
	s5 =	simm.s32 $_tile_overlayer_lowered  }
0x9b: {  	s22 =	simm.s32 $0x1BFF;
	s21 =	sshll.u32 s5, $0x1;
	s2 =	sadd.s32 s19, s18  }
0x9c: {  	s6 =	simm.s32 $0x0;
	s20 =	sshll.u32 s4, $0x1;
	s4 =	sadd.s32 s21, s2  }
0x9d: {  	[timem:s6], [sflag:s22] =	dma.local [hbm:s4], s20  }
0x9e: {  	_ =	swait.ge [sflag:s22], s20  }
0x9f: {  	s3 =	ssub.s32 $0x0, s20;
	[sflag:s22] =	ssyncset.done $0x0  }
0xa0: {  	[sflag:s22] =	ssyncadd.s32 s3;
	_ =	sdelay $0x1  }
0xa1: {  	s23 =	simm.s32 $0x1B8B  }
0xa2: {  	_ =	swait.ge [sflag:s23], $0x1  }
0xa3: {  	[sflag:s23] =	ssyncset.done $0x0  }
0xa4: {  	s25 =	simm.s32 $0x1B8E;
	s24 =	sld [smem:$0x3FFE];
	[sflag:s23] =	ssyncadd.s32 $0xFFFFFFFF  }
0xa5: {  	s26 =	simm.s32 $execute0_lowered;
	[smem:$0x3FD2] =	sst s25  }
0xa6: {  	s4 =	sshll.u32 s26, $0x1;
	_ =	strace $0x8000004C;
	[dreg:$0x1] =	wrdreg $0xFFFFFFFF  }
0xa7: {  	s28 =	simm.s32 $_size_execute0_lowered;
	s2 =	sadd.s32 s2, s4;
	[dreg:$0x0] =	wrdreg $0x0  }
0xa8: {  	s4 =	sshll.u32 s28, $0x1;
	[dreg:$0x2] =	wrdreg s2  }
0xa9: {  	[dreg:$0x3] =	wrdreg s4  }
0xaa: {  	[dreg:$0x4] =	wrdreg $0xC0  }
0xab: {  	_ =	task [dreg:s6], $0x5FFFF  }
0xac: {  	[dreg:$0x1] =	wrdreg $0xFFFFFFFF  }
0xad: {  	[dreg:$0x0] =	wrdreg $0x60  }
0xae: {  	[dreg:$0x2] =	wrdreg s24  }
0xaf: {  	[dreg:$0x3] =	wrdreg $0x9  }
0xb0: {  	_ =	task.clear_ibuf [dreg:s6], $0x4FFFF;
	_ =	strace $0x9000004C  }
0xb1: {  	s29 =	simm.s32 $0x9;
	_ =	strace $0x8000004E  }
0xb2: {  	_ =	swait.ge [sflag:s29], $0x1  }
0xb3: {  	[sflag:s29] =	ssyncadd.s32 $0xFFFFFFFF  }
0xb4: {  	_ =	strace $0x9000004E  }
0xb5: {  	_ =	sfence  }
0xb6: {  	s30 =	sld [smem:$0x0];
	_ =	sdelay $0x2  }
0xb7: {  	s31 =	sshll.u32 s1, $0xD;
	s1 =	sshrl.u32 s1, $0x2  }
0xb8: {  	s3 =	sand.u32 $0x4000, s31;
	s1 =	sadd.s32 s1, s30  }
0xb9: {  	s0 =	sor.u32 s3, s0;
	s1 =	sshll.u32 s1, $0x11  }
0xba: {  	s0 =	sor.u32 s1, s0  }
0xbb: {  	s0 =	sadd.s32 $0x8F2B, s0  }
0xbc: {  	[sflag:s0] =	ssyncadd.remote.s32 $0x1  }
0xbd: {  	_ =	sfence.sel $0xFFFF  }
0xbe: {  	[dreg:$0x0] =	wrdreg $0xFFFFFFFF;
	(pc) =	sbr.abs _section_cstart, $3  }
0xbf: {  	[dreg:$0x1] =	wrdreg $0xFFFFFFFF  }
0xc0: {  	_ =	task.clear_ibuf [dreg:s6], $0x2FFFF;
	_ =	strace $0x9FFFFFFF  }
0xc1: {  	(tm) =	ssettm $0x7FFFFFFF  }
tec
execute0_lowered:
.L_overlay_start_1:
0x0: {  	(tag) =	ssettag $0x1  }
0x1: {  	s4 =	rddreg [dreg:$0x0]  }
0x2: {  	s0 =	rddreg [dreg:$0x1];
	s2 =	simm.s32 $0x0;
	s3 =	srdreg.scid  }
0x3: {  	s1 =	stileid.u32;
	s10 =	simm.s32 $0x3;
	s11 =	simm.s32 $0x190  }
0x4: {  	s12 =	simm.s32 $0x400;
	s13 =	simm.s32 $0xCC00;
	s14 =	simm.s32 $0x1  }
0x5: {  	s15 =	simm.s32 $0x2;
	s16 =	simm.s32 $0x0;
	s6 =	smul.u32 $0x4E20, s1  }
0x6: {  	[smem:$0x7FF] =	sst s2;
	s5 =	sand.u32 $0x1, s3;
	s8 =	smul.u32 $0x4E200, s1  }
0x7: {  	s3 =	sadd.s32 $0x1AA00, s4;
	s7 =	smul.u32 $0x2710, s5;
	s9 =	ssub.s32 $0x2, s5  }
0x8: {  	_ =	strace $0x8000004D;
	s5 =	smul.u32 $0x27100, s5;
	s29 =	sshrl.u32 s9, $0x1  }
0x9: {  	s8 =	sadd.s32 s8, s4;
	s6 =	sadd.s32 s7, s6;
	s7 =	ssub.s32 s9, s29  }
0xa: {  	s31 =	sadd.s32 s5, s8;
	s9 =	simm.s32 $0x200;
	s6 =	sshrl.u32 s6, $0x3  }
0xb: {  	s5 =	sadd.s32 $0x91C00, s31;
	s30 =	sadd.s32 s6, s4;
	s4 =	smax.u32 s7, $0x1  }
0xc: {  	s6 =	sadd.s32 $0x13CB800, s31;
	s7 =	sadd.s32 $0x6E00, s30;
	s8 =	sadd.s32 $0x10C00, s30  }
.LBB2_1:
0xd: {  	s17 =	sadd.s32 $0x0, s8  }
0xe: {  	[tilespmem:s9], [sflag:$0x3] =	stream.linear.gather [hbm4b:s17+s2], $0x190, $0x38;
	[tilespmem:$0x19400] =	vst v63  }
0xf: {  	_ =	swait.ge [sflag:s10], $0x190  }
0x10: {  	[sflag:s10] =	ssyncset.done $0x0  }
0x11: {  	s31 =	sadd.s32 $0x0, s7;
	[sflag:s10] =	ssyncadd.s32 $0xFFFFFE70  }
0x12: {  	[tilespmem:s2], [sflag:$0x3] =	stream.linear.gather [hbm4b:s31+s2], $0x190, $0x38;
	[tilespmem:$0x19400] =	vst v63  }
0x13: {  	_ =	swait.ge [sflag:s10], $0x190  }
0x14: {  	[sflag:s10] =	ssyncset.done $0x0  }
0x15: {  	[sflag:s10] =	ssyncadd.s32 $0xFFFFFE70  }
0x16: {  	[tilespmem:s12], [sflag:$0x1] =	stream.indirect.gather [hbm4b:s3+s11], $0x80, s9, s11, $0xb8;
	[tilespmem:$0x19400] =	vst v63  }
0x17: {  	_ = 	snop  }
0x18: {  	[tilespmem:s13], [sflag:$0x2] =	stream.indirect.gather [hbm4b:s3+s11], $0x80, s2, s11, $0xb8;
	[tilespmem:$0x19400] =	vst v63  }
0x19: {  	_ =	swait.ge [sflag:s14], $0xC800  }
0x1a: {  	[sflag:s14] =	ssyncset.done $0x0  }
0x1b: {  	[sflag:s14] =	ssyncadd.s32 $0xFFFF3800  }
0x1c: {  	[hbm4b:s5+s2] =	stream.linear.scatter [tilespmem:s12], [sflag:$0x3], $0xC800, $0x38;
	[tilespmem:$0x19400] =	vst v63  }
0x1d: {  	_ =	swait.ge [sflag:s10], $0xC800  }
0x1e: {  	[sflag:s10] =	ssyncset.done $0x0  }
0x1f: {  	[sflag:s10] =	ssyncadd.s32 $0xFFFF3800  }
0x20: {  	_ =	swait.ge [sflag:s15], $0xC800  }
0x21: {  	[sflag:s15] =	ssyncset.done $0x0  }
0x22: {  	[sflag:s15] =	ssyncadd.s32 $0xFFFF3800  }
0x23: {  	[hbm4b:s6+s2] =	stream.linear.scatter [tilespmem:s13], [sflag:$0x3], $0xC800, $0x38;
	[tilespmem:$0x19400] =	vst v63  }
0x24: {  	s19 =	simm.s32 $0x32;
	s20 =	simm.s32 $0x64;
	_ =	swait.ge [sflag:s10], $0xC800  }
0x25: {  	s18 =	sadd.s32 $0x1900, s5;
	s17 =	sadd.s32 $0x1900, s6;
	[sflag:s10] =	ssyncset.done $0x0  }
.LBB2_2:
0x26: {  	s21 =	sadd.s32 s19, s8  }
0x27: {  	[sflag:s10] =	ssyncadd.s32 $0xFFFF3800;
	s22 =	smov.u32 s20;
	s23 =	sadd.s32 $0x32, s20  }
0x28: {  	[tilespmem:s9], [sflag:$0x3] =	stream.linear.gather [hbm4b:s21+s2], $0x190, $0x38;
	[tilespmem:$0x19400] =	vst v63  }
0x29: {  	p0 =	sne.s32 s20, $0x4B0;
	_ =	swait.ge [sflag:s10], $0x190  }
0x2a: {  	[sflag:s10] =	ssyncset.done $0x0  }
0x2b: {  	s20 =	sadd.s32 s19, s7;
	s19 =	smov.u32 s22;
	[sflag:s10] =	ssyncadd.s32 $0xFFFFFE70  }
0x2c: {  	[tilespmem:s2], [sflag:$0x3] =	stream.linear.gather [hbm4b:s20+s2], $0x190, $0x38;
	[tilespmem:$0x19400] =	vst v63  }
0x2d: {  	_ =	swait.ge [sflag:s10], $0x190  }
0x2e: {  	[sflag:s10] =	ssyncset.done $0x0  }
0x2f: {  	[sflag:s10] =	ssyncadd.s32 $0xFFFFFE70  }
0x30: {  	[tilespmem:s12], [sflag:$0x1] =	stream.indirect.gather [hbm4b:s3+s11], $0x80, s9, s11, $0xb8;
	[tilespmem:$0x19400] =	vst v63  }
0x31: {  	_ = 	snop  }
0x32: {  	[tilespmem:s13], [sflag:$0x2] =	stream.indirect.gather [hbm4b:s3+s11], $0x80, s2, s11, $0xb8;
	[tilespmem:$0x19400] =	vst v63  }
0x33: {  	_ =	swait.ge [sflag:s14], $0xC800  }
0x34: {  	[sflag:s14] =	ssyncset.done $0x0  }
0x35: {  	[sflag:s14] =	ssyncadd.s32 $0xFFFF3800  }
0x36: {  	[hbm4b:s18+s2] =	stream.linear.scatter [tilespmem:s12], [sflag:$0x3], $0xC800, $0x38;
	[tilespmem:$0x19400] =	vst v63  }
0x37: {  	_ =	swait.ge [sflag:s10], $0xC800  }
0x38: {  	[sflag:s10] =	ssyncset.done $0x0  }
0x39: {  	[sflag:s10] =	ssyncadd.s32 $0xFFFF3800  }
0x3a: {  	_ =	swait.ge [sflag:s15], $0xC800  }
.Ltmp0:
0x3b: {  	[sflag:s15] =	ssyncset.done $0x0;
	(pc) =	sbr.rel @p0 .LBB2_2-.Ltmp0, $4  }
0x3c: {  	[sflag:s15] =	ssyncadd.s32 $0xFFFF3800  }
0x3d: {  	[hbm4b:s17+s2] =	stream.linear.scatter [tilespmem:s13], [sflag:$0x3], $0xC800, $0x38;
	[tilespmem:$0x19400] =	vst v63  }
0x3e: {  	s20 =	smov.u32 s23;
	_ =	swait.ge [sflag:s10], $0xC800  }
0x3f: {  	s18 =	sadd.s32 $0x1900, s18;
	s17 =	sadd.s32 $0x1900, s17;
	[sflag:s10] =	ssyncset.done $0x0  }
0x40: {  	s20 =	sadd.s32 s19, s8;
	[sflag:s10] =	ssyncadd.s32 $0xFFFF3800  }
0x41: {  	[tilespmem:s9], [sflag:$0x3] =	stream.linear.gather [hbm4b:s20+s2], $0x190, $0x38;
	[tilespmem:$0x19400] =	vst v63  }
0x42: {  	_ =	swait.ge [sflag:s10], $0x190  }
0x43: {  	[sflag:s10] =	ssyncset.done $0x0  }
0x44: {  	s31 =	sadd.s32 s19, s7;
	[sflag:s10] =	ssyncadd.s32 $0xFFFFFE70  }
0x45: {  	[tilespmem:s2], [sflag:$0x3] =	stream.linear.gather [hbm4b:s31+s2], $0x190, $0x38;
	[tilespmem:$0x19400] =	vst v63  }
0x46: {  	_ =	swait.ge [sflag:s10], $0x190  }
0x47: {  	[sflag:s10] =	ssyncset.done $0x0  }
0x48: {  	[sflag:s10] =	ssyncadd.s32 $0xFFFFFE70  }
0x49: {  	[tilespmem:s12], [sflag:$0x1] =	stream.indirect.gather [hbm4b:s3+s11], $0x80, s9, s11, $0xb8;
	[tilespmem:$0x19400] =	vst v63  }
0x4a: {  	_ = 	snop  }
0x4b: {  	[tilespmem:s13], [sflag:$0x2] =	stream.indirect.gather [hbm4b:s3+s11], $0x80, s2, s11, $0xb8;
	[tilespmem:$0x19400] =	vst v63  }
0x4c: {  	_ =	swait.ge [sflag:s14], $0xC800  }
0x4d: {  	[sflag:s14] =	ssyncset.done $0x0  }
0x4e: {  	[sflag:s14] =	ssyncadd.s32 $0xFFFF3800  }
0x4f: {  	[hbm4b:s18+s2] =	stream.linear.scatter [tilespmem:s12], [sflag:$0x3], $0xC800, $0x38;
	[tilespmem:$0x19400] =	vst v63  }
0x50: {  	_ =	swait.ge [sflag:s10], $0xC800  }
0x51: {  	[sflag:s10] =	ssyncset.done $0x0  }
0x52: {  	[sflag:s10] =	ssyncadd.s32 $0xFFFF3800  }
0x53: {  	s16 =	sadd.s32 $0x1, s16;
	_ =	swait.ge [sflag:s15], $0xC800  }
0x54: {  	p0 =	sne.s32 s16, s4;
	[sflag:s15] =	ssyncset.done $0x0  }
.Ltmp1:
0x55: {  	[sflag:s15] =	ssyncadd.s32 $0xFFFF3800;
	(pc) =	sbr.rel @p0 .LBB2_1-.Ltmp1, $4  }
0x56: {  	[hbm4b:s17+s2] =	stream.linear.scatter [tilespmem:s13], [sflag:$0x3], $0xC800, $0x38;
	[tilespmem:$0x19400] =	vst v63  }
0x57: {  	_ =	swait.ge [sflag:s10], $0xC800  }
0x58: {  	[sflag:s10] =	ssyncset.done $0x0  }
0x59: {  	[sflag:s10] =	ssyncadd.s32 $0xFFFF3800  }
0x5a: {  	_ =	sfence.sel $0x180000  }
0x5b: {  	[bflag:$0x0] =	sbarrier.arrive $0xFFFF  }
0x5c: {  	p0 =	sne.s32 s1, $0x0;
	_ =	strace $0x9000004D  }
0x5d: {  	s0 =	sadd.s32 @!p0 $0x100000, s0;
	[bflag:$0x2] =	sbarrier.arrive $0xFFFF  }
0x5e: {  	[sflag:s0] =	ssyncadd.tile.s32 @!p0 $0x1;
	_ =	shalt  }
.Lfunc_end2:
_tile_overlayer_lowered:
.L_overlay_start_2:
0x5f: {  	(tag) =	ssettag $0x2  }
0x60: {  	s0 =	rddreg [dreg:$0x0];
	s2 =	stileid.u32  }
0x61: {  	s1 =	rddreg [dreg:$0x1];
	p0 =	sne.s32 s2, $0x0  }
0x62: {  	s3 =	rddreg [dreg:$0x2];
	[bflag:$0x3] =	sbarrier.arrive $0xFFFF;
	s2 =	simm.s32 @!p0 $0x1C03  }
0x63: {  	[timem:s3], [sflag:s2] =	dma.local @!p0 [hbm:s0], s1  }
0x64: {  	s0 =	simm.s32 @!p0 $0x3  }
0x65: {  	_ =	swait.ge @!p0 [sflag:s0], s1  }
0x66: {  	s1 =	ssub.s32 @!p0 $0x0, s1;
	[sflag:s0] =	ssyncset.done @!p0 $0x0  }
0x67: {  	[sflag:s0] =	ssyncadd.s32 @!p0 s1  }
0x68: {  	[bflag:$0x3] =	sbarrier.arrive $0xFFFF  }
0x69: {  	_ =	shalt  }

// kernel: kernel.21.cloned.1.call-start
scs
__scs_entry_jumppad:
0x0: {  	(pc) =	sbr.rel $0x88, $3  }
0x1: {  	(tag) =	ssettag $0x0;
	lr =	simm.s32 $0x1  }
0x2: {  	[smem:$0x3F8C] =	sst lr;
	_ =	strace $0xD0000000  }
0x3: {  	_ = 	snop  }
0x4: {  	_ = 	snop  }
0x5: {  	_ = 	snop  }
0x6: {  	_ = 	snop  }
0x7: {  	_ = 	snop  }
__scs_overlays_trampoline_lowered:
0x8: {  	[smem:$0x3F9B] =	sst s0  }
0x9: {  	[smem:$0x3F9C] =	sst s1  }
0xa: {  	[smem:$0x3F9D] =	sst s2  }
0xb: {  	[smem:$0x3F9E] =	sst s3  }
0xc: {  	[smem:$0x3F9F] =	sst s4  }
0xd: {  	[smem:$0x3FA0] =	sst s5  }
0xe: {  	[smem:$0x3FA1] =	sst s6  }
0xf: {  	[smem:$0x3FA2] =	sst s7  }
0x10: {  	[smem:$0x3FA3] =	sst s8  }
0x11: {  	[smem:$0x3FA4] =	sst s9;
	s0 =	simm.s32 @!p0 $0x0  }
0x12: {  	s1 =	sld [smem:$0x3F8A];
	s0 =	simm.s32 @p0 $0x1  }
0x13: {  	[smem:$0x3FA5] =	sst s0;
	s0 =	simm.s32 @!p1 $0x0  }
0x14: {  	s2 =	sld [smem:$0x3F89];
	s0 =	simm.s32 @p1 $0x1  }
0x15: {  	[smem:$0x3FA6] =	sst s0;
	s0 =	simm.s32 @!p2 $0x0  }
0x16: {  	s3 =	sld [smem:$0x3FDB];
	s0 =	simm.s32 @p2 $0x1  }
0x17: {  	s4 =	simm.s32 $0x1BF5;
	[smem:$0x3FA8] =	sst s0  }
0x18: {  	s0 =	sld [smem:$0x3F8B];
	_ =	swait.ge [sflag:s4], $0x0  }
0x19: {  	s7 =	sld [smem:$0x3F8C]  }
0x1a: {  	s8 =	sadd.s32 $0xFFFFE003, lr  }
0x1b: {  	s9 =	sadd.s32 $0xFFFFFEF7, lr;
	s5 =	simm.s32 $0xFFFFFFFF;
	p2 =	slt.u32 s8, $0xFFFFF086  }
0x1c: {  	p1 =	slt.u32 s9, $0xF7A;
	s5 =	simm.s32 @!p2 $0x0  }
0x1d: {  	s5 =	simm.s32 @p1 $0x1;
	p0 =	seq.s32 s7, s2  }
0x1e: {  	s7 =	smul.u32 @!p0 $0xF7A, s2;
	p2 =	seq.s32 @!p0 s5, $0x0  }
0x1f: {  	s9 =	smul.u32 $0xF7A, s1;
	s8 =	simm.s32 @!p0 $0x1BF5;
	p2 =	por !p2, p0  }
0x20: {  	[sflag:s8] =	ssyncset.s32 @!p0 $0xFFFFF086;
	s6 =	sadd.s32 @!p0 s3, s7;
	s7 =	simm.s32 @!p0 $0x108  }
0x21: {  	s3 =	sadd.s32 s3, s9;
	s6 =	sadd.s32 @!p0 $0x88, s6;
	s7 =	simm.s32 @p2 $0x1082  }
0x22: {  	[simem:s7], [sflag:s8] =	dma.local @!p0 [hbm:s6], $0xF7A  }
0x23: {  	s9 =	sor.u32 $0xD0000000, s2;
	s6 =	simm.s32 $0x108;
	_ =	swait.ge @!p0 [sflag:s8], $0x0  }
0x24: {  	s3 =	sadd.s32 $0x88, s3;
	s6 =	simm.s32 @!p1 $0x1082;
	[sflag:s4] =	ssyncset.s32 $0xFFFFF086  }
0x25: {  	[simem:s6], [sflag:s4] =	dma.local [hbm:s3], $0xF7A  }
0x26: {  	[smem:$0x3F8C] =	sst s1;
	(tag) =	ssettag s2;
	_ =	strace s9  }
0x27: {  	s1 =	sld [smem:$0x3F9C]  }
0x28: {  	s2 =	sld [smem:$0x3F9D]  }
0x29: {  	s4 =	sld [smem:$0x3F9F]  }
0x2a: {  	p0 =	seq.s32 s5, $0x0;
	s5 =	sld [smem:$0x3FA0]  }
0x2b: {  	s6 =	sld [smem:$0x3FA1]  }
0x2c: {  	s7 =	sld [smem:$0x3FA2]  }
0x2d: {  	s3 =	simm.s32 $0x108;
	s8 =	sld [smem:$0x3FA3]  }
0x2e: {  	s3 =	simm.s32 @!p0 $0x1082;
	s9 =	sld [smem:$0x3FA4]  }
0x2f: {  	lr =	sadd.s32 s0, s3;
	s0 =	sld [smem:$0x3F9B]  }
0x30: {  	s3 =	sld [smem:$0x3F9E]  }
0x31: {  	[smem:$0x3FA7] =	sst s10  }
0x32: {  	s10 =	sld [smem:$0x3FA5];
	_ =	sdelay $0x3  }
0x33: {  	p0 =	seq.s32 s10, $0x1;
	s10 =	sld [smem:$0x3FA7];
	_ =	sdelay $0x3  }
0x34: {  	[smem:$0x3FA7] =	sst s10  }
0x35: {  	s10 =	sld [smem:$0x3FA6];
	_ =	sdelay $0x3  }
0x36: {  	p1 =	seq.s32 s10, $0x1;
	s10 =	sld [smem:$0x3FA7];
	_ =	sdelay $0x3  }
0x37: {  	[smem:$0x3FA7] =	sst s10  }
0x38: {  	s10 =	sld [smem:$0x3FA8]  }
0x39: {  	_ = 	snop;
	(pc) =	sbr.ind lr, $3  }
0x3a: {  	_ = 	snop  }
0x3b: {  	_ = 	snop  }
0x3c: {  	p2 =	seq.s32 s10, $0x1;
	s10 =	sld [smem:$0x3FA7]  }
0x3d: {  	_ =	shalt  }
0x3e: {  	_ =	shalt  }
0x3f: {  	_ =	shalt  }
0x40: {  	_ =	shalt  }
0x41: {  	_ =	shalt  }
0x42: {  	_ =	shalt  }
0x43: {  	_ =	shalt  }
0x44: {  	_ =	shalt  }
0x45: {  	_ =	shalt  }
0x46: {  	_ =	shalt  }
0x47: {  	_ =	shalt  }
0x48: {  	_ =	shalt  }
0x49: {  	_ =	shalt  }
0x4a: {  	_ =	shalt  }
0x4b: {  	_ =	shalt  }
0x4c: {  	_ =	shalt  }
0x4d: {  	_ =	shalt  }
0x4e: {  	_ =	shalt  }
0x4f: {  	_ =	shalt  }
0x50: {  	_ =	shalt  }
0x51: {  	_ =	shalt  }
0x52: {  	_ =	shalt  }
0x53: {  	_ =	shalt  }
0x54: {  	_ =	shalt  }
0x55: {  	_ =	shalt  }
0x56: {  	_ =	shalt  }
0x57: {  	_ =	shalt  }
0x58: {  	_ =	shalt  }
0x59: {  	_ =	shalt  }
0x5a: {  	_ =	shalt  }
0x5b: {  	_ =	shalt  }
0x5c: {  	_ =	shalt  }
0x5d: {  	_ =	shalt  }
0x5e: {  	_ =	shalt  }
0x5f: {  	_ =	shalt  }
0x60: {  	_ =	shalt  }
0x61: {  	_ =	shalt  }
0x62: {  	_ =	shalt  }
0x63: {  	_ =	shalt  }
0x64: {  	_ =	shalt  }
0x65: {  	_ =	shalt  }
0x66: {  	_ =	shalt  }
0x67: {  	_ =	shalt  }
0x68: {  	_ =	shalt  }
0x69: {  	_ =	shalt  }
0x6a: {  	_ =	shalt  }
0x6b: {  	_ =	shalt  }
0x6c: {  	_ =	shalt  }
0x6d: {  	_ =	shalt  }
0x6e: {  	_ =	shalt  }
0x6f: {  	_ =	shalt  }
0x70: {  	_ =	shalt  }
0x71: {  	_ =	shalt  }
0x72: {  	_ =	shalt  }
0x73: {  	_ =	shalt  }
0x74: {  	_ =	shalt  }
0x75: {  	_ =	shalt  }
0x76: {  	_ =	shalt  }
0x77: {  	_ =	shalt  }
0x78: {  	_ =	shalt  }
0x79: {  	_ =	shalt  }
0x7a: {  	_ =	shalt  }
0x7b: {  	_ =	shalt  }
0x7c: {  	_ =	shalt  }
0x7d: {  	_ =	shalt  }
0x7e: {  	_ =	shalt  }
0x7f: {  	_ =	shalt  }
0x80: {  	_ =	shalt  }
0x81: {  	_ =	shalt  }
0x82: {  	_ =	shalt  }
0x83: {  	_ =	shalt  }
0x84: {  	_ =	shalt  }
0x85: {  	_ =	shalt  }
0x86: {  	_ =	shalt  }
0x87: {  	_ =	shalt  }
.Lfunc_end0:
.L_simem_size_0:
called_computation.3_lowered:
.L_overlay_start_0:
0x88: {  	s2 =	sld [smem:$0x3FD9]  }
0x89: {  	s3 =	sld [smem:$0x3FFE];
	_ =	sdelay $0x1  }
0x8a: {  	s1 =	srdreg.scid  }
0x8b: {  	s0 =	sand.u32 $0x1, s1  }
0x8c: {  	s16 =	sshll.u32 s0, $0xA;
	s2 =	sadd.s32 s3, s2  }
0x8d: {  	s2 =	sadd.s32 s2, s16  }
0x8e: {  	[smem:$0x3FB3] =	sst s2  }
0x8f: {  	_ = 	snop  }
0x90: {  	(tm) =	ssettm $0x1  }
0x91: {  	s17 =	sld [smem:$0x3FFB];
	_ =	sdelay $0x3  }
0x92: {  	_ =	strace s17  }
0x93: {  	s2 =	sld [smem:$0x3FFC];
	_ =	sdelay $0x3  }
0x94: {  	_ =	strace s2  }
0x95: {  	s2 =	sld [smem:$0x3FFD];
	_ =	sdelay $0x3  }
0x96: {  	_ =	strace s2  }
0x97: {  	_ =	strace $0x8FFFFFFF  }
0x98: {  	s18 =	sld [smem:$0x3FDB];
	_ =	sdelay $0x1  }
0x99: {  	s19 =	simm.s32 $_scs_section_size  }
0x9a: {  	s4 =	simm.s32 $_size__tile_overlayer_lowered;
	s5 =	simm.s32 $_tile_overlayer_lowered  }
0x9b: {  	s22 =	simm.s32 $0x1BFF;
	s21 =	sshll.u32 s5, $0x1;
	s2 =	sadd.s32 s19, s18  }
0x9c: {  	s6 =	simm.s32 $0x0;
	s20 =	sshll.u32 s4, $0x1;
	s4 =	sadd.s32 s21, s2  }
0x9d: {  	[timem:s6], [sflag:s22] =	dma.local [hbm:s4], s20  }
0x9e: {  	_ =	swait.ge [sflag:s22], s20  }
0x9f: {  	s3 =	ssub.s32 $0x0, s20;
	[sflag:s22] =	ssyncset.done $0x0  }
0xa0: {  	[sflag:s22] =	ssyncadd.s32 s3;
	_ =	sdelay $0x1  }
0xa1: {  	s23 =	simm.s32 $0x1B8B  }
0xa2: {  	_ =	swait.ge [sflag:s23], $0x1  }
0xa3: {  	[sflag:s23] =	ssyncset.done $0x0  }
0xa4: {  	s25 =	simm.s32 $0x1B8E;
	s24 =	sld [smem:$0x3FFE];
	[sflag:s23] =	ssyncadd.s32 $0xFFFFFFFF  }
0xa5: {  	s26 =	simm.s32 $execute0_lowered;
	[smem:$0x3FD2] =	sst s25  }
0xa6: {  	s4 =	sshll.u32 s26, $0x1;
	_ =	strace $0x8000004F;
	[dreg:$0x1] =	wrdreg $0xFFFFFFFF  }
0xa7: {  	s28 =	simm.s32 $_size_execute0_lowered;
	s2 =	sadd.s32 s2, s4;
	[dreg:$0x0] =	wrdreg $0x0  }
0xa8: {  	s4 =	sshll.u32 s28, $0x1;
	[dreg:$0x2] =	wrdreg s2  }
0xa9: {  	[dreg:$0x3] =	wrdreg s4  }
0xaa: {  	[dreg:$0x4] =	wrdreg $0xC0  }
0xab: {  	_ =	task [dreg:s6], $0x5FFFF  }
0xac: {  	[dreg:$0x1] =	wrdreg $0xFFFFFFFF  }
0xad: {  	[dreg:$0x0] =	wrdreg $0x60  }
0xae: {  	[dreg:$0x2] =	wrdreg s24  }
0xaf: {  	[dreg:$0x3] =	wrdreg $0x0  }
0xb0: {  	[dreg:$0x4] =	wrdreg $0x9  }
0xb1: {  	_ =	task.clear_ibuf [dreg:s6], $0x5FFFF;
	_ =	strace $0x9000004F  }
0xb2: {  	s29 =	simm.s32 $0x9;
	_ =	strace $0x80000051  }
0xb3: {  	_ =	swait.ge [sflag:s29], $0x1  }
0xb4: {  	[sflag:s29] =	ssyncadd.s32 $0xFFFFFFFF  }
0xb5: {  	_ =	strace $0x90000051  }
0xb6: {  	_ =	sfence  }
0xb7: {  	s30 =	sld [smem:$0x0];
	_ =	sdelay $0x2  }
0xb8: {  	s31 =	sshll.u32 s1, $0xD;
	s1 =	sshrl.u32 s1, $0x2  }
0xb9: {  	s3 =	sand.u32 $0x4000, s31;
	s1 =	sadd.s32 s1, s30  }
0xba: {  	s0 =	sor.u32 s3, s0;
	s1 =	sshll.u32 s1, $0x11  }
0xbb: {  	s0 =	sor.u32 s1, s0  }
0xbc: {  	s0 =	sadd.s32 $0x8F2B, s0  }
0xbd: {  	[sflag:s0] =	ssyncadd.remote.s32 $0x1  }
0xbe: {  	_ =	sfence.sel $0xFFFF  }
0xbf: {  	[dreg:$0x0] =	wrdreg $0xFFFFFFFF;
	(pc) =	sbr.abs _section_cstart, $3  }
0xc0: {  	[dreg:$0x1] =	wrdreg $0xFFFFFFFF  }
0xc1: {  	_ =	task.clear_ibuf [dreg:s6], $0x2FFFF;
	_ =	strace $0x9FFFFFFF  }
0xc2: {  	(tm) =	ssettm $0x7FFFFFFF  }
0xc3: {  	_ =	shalt  }
tec
execute0_lowered:
.L_overlay_start_1:
0x0: {  	(tag) =	ssettag $0x1  }
0x1: {  	s0 =	srdreg.scid  }
0x2: {  	s10 =	stileid.u32;
	s11 =	sand.u32 $0x1, s0  }
0x3: {  	p1 =	seq.s32 s10, $0x2;
	p3 =	seq.s32 s11, $0x0  }
0x4: {  	p0 =	seq.s32 s10, $0x1;
	p4 =	por !p3, !p1;
	p1 =	seq.s32 s10, $0x4  }
0x5: {  	p6 =	seq.s32 s10, $0x3;
	p2 =	por !p3, !p0;
	p0 =	por !p3, !p1  }
0x6: {  	p5 =	por !p3, !p6;
	p6 =	seq.s32 s10, $0x5;
	s0 =	simm.s32 @!p0 $0x0  }
0x7: {  	s0 =	simm.s32 @p0 $0x1;
	p0 =	por !p3, !p6  }
0x8: {  	p6 =	seq.s32 s10, $0x6;
	[smem:$0x7EA] =	sst s0;
	s0 =	simm.s32 @!p0 $0x0  }
0x9: {  	s0 =	simm.s32 @p0 $0x1;
	p0 =	por !p3, !p6  }
0xa: {  	p1 =	seq.s32 s10, $0x7;
	[smem:$0x7EB] =	sst s0;
	s0 =	simm.s32 @!p0 $0x0  }
0xb: {  	s0 =	simm.s32 @p0 $0x1;
	p0 =	por !p3, !p1  }
0xc: {  	p6 =	seq.s32 s10, $0x8;
	[smem:$0x7ED] =	sst s0;
	s0 =	simm.s32 @!p0 $0x0  }
0xd: {  	s0 =	simm.s32 @p0 $0x1;
	p0 =	por !p3, !p6  }
0xe: {  	p6 =	seq.s32 s10, $0x9;
	[smem:$0x7EF] =	sst s0;
	s0 =	simm.s32 @!p0 $0x0  }
0xf: {  	s0 =	simm.s32 @p0 $0x1;
	p0 =	por !p3, !p6  }
0x10: {  	p1 =	seq.s32 s10, $0xA;
	[smem:$0x7F1] =	sst s0;
	s0 =	simm.s32 @!p0 $0x0  }
0x11: {  	s0 =	simm.s32 @p0 $0x1;
	p0 =	por !p3, !p1  }
0x12: {  	p6 =	seq.s32 s10, $0xB;
	[smem:$0x7F3] =	sst s0;
	s0 =	simm.s32 @!p0 $0x0  }
0x13: {  	s0 =	simm.s32 @p0 $0x1;
	p0 =	por !p3, !p6  }
0x14: {  	p6 =	seq.s32 s10, $0xC;
	[smem:$0x7F5] =	sst s0;
	s0 =	simm.s32 @!p0 $0x0  }
0x15: {  	s4 =	rddreg [dreg:$0x0];
	s0 =	simm.s32 @p0 $0x1;
	p0 =	por !p3, !p6  }
0x16: {  	[smem:$0x7F7] =	sst s0;
	s0 =	simm.s32 @!p0 $0x0  }
0x17: {  	p1 =	seq.s32 s10, $0xD;
	p6 =	seq.s32 s10, $0xE;
	s0 =	simm.s32 @p0 $0x1  }
0x18: {  	p0 =	por !p3, !p1;
	p1 =	por !p3, !p6;
	p6 =	seq.s32 s10, $0xF  }
0x19: {  	s1 =	rddreg [dreg:$0x1];
	s3 =	simm.s32 $0x0;
	p3 =	por !p3, !p6  }
0x1a: {  	s5 =	smul.u32 $0x4E000, s10;
	[smem:$0x7F9] =	sst s0;
	s0 =	simm.s32 @!p3 $0x0  }
0x1b: {  	[smem:$0x7FF] =	sst s3;
	s0 =	simm.s32 @p3 $0x1  }
0x1c: {  	s2 =	sadd.s32 $0x18AD800, s4;
	s5 =	sshrl.u32 s5, $0x2;
	[smem:$0x7FD] =	sst s0  }
0x1d: {  	s5 =	sadd.s32 s5, s1;
	_ =	strace $0x80000050;
	[dreg:$0x4] =	wrdreg s2  }
0x1e: {  	s23 =	smul.u32 $0x2700, s10;
	s20 =	sadd.s32 $0x8FE00, s4;
	[dreg:$0x5] =	wrdreg s5  }
0x1f: {  	s25 =	sshll.u32 s10, $0x6;
	s22 =	sadd.s32 $0x18FBA00, s4;
	[dreg:$0x9] =	wrdreg s20  }
0x20: {  	s0 =	sadd.s32 s23, s4;
	s23 =	sadd.s32 $0x1949C00, s4;
	[dreg:$0xa] =	wrdreg s22  }
0x21: {  	s9 =	sor.u32 $0x1C01, s25;
	s25 =	sadd.s32 $0x19E6000, s4;
	[dreg:$0xb] =	wrdreg s23  }
0x22: {  	s24 =	ssub.s32 $0x2, s11;
	[dreg:$0xd] =	wrdreg s25  }
0x23: {  	s7 =	sshrl.u32 s24, $0x1;
	s26 =	sadd.s32 $0x41C00, s0;
	[dreg:$0x3] =	wrdreg s11  }
0x24: {  	s2 =	ssub.s32 s24, s7;
	s7 =	sadd.s32 $0x68C00, s4;
	[dreg:$0x6] =	wrdreg s26  }
0x25: {  	[dreg:$0x7] =	wrdreg s7  }
0x26: {  	s8 =	sld [smem:$0x7EA]  }
0x27: {  	s12 =	sld [smem:$0x7EB]  }
0x28: {  	s13 =	sld [smem:$0x7ED]  }
0x29: {  	s14 =	sld [smem:$0x7EF]  }
0x2a: {  	s15 =	sld [smem:$0x7F1]  }
0x2b: {  	s29 =	simm.s32 $0x13880;
	s30 =	simm.s32 $0x13980;
	s16 =	sld [smem:$0x7F3]  }
0x2c: {  	s31 =	simm.s32 $0xC8;
	s6 =	sadd.s32 $0x10C00, s4;
	s17 =	sld [smem:$0x7F5]  }
0x2d: {  	s28 =	sadd.s32 $0x15A20, s4;
	p6 =	por !p4, !p4;
	s18 =	sld [smem:$0x7F7]  }
0x2e: {  	p4 =	por !p5, !p5;
	s0 =	sadd.s32 $0x68E00, s0;
	s19 =	sld [smem:$0x7F9]  }
0x2f: {  	p0 =	por !p0, !p0;
	p3 =	por !p2, !p2;
	[dreg:$0x8] =	wrdreg s0  }
0x30: {  	s24 =	sadd.s32 $0x1997E00, s4;
	s20 =	sadd.s32 $0x1C57000, s4;
	s21 =	sld [smem:$0x7FD]  }
0x31: {  	[dreg:$0xc] =	wrdreg s24;
	s26 =	sadd.s32 $0x1A34200, s4;
	p2 =	seq.s32 s12, $0x1  }
0x32: {  	s7 =	sadd.s32 $0x1AD0600, s4;
	[dreg:$0x16] =	wrdreg s20;
	p2 =	por !p2, !p2  }
0x33: {  	s24 =	sadd.s32 $0x1CF3400, s4;
	[dreg:$0xe] =	wrdreg s26;
	s5 =	simm.s32 @!p2 $0x0  }
0x34: {  	[dreg:$0x10] =	wrdreg s7;
	s5 =	simm.s32 @p2 $0x1;
	p2 =	seq.s32 s13, $0x1  }
0x35: {  	s22 =	sadd.s32 $0x13CD4, s4;
	[dreg:$0x18] =	wrdreg s24;
	p2 =	por !p2, !p2  }
0x36: {  	s23 =	sadd.s32 $0x14698, s4;
	[smem:$0x7EC] =	sst s5;
	s5 =	simm.s32 @!p2 $0x0  }
0x37: {  	s26 =	sor.u32 s10, s11;
	s5 =	simm.s32 @p2 $0x1;
	p2 =	seq.s32 s14, $0x1  }
0x38: {  	s25 =	sadd.s32 $0x1505C, s4;
	[dreg:$0x1a] =	wrdreg s26;
	p2 =	por !p2, !p2  }
0x39: {  	s0 =	sadd.s32 $0x163E4, s4;
	[smem:$0x7EE] =	sst s5;
	s5 =	simm.s32 @!p2 $0x0  }
0x3a: {  	s26 =	simm.s32 $0x1;
	s5 =	simm.s32 @p2 $0x1;
	p2 =	seq.s32 s15, $0x1  }
0x3b: {  	p5 =	seq.s32 s8, $0x1;
	s8 =	smax.u32 s2, $0x1;
	p2 =	por !p2, !p2  }
0x3c: {  	s12 =	sadd.s32 $0x1B1E800, s4;
	[smem:$0x7F0] =	sst s5;
	s5 =	simm.s32 @!p2 $0x0  }
0x3d: {  	[dreg:$0x11] =	wrdreg s8;
	s5 =	simm.s32 @p2 $0x1;
	p2 =	seq.s32 s16, $0x1  }
0x3e: {  	s2 =	sadd.s32 $0x16DA8, s4;
	[dreg:$0x12] =	wrdreg s12;
	p2 =	por !p2, !p2  }
0x3f: {  	p5 =	por !p5, !p5;
	[smem:$0x7F2] =	sst s5;
	s5 =	simm.s32 @!p2 $0x0  }
0x40: {  	s14 =	sadd.s32 $0x1B6CA00, s4;
	s5 =	simm.s32 @p2 $0x1;
	p2 =	seq.s32 s17, $0x1  }
0x41: {  	s12 =	sadd.s32 $0x18130, s4;
	[dreg:$0x13] =	wrdreg s14;
	p2 =	por !p2, !p2  }
0x42: {  	s8 =	sadd.s32 $0x18AF4, s4;
	[smem:$0x7F4] =	sst s5;
	s5 =	simm.s32 @!p2 $0x0  }
0x43: {  	s15 =	sadd.s32 $0x1BBAC00, s4;
	s5 =	simm.s32 @p2 $0x1;
	p2 =	seq.s32 s18, $0x1  }
0x44: {  	s13 =	sadd.s32 $0x115C4, s4;
	[dreg:$0x14] =	wrdreg s15;
	p2 =	por !p2, !p2  }
0x45: {  	s14 =	sadd.s32 $0x194B8, s4;
	[smem:$0x7F6] =	sst s5;
	s5 =	simm.s32 @!p2 $0x0  }
0x46: {  	s18 =	sadd.s32 $0x1C08E00, s4;
	s5 =	simm.s32 @p2 $0x1;
	p2 =	seq.s32 s19, $0x1  }
0x47: {  	s16 =	sadd.s32 $0x11F88, s4;
	[dreg:$0x15] =	wrdreg s18;
	p2 =	por !p2, !p2  }
0x48: {  	s17 =	sadd.s32 $0x1294C, s4;
	[smem:$0x7F8] =	sst s5;
	s5 =	simm.s32 @!p2 $0x0  }
0x49: {  	s18 =	sadd.s32 $0x19E7C, s4;
	s19 =	sadd.s32 $0x13310, s4;
	s5 =	simm.s32 @p2 $0x1  }
0x4a: {  	p2 =	seq.s32 s21, $0x1;
	[smem:$0x7FA] =	sst s5;
	s5 =	simm.s32 @!p0 $0x0  }
0x4b: {  	s21 =	sadd.s32 $0x1CA5200, s4;
	s5 =	simm.s32 @p0 $0x1;
	p0 =	por !p1, !p1  }
.Ltmp0:
0x4c: {  	[smem:$0x7FB] =	sst s5;
	s5 =	simm.s32 @!p0 $0x0;
	(pc) =	sbr.rel .LBB2_1-.Ltmp0, $4  }
0x4d: {  	[dreg:$0x17] =	wrdreg s21;
	s21 =	sadd.s32 $0x138000, s1;
	s5 =	simm.s32 @p0 $0x1  }
0x4e: {  	p1 =	sne.s32 s10, $0xF;
	[smem:$0x7FC] =	sst s5;
	s5 =	sadd.s32 $0x1A82400, s4  }
0x4f: {  	[dreg:$0xf] =	wrdreg s5;
	s5 =	sadd.s32 $0x1776C, s4;
	s4 =	sadd.s32 $0x1D41600, s4  }
0x50: {  	p0 =	por !p2, !p2;
	[dreg:$0x19] =	wrdreg s4;
	s4 =	simm.s32 $0x0  }
.LBB2_64:
0x51: {  	s10 =	sadd.s32 s10, s18;
	[sflag:s26] =	ssyncadd.s32 $0xFFFF9C00  }
0x52: {  	[tilespmem:s29], [sflag:$0x1] =	stream.linear.gather [hbm4b:s10+s3], $0xC8, $0x38;
	[tilespmem:$0x19D80] =	vst v63  }
0x53: {  	_ =	swait.ge [sflag:s26], $0xC8  }
0x54: {  	[sflag:s26] =	ssyncset.done $0x0  }
0x55: {  	[sflag:s26] =	ssyncadd.s32 $0xFFFFFF38  }
0x56: {  	[tilespmem:s30], [sflag:$0x1] =	stream.linear.gather [hbm4b:s7+s3], $0x6400, $0x38;
	[tilespmem:$0x19D80] =	vst v63  }
0x57: {  	_ =	swait.ge [sflag:s26], $0x6400  }
0x58: {  	[sflag:s26] =	ssyncset.done $0x0  }
0x59: {  	[sflag:s26] =	ssyncadd.s32 $0xFFFF9C00  }
0x5a: {  	[spmem:s1] =	stream.indirect.scatter.add.f32 [tilespmem:s30], [sflag:$0x1], $0x80, s29, s31, $0xb8;
	[tilespmem:$0x19D80] =	vst v63  }
0x5b: {  	_ =	swait.ge [sflag:s26], $0x6400  }
0x5c: {  	[sflag:s26] =	ssyncset.done $0x0  }
0x5d: {  	[sflag:s26] =	ssyncadd.s32 $0xFFFF9C00  }
0x5e: {  	[bflag:$0x0] =	sbarrier.arrive $0xFFFF  }
.LBB2_66:
0x5f: {  	s7 =	rddreg [dreg:$0x8]  }
0x60: {  	[hbm:s7], [sflag:s9] =	dma.local [spmem:s11], $0x2700  }
0x61: {  	_ =	swait.ge [sflag:s26], $0x2700  }
0x62: {  	[sflag:s26] =	ssyncset.done $0x0  }
0x63: {  	s7 =	sshrl.u32 @p0 s21, $0x3;
	s10 =	rddreg [dreg:$0x9];
	[sflag:s26] =	ssyncadd.s32 $0xFFFFD900  }
0x64: {  	[hbm:s10], [sflag:s9] =	dma.local @p0 [spmem:s7], $0x100  }
0x65: {  	s7 =	simm.s32 @p0 $0x1  }
0x66: {  	_ =	swait.ge @p0 [sflag:s7], $0x100  }
0x67: {  	[sflag:s7] =	ssyncset.done @p0 $0x0  }
0x68: {  	[sflag:s7] =	ssyncadd.s32 @p0 $0xFFFFFF00  }
.LBB2_67:
0x69: {  	s4 =	sadd.s32 $0x1, s4;
	s7 =	rddreg [dreg:$0x11]  }
0x6a: {  	p2 =	sne.s32 s4, s7  }
.Ltmp1:
0x6b: {  	_ = 	snop;
	(pc) =	sbr.rel @!p2 .LBB2_68-.Ltmp1, $1  }
0x6c: {  	_ =	sdelay $0x3  }
.LBB2_1:
0x6d: {  	s7 =	rddreg [dreg:$0x5]  }
0x6e: {  	s20 =	rddreg [dreg:$0x6];
	s11 =	sshrl.u32 s7, $0x3  }
0x6f: {  	[spmem:s11], [sflag:s9] =	dma.local [hbm:s20], $0x2700  }
0x70: {  	_ =	swait.ge [sflag:s26], $0x2700  }
0x71: {  	[sflag:s26] =	ssyncset.done $0x0  }
0x72: {  	s7 =	sshrl.u32 @!p1 s21, $0x3;
	s10 =	rddreg [dreg:$0x7];
	[sflag:s26] =	ssyncadd.s32 $0xFFFFD900  }
0x73: {  	[spmem:s7], [sflag:s9] =	dma.local @!p1 [hbm:s10], $0x100  }
0x74: {  	s7 =	simm.s32 @!p1 $0x1  }
0x75: {  	_ =	swait.ge @!p1 [sflag:s7], $0x100  }
0x76: {  	s24 =	rddreg [dreg:$0x1a]  }
0x77: {  	p2 =	sne.s32 s24, $0x0  }
.Ltmp2:
0x78: {  	_ = 	snop;
	(pc) =	sbr.rel @p2 .LBB2_5-.Ltmp2, $3  }
0x79: {  	[sflag:s7] =	ssyncset.done @!p1 $0x0  }
0x7a: {  	[sflag:s7] =	ssyncadd.s32 @!p1 $0xFFFFFF00  }
0x7b: {  	[bflag:$0x0] =	sbarrier.arrive $0xFFFF;
	_ =	sdelay $0x1  }
0x7c: {  	s7 =	sadd.s32 $0x0, s6  }
0x7d: {  	[tilespmem:s29], [sflag:$0x1] =	stream.linear.gather [hbm4b:s7+s3], $0xC8, $0x38;
	[tilespmem:$0x19D80] =	vst v63  }
0x7e: {  	_ =	swait.ge [sflag:s26], $0xC8  }
0x7f: {  	[sflag:s26] =	ssyncset.done $0x0  }
0x80: {  	s24 =	rddreg [dreg:$0x4];
	[sflag:s26] =	ssyncadd.s32 $0xFFFFFF38  }
0x81: {  	[tilespmem:s30], [sflag:$0x1] =	stream.linear.gather [hbm4b:s24+s3], $0x6400, $0x38;
	[tilespmem:$0x19D80] =	vst v63  }
0x82: {  	_ =	swait.ge [sflag:s26], $0x6400  }
0x83: {  	[sflag:s26] =	ssyncset.done $0x0  }
0x84: {  	[sflag:s26] =	ssyncadd.s32 $0xFFFF9C00  }
0x85: {  	[spmem:s1] =	stream.indirect.scatter.add.f32 [tilespmem:s30], [sflag:$0x1], $0x80, s29, s31, $0xb8;
	[tilespmem:$0x19D80] =	vst v63  }
0x86: {  	s10 =	simm.s32 $0x19;
	_ =	swait.ge [sflag:s26], $0x6400  }
0x87: {  	s15 =	simm.s32 $0x32;
	s7 =	sadd.s32 $0xC80, s24;
	[sflag:s26] =	ssyncset.done $0x0  }
.LBB2_3:
0x88: {  	s20 =	sadd.s32 s10, s6  }
0x89: {  	[sflag:s26] =	ssyncadd.s32 $0xFFFF9C00;
	s10 =	smov.u32 s15;
	s24 =	sadd.s32 $0x19, s15  }
0x8a: {  	[tilespmem:s29], [sflag:$0x1] =	stream.linear.gather [hbm4b:s20+s3], $0xC8, $0x38;
	[tilespmem:$0x19D80] =	vst v63  }
0x8b: {  	p2 =	sne.s32 s15, $0x9AB;
	_ =	swait.ge [sflag:s26], $0xC8  }
0x8c: {  	[sflag:s26] =	ssyncset.done $0x0  }
0x8d: {  	[sflag:s26] =	ssyncadd.s32 $0xFFFFFF38  }
0x8e: {  	[tilespmem:s30], [sflag:$0x1] =	stream.linear.gather [hbm4b:s7+s3], $0x6400, $0x38;
	[tilespmem:$0x19D80] =	vst v63  }
0x8f: {  	_ =	swait.ge [sflag:s26], $0x6400  }
.Ltmp3:
0x90: {  	[sflag:s26] =	ssyncset.done $0x0;
	(pc) =	sbr.rel @p2 .LBB2_3-.Ltmp3, $4  }
0x91: {  	[sflag:s26] =	ssyncadd.s32 $0xFFFF9C00  }
0x92: {  	[spmem:s1] =	stream.indirect.scatter.add.f32 [tilespmem:s30], [sflag:$0x1], $0x80, s29, s31, $0xb8;
	[tilespmem:$0x19D80] =	vst v63  }
0x93: {  	_ =	swait.ge [sflag:s26], $0x6400  }
0x94: {  	s15 =	smov.u32 s24;
	s7 =	sadd.s32 $0xC80, s7;
	[sflag:s26] =	ssyncset.done $0x0  }
0x95: {  	s10 =	sadd.s32 s10, s6;
	[sflag:s26] =	ssyncadd.s32 $0xFFFF9C00  }
0x96: {  	[tilespmem:s29], [sflag:$0x1] =	stream.linear.gather [hbm4b:s10+s3], $0xC8, $0x38;
	[tilespmem:$0x19D80] =	vst v63  }
0x97: {  	_ =	swait.ge [sflag:s26], $0xC8  }
0x98: {  	[sflag:s26] =	ssyncset.done $0x0  }
0x99: {  	[sflag:s26] =	ssyncadd.s32 $0xFFFFFF38  }
0x9a: {  	[tilespmem:s30], [sflag:$0x1] =	stream.linear.gather [hbm4b:s7+s3], $0x6400, $0x38;
	[tilespmem:$0x19D80] =	vst v63  }
0x9b: {  	_ =	swait.ge [sflag:s26], $0x6400  }
0x9c: {  	[sflag:s26] =	ssyncset.done $0x0  }
0x9d: {  	[sflag:s26] =	ssyncadd.s32 $0xFFFF9C00  }
0x9e: {  	[spmem:s1] =	stream.indirect.scatter.add.f32 [tilespmem:s30], [sflag:$0x1], $0x80, s29, s31, $0xb8;
	[tilespmem:$0x19D80] =	vst v63  }
0x9f: {  	_ =	swait.ge [sflag:s26], $0x6400  }
0xa0: {  	[sflag:s26] =	ssyncset.done $0x0  }
0xa1: {  	[sflag:s26] =	ssyncadd.s32 $0xFFFF9C00  }
.LBB2_5:
.Ltmp4:
0xa2: {  	(pc) =	sbr.rel @!p3 .LBB2_9-.Ltmp4, $2  }
0xa3: {  	_ =	sdelay $0x1  }
0xa4: {  	[bflag:$0x0] =	sbarrier.arrive $0xFFFF;
	_ =	sdelay $0x1  }
0xa5: {  	s7 =	sadd.s32 $0x0, s13  }
0xa6: {  	[tilespmem:s29], [sflag:$0x1] =	stream.linear.gather [hbm4b:s7+s3], $0xC8, $0x38;
	[tilespmem:$0x19D80] =	vst v63  }
0xa7: {  	_ =	swait.ge [sflag:s26], $0xC8  }
0xa8: {  	[sflag:s26] =	ssyncset.done $0x0  }
0xa9: {  	s24 =	rddreg [dreg:$0xa];
	[sflag:s26] =	ssyncadd.s32 $0xFFFFFF38  }
0xaa: {  	[tilespmem:s30], [sflag:$0x1] =	stream.linear.gather [hbm4b:s24+s3], $0x6400, $0x38;
	[tilespmem:$0x19D80] =	vst v63  }
0xab: {  	_ =	swait.ge [sflag:s26], $0x6400  }
0xac: {  	[sflag:s26] =	ssyncset.done $0x0  }
0xad: {  	[sflag:s26] =	ssyncadd.s32 $0xFFFF9C00  }
0xae: {  	[spmem:s1] =	stream.indirect.scatter.add.f32 [tilespmem:s30], [sflag:$0x1], $0x80, s29, s31, $0xb8;
	[tilespmem:$0x19D80] =	vst v63  }
0xaf: {  	s10 =	simm.s32 $0x19;
	_ =	swait.ge [sflag:s26], $0x6400  }
0xb0: {  	s15 =	simm.s32 $0x32;
	s7 =	sadd.s32 $0xC80, s24;
	[sflag:s26] =	ssyncset.done $0x0  }
.LBB2_7:
0xb1: {  	s20 =	sadd.s32 s10, s13  }
0xb2: {  	[sflag:s26] =	ssyncadd.s32 $0xFFFF9C00;
	s10 =	smov.u32 s15;
	s24 =	sadd.s32 $0x19, s15  }
0xb3: {  	[tilespmem:s29], [sflag:$0x1] =	stream.linear.gather [hbm4b:s20+s3], $0xC8, $0x38;
	[tilespmem:$0x19D80] =	vst v63  }
0xb4: {  	p2 =	sne.s32 s15, $0x9AB;
	_ =	swait.ge [sflag:s26], $0xC8  }
0xb5: {  	[sflag:s26] =	ssyncset.done $0x0  }
0xb6: {  	[sflag:s26] =	ssyncadd.s32 $0xFFFFFF38  }
0xb7: {  	[tilespmem:s30], [sflag:$0x1] =	stream.linear.gather [hbm4b:s7+s3], $0x6400, $0x38;
	[tilespmem:$0x19D80] =	vst v63  }
0xb8: {  	_ =	swait.ge [sflag:s26], $0x6400  }
.Ltmp5:
0xb9: {  	[sflag:s26] =	ssyncset.done $0x0;
	(pc) =	sbr.rel @p2 .LBB2_7-.Ltmp5, $4  }
0xba: {  	[sflag:s26] =	ssyncadd.s32 $0xFFFF9C00  }
0xbb: {  	[spmem:s1] =	stream.indirect.scatter.add.f32 [tilespmem:s30], [sflag:$0x1], $0x80, s29, s31, $0xb8;
	[tilespmem:$0x19D80] =	vst v63  }
0xbc: {  	_ =	swait.ge [sflag:s26], $0x6400  }
0xbd: {  	s15 =	smov.u32 s24;
	s7 =	sadd.s32 $0xC80, s7;
	[sflag:s26] =	ssyncset.done $0x0  }
0xbe: {  	s10 =	sadd.s32 s10, s13;
	[sflag:s26] =	ssyncadd.s32 $0xFFFF9C00  }
0xbf: {  	[tilespmem:s29], [sflag:$0x1] =	stream.linear.gather [hbm4b:s10+s3], $0xC8, $0x38;
	[tilespmem:$0x19D80] =	vst v63  }
0xc0: {  	_ =	swait.ge [sflag:s26], $0xC8  }
0xc1: {  	[sflag:s26] =	ssyncset.done $0x0  }
0xc2: {  	[sflag:s26] =	ssyncadd.s32 $0xFFFFFF38  }
0xc3: {  	[tilespmem:s30], [sflag:$0x1] =	stream.linear.gather [hbm4b:s7+s3], $0x6400, $0x38;
	[tilespmem:$0x19D80] =	vst v63  }
0xc4: {  	_ =	swait.ge [sflag:s26], $0x6400  }
0xc5: {  	[sflag:s26] =	ssyncset.done $0x0  }
0xc6: {  	[sflag:s26] =	ssyncadd.s32 $0xFFFF9C00  }
0xc7: {  	[spmem:s1] =	stream.indirect.scatter.add.f32 [tilespmem:s30], [sflag:$0x1], $0x80, s29, s31, $0xb8;
	[tilespmem:$0x19D80] =	vst v63  }
0xc8: {  	_ =	swait.ge [sflag:s26], $0x6400  }
0xc9: {  	[sflag:s26] =	ssyncset.done $0x0  }
0xca: {  	[sflag:s26] =	ssyncadd.s32 $0xFFFF9C00  }
.LBB2_9:
.Ltmp6:
0xcb: {  	(pc) =	sbr.rel @!p6 .LBB2_13-.Ltmp6, $2  }
0xcc: {  	_ =	sdelay $0x1  }
0xcd: {  	[bflag:$0x0] =	sbarrier.arrive $0xFFFF;
	_ =	sdelay $0x1  }
0xce: {  	s7 =	sadd.s32 $0x0, s16  }
0xcf: {  	[tilespmem:s29], [sflag:$0x1] =	stream.linear.gather [hbm4b:s7+s3], $0xC8, $0x38;
	[tilespmem:$0x19D80] =	vst v63  }
0xd0: {  	_ =	swait.ge [sflag:s26], $0xC8  }
0xd1: {  	[sflag:s26] =	ssyncset.done $0x0  }
0xd2: {  	s24 =	rddreg [dreg:$0xb];
	[sflag:s26] =	ssyncadd.s32 $0xFFFFFF38  }
0xd3: {  	[tilespmem:s30], [sflag:$0x1] =	stream.linear.gather [hbm4b:s24+s3], $0x6400, $0x38;
	[tilespmem:$0x19D80] =	vst v63  }
0xd4: {  	_ =	swait.ge [sflag:s26], $0x6400  }
0xd5: {  	[sflag:s26] =	ssyncset.done $0x0  }
0xd6: {  	[sflag:s26] =	ssyncadd.s32 $0xFFFF9C00  }
0xd7: {  	[spmem:s1] =	stream.indirect.scatter.add.f32 [tilespmem:s30], [sflag:$0x1], $0x80, s29, s31, $0xb8;
	[tilespmem:$0x19D80] =	vst v63  }
0xd8: {  	s10 =	simm.s32 $0x19;
	_ =	swait.ge [sflag:s26], $0x6400  }
0xd9: {  	s15 =	simm.s32 $0x32;
	s7 =	sadd.s32 $0xC80, s24;
	[sflag:s26] =	ssyncset.done $0x0  }
.LBB2_11:
0xda: {  	s20 =	sadd.s32 s10, s16  }
0xdb: {  	[sflag:s26] =	ssyncadd.s32 $0xFFFF9C00;
	s10 =	smov.u32 s15;
	s24 =	sadd.s32 $0x19, s15  }
0xdc: {  	[tilespmem:s29], [sflag:$0x1] =	stream.linear.gather [hbm4b:s20+s3], $0xC8, $0x38;
	[tilespmem:$0x19D80] =	vst v63  }
0xdd: {  	p2 =	sne.s32 s15, $0x9AB;
	_ =	swait.ge [sflag:s26], $0xC8  }
0xde: {  	[sflag:s26] =	ssyncset.done $0x0  }
0xdf: {  	[sflag:s26] =	ssyncadd.s32 $0xFFFFFF38  }
0xe0: {  	[tilespmem:s30], [sflag:$0x1] =	stream.linear.gather [hbm4b:s7+s3], $0x6400, $0x38;
	[tilespmem:$0x19D80] =	vst v63  }
0xe1: {  	_ =	swait.ge [sflag:s26], $0x6400  }
.Ltmp7:
0xe2: {  	[sflag:s26] =	ssyncset.done $0x0;
	(pc) =	sbr.rel @p2 .LBB2_11-.Ltmp7, $4  }
0xe3: {  	[sflag:s26] =	ssyncadd.s32 $0xFFFF9C00  }
0xe4: {  	[spmem:s1] =	stream.indirect.scatter.add.f32 [tilespmem:s30], [sflag:$0x1], $0x80, s29, s31, $0xb8;
	[tilespmem:$0x19D80] =	vst v63  }
0xe5: {  	_ =	swait.ge [sflag:s26], $0x6400  }
0xe6: {  	s15 =	smov.u32 s24;
	s7 =	sadd.s32 $0xC80, s7;
	[sflag:s26] =	ssyncset.done $0x0  }
0xe7: {  	s10 =	sadd.s32 s10, s16;
	[sflag:s26] =	ssyncadd.s32 $0xFFFF9C00  }
0xe8: {  	[tilespmem:s29], [sflag:$0x1] =	stream.linear.gather [hbm4b:s10+s3], $0xC8, $0x38;
	[tilespmem:$0x19D80] =	vst v63  }
0xe9: {  	_ =	swait.ge [sflag:s26], $0xC8  }
0xea: {  	[sflag:s26] =	ssyncset.done $0x0  }
0xeb: {  	[sflag:s26] =	ssyncadd.s32 $0xFFFFFF38  }
0xec: {  	[tilespmem:s30], [sflag:$0x1] =	stream.linear.gather [hbm4b:s7+s3], $0x6400, $0x38;
	[tilespmem:$0x19D80] =	vst v63  }
0xed: {  	_ =	swait.ge [sflag:s26], $0x6400  }
0xee: {  	[sflag:s26] =	ssyncset.done $0x0  }
0xef: {  	[sflag:s26] =	ssyncadd.s32 $0xFFFF9C00  }
0xf0: {  	[spmem:s1] =	stream.indirect.scatter.add.f32 [tilespmem:s30], [sflag:$0x1], $0x80, s29, s31, $0xb8;
	[tilespmem:$0x19D80] =	vst v63  }
0xf1: {  	_ =	swait.ge [sflag:s26], $0x6400  }
0xf2: {  	[sflag:s26] =	ssyncset.done $0x0  }
0xf3: {  	[sflag:s26] =	ssyncadd.s32 $0xFFFF9C00  }
.LBB2_13:
.Ltmp8:
0xf4: {  	(pc) =	sbr.rel @!p4 .LBB2_17-.Ltmp8, $2  }
0xf5: {  	_ =	sdelay $0x1  }
0xf6: {  	[bflag:$0x0] =	sbarrier.arrive $0xFFFF;
	_ =	sdelay $0x1  }
0xf7: {  	s7 =	sadd.s32 $0x0, s17  }
0xf8: {  	[tilespmem:s29], [sflag:$0x1] =	stream.linear.gather [hbm4b:s7+s3], $0xC8, $0x38;
	[tilespmem:$0x19D80] =	vst v63  }
0xf9: {  	_ =	swait.ge [sflag:s26], $0xC8  }
0xfa: {  	[sflag:s26] =	ssyncset.done $0x0  }
0xfb: {  	s24 =	rddreg [dreg:$0xc];
	[sflag:s26] =	ssyncadd.s32 $0xFFFFFF38  }
0xfc: {  	[tilespmem:s30], [sflag:$0x1] =	stream.linear.gather [hbm4b:s24+s3], $0x6400, $0x38;
	[tilespmem:$0x19D80] =	vst v63  }
0xfd: {  	_ =	swait.ge [sflag:s26], $0x6400  }
0xfe: {  	[sflag:s26] =	ssyncset.done $0x0  }
0xff: {  	[sflag:s26] =	ssyncadd.s32 $0xFFFF9C00  }
0x100: {  	[spmem:s1] =	stream.indirect.scatter.add.f32 [tilespmem:s30], [sflag:$0x1], $0x80, s29, s31, $0xb8;
	[tilespmem:$0x19D80] =	vst v63  }
0x101: {  	s10 =	simm.s32 $0x19;
	_ =	swait.ge [sflag:s26], $0x6400  }
0x102: {  	s15 =	simm.s32 $0x32;
	s7 =	sadd.s32 $0xC80, s24;
	[sflag:s26] =	ssyncset.done $0x0  }
.LBB2_15:
0x103: {  	s20 =	sadd.s32 s10, s17  }
0x104: {  	[sflag:s26] =	ssyncadd.s32 $0xFFFF9C00;
	s10 =	smov.u32 s15;
	s24 =	sadd.s32 $0x19, s15  }
0x105: {  	[tilespmem:s29], [sflag:$0x1] =	stream.linear.gather [hbm4b:s20+s3], $0xC8, $0x38;
	[tilespmem:$0x19D80] =	vst v63  }
0x106: {  	p2 =	sne.s32 s15, $0x9AB;
	_ =	swait.ge [sflag:s26], $0xC8  }
0x107: {  	[sflag:s26] =	ssyncset.done $0x0  }
0x108: {  	[sflag:s26] =	ssyncadd.s32 $0xFFFFFF38  }
0x109: {  	[tilespmem:s30], [sflag:$0x1] =	stream.linear.gather [hbm4b:s7+s3], $0x6400, $0x38;
	[tilespmem:$0x19D80] =	vst v63  }
0x10a: {  	_ =	swait.ge [sflag:s26], $0x6400  }
.Ltmp9:
0x10b: {  	[sflag:s26] =	ssyncset.done $0x0;
	(pc) =	sbr.rel @p2 .LBB2_15-.Ltmp9, $4  }
0x10c: {  	[sflag:s26] =	ssyncadd.s32 $0xFFFF9C00  }
0x10d: {  	[spmem:s1] =	stream.indirect.scatter.add.f32 [tilespmem:s30], [sflag:$0x1], $0x80, s29, s31, $0xb8;
	[tilespmem:$0x19D80] =	vst v63  }
0x10e: {  	_ =	swait.ge [sflag:s26], $0x6400  }
0x10f: {  	s15 =	smov.u32 s24;
	s7 =	sadd.s32 $0xC80, s7;
	[sflag:s26] =	ssyncset.done $0x0  }
0x110: {  	s10 =	sadd.s32 s10, s17;
	[sflag:s26] =	ssyncadd.s32 $0xFFFF9C00  }
0x111: {  	[tilespmem:s29], [sflag:$0x1] =	stream.linear.gather [hbm4b:s10+s3], $0xC8, $0x38;
	[tilespmem:$0x19D80] =	vst v63  }
0x112: {  	_ =	swait.ge [sflag:s26], $0xC8  }
0x113: {  	[sflag:s26] =	ssyncset.done $0x0  }
0x114: {  	[sflag:s26] =	ssyncadd.s32 $0xFFFFFF38  }
0x115: {  	[tilespmem:s30], [sflag:$0x1] =	stream.linear.gather [hbm4b:s7+s3], $0x6400, $0x38;
	[tilespmem:$0x19D80] =	vst v63  }
0x116: {  	_ =	swait.ge [sflag:s26], $0x6400  }
0x117: {  	[sflag:s26] =	ssyncset.done $0x0  }
0x118: {  	[sflag:s26] =	ssyncadd.s32 $0xFFFF9C00  }
0x119: {  	[spmem:s1] =	stream.indirect.scatter.add.f32 [tilespmem:s30], [sflag:$0x1], $0x80, s29, s31, $0xb8;
	[tilespmem:$0x19D80] =	vst v63  }
0x11a: {  	_ =	swait.ge [sflag:s26], $0x6400  }
0x11b: {  	[sflag:s26] =	ssyncset.done $0x0  }
0x11c: {  	[sflag:s26] =	ssyncadd.s32 $0xFFFF9C00  }
.LBB2_17:
.Ltmp10:
0x11d: {  	(pc) =	sbr.rel @!p5 .LBB2_21-.Ltmp10, $2  }
0x11e: {  	_ =	sdelay $0x1  }
0x11f: {  	[bflag:$0x0] =	sbarrier.arrive $0xFFFF;
	_ =	sdelay $0x1  }
0x120: {  	s7 =	sadd.s32 $0x0, s19  }
0x121: {  	[tilespmem:s29], [sflag:$0x1] =	stream.linear.gather [hbm4b:s7+s3], $0xC8, $0x38;
	[tilespmem:$0x19D80] =	vst v63  }
0x122: {  	_ =	swait.ge [sflag:s26], $0xC8  }
0x123: {  	[sflag:s26] =	ssyncset.done $0x0  }
0x124: {  	s24 =	rddreg [dreg:$0xd];
	[sflag:s26] =	ssyncadd.s32 $0xFFFFFF38  }
0x125: {  	[tilespmem:s30], [sflag:$0x1] =	stream.linear.gather [hbm4b:s24+s3], $0x6400, $0x38;
	[tilespmem:$0x19D80] =	vst v63  }
0x126: {  	_ =	swait.ge [sflag:s26], $0x6400  }
0x127: {  	[sflag:s26] =	ssyncset.done $0x0  }
0x128: {  	[sflag:s26] =	ssyncadd.s32 $0xFFFF9C00  }
0x129: {  	[spmem:s1] =	stream.indirect.scatter.add.f32 [tilespmem:s30], [sflag:$0x1], $0x80, s29, s31, $0xb8;
	[tilespmem:$0x19D80] =	vst v63  }
0x12a: {  	s10 =	simm.s32 $0x19;
	_ =	swait.ge [sflag:s26], $0x6400  }
0x12b: {  	s15 =	simm.s32 $0x32;
	s7 =	sadd.s32 $0xC80, s24;
	[sflag:s26] =	ssyncset.done $0x0  }
.LBB2_19:
0x12c: {  	s20 =	sadd.s32 s10, s19  }
0x12d: {  	[sflag:s26] =	ssyncadd.s32 $0xFFFF9C00;
	s10 =	smov.u32 s15;
	s24 =	sadd.s32 $0x19, s15  }
0x12e: {  	[tilespmem:s29], [sflag:$0x1] =	stream.linear.gather [hbm4b:s20+s3], $0xC8, $0x38;
	[tilespmem:$0x19D80] =	vst v63  }
0x12f: {  	p2 =	sne.s32 s15, $0x9AB;
	_ =	swait.ge [sflag:s26], $0xC8  }
0x130: {  	[sflag:s26] =	ssyncset.done $0x0  }
0x131: {  	[sflag:s26] =	ssyncadd.s32 $0xFFFFFF38  }
0x132: {  	[tilespmem:s30], [sflag:$0x1] =	stream.linear.gather [hbm4b:s7+s3], $0x6400, $0x38;
	[tilespmem:$0x19D80] =	vst v63  }
0x133: {  	_ =	swait.ge [sflag:s26], $0x6400  }
.Ltmp11:
0x134: {  	[sflag:s26] =	ssyncset.done $0x0;
	(pc) =	sbr.rel @p2 .LBB2_19-.Ltmp11, $4  }
0x135: {  	[sflag:s26] =	ssyncadd.s32 $0xFFFF9C00  }
0x136: {  	[spmem:s1] =	stream.indirect.scatter.add.f32 [tilespmem:s30], [sflag:$0x1], $0x80, s29, s31, $0xb8;
	[tilespmem:$0x19D80] =	vst v63  }
0x137: {  	_ =	swait.ge [sflag:s26], $0x6400  }
0x138: {  	s15 =	smov.u32 s24;
	s7 =	sadd.s32 $0xC80, s7;
	[sflag:s26] =	ssyncset.done $0x0  }
0x139: {  	s10 =	sadd.s32 s10, s19;
	[sflag:s26] =	ssyncadd.s32 $0xFFFF9C00  }
0x13a: {  	[tilespmem:s29], [sflag:$0x1] =	stream.linear.gather [hbm4b:s10+s3], $0xC8, $0x38;
	[tilespmem:$0x19D80] =	vst v63  }
0x13b: {  	_ =	swait.ge [sflag:s26], $0xC8  }
0x13c: {  	[sflag:s26] =	ssyncset.done $0x0  }
0x13d: {  	[sflag:s26] =	ssyncadd.s32 $0xFFFFFF38  }
0x13e: {  	[tilespmem:s30], [sflag:$0x1] =	stream.linear.gather [hbm4b:s7+s3], $0x6400, $0x38;
	[tilespmem:$0x19D80] =	vst v63  }
0x13f: {  	_ =	swait.ge [sflag:s26], $0x6400  }
0x140: {  	[sflag:s26] =	ssyncset.done $0x0  }
0x141: {  	[sflag:s26] =	ssyncadd.s32 $0xFFFF9C00  }
0x142: {  	[spmem:s1] =	stream.indirect.scatter.add.f32 [tilespmem:s30], [sflag:$0x1], $0x80, s29, s31, $0xb8;
	[tilespmem:$0x19D80] =	vst v63  }
0x143: {  	_ =	swait.ge [sflag:s26], $0x6400  }
0x144: {  	[sflag:s26] =	ssyncset.done $0x0  }
0x145: {  	[sflag:s26] =	ssyncadd.s32 $0xFFFF9C00  }
.LBB2_21:
0x146: {  	[bflag:$0x0] =	sbarrier.arrive $0xFFFF  }
0x147: {  	s7 =	sld [smem:$0x7EC];
	_ =	sdelay $0x2  }
0x148: {  	p2 =	seq.s32 s7, $0x1  }
.Ltmp12:
0x149: {  	_ = 	snop;
	(pc) =	sbr.rel @!p2 .LBB2_25-.Ltmp12, $1  }
0x14a: {  	_ =	sdelay $0x3  }
0x14b: {  	s7 =	sadd.s32 $0x0, s22  }
0x14c: {  	[tilespmem:s29], [sflag:$0x1] =	stream.linear.gather [hbm4b:s7+s3], $0xC8, $0x38;
	[tilespmem:$0x19D80] =	vst v63  }
0x14d: {  	_ =	swait.ge [sflag:s26], $0xC8  }
0x14e: {  	[sflag:s26] =	ssyncset.done $0x0  }
0x14f: {  	s24 =	rddreg [dreg:$0xe];
	[sflag:s26] =	ssyncadd.s32 $0xFFFFFF38  }
0x150: {  	[tilespmem:s30], [sflag:$0x1] =	stream.linear.gather [hbm4b:s24+s3], $0x6400, $0x38;
	[tilespmem:$0x19D80] =	vst v63  }
0x151: {  	_ =	swait.ge [sflag:s26], $0x6400  }
0x152: {  	[sflag:s26] =	ssyncset.done $0x0  }
0x153: {  	[sflag:s26] =	ssyncadd.s32 $0xFFFF9C00  }
0x154: {  	[spmem:s1] =	stream.indirect.scatter.add.f32 [tilespmem:s30], [sflag:$0x1], $0x80, s29, s31, $0xb8;
	[tilespmem:$0x19D80] =	vst v63  }
0x155: {  	s10 =	simm.s32 $0x19;
	_ =	swait.ge [sflag:s26], $0x6400  }
0x156: {  	s15 =	simm.s32 $0x32;
	s7 =	sadd.s32 $0xC80, s24;
	[sflag:s26] =	ssyncset.done $0x0  }
.LBB2_23:
0x157: {  	s20 =	sadd.s32 s10, s22  }
0x158: {  	[sflag:s26] =	ssyncadd.s32 $0xFFFF9C00;
	s10 =	smov.u32 s15;
	s24 =	sadd.s32 $0x19, s15  }
0x159: {  	[tilespmem:s29], [sflag:$0x1] =	stream.linear.gather [hbm4b:s20+s3], $0xC8, $0x38;
	[tilespmem:$0x19D80] =	vst v63  }
0x15a: {  	p2 =	sne.s32 s15, $0x9AB;
	_ =	swait.ge [sflag:s26], $0xC8  }
0x15b: {  	[sflag:s26] =	ssyncset.done $0x0  }
0x15c: {  	[sflag:s26] =	ssyncadd.s32 $0xFFFFFF38  }
0x15d: {  	[tilespmem:s30], [sflag:$0x1] =	stream.linear.gather [hbm4b:s7+s3], $0x6400, $0x38;
	[tilespmem:$0x19D80] =	vst v63  }
0x15e: {  	_ =	swait.ge [sflag:s26], $0x6400  }
.Ltmp13:
0x15f: {  	[sflag:s26] =	ssyncset.done $0x0;
	(pc) =	sbr.rel @p2 .LBB2_23-.Ltmp13, $4  }
0x160: {  	[sflag:s26] =	ssyncadd.s32 $0xFFFF9C00  }
0x161: {  	[spmem:s1] =	stream.indirect.scatter.add.f32 [tilespmem:s30], [sflag:$0x1], $0x80, s29, s31, $0xb8;
	[tilespmem:$0x19D80] =	vst v63  }
0x162: {  	_ =	swait.ge [sflag:s26], $0x6400  }
0x163: {  	s15 =	smov.u32 s24;
	s7 =	sadd.s32 $0xC80, s7;
	[sflag:s26] =	ssyncset.done $0x0  }
0x164: {  	s10 =	sadd.s32 s10, s22;
	[sflag:s26] =	ssyncadd.s32 $0xFFFF9C00  }
0x165: {  	[tilespmem:s29], [sflag:$0x1] =	stream.linear.gather [hbm4b:s10+s3], $0xC8, $0x38;
	[tilespmem:$0x19D80] =	vst v63  }
0x166: {  	_ =	swait.ge [sflag:s26], $0xC8  }
0x167: {  	[sflag:s26] =	ssyncset.done $0x0  }
0x168: {  	[sflag:s26] =	ssyncadd.s32 $0xFFFFFF38  }
0x169: {  	[tilespmem:s30], [sflag:$0x1] =	stream.linear.gather [hbm4b:s7+s3], $0x6400, $0x38;
	[tilespmem:$0x19D80] =	vst v63  }
0x16a: {  	_ =	swait.ge [sflag:s26], $0x6400  }
0x16b: {  	[sflag:s26] =	ssyncset.done $0x0  }
0x16c: {  	[sflag:s26] =	ssyncadd.s32 $0xFFFF9C00  }
0x16d: {  	[spmem:s1] =	stream.indirect.scatter.add.f32 [tilespmem:s30], [sflag:$0x1], $0x80, s29, s31, $0xb8;
	[tilespmem:$0x19D80] =	vst v63  }
0x16e: {  	_ =	swait.ge [sflag:s26], $0x6400  }
0x16f: {  	[sflag:s26] =	ssyncset.done $0x0  }
0x170: {  	[sflag:s26] =	ssyncadd.s32 $0xFFFF9C00  }
.LBB2_25:
0x171: {  	[bflag:$0x0] =	sbarrier.arrive $0xFFFF  }
0x172: {  	s7 =	sld [smem:$0x7EE];
	_ =	sdelay $0x2  }
0x173: {  	p2 =	seq.s32 s7, $0x1  }
.Ltmp14:
0x174: {  	_ = 	snop;
	(pc) =	sbr.rel @!p2 .LBB2_29-.Ltmp14, $1  }
0x175: {  	_ =	sdelay $0x3  }
0x176: {  	s7 =	sadd.s32 $0x0, s23  }
0x177: {  	[tilespmem:s29], [sflag:$0x1] =	stream.linear.gather [hbm4b:s7+s3], $0xC8, $0x38;
	[tilespmem:$0x19D80] =	vst v63  }
0x178: {  	_ =	swait.ge [sflag:s26], $0xC8  }
0x179: {  	[sflag:s26] =	ssyncset.done $0x0  }
0x17a: {  	s24 =	rddreg [dreg:$0xf];
	[sflag:s26] =	ssyncadd.s32 $0xFFFFFF38  }
0x17b: {  	[tilespmem:s30], [sflag:$0x1] =	stream.linear.gather [hbm4b:s24+s3], $0x6400, $0x38;
	[tilespmem:$0x19D80] =	vst v63  }
0x17c: {  	_ =	swait.ge [sflag:s26], $0x6400  }
0x17d: {  	[sflag:s26] =	ssyncset.done $0x0  }
0x17e: {  	[sflag:s26] =	ssyncadd.s32 $0xFFFF9C00  }
0x17f: {  	[spmem:s1] =	stream.indirect.scatter.add.f32 [tilespmem:s30], [sflag:$0x1], $0x80, s29, s31, $0xb8;
	[tilespmem:$0x19D80] =	vst v63  }
0x180: {  	s10 =	simm.s32 $0x19;
	_ =	swait.ge [sflag:s26], $0x6400  }
0x181: {  	s15 =	simm.s32 $0x32;
	s7 =	sadd.s32 $0xC80, s24;
	[sflag:s26] =	ssyncset.done $0x0  }
.LBB2_27:
0x182: {  	s20 =	sadd.s32 s10, s23  }
0x183: {  	[sflag:s26] =	ssyncadd.s32 $0xFFFF9C00;
	s10 =	smov.u32 s15;
	s24 =	sadd.s32 $0x19, s15  }
0x184: {  	[tilespmem:s29], [sflag:$0x1] =	stream.linear.gather [hbm4b:s20+s3], $0xC8, $0x38;
	[tilespmem:$0x19D80] =	vst v63  }
0x185: {  	p2 =	sne.s32 s15, $0x9AB;
	_ =	swait.ge [sflag:s26], $0xC8  }
0x186: {  	[sflag:s26] =	ssyncset.done $0x0  }
0x187: {  	[sflag:s26] =	ssyncadd.s32 $0xFFFFFF38  }
0x188: {  	[tilespmem:s30], [sflag:$0x1] =	stream.linear.gather [hbm4b:s7+s3], $0x6400, $0x38;
	[tilespmem:$0x19D80] =	vst v63  }
0x189: {  	_ =	swait.ge [sflag:s26], $0x6400  }
.Ltmp15:
0x18a: {  	[sflag:s26] =	ssyncset.done $0x0;
	(pc) =	sbr.rel @p2 .LBB2_27-.Ltmp15, $4  }
0x18b: {  	[sflag:s26] =	ssyncadd.s32 $0xFFFF9C00  }
0x18c: {  	[spmem:s1] =	stream.indirect.scatter.add.f32 [tilespmem:s30], [sflag:$0x1], $0x80, s29, s31, $0xb8;
	[tilespmem:$0x19D80] =	vst v63  }
0x18d: {  	_ =	swait.ge [sflag:s26], $0x6400  }
0x18e: {  	s15 =	smov.u32 s24;
	s7 =	sadd.s32 $0xC80, s7;
	[sflag:s26] =	ssyncset.done $0x0  }
0x18f: {  	s10 =	sadd.s32 s10, s23;
	[sflag:s26] =	ssyncadd.s32 $0xFFFF9C00  }
0x190: {  	[tilespmem:s29], [sflag:$0x1] =	stream.linear.gather [hbm4b:s10+s3], $0xC8, $0x38;
	[tilespmem:$0x19D80] =	vst v63  }
0x191: {  	_ =	swait.ge [sflag:s26], $0xC8  }
0x192: {  	[sflag:s26] =	ssyncset.done $0x0  }
0x193: {  	[sflag:s26] =	ssyncadd.s32 $0xFFFFFF38  }
0x194: {  	[tilespmem:s30], [sflag:$0x1] =	stream.linear.gather [hbm4b:s7+s3], $0x6400, $0x38;
	[tilespmem:$0x19D80] =	vst v63  }
0x195: {  	_ =	swait.ge [sflag:s26], $0x6400  }
0x196: {  	[sflag:s26] =	ssyncset.done $0x0  }
0x197: {  	[sflag:s26] =	ssyncadd.s32 $0xFFFF9C00  }
0x198: {  	[spmem:s1] =	stream.indirect.scatter.add.f32 [tilespmem:s30], [sflag:$0x1], $0x80, s29, s31, $0xb8;
	[tilespmem:$0x19D80] =	vst v63  }
0x199: {  	_ =	swait.ge [sflag:s26], $0x6400  }
0x19a: {  	[sflag:s26] =	ssyncset.done $0x0  }
0x19b: {  	[sflag:s26] =	ssyncadd.s32 $0xFFFF9C00  }
.LBB2_29:
0x19c: {  	[bflag:$0x0] =	sbarrier.arrive $0xFFFF  }
0x19d: {  	s7 =	sld [smem:$0x7F0];
	_ =	sdelay $0x2  }
0x19e: {  	p2 =	seq.s32 s7, $0x1  }
.Ltmp16:
0x19f: {  	_ = 	snop;
	(pc) =	sbr.rel @!p2 .LBB2_33-.Ltmp16, $1  }
0x1a0: {  	_ =	sdelay $0x3  }
0x1a1: {  	s7 =	sadd.s32 $0x0, s25  }
0x1a2: {  	[tilespmem:s29], [sflag:$0x1] =	stream.linear.gather [hbm4b:s7+s3], $0xC8, $0x38;
	[tilespmem:$0x19D80] =	vst v63  }
0x1a3: {  	_ =	swait.ge [sflag:s26], $0xC8  }
0x1a4: {  	[sflag:s26] =	ssyncset.done $0x0  }
0x1a5: {  	s24 =	rddreg [dreg:$0x10];
	[sflag:s26] =	ssyncadd.s32 $0xFFFFFF38  }
0x1a6: {  	[tilespmem:s30], [sflag:$0x1] =	stream.linear.gather [hbm4b:s24+s3], $0x6400, $0x38;
	[tilespmem:$0x19D80] =	vst v63  }
0x1a7: {  	_ =	swait.ge [sflag:s26], $0x6400  }
0x1a8: {  	[sflag:s26] =	ssyncset.done $0x0  }
0x1a9: {  	[sflag:s26] =	ssyncadd.s32 $0xFFFF9C00  }
0x1aa: {  	[spmem:s1] =	stream.indirect.scatter.add.f32 [tilespmem:s30], [sflag:$0x1], $0x80, s29, s31, $0xb8;
	[tilespmem:$0x19D80] =	vst v63  }
0x1ab: {  	s10 =	simm.s32 $0x19;
	_ =	swait.ge [sflag:s26], $0x6400  }
0x1ac: {  	s15 =	simm.s32 $0x32;
	s7 =	sadd.s32 $0xC80, s24;
	[sflag:s26] =	ssyncset.done $0x0  }
.LBB2_31:
0x1ad: {  	s20 =	sadd.s32 s10, s25  }
0x1ae: {  	[sflag:s26] =	ssyncadd.s32 $0xFFFF9C00;
	s10 =	smov.u32 s15;
	s24 =	sadd.s32 $0x19, s15  }
0x1af: {  	[tilespmem:s29], [sflag:$0x1] =	stream.linear.gather [hbm4b:s20+s3], $0xC8, $0x38;
	[tilespmem:$0x19D80] =	vst v63  }
0x1b0: {  	p2 =	sne.s32 s15, $0x9AB;
	_ =	swait.ge [sflag:s26], $0xC8  }
0x1b1: {  	[sflag:s26] =	ssyncset.done $0x0  }
0x1b2: {  	[sflag:s26] =	ssyncadd.s32 $0xFFFFFF38  }
0x1b3: {  	[tilespmem:s30], [sflag:$0x1] =	stream.linear.gather [hbm4b:s7+s3], $0x6400, $0x38;
	[tilespmem:$0x19D80] =	vst v63  }
0x1b4: {  	_ =	swait.ge [sflag:s26], $0x6400  }
.Ltmp17:
0x1b5: {  	[sflag:s26] =	ssyncset.done $0x0;
	(pc) =	sbr.rel @p2 .LBB2_31-.Ltmp17, $4  }
0x1b6: {  	[sflag:s26] =	ssyncadd.s32 $0xFFFF9C00  }
0x1b7: {  	[spmem:s1] =	stream.indirect.scatter.add.f32 [tilespmem:s30], [sflag:$0x1], $0x80, s29, s31, $0xb8;
	[tilespmem:$0x19D80] =	vst v63  }
0x1b8: {  	_ =	swait.ge [sflag:s26], $0x6400  }
0x1b9: {  	s15 =	smov.u32 s24;
	s7 =	sadd.s32 $0xC80, s7;
	[sflag:s26] =	ssyncset.done $0x0  }
0x1ba: {  	s10 =	sadd.s32 s10, s25;
	[sflag:s26] =	ssyncadd.s32 $0xFFFF9C00  }
0x1bb: {  	[tilespmem:s29], [sflag:$0x1] =	stream.linear.gather [hbm4b:s10+s3], $0xC8, $0x38;
	[tilespmem:$0x19D80] =	vst v63  }
0x1bc: {  	_ =	swait.ge [sflag:s26], $0xC8  }
0x1bd: {  	[sflag:s26] =	ssyncset.done $0x0  }
0x1be: {  	[sflag:s26] =	ssyncadd.s32 $0xFFFFFF38  }
0x1bf: {  	[tilespmem:s30], [sflag:$0x1] =	stream.linear.gather [hbm4b:s7+s3], $0x6400, $0x38;
	[tilespmem:$0x19D80] =	vst v63  }
0x1c0: {  	_ =	swait.ge [sflag:s26], $0x6400  }
0x1c1: {  	[sflag:s26] =	ssyncset.done $0x0  }
0x1c2: {  	[sflag:s26] =	ssyncadd.s32 $0xFFFF9C00  }
0x1c3: {  	[spmem:s1] =	stream.indirect.scatter.add.f32 [tilespmem:s30], [sflag:$0x1], $0x80, s29, s31, $0xb8;
	[tilespmem:$0x19D80] =	vst v63  }
0x1c4: {  	_ =	swait.ge [sflag:s26], $0x6400  }
0x1c5: {  	[sflag:s26] =	ssyncset.done $0x0  }
0x1c6: {  	[sflag:s26] =	ssyncadd.s32 $0xFFFF9C00  }
.LBB2_33:
0x1c7: {  	[bflag:$0x0] =	sbarrier.arrive $0xFFFF  }
0x1c8: {  	s7 =	sld [smem:$0x7F2];
	_ =	sdelay $0x2  }
0x1c9: {  	p2 =	seq.s32 s7, $0x1  }
.Ltmp18:
0x1ca: {  	_ = 	snop;
	(pc) =	sbr.rel @!p2 .LBB2_37-.Ltmp18, $1  }
0x1cb: {  	_ =	sdelay $0x3  }
0x1cc: {  	s7 =	sadd.s32 $0x0, s28  }
0x1cd: {  	[tilespmem:s29], [sflag:$0x1] =	stream.linear.gather [hbm4b:s7+s3], $0xC8, $0x38;
	[tilespmem:$0x19D80] =	vst v63  }
0x1ce: {  	_ =	swait.ge [sflag:s26], $0xC8  }
0x1cf: {  	[sflag:s26] =	ssyncset.done $0x0  }
0x1d0: {  	s24 =	rddreg [dreg:$0x12];
	[sflag:s26] =	ssyncadd.s32 $0xFFFFFF38  }
0x1d1: {  	[tilespmem:s30], [sflag:$0x1] =	stream.linear.gather [hbm4b:s24+s3], $0x6400, $0x38;
	[tilespmem:$0x19D80] =	vst v63  }
0x1d2: {  	_ =	swait.ge [sflag:s26], $0x6400  }
0x1d3: {  	[sflag:s26] =	ssyncset.done $0x0  }
0x1d4: {  	[sflag:s26] =	ssyncadd.s32 $0xFFFF9C00  }
0x1d5: {  	[spmem:s1] =	stream.indirect.scatter.add.f32 [tilespmem:s30], [sflag:$0x1], $0x80, s29, s31, $0xb8;
	[tilespmem:$0x19D80] =	vst v63  }
0x1d6: {  	s10 =	simm.s32 $0x19;
	_ =	swait.ge [sflag:s26], $0x6400  }
0x1d7: {  	s15 =	simm.s32 $0x32;
	s7 =	sadd.s32 $0xC80, s24;
	[sflag:s26] =	ssyncset.done $0x0  }
.LBB2_35:
0x1d8: {  	s20 =	sadd.s32 s10, s28  }
0x1d9: {  	[sflag:s26] =	ssyncadd.s32 $0xFFFF9C00;
	s10 =	smov.u32 s15;
	s24 =	sadd.s32 $0x19, s15  }
0x1da: {  	[tilespmem:s29], [sflag:$0x1] =	stream.linear.gather [hbm4b:s20+s3], $0xC8, $0x38;
	[tilespmem:$0x19D80] =	vst v63  }
0x1db: {  	p2 =	sne.s32 s15, $0x9AB;
	_ =	swait.ge [sflag:s26], $0xC8  }
0x1dc: {  	[sflag:s26] =	ssyncset.done $0x0  }
0x1dd: {  	[sflag:s26] =	ssyncadd.s32 $0xFFFFFF38  }
0x1de: {  	[tilespmem:s30], [sflag:$0x1] =	stream.linear.gather [hbm4b:s7+s3], $0x6400, $0x38;
	[tilespmem:$0x19D80] =	vst v63  }
0x1df: {  	_ =	swait.ge [sflag:s26], $0x6400  }
.Ltmp19:
0x1e0: {  	[sflag:s26] =	ssyncset.done $0x0;
	(pc) =	sbr.rel @p2 .LBB2_35-.Ltmp19, $4  }
0x1e1: {  	[sflag:s26] =	ssyncadd.s32 $0xFFFF9C00  }
0x1e2: {  	[spmem:s1] =	stream.indirect.scatter.add.f32 [tilespmem:s30], [sflag:$0x1], $0x80, s29, s31, $0xb8;
	[tilespmem:$0x19D80] =	vst v63  }
0x1e3: {  	_ =	swait.ge [sflag:s26], $0x6400  }
0x1e4: {  	s15 =	smov.u32 s24;
	s7 =	sadd.s32 $0xC80, s7;
	[sflag:s26] =	ssyncset.done $0x0  }
0x1e5: {  	s10 =	sadd.s32 s10, s28;
	[sflag:s26] =	ssyncadd.s32 $0xFFFF9C00  }
0x1e6: {  	[tilespmem:s29], [sflag:$0x1] =	stream.linear.gather [hbm4b:s10+s3], $0xC8, $0x38;
	[tilespmem:$0x19D80] =	vst v63  }
0x1e7: {  	_ =	swait.ge [sflag:s26], $0xC8  }
0x1e8: {  	[sflag:s26] =	ssyncset.done $0x0  }
0x1e9: {  	[sflag:s26] =	ssyncadd.s32 $0xFFFFFF38  }
0x1ea: {  	[tilespmem:s30], [sflag:$0x1] =	stream.linear.gather [hbm4b:s7+s3], $0x6400, $0x38;
	[tilespmem:$0x19D80] =	vst v63  }
0x1eb: {  	_ =	swait.ge [sflag:s26], $0x6400  }
0x1ec: {  	[sflag:s26] =	ssyncset.done $0x0  }
0x1ed: {  	[sflag:s26] =	ssyncadd.s32 $0xFFFF9C00  }
0x1ee: {  	[spmem:s1] =	stream.indirect.scatter.add.f32 [tilespmem:s30], [sflag:$0x1], $0x80, s29, s31, $0xb8;
	[tilespmem:$0x19D80] =	vst v63  }
0x1ef: {  	_ =	swait.ge [sflag:s26], $0x6400  }
0x1f0: {  	[sflag:s26] =	ssyncset.done $0x0  }
0x1f1: {  	[sflag:s26] =	ssyncadd.s32 $0xFFFF9C00  }
.LBB2_37:
0x1f2: {  	[bflag:$0x0] =	sbarrier.arrive $0xFFFF  }
0x1f3: {  	s7 =	sld [smem:$0x7F4];
	_ =	sdelay $0x2  }
0x1f4: {  	p2 =	seq.s32 s7, $0x1  }
.Ltmp20:
0x1f5: {  	_ = 	snop;
	(pc) =	sbr.rel @!p2 .LBB2_41-.Ltmp20, $1  }
0x1f6: {  	_ =	sdelay $0x3  }
0x1f7: {  	s7 =	sadd.s32 $0x0, s0  }
0x1f8: {  	[tilespmem:s29], [sflag:$0x1] =	stream.linear.gather [hbm4b:s7+s3], $0xC8, $0x38;
	[tilespmem:$0x19D80] =	vst v63  }
0x1f9: {  	_ =	swait.ge [sflag:s26], $0xC8  }
0x1fa: {  	[sflag:s26] =	ssyncset.done $0x0  }
0x1fb: {  	s24 =	rddreg [dreg:$0x13];
	[sflag:s26] =	ssyncadd.s32 $0xFFFFFF38  }
0x1fc: {  	[tilespmem:s30], [sflag:$0x1] =	stream.linear.gather [hbm4b:s24+s3], $0x6400, $0x38;
	[tilespmem:$0x19D80] =	vst v63  }
0x1fd: {  	_ =	swait.ge [sflag:s26], $0x6400  }
0x1fe: {  	[sflag:s26] =	ssyncset.done $0x0  }
0x1ff: {  	[sflag:s26] =	ssyncadd.s32 $0xFFFF9C00  }
0x200: {  	[spmem:s1] =	stream.indirect.scatter.add.f32 [tilespmem:s30], [sflag:$0x1], $0x80, s29, s31, $0xb8;
	[tilespmem:$0x19D80] =	vst v63  }
0x201: {  	s10 =	simm.s32 $0x19;
	_ =	swait.ge [sflag:s26], $0x6400  }
0x202: {  	s15 =	simm.s32 $0x32;
	s7 =	sadd.s32 $0xC80, s24;
	[sflag:s26] =	ssyncset.done $0x0  }
.LBB2_39:
0x203: {  	s20 =	sadd.s32 s10, s0  }
0x204: {  	[sflag:s26] =	ssyncadd.s32 $0xFFFF9C00;
	s10 =	smov.u32 s15;
	s24 =	sadd.s32 $0x19, s15  }
0x205: {  	[tilespmem:s29], [sflag:$0x1] =	stream.linear.gather [hbm4b:s20+s3], $0xC8, $0x38;
	[tilespmem:$0x19D80] =	vst v63  }
0x206: {  	p2 =	sne.s32 s15, $0x9AB;
	_ =	swait.ge [sflag:s26], $0xC8  }
0x207: {  	[sflag:s26] =	ssyncset.done $0x0  }
0x208: {  	[sflag:s26] =	ssyncadd.s32 $0xFFFFFF38  }
0x209: {  	[tilespmem:s30], [sflag:$0x1] =	stream.linear.gather [hbm4b:s7+s3], $0x6400, $0x38;
	[tilespmem:$0x19D80] =	vst v63  }
0x20a: {  	_ =	swait.ge [sflag:s26], $0x6400  }
.Ltmp21:
0x20b: {  	[sflag:s26] =	ssyncset.done $0x0;
	(pc) =	sbr.rel @p2 .LBB2_39-.Ltmp21, $4  }
0x20c: {  	[sflag:s26] =	ssyncadd.s32 $0xFFFF9C00  }
0x20d: {  	[spmem:s1] =	stream.indirect.scatter.add.f32 [tilespmem:s30], [sflag:$0x1], $0x80, s29, s31, $0xb8;
	[tilespmem:$0x19D80] =	vst v63  }
0x20e: {  	_ =	swait.ge [sflag:s26], $0x6400  }
0x20f: {  	s15 =	smov.u32 s24;
	s7 =	sadd.s32 $0xC80, s7;
	[sflag:s26] =	ssyncset.done $0x0  }
0x210: {  	s10 =	sadd.s32 s10, s0;
	[sflag:s26] =	ssyncadd.s32 $0xFFFF9C00  }
0x211: {  	[tilespmem:s29], [sflag:$0x1] =	stream.linear.gather [hbm4b:s10+s3], $0xC8, $0x38;
	[tilespmem:$0x19D80] =	vst v63  }
0x212: {  	_ =	swait.ge [sflag:s26], $0xC8  }
0x213: {  	[sflag:s26] =	ssyncset.done $0x0  }
0x214: {  	[sflag:s26] =	ssyncadd.s32 $0xFFFFFF38  }
0x215: {  	[tilespmem:s30], [sflag:$0x1] =	stream.linear.gather [hbm4b:s7+s3], $0x6400, $0x38;
	[tilespmem:$0x19D80] =	vst v63  }
0x216: {  	_ =	swait.ge [sflag:s26], $0x6400  }
0x217: {  	[sflag:s26] =	ssyncset.done $0x0  }
0x218: {  	[sflag:s26] =	ssyncadd.s32 $0xFFFF9C00  }
0x219: {  	[spmem:s1] =	stream.indirect.scatter.add.f32 [tilespmem:s30], [sflag:$0x1], $0x80, s29, s31, $0xb8;
	[tilespmem:$0x19D80] =	vst v63  }
0x21a: {  	_ =	swait.ge [sflag:s26], $0x6400  }
0x21b: {  	[sflag:s26] =	ssyncset.done $0x0  }
0x21c: {  	[sflag:s26] =	ssyncadd.s32 $0xFFFF9C00  }
.LBB2_41:
0x21d: {  	[bflag:$0x0] =	sbarrier.arrive $0xFFFF  }
0x21e: {  	s7 =	sld [smem:$0x7F6];
	_ =	sdelay $0x2  }
0x21f: {  	p2 =	seq.s32 s7, $0x1  }
.Ltmp22:
0x220: {  	_ = 	snop;
	(pc) =	sbr.rel @!p2 .LBB2_45-.Ltmp22, $1  }
0x221: {  	_ =	sdelay $0x3  }
0x222: {  	s7 =	sadd.s32 $0x0, s2  }
0x223: {  	[tilespmem:s29], [sflag:$0x1] =	stream.linear.gather [hbm4b:s7+s3], $0xC8, $0x38;
	[tilespmem:$0x19D80] =	vst v63  }
0x224: {  	_ =	swait.ge [sflag:s26], $0xC8  }
0x225: {  	[sflag:s26] =	ssyncset.done $0x0  }
0x226: {  	s24 =	rddreg [dreg:$0x14];
	[sflag:s26] =	ssyncadd.s32 $0xFFFFFF38  }
0x227: {  	[tilespmem:s30], [sflag:$0x1] =	stream.linear.gather [hbm4b:s24+s3], $0x6400, $0x38;
	[tilespmem:$0x19D80] =	vst v63  }
0x228: {  	_ =	swait.ge [sflag:s26], $0x6400  }
0x229: {  	[sflag:s26] =	ssyncset.done $0x0  }
0x22a: {  	[sflag:s26] =	ssyncadd.s32 $0xFFFF9C00  }
0x22b: {  	[spmem:s1] =	stream.indirect.scatter.add.f32 [tilespmem:s30], [sflag:$0x1], $0x80, s29, s31, $0xb8;
	[tilespmem:$0x19D80] =	vst v63  }
0x22c: {  	s10 =	simm.s32 $0x19;
	_ =	swait.ge [sflag:s26], $0x6400  }
0x22d: {  	s15 =	simm.s32 $0x32;
	s7 =	sadd.s32 $0xC80, s24;
	[sflag:s26] =	ssyncset.done $0x0  }
.LBB2_43:
0x22e: {  	s20 =	sadd.s32 s10, s2  }
0x22f: {  	[sflag:s26] =	ssyncadd.s32 $0xFFFF9C00;
	s10 =	smov.u32 s15;
	s24 =	sadd.s32 $0x19, s15  }
0x230: {  	[tilespmem:s29], [sflag:$0x1] =	stream.linear.gather [hbm4b:s20+s3], $0xC8, $0x38;
	[tilespmem:$0x19D80] =	vst v63  }
0x231: {  	p2 =	sne.s32 s15, $0x9AB;
	_ =	swait.ge [sflag:s26], $0xC8  }
0x232: {  	[sflag:s26] =	ssyncset.done $0x0  }
0x233: {  	[sflag:s26] =	ssyncadd.s32 $0xFFFFFF38  }
0x234: {  	[tilespmem:s30], [sflag:$0x1] =	stream.linear.gather [hbm4b:s7+s3], $0x6400, $0x38;
	[tilespmem:$0x19D80] =	vst v63  }
0x235: {  	_ =	swait.ge [sflag:s26], $0x6400  }
.Ltmp23:
0x236: {  	[sflag:s26] =	ssyncset.done $0x0;
	(pc) =	sbr.rel @p2 .LBB2_43-.Ltmp23, $4  }
0x237: {  	[sflag:s26] =	ssyncadd.s32 $0xFFFF9C00  }
0x238: {  	[spmem:s1] =	stream.indirect.scatter.add.f32 [tilespmem:s30], [sflag:$0x1], $0x80, s29, s31, $0xb8;
	[tilespmem:$0x19D80] =	vst v63  }
0x239: {  	_ =	swait.ge [sflag:s26], $0x6400  }
0x23a: {  	s15 =	smov.u32 s24;
	s7 =	sadd.s32 $0xC80, s7;
	[sflag:s26] =	ssyncset.done $0x0  }
0x23b: {  	s10 =	sadd.s32 s10, s2;
	[sflag:s26] =	ssyncadd.s32 $0xFFFF9C00  }
0x23c: {  	[tilespmem:s29], [sflag:$0x1] =	stream.linear.gather [hbm4b:s10+s3], $0xC8, $0x38;
	[tilespmem:$0x19D80] =	vst v63  }
0x23d: {  	_ =	swait.ge [sflag:s26], $0xC8  }
0x23e: {  	[sflag:s26] =	ssyncset.done $0x0  }
0x23f: {  	[sflag:s26] =	ssyncadd.s32 $0xFFFFFF38  }
0x240: {  	[tilespmem:s30], [sflag:$0x1] =	stream.linear.gather [hbm4b:s7+s3], $0x6400, $0x38;
	[tilespmem:$0x19D80] =	vst v63  }
0x241: {  	_ =	swait.ge [sflag:s26], $0x6400  }
0x242: {  	[sflag:s26] =	ssyncset.done $0x0  }
0x243: {  	[sflag:s26] =	ssyncadd.s32 $0xFFFF9C00  }
0x244: {  	[spmem:s1] =	stream.indirect.scatter.add.f32 [tilespmem:s30], [sflag:$0x1], $0x80, s29, s31, $0xb8;
	[tilespmem:$0x19D80] =	vst v63  }
0x245: {  	_ =	swait.ge [sflag:s26], $0x6400  }
0x246: {  	[sflag:s26] =	ssyncset.done $0x0  }
0x247: {  	[sflag:s26] =	ssyncadd.s32 $0xFFFF9C00  }
.LBB2_45:
0x248: {  	[bflag:$0x0] =	sbarrier.arrive $0xFFFF  }
0x249: {  	s7 =	sld [smem:$0x7F8];
	_ =	sdelay $0x2  }
0x24a: {  	p2 =	seq.s32 s7, $0x1  }
.Ltmp24:
0x24b: {  	_ = 	snop;
	(pc) =	sbr.rel @!p2 .LBB2_49-.Ltmp24, $1  }
0x24c: {  	_ =	sdelay $0x3  }
0x24d: {  	s7 =	sadd.s32 $0x0, s5  }
0x24e: {  	[tilespmem:s29], [sflag:$0x1] =	stream.linear.gather [hbm4b:s7+s3], $0xC8, $0x38;
	[tilespmem:$0x19D80] =	vst v63  }
0x24f: {  	_ =	swait.ge [sflag:s26], $0xC8  }
0x250: {  	[sflag:s26] =	ssyncset.done $0x0  }
0x251: {  	s24 =	rddreg [dreg:$0x15];
	[sflag:s26] =	ssyncadd.s32 $0xFFFFFF38  }
0x252: {  	[tilespmem:s30], [sflag:$0x1] =	stream.linear.gather [hbm4b:s24+s3], $0x6400, $0x38;
	[tilespmem:$0x19D80] =	vst v63  }
0x253: {  	_ =	swait.ge [sflag:s26], $0x6400  }
0x254: {  	[sflag:s26] =	ssyncset.done $0x0  }
0x255: {  	[sflag:s26] =	ssyncadd.s32 $0xFFFF9C00  }
0x256: {  	[spmem:s1] =	stream.indirect.scatter.add.f32 [tilespmem:s30], [sflag:$0x1], $0x80, s29, s31, $0xb8;
	[tilespmem:$0x19D80] =	vst v63  }
0x257: {  	s10 =	simm.s32 $0x19;
	_ =	swait.ge [sflag:s26], $0x6400  }
0x258: {  	s15 =	simm.s32 $0x32;
	s7 =	sadd.s32 $0xC80, s24;
	[sflag:s26] =	ssyncset.done $0x0  }
.LBB2_47:
0x259: {  	s20 =	sadd.s32 s10, s5  }
0x25a: {  	[sflag:s26] =	ssyncadd.s32 $0xFFFF9C00;
	s10 =	smov.u32 s15;
	s24 =	sadd.s32 $0x19, s15  }
0x25b: {  	[tilespmem:s29], [sflag:$0x1] =	stream.linear.gather [hbm4b:s20+s3], $0xC8, $0x38;
	[tilespmem:$0x19D80] =	vst v63  }
0x25c: {  	p2 =	sne.s32 s15, $0x9AB;
	_ =	swait.ge [sflag:s26], $0xC8  }
0x25d: {  	[sflag:s26] =	ssyncset.done $0x0  }
0x25e: {  	[sflag:s26] =	ssyncadd.s32 $0xFFFFFF38  }
0x25f: {  	[tilespmem:s30], [sflag:$0x1] =	stream.linear.gather [hbm4b:s7+s3], $0x6400, $0x38;
	[tilespmem:$0x19D80] =	vst v63  }
0x260: {  	_ =	swait.ge [sflag:s26], $0x6400  }
.Ltmp25:
0x261: {  	[sflag:s26] =	ssyncset.done $0x0;
	(pc) =	sbr.rel @p2 .LBB2_47-.Ltmp25, $4  }
0x262: {  	[sflag:s26] =	ssyncadd.s32 $0xFFFF9C00  }
0x263: {  	[spmem:s1] =	stream.indirect.scatter.add.f32 [tilespmem:s30], [sflag:$0x1], $0x80, s29, s31, $0xb8;
	[tilespmem:$0x19D80] =	vst v63  }
0x264: {  	_ =	swait.ge [sflag:s26], $0x6400  }
0x265: {  	s15 =	smov.u32 s24;
	s7 =	sadd.s32 $0xC80, s7;
	[sflag:s26] =	ssyncset.done $0x0  }
0x266: {  	s10 =	sadd.s32 s10, s5;
	[sflag:s26] =	ssyncadd.s32 $0xFFFF9C00  }
0x267: {  	[tilespmem:s29], [sflag:$0x1] =	stream.linear.gather [hbm4b:s10+s3], $0xC8, $0x38;
	[tilespmem:$0x19D80] =	vst v63  }
0x268: {  	_ =	swait.ge [sflag:s26], $0xC8  }
0x269: {  	[sflag:s26] =	ssyncset.done $0x0  }
0x26a: {  	[sflag:s26] =	ssyncadd.s32 $0xFFFFFF38  }
0x26b: {  	[tilespmem:s30], [sflag:$0x1] =	stream.linear.gather [hbm4b:s7+s3], $0x6400, $0x38;
	[tilespmem:$0x19D80] =	vst v63  }
0x26c: {  	_ =	swait.ge [sflag:s26], $0x6400  }
0x26d: {  	[sflag:s26] =	ssyncset.done $0x0  }
0x26e: {  	[sflag:s26] =	ssyncadd.s32 $0xFFFF9C00  }
0x26f: {  	[spmem:s1] =	stream.indirect.scatter.add.f32 [tilespmem:s30], [sflag:$0x1], $0x80, s29, s31, $0xb8;
	[tilespmem:$0x19D80] =	vst v63  }
0x270: {  	_ =	swait.ge [sflag:s26], $0x6400  }
0x271: {  	[sflag:s26] =	ssyncset.done $0x0  }
0x272: {  	[sflag:s26] =	ssyncadd.s32 $0xFFFF9C00  }
.LBB2_49:
0x273: {  	[bflag:$0x0] =	sbarrier.arrive $0xFFFF  }
0x274: {  	s7 =	sld [smem:$0x7FA];
	_ =	sdelay $0x2  }
0x275: {  	p2 =	seq.s32 s7, $0x1  }
.Ltmp26:
0x276: {  	_ = 	snop;
	(pc) =	sbr.rel @!p2 .LBB2_53-.Ltmp26, $1  }
0x277: {  	_ =	sdelay $0x3  }
0x278: {  	s7 =	sadd.s32 $0x0, s12  }
0x279: {  	[tilespmem:s29], [sflag:$0x1] =	stream.linear.gather [hbm4b:s7+s3], $0xC8, $0x38;
	[tilespmem:$0x19D80] =	vst v63  }
0x27a: {  	_ =	swait.ge [sflag:s26], $0xC8  }
0x27b: {  	[sflag:s26] =	ssyncset.done $0x0  }
0x27c: {  	s24 =	rddreg [dreg:$0x16];
	[sflag:s26] =	ssyncadd.s32 $0xFFFFFF38  }
0x27d: {  	[tilespmem:s30], [sflag:$0x1] =	stream.linear.gather [hbm4b:s24+s3], $0x6400, $0x38;
	[tilespmem:$0x19D80] =	vst v63  }
0x27e: {  	_ =	swait.ge [sflag:s26], $0x6400  }
0x27f: {  	[sflag:s26] =	ssyncset.done $0x0  }
0x280: {  	[sflag:s26] =	ssyncadd.s32 $0xFFFF9C00  }
0x281: {  	[spmem:s1] =	stream.indirect.scatter.add.f32 [tilespmem:s30], [sflag:$0x1], $0x80, s29, s31, $0xb8;
	[tilespmem:$0x19D80] =	vst v63  }
0x282: {  	s10 =	simm.s32 $0x19;
	_ =	swait.ge [sflag:s26], $0x6400  }
0x283: {  	s15 =	simm.s32 $0x32;
	s7 =	sadd.s32 $0xC80, s24;
	[sflag:s26] =	ssyncset.done $0x0  }
.LBB2_51:
0x284: {  	s20 =	sadd.s32 s10, s12  }
0x285: {  	[sflag:s26] =	ssyncadd.s32 $0xFFFF9C00;
	s10 =	smov.u32 s15;
	s24 =	sadd.s32 $0x19, s15  }
0x286: {  	[tilespmem:s29], [sflag:$0x1] =	stream.linear.gather [hbm4b:s20+s3], $0xC8, $0x38;
	[tilespmem:$0x19D80] =	vst v63  }
0x287: {  	p2 =	sne.s32 s15, $0x9AB;
	_ =	swait.ge [sflag:s26], $0xC8  }
0x288: {  	[sflag:s26] =	ssyncset.done $0x0  }
0x289: {  	[sflag:s26] =	ssyncadd.s32 $0xFFFFFF38  }
0x28a: {  	[tilespmem:s30], [sflag:$0x1] =	stream.linear.gather [hbm4b:s7+s3], $0x6400, $0x38;
	[tilespmem:$0x19D80] =	vst v63  }
0x28b: {  	_ =	swait.ge [sflag:s26], $0x6400  }
.Ltmp27:
0x28c: {  	[sflag:s26] =	ssyncset.done $0x0;
	(pc) =	sbr.rel @p2 .LBB2_51-.Ltmp27, $4  }
0x28d: {  	[sflag:s26] =	ssyncadd.s32 $0xFFFF9C00  }
0x28e: {  	[spmem:s1] =	stream.indirect.scatter.add.f32 [tilespmem:s30], [sflag:$0x1], $0x80, s29, s31, $0xb8;
	[tilespmem:$0x19D80] =	vst v63  }
0x28f: {  	_ =	swait.ge [sflag:s26], $0x6400  }
0x290: {  	s15 =	smov.u32 s24;
	s7 =	sadd.s32 $0xC80, s7;
	[sflag:s26] =	ssyncset.done $0x0  }
0x291: {  	s10 =	sadd.s32 s10, s12;
	[sflag:s26] =	ssyncadd.s32 $0xFFFF9C00  }
0x292: {  	[tilespmem:s29], [sflag:$0x1] =	stream.linear.gather [hbm4b:s10+s3], $0xC8, $0x38;
	[tilespmem:$0x19D80] =	vst v63  }
0x293: {  	_ =	swait.ge [sflag:s26], $0xC8  }
0x294: {  	[sflag:s26] =	ssyncset.done $0x0  }
0x295: {  	[sflag:s26] =	ssyncadd.s32 $0xFFFFFF38  }
0x296: {  	[tilespmem:s30], [sflag:$0x1] =	stream.linear.gather [hbm4b:s7+s3], $0x6400, $0x38;
	[tilespmem:$0x19D80] =	vst v63  }
0x297: {  	_ =	swait.ge [sflag:s26], $0x6400  }
0x298: {  	[sflag:s26] =	ssyncset.done $0x0  }
0x299: {  	[sflag:s26] =	ssyncadd.s32 $0xFFFF9C00  }
0x29a: {  	[spmem:s1] =	stream.indirect.scatter.add.f32 [tilespmem:s30], [sflag:$0x1], $0x80, s29, s31, $0xb8;
	[tilespmem:$0x19D80] =	vst v63  }
0x29b: {  	_ =	swait.ge [sflag:s26], $0x6400  }
0x29c: {  	[sflag:s26] =	ssyncset.done $0x0  }
0x29d: {  	[sflag:s26] =	ssyncadd.s32 $0xFFFF9C00  }
.LBB2_53:
0x29e: {  	[bflag:$0x0] =	sbarrier.arrive $0xFFFF  }
0x29f: {  	s7 =	sld [smem:$0x7FB];
	_ =	sdelay $0x2  }
0x2a0: {  	p2 =	seq.s32 s7, $0x1  }
.Ltmp28:
0x2a1: {  	_ = 	snop;
	(pc) =	sbr.rel @!p2 .LBB2_57-.Ltmp28, $1  }
0x2a2: {  	_ =	sdelay $0x3  }
0x2a3: {  	s7 =	sadd.s32 $0x0, s8  }
0x2a4: {  	[tilespmem:s29], [sflag:$0x1] =	stream.linear.gather [hbm4b:s7+s3], $0xC8, $0x38;
	[tilespmem:$0x19D80] =	vst v63  }
0x2a5: {  	_ =	swait.ge [sflag:s26], $0xC8  }
0x2a6: {  	[sflag:s26] =	ssyncset.done $0x0  }
0x2a7: {  	s24 =	rddreg [dreg:$0x17];
	[sflag:s26] =	ssyncadd.s32 $0xFFFFFF38  }
0x2a8: {  	[tilespmem:s30], [sflag:$0x1] =	stream.linear.gather [hbm4b:s24+s3], $0x6400, $0x38;
	[tilespmem:$0x19D80] =	vst v63  }
0x2a9: {  	_ =	swait.ge [sflag:s26], $0x6400  }
0x2aa: {  	[sflag:s26] =	ssyncset.done $0x0  }
0x2ab: {  	[sflag:s26] =	ssyncadd.s32 $0xFFFF9C00  }
0x2ac: {  	[spmem:s1] =	stream.indirect.scatter.add.f32 [tilespmem:s30], [sflag:$0x1], $0x80, s29, s31, $0xb8;
	[tilespmem:$0x19D80] =	vst v63  }
0x2ad: {  	s10 =	simm.s32 $0x19;
	_ =	swait.ge [sflag:s26], $0x6400  }
0x2ae: {  	s15 =	simm.s32 $0x32;
	s7 =	sadd.s32 $0xC80, s24;
	[sflag:s26] =	ssyncset.done $0x0  }
.LBB2_55:
0x2af: {  	s20 =	sadd.s32 s10, s8  }
0x2b0: {  	[sflag:s26] =	ssyncadd.s32 $0xFFFF9C00;
	s10 =	smov.u32 s15;
	s24 =	sadd.s32 $0x19, s15  }
0x2b1: {  	[tilespmem:s29], [sflag:$0x1] =	stream.linear.gather [hbm4b:s20+s3], $0xC8, $0x38;
	[tilespmem:$0x19D80] =	vst v63  }
0x2b2: {  	p2 =	sne.s32 s15, $0x9AB;
	_ =	swait.ge [sflag:s26], $0xC8  }
0x2b3: {  	[sflag:s26] =	ssyncset.done $0x0  }
0x2b4: {  	[sflag:s26] =	ssyncadd.s32 $0xFFFFFF38  }
0x2b5: {  	[tilespmem:s30], [sflag:$0x1] =	stream.linear.gather [hbm4b:s7+s3], $0x6400, $0x38;
	[tilespmem:$0x19D80] =	vst v63  }
0x2b6: {  	_ =	swait.ge [sflag:s26], $0x6400  }
.Ltmp29:
0x2b7: {  	[sflag:s26] =	ssyncset.done $0x0;
	(pc) =	sbr.rel @p2 .LBB2_55-.Ltmp29, $4  }
0x2b8: {  	[sflag:s26] =	ssyncadd.s32 $0xFFFF9C00  }
0x2b9: {  	[spmem:s1] =	stream.indirect.scatter.add.f32 [tilespmem:s30], [sflag:$0x1], $0x80, s29, s31, $0xb8;
	[tilespmem:$0x19D80] =	vst v63  }
0x2ba: {  	_ =	swait.ge [sflag:s26], $0x6400  }
0x2bb: {  	s15 =	smov.u32 s24;
	s7 =	sadd.s32 $0xC80, s7;
	[sflag:s26] =	ssyncset.done $0x0  }
0x2bc: {  	s10 =	sadd.s32 s10, s8;
	[sflag:s26] =	ssyncadd.s32 $0xFFFF9C00  }
0x2bd: {  	[tilespmem:s29], [sflag:$0x1] =	stream.linear.gather [hbm4b:s10+s3], $0xC8, $0x38;
	[tilespmem:$0x19D80] =	vst v63  }
0x2be: {  	_ =	swait.ge [sflag:s26], $0xC8  }
0x2bf: {  	[sflag:s26] =	ssyncset.done $0x0  }
0x2c0: {  	[sflag:s26] =	ssyncadd.s32 $0xFFFFFF38  }
0x2c1: {  	[tilespmem:s30], [sflag:$0x1] =	stream.linear.gather [hbm4b:s7+s3], $0x6400, $0x38;
	[tilespmem:$0x19D80] =	vst v63  }
0x2c2: {  	_ =	swait.ge [sflag:s26], $0x6400  }
0x2c3: {  	[sflag:s26] =	ssyncset.done $0x0  }
0x2c4: {  	[sflag:s26] =	ssyncadd.s32 $0xFFFF9C00  }
0x2c5: {  	[spmem:s1] =	stream.indirect.scatter.add.f32 [tilespmem:s30], [sflag:$0x1], $0x80, s29, s31, $0xb8;
	[tilespmem:$0x19D80] =	vst v63  }
0x2c6: {  	_ =	swait.ge [sflag:s26], $0x6400  }
0x2c7: {  	[sflag:s26] =	ssyncset.done $0x0  }
0x2c8: {  	[sflag:s26] =	ssyncadd.s32 $0xFFFF9C00  }
.LBB2_57:
0x2c9: {  	[bflag:$0x0] =	sbarrier.arrive $0xFFFF  }
0x2ca: {  	s7 =	sld [smem:$0x7FC];
	_ =	sdelay $0x2  }
0x2cb: {  	p2 =	seq.s32 s7, $0x1  }
.Ltmp30:
0x2cc: {  	_ = 	snop;
	(pc) =	sbr.rel @!p2 .LBB2_61-.Ltmp30, $1  }
0x2cd: {  	_ =	sdelay $0x3  }
0x2ce: {  	s7 =	sadd.s32 $0x0, s14  }
0x2cf: {  	[tilespmem:s29], [sflag:$0x1] =	stream.linear.gather [hbm4b:s7+s3], $0xC8, $0x38;
	[tilespmem:$0x19D80] =	vst v63  }
0x2d0: {  	_ =	swait.ge [sflag:s26], $0xC8  }
0x2d1: {  	[sflag:s26] =	ssyncset.done $0x0  }
0x2d2: {  	s24 =	rddreg [dreg:$0x18];
	[sflag:s26] =	ssyncadd.s32 $0xFFFFFF38  }
0x2d3: {  	[tilespmem:s30], [sflag:$0x1] =	stream.linear.gather [hbm4b:s24+s3], $0x6400, $0x38;
	[tilespmem:$0x19D80] =	vst v63  }
0x2d4: {  	_ =	swait.ge [sflag:s26], $0x6400  }
0x2d5: {  	[sflag:s26] =	ssyncset.done $0x0  }
0x2d6: {  	[sflag:s26] =	ssyncadd.s32 $0xFFFF9C00  }
0x2d7: {  	[spmem:s1] =	stream.indirect.scatter.add.f32 [tilespmem:s30], [sflag:$0x1], $0x80, s29, s31, $0xb8;
	[tilespmem:$0x19D80] =	vst v63  }
0x2d8: {  	s10 =	simm.s32 $0x19;
	_ =	swait.ge [sflag:s26], $0x6400  }
0x2d9: {  	s15 =	simm.s32 $0x32;
	s7 =	sadd.s32 $0xC80, s24;
	[sflag:s26] =	ssyncset.done $0x0  }
.LBB2_59:
0x2da: {  	s20 =	sadd.s32 s10, s14  }
0x2db: {  	[sflag:s26] =	ssyncadd.s32 $0xFFFF9C00;
	s10 =	smov.u32 s15;
	s24 =	sadd.s32 $0x19, s15  }
0x2dc: {  	[tilespmem:s29], [sflag:$0x1] =	stream.linear.gather [hbm4b:s20+s3], $0xC8, $0x38;
	[tilespmem:$0x19D80] =	vst v63  }
0x2dd: {  	p2 =	sne.s32 s15, $0x9AB;
	_ =	swait.ge [sflag:s26], $0xC8  }
0x2de: {  	[sflag:s26] =	ssyncset.done $0x0  }
0x2df: {  	[sflag:s26] =	ssyncadd.s32 $0xFFFFFF38  }
0x2e0: {  	[tilespmem:s30], [sflag:$0x1] =	stream.linear.gather [hbm4b:s7+s3], $0x6400, $0x38;
	[tilespmem:$0x19D80] =	vst v63  }
0x2e1: {  	_ =	swait.ge [sflag:s26], $0x6400  }
.Ltmp31:
0x2e2: {  	[sflag:s26] =	ssyncset.done $0x0;
	(pc) =	sbr.rel @p2 .LBB2_59-.Ltmp31, $4  }
0x2e3: {  	[sflag:s26] =	ssyncadd.s32 $0xFFFF9C00  }
0x2e4: {  	[spmem:s1] =	stream.indirect.scatter.add.f32 [tilespmem:s30], [sflag:$0x1], $0x80, s29, s31, $0xb8;
	[tilespmem:$0x19D80] =	vst v63  }
0x2e5: {  	_ =	swait.ge [sflag:s26], $0x6400  }
0x2e6: {  	s15 =	smov.u32 s24;
	s7 =	sadd.s32 $0xC80, s7;
	[sflag:s26] =	ssyncset.done $0x0  }
0x2e7: {  	s10 =	sadd.s32 s10, s14;
	[sflag:s26] =	ssyncadd.s32 $0xFFFF9C00  }
0x2e8: {  	[tilespmem:s29], [sflag:$0x1] =	stream.linear.gather [hbm4b:s10+s3], $0xC8, $0x38;
	[tilespmem:$0x19D80] =	vst v63  }
0x2e9: {  	_ =	swait.ge [sflag:s26], $0xC8  }
0x2ea: {  	[sflag:s26] =	ssyncset.done $0x0  }
0x2eb: {  	[sflag:s26] =	ssyncadd.s32 $0xFFFFFF38  }
0x2ec: {  	[tilespmem:s30], [sflag:$0x1] =	stream.linear.gather [hbm4b:s7+s3], $0x6400, $0x38;
	[tilespmem:$0x19D80] =	vst v63  }
0x2ed: {  	_ =	swait.ge [sflag:s26], $0x6400  }
0x2ee: {  	[sflag:s26] =	ssyncset.done $0x0  }
0x2ef: {  	[sflag:s26] =	ssyncadd.s32 $0xFFFF9C00  }
0x2f0: {  	[spmem:s1] =	stream.indirect.scatter.add.f32 [tilespmem:s30], [sflag:$0x1], $0x80, s29, s31, $0xb8;
	[tilespmem:$0x19D80] =	vst v63  }
0x2f1: {  	_ =	swait.ge [sflag:s26], $0x6400  }
0x2f2: {  	[sflag:s26] =	ssyncset.done $0x0  }
0x2f3: {  	[sflag:s26] =	ssyncadd.s32 $0xFFFF9C00  }
.LBB2_61:
.Ltmp32:
0x2f4: {  	(pc) =	sbr.rel @!p0 .LBB2_65-.Ltmp32, $2  }
0x2f5: {  	_ =	sdelay $0x1  }
0x2f6: {  	[bflag:$0x0] =	sbarrier.arrive $0xFFFF;
	_ =	sdelay $0x1  }
0x2f7: {  	s7 =	sadd.s32 $0x0, s18  }
0x2f8: {  	[tilespmem:s29], [sflag:$0x1] =	stream.linear.gather [hbm4b:s7+s3], $0xC8, $0x38;
	[tilespmem:$0x19D80] =	vst v63  }
0x2f9: {  	_ =	swait.ge [sflag:s26], $0xC8  }
0x2fa: {  	[sflag:s26] =	ssyncset.done $0x0  }
0x2fb: {  	s24 =	rddreg [dreg:$0x19];
	[sflag:s26] =	ssyncadd.s32 $0xFFFFFF38  }
0x2fc: {  	[tilespmem:s30], [sflag:$0x1] =	stream.linear.gather [hbm4b:s24+s3], $0x6400, $0x38;
	[tilespmem:$0x19D80] =	vst v63  }
0x2fd: {  	_ =	swait.ge [sflag:s26], $0x6400  }
0x2fe: {  	[sflag:s26] =	ssyncset.done $0x0  }
0x2ff: {  	[sflag:s26] =	ssyncadd.s32 $0xFFFF9C00  }
0x300: {  	[spmem:s1] =	stream.indirect.scatter.add.f32 [tilespmem:s30], [sflag:$0x1], $0x80, s29, s31, $0xb8;
	[tilespmem:$0x19D80] =	vst v63  }
0x301: {  	s10 =	simm.s32 $0x19;
	_ =	swait.ge [sflag:s26], $0x6400  }
0x302: {  	s15 =	simm.s32 $0x32;
	s7 =	sadd.s32 $0xC80, s24;
	[sflag:s26] =	ssyncset.done $0x0  }
.LBB2_63:
0x303: {  	s20 =	sadd.s32 s10, s18  }
0x304: {  	[sflag:s26] =	ssyncadd.s32 $0xFFFF9C00;
	s10 =	smov.u32 s15;
	s24 =	sadd.s32 $0x19, s15  }
0x305: {  	[tilespmem:s29], [sflag:$0x1] =	stream.linear.gather [hbm4b:s20+s3], $0xC8, $0x38;
	[tilespmem:$0x19D80] =	vst v63  }
0x306: {  	p2 =	sne.s32 s15, $0x9AB;
	_ =	swait.ge [sflag:s26], $0xC8  }
0x307: {  	[sflag:s26] =	ssyncset.done $0x0  }
0x308: {  	[sflag:s26] =	ssyncadd.s32 $0xFFFFFF38  }
0x309: {  	[tilespmem:s30], [sflag:$0x1] =	stream.linear.gather [hbm4b:s7+s3], $0x6400, $0x38;
	[tilespmem:$0x19D80] =	vst v63  }
0x30a: {  	_ =	swait.ge [sflag:s26], $0x6400  }
.Ltmp33:
0x30b: {  	[sflag:s26] =	ssyncset.done $0x0;
	(pc) =	sbr.rel @p2 .LBB2_63-.Ltmp33, $4  }
0x30c: {  	[sflag:s26] =	ssyncadd.s32 $0xFFFF9C00  }
0x30d: {  	[spmem:s1] =	stream.indirect.scatter.add.f32 [tilespmem:s30], [sflag:$0x1], $0x80, s29, s31, $0xb8;
	[tilespmem:$0x19D80] =	vst v63  }
0x30e: {  	_ =	swait.ge [sflag:s26], $0x6400  }
0x30f: {  	s15 =	smov.u32 s24;
	s7 =	sadd.s32 $0xC80, s7;
	[sflag:s26] =	ssyncset.done $0x0  }
.Ltmp34:
0x310: {  	_ = 	snop;
	(pc) =	sbr.rel .LBB2_64-.Ltmp34, $1  }
0x311: {  	_ =	sdelay $0x3  }
.LBB2_65:
0x312: {  	s7 =	rddreg [dreg:$0x3]  }
0x313: {  	p2 =	sne.s32 s7, $0x0  }
.Ltmp35:
0x314: {  	_ = 	snop;
	(pc) =	sbr.rel @p2 .LBB2_67-.Ltmp35, $4  }
.Ltmp36:
0x315: {  	_ = 	snop;
	(pc) =	sbr.rel @!p2 .LBB2_66-.Ltmp36, $4  }
0x316: {  	_ = 	snop  }
0x317: {  	[bflag:$0x0] =	sbarrier.arrive $0xFFFF  }
0x318: {  	_ = 	snop  }
0x319: {  	_ = 	snop  }
.LBB2_68:
0x31a: {  	_ =	sfence.sel $0x180000  }
0x31b: {  	[bflag:$0x0] =	sbarrier.arrive $0xFFFF  }
0x31c: {  	_ =	strace $0x90000050  }
0x31d: {  	s0 =	stileid.u32;
	[bflag:$0x2] =	sbarrier.arrive $0xFFFF  }
0x31e: {  	p0 =	sne.s32 s0, $0x0;
	s0 =	rddreg [dreg:$0x2]  }
0x31f: {  	s0 =	sadd.s32 @!p0 $0x100000, s0  }
0x320: {  	[sflag:s0] =	ssyncadd.tile.s32 @!p0 $0x1;
	_ =	shalt  }
.Lfunc_end2:
_tile_overlayer_lowered:
.L_overlay_start_2:
0x321: {  	(tag) =	ssettag $0x2  }
0x322: {  	s0 =	rddreg [dreg:$0x0];
	s2 =	stileid.u32  }
0x323: {  	s1 =	rddreg [dreg:$0x1];
	p0 =	sne.s32 s2, $0x0  }
0x324: {  	s3 =	rddreg [dreg:$0x2];
	[bflag:$0x3] =	sbarrier.arrive $0xFFFF;
	s2 =	simm.s32 @!p0 $0x1C01  }
0x325: {  	[timem:s3], [sflag:s2] =	dma.local @!p0 [hbm:s0], s1  }
0x326: {  	s0 =	simm.s32 @!p0 $0x1  }
0x327: {  	_ =	swait.ge @!p0 [sflag:s0], s1  }
0x328: {  	s1 =	ssub.s32 @!p0 $0x0, s1;
	[sflag:s0] =	ssyncset.done @!p0 $0x0  }
0x329: {  	[sflag:s0] =	ssyncadd.s32 @!p0 s1  }
0x32a: {  	[bflag:$0x3] =	sbarrier.arrive $0xFFFF  }
0x32b: {  	_ =	shalt  }

</sc_bundles>
